<compile_context>
chip_gen: v7x
topology: tpu7x:2x2x1
jax: 0.10.2.dev20260603
libtpu: 0.0.44.dev20260713+nightly
codegen_flags: <defaults>
</compile_context>

<pallas_src>
import functools

import jax
import jax.numpy as jnp
from jax import lax
from jax.experimental import pallas as pl
from jax.experimental.pallas import tpu as pltpu
from jax.experimental.pallas import tpu_sc as plsc

B = 8
P = 2048
K = 16
RB = 256
NRB = P // RB
N = B * P

_BIG = 1e10
_INF = float("inf")
_NEG = -3.0e38
_PREC = None
_GPREC = lax.Precision.HIGHEST


def _topk_selectors(dist):
    col = lax.broadcasted_iota(jnp.int32, dist.shape, 1)
    d = dist
    for _ in range(K):
        m = jnp.min(d, axis=1, keepdims=True)
        cand = jnp.where(d == m, col, P)
        a = jnp.min(cand, axis=1, keepdims=True)
        sel = col == a
        d = jnp.where(sel, _INF, d)
        yield sel.astype(jnp.float32)


def _dist_block(hr, hc, r):
    d2c = jnp.sum(hc * hc, axis=1)
    d2r = jnp.sum(hr * hr, axis=1)
    g = lax.dot_general(hr, hc, (((1,), (1,)), ((), ())),
                        preferred_element_type=jnp.float32,
                        precision=_PREC)
    dist = d2r[:, None] + d2c[None, :] - 2.0 * g
    row = lax.broadcasted_iota(jnp.int32, (RB, P), 0)
    col = lax.broadcasted_iota(jnp.int32, (RB, P), 1)
    return jnp.where(col == row + r * RB, dist + _BIG, dist)


def _tree_sum(terms):
    while len(terms) > 1:
        terms = [terms[i] + terms[i + 1] for i in range(0, len(terms), 2)]
    return terms[0]


def _sublane_sum(terms):
    t = [terms[k] + terms[k + 8] for k in range(8)]
    t = [t[k] + t[k + 4] for k in range(4)]
    t = [t[k] + t[k + 2] for k in range(2)]
    return t[0] + t[1]


def _knn_cov_body(xc_ref, xr_ref, out_ref):
    r = pl.program_id(1)
    xc = xc_ref[0]
    xr = xr_ref[0]
    dist = _dist_block(xr, xc, r)
    nbs = [lax.dot_general(sel, xc, (((1,), (0,)), ((), ())),
                           preferred_element_type=jnp.float32,
                           precision=_GPREC)
           for sel in _topk_selectors(dist)]
    mean = _sublane_sum(nbs) * (1.0 / K)
    cs = [(nb - mean).astype(jnp.bfloat16).astype(jnp.float32) for nb in nbs]
    covs = []
    for i in range(3):
        for j in range(3):
            acc = _tree_sum([ck[:, i:i + 1] * ck[:, j:j + 1] for ck in cs])
            covs.append(acc * (1.0 / K))
    out_ref[0] = jnp.concatenate([xr] + covs, axis=1)


def _knn_cov(x3):
    return pl.pallas_call(
        _knn_cov_body,
        grid=(B, NRB),
        in_specs=[
            pl.BlockSpec((1, P, 3), lambda c, r: (c, 0, 0)),
            pl.BlockSpec((1, RB, 3), lambda c, r: (c, r, 0)),
        ],
        out_specs=pl.BlockSpec((1, RB, 12), lambda c, r: (c, r, 0)),
        out_shape=jax.ShapeDtypeStruct((B, P, 12), jnp.float32),
    )(x3, x3)


def _knn_pool_body(hc_ref, hr_ref, out_ref):
    r = pl.program_id(1)
    hc = hc_ref[0]
    hr = hr_ref[0]
    dist = _dist_block(hr, hc, r)
    acc = jnp.full((RB, hc.shape[1]), _NEG, jnp.float32)
    for sel in _topk_selectors(dist):
        nb = lax.dot_general(sel, hc, (((1,), (0,)), ((), ())),
                             preferred_element_type=jnp.float32,
                             precision=_GPREC)
        acc = jnp.maximum(acc, nb)
    out_ref[0] = acc


def _knn_idx_body(hc_ref, hr_ref, out_ref, tab_ref):
    r = pl.program_id(1)
    c = pl.program_id(0)
    hc = hc_ref[0]
    hr = hr_ref[0]
    dist = _dist_block(hr, hc, r)
    col = lax.broadcasted_iota(jnp.int32, dist.shape, 1)
    d = dist
    outs = []
    for _ in range(K):
        m = jnp.min(d, axis=1, keepdims=True)
        cand = jnp.where(d == m, col, P)
        a = jnp.min(cand, axis=1, keepdims=True)
        d = jnp.where(col == a, _INF, d)
        outs.append(a + c * P)
    out_ref[0] = jnp.concatenate(outs, axis=1)
    F = hr.shape[1]
    if F < 128:
        tab_ref[0] = jnp.concatenate(
            [hr, jnp.zeros((hr.shape[0], 128 - F), jnp.float32)], axis=1)
    else:
        tab_ref[0] = hr


def _knn_idx(hc):
    idx, tab = pl.pallas_call(
        _knn_idx_body,
        grid=(B, NRB),
        in_specs=[
            pl.BlockSpec((1, P, hc.shape[2]), lambda c, r: (c, 0, 0)),
            pl.BlockSpec((1, RB, hc.shape[2]), lambda c, r: (c, r, 0)),
        ],
        out_specs=[
            pl.BlockSpec((1, RB, K), lambda c, r: (c, r, 0)),
            pl.BlockSpec((1, RB, 128), lambda c, r: (c, r, 0)),
        ],
        out_shape=[
            jax.ShapeDtypeStruct((B, P, K), jnp.int32),
            jax.ShapeDtypeStruct((B, P, 128), jnp.float32),
        ],
    )(hc, hc)
    return idx, tab.reshape(N, 128)


_NW = 32
_PTS_W = N // _NW
_GRP = 8
_NGRP = _PTS_W // _GRP


def _sc_pool_body(F, table_hbm, idx_hbm, out_hbm, idx_v, rows_v, out_v, sem):
    wid = lax.axis_index("s") * 2 + lax.axis_index("c")
    pltpu.sync_copy(idx_hbm.at[wid], idx_v)

    def group(g, _):
        pltpu.async_copy(table_hbm.at[idx_v.at[g]], rows_v, sem).wait()

        def point(p, _):
            row = g * _GRP + p
            for c in range(F // 16):
                sl = pl.ds(c * 16, 16)
                acc = rows_v[p * K, sl]
                for k in range(1, K):
                    acc = jnp.maximum(acc, rows_v[p * K + k, sl])
                out_v[row, sl] = acc
            return 0

        return lax.fori_loop(0, _GRP, point, 0)

    lax.fori_loop(0, _NGRP, group, 0)
    pltpu.sync_copy(out_v, out_hbm.at[pl.ds(wid * _PTS_W, _PTS_W)])


def _sc_pool(table, idx, F):
    Fp = 128
    idx3 = idx.reshape(_NW, _NGRP, _GRP * K)
    mesh = plsc.VectorSubcoreMesh(core_axis_name="c", subcore_axis_name="s")
    kfn = functools.partial(
        pl.kernel,
        mesh=mesh,
        out_type=jax.ShapeDtypeStruct((N, F), jnp.float32),
        scratch_types=[
            pltpu.VMEM((_NGRP, _GRP * K), jnp.int32),
            pltpu.VMEM((_GRP * K, Fp), jnp.float32),
            pltpu.VMEM((_PTS_W, F), jnp.float32),
            pltpu.SemaphoreType.DMA,
        ],
    )(functools.partial(_sc_pool_body, F))
    return kfn(table, idx3)


def _knn_pool(h, F):
    hc = h.reshape(B, P, F)
    out = pl.pallas_call(
        _knn_pool_body,
        grid=(B, NRB),
        in_specs=[
            pl.BlockSpec((1, P, F), lambda c, r: (c, 0, 0)),
            pl.BlockSpec((1, RB, F), lambda c, r: (c, r, 0)),
        ],
        out_specs=pl.BlockSpec((1, RB, F), lambda c, r: (c, r, 0)),
        out_shape=jax.ShapeDtypeStruct((B, P, F), jnp.float32),
    )(hc, hc)
    return out.reshape(N, F)


def _matmul_body(h_ref, W_ref, b_ref, out_ref):
    out_ref[...] = jnp.dot(h_ref[...], W_ref[...],
                           preferred_element_type=jnp.float32,
                           precision=_PREC) + b_ref[...][None, :]


def _matmul(h, W, b, rows_per_block=2048):
    n, fin = h.shape
    fout = W.shape[1]
    if n <= rows_per_block:
        return pl.pallas_call(
            _matmul_body,
            out_shape=jax.ShapeDtypeStruct((n, fout), jnp.float32),
        )(h, W, b)
    nb = n // rows_per_block
    return pl.pallas_call(
        _matmul_body,
        grid=(nb,),
        in_specs=[
            pl.BlockSpec((rows_per_block, fin), lambda i: (i, 0)),
            pl.BlockSpec((fin, fout), lambda i: (0, 0)),
            pl.BlockSpec((fout,), lambda i: (0,)),
        ],
        out_specs=pl.BlockSpec((rows_per_block, fout), lambda i: (i, 0)),
        out_shape=jax.ShapeDtypeStruct((n, fout), jnp.float32),
    )(h, W, b)


def _bn_relu(z, g, be):
    m = jnp.mean(z, axis=0)
    v = jnp.var(z, axis=0)
    return jax.nn.relu((z - m) / jnp.sqrt(v + 1e-5) * g + be)


def _bn_relu_sync(z, g, be):
    eye = jnp.eye(z.shape[1], dtype=jnp.float32)
    zd = lax.dot_general(z, eye, (((1,), (0,)), ((), ())),
                         precision=lax.Precision.HIGHEST,
                         preferred_element_type=jnp.float32)
    return _bn_relu(zd, g, be)


def _cloud_max_body(h_ref, out_ref):
    out_ref[0] = jnp.max(h_ref[0], axis=0, keepdims=True)


def _cloud_max(h, F):
    out = pl.pallas_call(
        _cloud_max_body,
        grid=(B,),
        in_specs=[pl.BlockSpec((1, P, F), lambda c: (c, 0, 0))],
        out_specs=pl.BlockSpec((1, 1, F), lambda c: (c, 0, 0)),
        out_shape=jax.ShapeDtypeStruct((B, 1, F), jnp.float32),
    )(h.reshape(B, P, F))
    return out.reshape(B, F)


def kernel(x, batch, W1, b1, g1, be1, W2, b2, g2, be2, W3, b3, g3, be3,
           Wg1, bg1, gg1, beg1, Wg2, bg2, gg2, beg2,
           Wb1, bb1, gb1, beb1, Wb2, bb2):
    x3 = x.reshape(B, P, 3)
    h0 = _knn_cov(x3).reshape(N, 12)
    h = _bn_relu_sync(_matmul(h0, W1, b1), g1, be1)
    h = _bn_relu_sync(_matmul(h, W2, b2), g2, be2)
    h = _bn_relu_sync(_matmul(h, W3, b3), g3, be3)
    idx2, tab2 = _knn_idx(h.reshape(B, P, 64))
    p1 = _sc_pool(tab2, idx2, 64)
    h = _bn_relu_sync(_matmul(p1, Wg1, bg1), gg1, beg1)
    idx3, tab3 = _knn_idx(h.reshape(B, P, 128))
    p2 = _sc_pool(tab3, idx3, 128)
    h = _bn_relu(_matmul(p2, Wg2, bg2), gg2, beg2)
    q = _cloud_max(h, 512)
    q = _bn_relu(_matmul(q, Wb1, bb1), gb1, beb1)
    return _matmul(q, Wb2, bb2)

# --- scband reference (transcript-rebuilt; emitter-appended) ---
"""Pipeline reference for scband-folding-net-encoder-1769526526732 (READ-ONLY COPY).

The authoritative reference and input builder live on the scoring server;
editing this copy changes nothing except your own understanding.
"""

import jax, jax.numpy as jnp
import numpy as np

B = 8
P = 2048
K = 16
LAT = 512


def _knn_edges(x, k):
    # x: (B*P, d). Equal-size clouds -> reshape and do per-cloud kNN (loop=False: exclude self).
    xc = x.reshape(B, P, x.shape[-1])
    def f(xi):
        d2 = jnp.sum(xi * xi, axis=1)
        dist = d2[:, None] + d2[None, :] - 2.0 * (xi @ xi.T)
        dist = dist + jnp.eye(P, dtype=xi.dtype) * 1e10
        return jax.lax.top_k(-dist, k)[1]
    idx = jax.vmap(f)(xc)  # (B, P, k) local indices
    col = (idx + (jnp.arange(B) * P)[:, None, None]).reshape(-1)
    row = jnp.repeat(jnp.arange(B * P), k)
    return row, col


def _bn(x, g, b):
    m = jnp.mean(x, axis=0)
    v = jnp.var(x, axis=0)
    return (x - m) / jnp.sqrt(v + 1e-5) * g + b


def _lin(x, W, b):
    return x @ W + b


def setup_inputs(seed: int = 0) -> dict:
    key = jax.random.key(seed)
    ks = jax.random.split(key, 32)
    def w(i, shape):
        return jax.random.normal(ks[i], shape, dtype=jnp.float32) * 0.05
    inp = {}
    inp["x"] = jax.random.normal(ks[0], (B * P, 3), dtype=jnp.float32)
    inp["batch"] = jnp.repeat(jnp.arange(B, dtype=jnp.int32), P)
    dims = [(12, 64), (64, 64), (64, 64)]
    for i, (a, b_) in enumerate(dims, start=1):
        inp[f"W{i}"] = w(i, (a, b_))
        inp[f"b{i}"] = jnp.zeros((b_,), jnp.float32)
        inp[f"g{i}"] = jnp.ones((b_,), jnp.float32)
        inp[f"be{i}"] = jnp.zeros((b_,), jnp.float32)
    inp["Wg1"] = w(10, (64, 128)); inp["bg1"] = jnp.zeros((128,), jnp.float32)
    inp["gg1"] = jnp.ones((128,), jnp.float32); inp["beg1"] = jnp.zeros((128,), jnp.float32)
    inp["Wg2"] = w(11, (128, 512)); inp["bg2"] = jnp.zeros((512,), jnp.float32)
    inp["gg2"] = jnp.ones((512,), jnp.float32); inp["beg2"] = jnp.zeros((512,), jnp.float32)
    inp["Wb1"] = w(12, (512, 512)); inp["bb1"] = jnp.zeros((512,), jnp.float32)
    inp["gb1"] = jnp.ones((512,), jnp.float32); inp["beb1"] = jnp.zeros((512,), jnp.float32)
    inp["Wb2"] = w(13, (512, LAT)); inp["bb2"] = jnp.zeros((LAT,), jnp.float32)
    return inp


def reference(x, batch, W1, b1, g1, be1, W2, b2, g2, be2, W3, b3, g3, be3,
              Wg1, bg1, gg1, beg1, Wg2, bg2, gg2, beg2,
              Wb1, bb1, gb1, beb1, Wb2, bb2):
    N = x.shape[0]
    # LocalCovariance: kNN on coordinates, 3x3 covariance per point
    row, col = _knn_edges(x, K)
    nb = x[col].reshape(N, K, 3)
    mean = jnp.mean(nb, axis=1, keepdims=True)
    c = nb - mean
    cov = jnp.einsum('nki,nkj->nij', c, c) / K
    h = jnp.concatenate([x, cov.reshape(N, 9)], axis=1)
    # MLP 12->64->64->64 with BN+ReLU (training-mode batch stats)
    h = jax.nn.relu(_bn(_lin(h, W1, b1), g1, be1))
    h = jax.nn.relu(_bn(_lin(h, W2, b2), g2, be2))
    h = jax.nn.relu(_bn(_lin(h, W3, b3), g3, be3))
    # GraphLayer 1: kNN on 64-d features, scatter-max over neighborhood
    row, col = _knn_edges(h, K)
    h = jax.ops.segment_max(h[col], row, num_segments=N)
    h = jax.nn.relu(_bn(_lin(h, Wg1, bg1), gg1, beg1))
    # GraphLayer 2: kNN on 128-d features
    row, col = _knn_edges(h, K)
    h = jax.ops.segment_max(h[col], row, num_segments=N)
    h = jax.nn.relu(_bn(_lin(h, Wg2, bg2), gg2, beg2))
    # Global max pool per cloud
    h = jax.ops.segment_max(h, batch, num_segments=B)
    # Bottleneck
    h = jax.nn.relu(_bn(_lin(h, Wb1, bb1), gb1, beb1))
    h = _lin(h, Wb2, bb2)
    return h

if __name__ == "__main__":
    import jax
    _d = setup_inputs()
    print(jax.jit(kernel)(*tuple(_d.values())))

</pallas_src>

<mosaic_0001>
#map = affine_map<(d0, d1) -> (0, 0)>
#map1 = affine_map<(d0, d1) -> (0, 0, 0)>
module attributes {stable_mosaic.version = 14 : i64} {
  func.func @_sc_pool_body(%arg0: i32, %arg1: i32, %arg2: memref<16384x128xf32, #tpu.memory_space<hbm>>, %arg3: memref<32x64x128xi32, #tpu.memory_space<hbm>>, %arg4: memref<16384x64xf32, #tpu.memory_space<hbm>>, %arg5: memref<64x128xi32, #tpu.memory_space<vmem>>, %arg6: memref<128x128xf32, #tpu.memory_space<vmem>>, %arg7: memref<512x64xf32, #tpu.memory_space<vmem>>, %arg8: memref<!tpu.dma_semaphore, #tpu.memory_space<semaphore_mem>>) attributes {dimension_semantics = [#tpu.dimension_semantics<core_parallel>, #tpu.dimension_semantics<subcore_parallel>], iteration_bounds = array<i64: 2, 16>, scalar_prefetch = 0 : i64, scratch_operands = 4 : i64, tpu.core_type = #tpu.core_type<sc_vector_subcore>, window_params = [{transform_indices = #map}, {transform_indices = #map1}, {transform_indices = #map}]} {
    %mul3A = arith.constant 2 : i32
    %mul3A_0 = arith.muli %arg1, %mul3A : i32
    %add3A = arith.addi %mul3A_0, %arg0 : i32
    "tpu.region"() ({
      %run_scoped3A = tpu.sem_alloc : memref<!tpu.dma_semaphore, #tpu.memory_space<semaphore_mem>>
      %dma_start3A = arith.constant 0 : i32
      %dma_start3A_9 = arith.constant 0 : i32
      %dma_start3A_10 = tpu.memref_slice %arg3[%add3A, %dma_start3A, %dma_start3A_9] : memref<32x64x128xi32, #tpu.memory_space<hbm>> -> memref<1x64x128xi32, #tpu.memory_space<hbm>>
      %dma_start3A_11 = tpu.memref_squeeze %dma_start3A_10 : memref<1x64x128xi32, #tpu.memory_space<hbm>> -> memref<64x128xi32, #tpu.memory_space<hbm>>
      %dma_start3A_12 = arith.constant 0 : i32
      %dma_start3A_13 = arith.constant 0 : i32
      %dma_start3A_14 = tpu.memref_slice %arg3[%add3A, %dma_start3A_12, %dma_start3A_13] : memref<32x64x128xi32, #tpu.memory_space<hbm>> -> memref<1x64x128xi32, #tpu.memory_space<hbm>>
      %dma_start3A_15 = tpu.memref_squeeze %dma_start3A_14 : memref<1x64x128xi32, #tpu.memory_space<hbm>> -> memref<64x128xi32, #tpu.memory_space<hbm>>
      tpu.enqueue_dma source(%dma_start3A_15 : memref<64x128xi32, #tpu.memory_space<hbm>>) target(%arg5 : memref<64x128xi32, #tpu.memory_space<vmem>>) target_semaphore(%run_scoped3A : memref<!tpu.dma_semaphore, #tpu.memory_space<semaphore_mem>>)
      %dma_wait3A = arith.constant 0 : i32
      %dma_wait3A_16 = arith.constant 0 : i32
      %dma_wait3A_17 = tpu.memref_slice %arg3[%add3A, %dma_wait3A, %dma_wait3A_16] : memref<32x64x128xi32, #tpu.memory_space<hbm>> -> memref<1x64x128xi32, #tpu.memory_space<hbm>>
      %dma_wait3A_18 = tpu.memref_squeeze %dma_wait3A_17 : memref<1x64x128xi32, #tpu.memory_space<hbm>> -> memref<64x128xi32, #tpu.memory_space<hbm>>
      %dma_wait3A_19 = arith.constant 0 : i32
      %dma_wait3A_20 = arith.constant 0 : i32
      %dma_wait3A_21 = tpu.memref_slice %arg3[%add3A, %dma_wait3A_19, %dma_wait3A_20] : memref<32x64x128xi32, #tpu.memory_space<hbm>> -> memref<1x64x128xi32, #tpu.memory_space<hbm>>
      %dma_wait3A_22 = tpu.memref_squeeze %dma_wait3A_21 : memref<1x64x128xi32, #tpu.memory_space<hbm>> -> memref<64x128xi32, #tpu.memory_space<hbm>>
      tpu.wait_dma2 semaphore(%run_scoped3A : memref<!tpu.dma_semaphore, #tpu.memory_space<semaphore_mem>>) src(%dma_wait3A_22 : memref<64x128xi32, #tpu.memory_space<hbm>>) dst(%arg5 : memref<64x128xi32, #tpu.memory_space<vmem>>)
      tpu.yield
    }) : () -> ()
    %scan3A = arith.constant 0 : i32
    %scan3A_1 = arith.constant 0 : i32
    %scan3A_2 = arith.constant 64 : i32
    %scan3A_3 = arith.addi %scan3A_1, %scan3A_2 : i32
    %scan3A_4 = arith.constant 1 : i32
    %scan3A_5 = scf.for %scan3A_9 = %scan3A_1 to %scan3A_3 step %scan3A_4 iter_args(%scan3A_10 = %scan3A) -> (i32)  : i32 {
      %dma_start3A = arith.constant 0 : i32
      %dma_start3A_11 = tpu.memref_slice %arg5[%scan3A_9, %dma_start3A] : memref<64x128xi32, #tpu.memory_space<vmem>> -> memref<1x128xi32, #tpu.memory_space<vmem>>
      %dma_start3A_12 = tpu.memref_squeeze %dma_start3A_11 : memref<1x128xi32, #tpu.memory_space<vmem>> -> memref<128xi32, #tpu.memory_space<vmem>>
      %dma_start3A_13 = arith.constant 0 : i32
      %dma_start3A_14 = arith.constant 0 : i32
      %dma_start3A_15 = tpu.memref_slice %arg2[%dma_start3A_13, %dma_start3A_14] : memref<16384x128xf32, #tpu.memory_space<hbm>> -> memref<16384x128xf32, #tpu.memory_space<hbm>>
      tpu.enqueue_indirect_dma source(%dma_start3A_15 : memref<16384x128xf32, #tpu.memory_space<hbm>>) target(%arg6 : memref<128x128xf32, #tpu.memory_space<vmem>>) offsets(%dma_start3A_12 : memref<128xi32, #tpu.memory_space<vmem>>) semaphore(%arg8 : memref<!tpu.dma_semaphore, #tpu.memory_space<semaphore_mem>>)
      %dma_wait3A = arith.constant 0 : i32
      %dma_wait3A_16 = tpu.memref_slice %arg5[%scan3A_9, %dma_wait3A] : memref<64x128xi32, #tpu.memory_space<vmem>> -> memref<1x128xi32, #tpu.memory_space<vmem>>
      %dma_wait3A_17 = tpu.memref_squeeze %dma_wait3A_16 : memref<1x128xi32, #tpu.memory_space<vmem>> -> memref<128xi32, #tpu.memory_space<vmem>>
      %dma_wait3A_18 = arith.constant 0 : i32
      %dma_wait3A_19 = arith.constant 0 : i32
      %dma_wait3A_20 = tpu.memref_slice %arg2[%dma_wait3A_18, %dma_wait3A_19] : memref<16384x128xf32, #tpu.memory_space<hbm>> -> memref<16384x128xf32, #tpu.memory_space<hbm>>
      tpu.wait_indirect_dma semaphore(%arg8 : memref<!tpu.dma_semaphore, #tpu.memory_space<semaphore_mem>>) src(%dma_wait3A_20 : memref<16384x128xf32, #tpu.memory_space<hbm>>) dst(%arg6 : memref<128x128xf32, #tpu.memory_space<vmem>>)
      %scan3A_21 = arith.constant 0 : i32
      %scan3A_22 = arith.constant 0 : i32
      %scan3A_23 = arith.constant 8 : i32
      %scan3A_24 = arith.addi %scan3A_22, %scan3A_23 : i32
      %scan3A_25 = arith.constant 1 : i32
      %scan3A_26 = scf.for %scan3A_28 = %scan3A_22 to %scan3A_24 step %scan3A_25 iter_args(%scan3A_29 = %scan3A_21) -> (i32)  : i32 {
        %mul3A_30 = arith.constant 8 : i32
        %mul3A_31 = arith.muli %scan3A_9, %mul3A_30 : i32
        %add3A_32 = arith.addi %mul3A_31, %scan3A_28 : i32
        %mul3A_33 = arith.constant 16 : i32
        %mul3A_34 = arith.muli %scan3A_28, %mul3A_33 : i32
        %get3A = arith.index_cast %mul3A_34 : i32 to index
        %get3A_35 = arith.constant 0 : index
        %get3A_36 = tpu.vector_load %arg6[%get3A, %get3A_35] {strides = array<i32>} : memref<128x128xf32, #tpu.memory_space<vmem>>, vector<1x16xf32>,
        %get3A_37 = vector.shape_cast %get3A_36 : vector<1x16xf32> to vector<16xf32>
        %mul3A_38 = arith.constant 16 : i32
        %mul3A_39 = arith.muli %scan3A_28, %mul3A_38 : i32
        %add3A_40 = arith.constant 1 : i32
        %add3A_41 = arith.addi %mul3A_39, %add3A_40 : i32
        %get3A_42 = arith.index_cast %add3A_41 : i32 to index
        %get3A_43 = arith.constant 0 : index
        %get3A_44 = tpu.vector_load %arg6[%get3A_42, %get3A_43] {strides = array<i32>} : memref<128x128xf32, #tpu.memory_space<vmem>>, vector<1x16xf32>,
        %get3A_45 = vector.shape_cast %get3A_44 : vector<1x16xf32> to vector<16xf32>
        %max3A = arith.maximumf %get3A_37, %get3A_45 : vector<16xf32>
        %mul3A_46 = arith.constant 16 : i32
        %mul3A_47 = arith.muli %scan3A_28, %mul3A_46 : i32
        %add3A_48 = arith.constant 2 : i32
        %add3A_49 = arith.addi %mul3A_47, %add3A_48 : i32
        %get3A_50 = arith.index_cast %add3A_49 : i32 to index
        %get3A_51 = arith.constant 0 : index
        %get3A_52 = tpu.vector_load %arg6[%get3A_50, %get3A_51] {strides = array<i32>} : memref<128x128xf32, #tpu.memory_space<vmem>>, vector<1x16xf32>,
        %get3A_53 = vector.shape_cast %get3A_52 : vector<1x16xf32> to vector<16xf32>
        %max3A_54 = arith.maximumf %max3A, %get3A_53 : vector<16xf32>
        %mul3A_55 = arith.constant 16 : i32
        %mul3A_56 = arith.muli %scan3A_28, %mul3A_55 : i32
        %add3A_57 = arith.constant 3 : i32
        %add3A_58 = arith.addi %mul3A_56, %add3A_57 : i32
        %get3A_59 = arith.index_cast %add3A_58 : i32 to index
        %get3A_60 = arith.constant 0 : index
        %get3A_61 = tpu.vector_load %arg6[%get3A_59, %get3A_60] {strides = array<i32>} : memref<128x128xf32, #tpu.memory_space<vmem>>, vector<1x16xf32>,
        %get3A_62 = vector.shape_cast %get3A_61 : vector<1x16xf32> to vector<16xf32>
        %max3A_63 = arith.maximumf %max3A_54, %get3A_62 : vector<16xf32>
        %mul3A_64 = arith.constant 16 : i32
        %mul3A_65 = arith.muli %scan3A_28, %mul3A_64 : i32
        %add3A_66 = arith.constant 4 : i32
        %add3A_67 = arith.addi %mul3A_65, %add3A_66 : i32
        %get3A_68 = arith.index_cast %add3A_67 : i32 to index
        %get3A_69 = arith.constant 0 : index
        %get3A_70 = tpu.vector_load %arg6[%get3A_68, %get3A_69] {strides = array<i32>} : memref<128x128xf32, #tpu.memory_space<vmem>>, vector<1x16xf32>,
        %get3A_71 = vector.shape_cast %get3A_70 : vector<1x16xf32> to vector<16xf32>
        %max3A_72 = arith.maximumf %max3A_63, %get3A_71 : vector<16xf32>
        %mul3A_73 = arith.constant 16 : i32
        %mul3A_74 = arith.muli %scan3A_28, %mul3A_73 : i32
        %add3A_75 = arith.constant 5 : i32
        %add3A_76 = arith.addi %mul3A_74, %add3A_75 : i32
        %get3A_77 = arith.index_cast %add3A_76 : i32 to index
        %get3A_78 = arith.constant 0 : index
        %get3A_79 = tpu.vector_load %arg6[%get3A_77, %get3A_78] {strides = array<i32>} : memref<128x128xf32, #tpu.memory_space<vmem>>, vector<1x16xf32>,
        %get3A_80 = vector.shape_cast %get3A_79 : vector<1x16xf32> to vector<16xf32>
        %max3A_81 = arith.maximumf %max3A_72, %get3A_80 : vector<16xf32>
        %mul3A_82 = arith.constant 16 : i32
        %mul3A_83 = arith.muli %scan3A_28, %mul3A_82 : i32
        %add3A_84 = arith.constant 6 : i32
        %add3A_85 = arith.addi %mul3A_83, %add3A_84 : i32
        %get3A_86 = arith.index_cast %add3A_85 : i32 to index
        %get3A_87 = arith.constant 0 : index
        %get3A_88 = tpu.vector_load %arg6[%get3A_86, %get3A_87] {strides = array<i32>} : memref<128x128xf32, #tpu.memory_space<vmem>>, vector<1x16xf32>,
        %get3A_89 = vector.shape_cast %get3A_88 : vector<1x16xf32> to vector<16xf32>
        %max3A_90 = arith.maximumf %max3A_81, %get3A_89 : vector<16xf32>
        %mul3A_91 = arith.constant 16 : i32
        %mul3A_92 = arith.muli %scan3A_28, %mul3A_91 : i32
        %add3A_93 = arith.constant 7 : i32
        %add3A_94 = arith.addi %mul3A_92, %add3A_93 : i32
        %get3A_95 = arith.index_cast %add3A_94 : i32 to index
        %get3A_96 = arith.constant 0 : index
        %get3A_97 = tpu.vector_load %arg6[%get3A_95, %get3A_96] {strides = array<i32>} : memref<128x128xf32, #tpu.memory_space<vmem>>, vector<1x16xf32>,
        %get3A_98 = vector.shape_cast %get3A_97 : vector<1x16xf32> to vector<16xf32>
        %max3A_99 = arith.maximumf %max3A_90, %get3A_98 : vector<16xf32>
        %mul3A_100 = arith.constant 16 : i32
        %mul3A_101 = arith.muli %scan3A_28, %mul3A_100 : i32
        %add3A_102 = arith.constant 8 : i32
        %add3A_103 = arith.addi %mul3A_101, %add3A_102 : i32
        %get3A_104 = arith.index_cast %add3A_103 : i32 to index
        %get3A_105 = arith.constant 0 : index
        %get3A_106 = tpu.vector_load %arg6[%get3A_104, %get3A_105] {strides = array<i32>} : memref<128x128xf32, #tpu.memory_space<vmem>>, vector<1x16xf32>,
        %get3A_107 = vector.shape_cast %get3A_106 : vector<1x16xf32> to vector<16xf32>
        %max3A_108 = arith.maximumf %max3A_99, %get3A_107 : vector<16xf32>
        %mul3A_109 = arith.constant 16 : i32
        %mul3A_110 = arith.muli %scan3A_28, %mul3A_109 : i32
        %add3A_111 = arith.constant 9 : i32
        %add3A_112 = arith.addi %mul3A_110, %add3A_111 : i32
        %get3A_113 = arith.index_cast %add3A_112 : i32 to index
        %get3A_114 = arith.constant 0 : index
        %get3A_115 = tpu.vector_load %arg6[%get3A_113, %get3A_114] {strides = array<i32>} : memref<128x128xf32, #tpu.memory_space<vmem>>, vector<1x16xf32>,
        %get3A_116 = vector.shape_cast %get3A_115 : vector<1x16xf32> to vector<16xf32>
        %max3A_117 = arith.maximumf %max3A_108, %get3A_116 : vector<16xf32>
        %mul3A_118 = arith.constant 16 : i32
        %mul3A_119 = arith.muli %scan3A_28, %mul3A_118 : i32
        %add3A_120 = arith.constant 10 : i32
        %add3A_121 = arith.addi %mul3A_119, %add3A_120 : i32
        %get3A_122 = arith.index_cast %add3A_121 : i32 to index
        %get3A_123 = arith.constant 0 : index
        %get3A_124 = tpu.vector_load %arg6[%get3A_122, %get3A_123] {strides = array<i32>} : memref<128x128xf32, #tpu.memory_space<vmem>>, vector<1x16xf32>,
        %get3A_125 = vector.shape_cast %get3A_124 : vector<1x16xf32> to vector<16xf32>
        %max3A_126 = arith.maximumf %max3A_117, %get3A_125 : vector<16xf32>
        %mul3A_127 = arith.constant 16 : i32
        %mul3A_128 = arith.muli %scan3A_28, %mul3A_127 : i32
        %add3A_129 = arith.constant 11 : i32
        %add3A_130 = arith.addi %mul3A_128, %add3A_129 : i32
        %get3A_131 = arith.index_cast %add3A_130 : i32 to index
        %get3A_132 = arith.constant 0 : index
        %get3A_133 = tpu.vector_load %arg6[%get3A_131, %get3A_132] {strides = array<i32>} : memref<128x128xf32, #tpu.memory_space<vmem>>, vector<1x16xf32>,
        %get3A_134 = vector.shape_cast %get3A_133 : vector<1x16xf32> to vector<16xf32>
        %max3A_135 = arith.maximumf %max3A_126, %get3A_134 : vector<16xf32>
        %mul3A_136 = arith.constant 16 : i32
        %mul3A_137 = arith.muli %scan3A_28, %mul3A_136 : i32
        %add3A_138 = arith.constant 12 : i32
        %add3A_139 = arith.addi %mul3A_137, %add3A_138 : i32
        %get3A_140 = arith.index_cast %add3A_139 : i32 to index
        %get3A_141 = arith.constant 0 : index
        %get3A_142 = tpu.vector_load %arg6[%get3A_140, %get3A_141] {strides = array<i32>} : memref<128x128xf32, #tpu.memory_space<vmem>>, vector<1x16xf32>,
        %get3A_143 = vector.shape_cast %get3A_142 : vector<1x16xf32> to vector<16xf32>
        %max3A_144 = arith.maximumf %max3A_135, %get3A_143 : vector<16xf32>
        %mul3A_145 = arith.constant 16 : i32
        %mul3A_146 = arith.muli %scan3A_28, %mul3A_145 : i32
        %add3A_147 = arith.constant 13 : i32
        %add3A_148 = arith.addi %mul3A_146, %add3A_147 : i32
        %get3A_149 = arith.index_cast %add3A_148 : i32 to index
        %get3A_150 = arith.constant 0 : index
        %get3A_151 = tpu.vector_load %arg6[%get3A_149, %get3A_150] {strides = array<i32>} : memref<128x128xf32, #tpu.memory_space<vmem>>, vector<1x16xf32>,
        %get3A_152 = vector.shape_cast %get3A_151 : vector<1x16xf32> to vector<16xf32>
        %max3A_153 = arith.maximumf %max3A_144, %get3A_152 : vector<16xf32>
        %mul3A_154 = arith.constant 16 : i32
        %mul3A_155 = arith.muli %scan3A_28, %mul3A_154 : i32
        %add3A_156 = arith.constant 14 : i32
        %add3A_157 = arith.addi %mul3A_155, %add3A_156 : i32
        %get3A_158 = arith.index_cast %add3A_157 : i32 to index
        %get3A_159 = arith.constant 0 : index
        %get3A_160 = tpu.vector_load %arg6[%get3A_158, %get3A_159] {strides = array<i32>} : memref<128x128xf32, #tpu.memory_space<vmem>>, vector<1x16xf32>,
        %get3A_161 = vector.shape_cast %get3A_160 : vector<1x16xf32> to vector<16xf32>
        %max3A_162 = arith.maximumf %max3A_153, %get3A_161 : vector<16xf32>
        %mul3A_163 = arith.constant 16 : i32
        %mul3A_164 = arith.muli %scan3A_28, %mul3A_163 : i32
        %add3A_165 = arith.constant 15 : i32
        %add3A_166 = arith.addi %mul3A_164, %add3A_165 : i32
        %get3A_167 = arith.index_cast %add3A_166 : i32 to index
        %get3A_168 = arith.constant 0 : index
        %get3A_169 = tpu.vector_load %arg6[%get3A_167, %get3A_168] {strides = array<i32>} : memref<128x128xf32, #tpu.memory_space<vmem>>, vector<1x16xf32>,
        %get3A_170 = vector.shape_cast %get3A_169 : vector<1x16xf32> to vector<16xf32>
        %max3A_171 = arith.maximumf %max3A_162, %get3A_170 : vector<16xf32>
        %swap3A = arith.index_cast %add3A_32 : i32 to index
        %swap3A_172 = arith.constant 0 : index
        %swap3A_173 = tpu.vector_load %arg7[%swap3A, %swap3A_172] {strides = array<i32>} : memref<512x64xf32, #tpu.memory_space<vmem>>, vector<1x16xf32>,
        %swap3A_174 = vector.shape_cast %swap3A_173 : vector<1x16xf32> to vector<16xf32>
        %swap3A_175 = vector.shape_cast %max3A_171 : vector<16xf32> to vector<1x16xf32>
        tpu.vector_store %arg7[%swap3A, %swap3A_172], %swap3A_175 {strides = array<i32>} : memref<512x64xf32, #tpu.memory_space<vmem>>, vector<1x16xf32>,
        %mul3A_176 = arith.constant 16 : i32
        %mul3A_177 = arith.muli %scan3A_28, %mul3A_176 : i32
        %get3A_178 = arith.index_cast %mul3A_177 : i32 to index
        %get3A_179 = arith.constant 16 : index
        %get3A_180 = tpu.vector_load %arg6[%get3A_178, %get3A_179] {strides = array<i32>} : memref<128x128xf32, #tpu.memory_space<vmem>>, vector<1x16xf32>,
        %get3A_181 = vector.shape_cast %get3A_180 : vector<1x16xf32> to vector<16xf32>
        %mul3A_182 = arith.constant 16 : i32
        %mul3A_183 = arith.muli %scan3A_28, %mul3A_182 : i32
        %add3A_184 = arith.constant 1 : i32
        %add3A_185 = arith.addi %mul3A_183, %add3A_184 : i32
        %get3A_186 = arith.index_cast %add3A_185 : i32 to index
        %get3A_187 = arith.constant 16 : index
        %get3A_188 = tpu.vector_load %arg6[%get3A_186, %get3A_187] {strides = array<i32>} : memref<128x128xf32, #tpu.memory_space<vmem>>, vector<1x16xf32>,
        %get3A_189 = vector.shape_cast %get3A_188 : vector<1x16xf32> to vector<16xf32>
        %max3A_190 = arith.maximumf %get3A_181, %get3A_189 : vector<16xf32>
        %mul3A_191 = arith.constant 16 : i32
        %mul3A_192 = arith.muli %scan3A_28, %mul3A_191 : i32
        %add3A_193 = arith.constant 2 : i32
        %add3A_194 = arith.addi %mul3A_192, %add3A_193 : i32
        %get3A_195 = arith.index_cast %add3A_194 : i32 to index
        %get3A_196 = arith.constant 16 : index
        %get3A_197 = tpu.vector_load %arg6[%get3A_195, %get3A_196] {strides = array<i32>} : memref<128x128xf32, #tpu.memory_space<vmem>>, vector<1x16xf32>,
        %get3A_198 = vector.shape_cast %get3A_197 : vector<1x16xf32> to vector<16xf32>
        %max3A_199 = arith.maximumf %max3A_190, %get3A_198 : vector<16xf32>
        %mul3A_200 = arith.constant 16 : i32
        %mul3A_201 = arith.muli %scan3A_28, %mul3A_200 : i32
        %add3A_202 = arith.constant 3 : i32
        %add3A_203 = arith.addi %mul3A_201, %add3A_202 : i32
        %get3A_204 = arith.index_cast %add3A_203 : i32 to index
        %get3A_205 = arith.constant 16 : index
        %get3A_206 = tpu.vector_load %arg6[%get3A_204, %get3A_205] {strides = array<i32>} : memref<128x128xf32, #tpu.memory_space<vmem>>, vector<1x16xf32>,
        %get3A_207 = vector.shape_cast %get3A_206 : vector<1x16xf32> to vector<16xf32>
        %max3A_208 = arith.maximumf %max3A_199, %get3A_207 : vector<16xf32>
        %mul3A_209 = arith.constant 16 : i32
        %mul3A_210 = arith.muli %scan3A_28, %mul3A_209 : i32
        %add3A_211 = arith.constant 4 : i32
        %add3A_212 = arith.addi %mul3A_210, %add3A_211 : i32
        %get3A_213 = arith.index_cast %add3A_212 : i32 to index
        %get3A_214 = arith.constant 16 : index
        %get3A_215 = tpu.vector_load %arg6[%get3A_213, %get3A_214] {strides = array<i32>} : memref<128x128xf32, #tpu.memory_space<vmem>>, vector<1x16xf32>,
        %get3A_216 = vector.shape_cast %get3A_215 : vector<1x16xf32> to vector<16xf32>
        %max3A_217 = arith.maximumf %max3A_208, %get3A_216 : vector<16xf32>
        %mul3A_218 = arith.constant 16 : i32
        %mul3A_219 = arith.muli %scan3A_28, %mul3A_218 : i32
        %add3A_220 = arith.constant 5 : i32
        %add3A_221 = arith.addi %mul3A_219, %add3A_220 : i32
        %get3A_222 = arith.index_cast %add3A_221 : i32 to index
        %get3A_223 = arith.constant 16 : index
        %get3A_224 = tpu.vector_load %arg6[%get3A_222, %get3A_223] {strides = array<i32>} : memref<128x128xf32, #tpu.memory_space<vmem>>, vector<1x16xf32>,
        %get3A_225 = vector.shape_cast %get3A_224 : vector<1x16xf32> to vector<16xf32>
        %max3A_226 = arith.maximumf %max3A_217, %get3A_225 : vector<16xf32>
        %mul3A_227 = arith.constant 16 : i32
        %mul3A_228 = arith.muli %scan3A_28, %mul3A_227 : i32
        %add3A_229 = arith.constant 6 : i32
        %add3A_230 = arith.addi %mul3A_228, %add3A_229 : i32
        %get3A_231 = arith.index_cast %add3A_230 : i32 to index
        %get3A_232 = arith.constant 16 : index
        %get3A_233 = tpu.vector_load %arg6[%get3A_231, %get3A_232] {strides = array<i32>} : memref<128x128xf32, #tpu.memory_space<vmem>>, vector<1x16xf32>,
        %get3A_234 = vector.shape_cast %get3A_233 : vector<1x16xf32> to vector<16xf32>
        %max3A_235 = arith.maximumf %max3A_226, %get3A_234 : vector<16xf32>
        %mul3A_236 = arith.constant 16 : i32
        %mul3A_237 = arith.muli %scan3A_28, %mul3A_236 : i32
        %add3A_238 = arith.constant 7 : i32
        %add3A_239 = arith.addi %mul3A_237, %add3A_238 : i32
        %get3A_240 = arith.index_cast %add3A_239 : i32 to index
        %get3A_241 = arith.constant 16 : index
        %get3A_242 = tpu.vector_load %arg6[%get3A_240, %get3A_241] {strides = array<i32>} : memref<128x128xf32, #tpu.memory_space<vmem>>, vector<1x16xf32>,
        %get3A_243 = vector.shape_cast %get3A_242 : vector<1x16xf32> to vector<16xf32>
        %max3A_244 = arith.maximumf %max3A_235, %get3A_243 : vector<16xf32>
        %mul3A_245 = arith.constant 16 : i32
        %mul3A_246 = arith.muli %scan3A_28, %mul3A_245 : i32
        %add3A_247 = arith.constant 8 : i32
        %add3A_248 = arith.addi %mul3A_246, %add3A_247 : i32
        %get3A_249 = arith.index_cast %add3A_248 : i32 to index
        %get3A_250 = arith.constant 16 : index
        %get3A_251 = tpu.vector_load %arg6[%get3A_249, %get3A_250] {strides = array<i32>} : memref<128x128xf32, #tpu.memory_space<vmem>>, vector<1x16xf32>,
        %get3A_252 = vector.shape_cast %get3A_251 : vector<1x16xf32> to vector<16xf32>
        %max3A_253 = arith.maximumf %max3A_244, %get3A_252 : vector<16xf32>
        %mul3A_254 = arith.constant 16 : i32
        %mul3A_255 = arith.muli %scan3A_28, %mul3A_254 : i32
        %add3A_256 = arith.constant 9 : i32
        %add3A_257 = arith.addi %mul3A_255, %add3A_256 : i32
        %get3A_258 = arith.index_cast %add3A_257 : i32 to index
        %get3A_259 = arith.constant 16 : index
        %get3A_260 = tpu.vector_load %arg6[%get3A_258, %get3A_259] {strides = array<i32>} : memref<128x128xf32, #tpu.memory_space<vmem>>, vector<1x16xf32>,
        %get3A_261 = vector.shape_cast %get3A_260 : vector<1x16xf32> to vector<16xf32>
        %max3A_262 = arith.maximumf %max3A_253, %get3A_261 : vector<16xf32>
        %mul3A_263 = arith.constant 16 : i32
        %mul3A_264 = arith.muli %scan3A_28, %mul3A_263 : i32
        %add3A_265 = arith.constant 10 : i32
        %add3A_266 = arith.addi %mul3A_264, %add3A_265 : i32
        %get3A_267 = arith.index_cast %add3A_266 : i32 to index
        %get3A_268 = arith.constant 16 : index
        %get3A_269 = tpu.vector_load %arg6[%get3A_267, %get3A_268] {strides = array<i32>} : memref<128x128xf32, #tpu.memory_space<vmem>>, vector<1x16xf32>,
        %get3A_270 = vector.shape_cast %get3A_269 : vector<1x16xf32> to vector<16xf32>
        %max3A_271 = arith.maximumf %max3A_262, %get3A_270 : vector<16xf32>
        %mul3A_272 = arith.constant 16 : i32
        %mul3A_273 = arith.muli %scan3A_28, %mul3A_272 : i32
        %add3A_274 = arith.constant 11 : i32
        %add3A_275 = arith.addi %mul3A_273, %add3A_274 : i32
        %get3A_276 = arith.index_cast %add3A_275 : i32 to index
        %get3A_277 = arith.constant 16 : index
        %get3A_278 = tpu.vector_load %arg6[%get3A_276, %get3A_277] {strides = array<i32>} : memref<128x128xf32, #tpu.memory_space<vmem>>, vector<1x16xf32>,
        %get3A_279 = vector.shape_cast %get3A_278 : vector<1x16xf32> to vector<16xf32>
        %max3A_280 = arith.maximumf %max3A_271, %get3A_279 : vector<16xf32>
        %mul3A_281 = arith.constant 16 : i32
        %mul3A_282 = arith.muli %scan3A_28, %mul3A_281 : i32
        %add3A_283 = arith.constant 12 : i32
        %add3A_284 = arith.addi %mul3A_282, %add3A_283 : i32
        %get3A_285 = arith.index_cast %add3A_284 : i32 to index
        %get3A_286 = arith.constant 16 : index
        %get3A_287 = tpu.vector_load %arg6[%get3A_285, %get3A_286] {strides = array<i32>} : memref<128x128xf32, #tpu.memory_space<vmem>>, vector<1x16xf32>,
        %get3A_288 = vector.shape_cast %get3A_287 : vector<1x16xf32> to vector<16xf32>
        %max3A_289 = arith.maximumf %max3A_280, %get3A_288 : vector<16xf32>
        %mul3A_290 = arith.constant 16 : i32
        %mul3A_291 = arith.muli %scan3A_28, %mul3A_290 : i32
        %add3A_292 = arith.constant 13 : i32
        %add3A_293 = arith.addi %mul3A_291, %add3A_292 : i32
        %get3A_294 = arith.index_cast %add3A_293 : i32 to index
        %get3A_295 = arith.constant 16 : index
        %get3A_296 = tpu.vector_load %arg6[%get3A_294, %get3A_295] {strides = array<i32>} : memref<128x128xf32, #tpu.memory_space<vmem>>, vector<1x16xf32>,
        %get3A_297 = vector.shape_cast %get3A_296 : vector<1x16xf32> to vector<16xf32>
        %max3A_298 = arith.maximumf %max3A_289, %get3A_297 : vector<16xf32>
        %mul3A_299 = arith.constant 16 : i32
        %mul3A_300 = arith.muli %scan3A_28, %mul3A_299 : i32
        %add3A_301 = arith.constant 14 : i32
        %add3A_302 = arith.addi %mul3A_300, %add3A_301 : i32
        %get3A_303 = arith.index_cast %add3A_302 : i32 to index
        %get3A_304 = arith.constant 16 : index
        %get3A_305 = tpu.vector_load %arg6[%get3A_303, %get3A_304] {strides = array<i32>} : memref<128x128xf32, #tpu.memory_space<vmem>>, vector<1x16xf32>,
        %get3A_306 = vector.shape_cast %get3A_305 : vector<1x16xf32> to vector<16xf32>
        %max3A_307 = arith.maximumf %max3A_298, %get3A_306 : vector<16xf32>
        %mul3A_308 = arith.constant 16 : i32
        %mul3A_309 = arith.muli %scan3A_28, %mul3A_308 : i32
        %add3A_310 = arith.constant 15 : i32
        %add3A_311 = arith.addi %mul3A_309, %add3A_310 : i32
        %get3A_312 = arith.index_cast %add3A_311 : i32 to index
        %get3A_313 = arith.constant 16 : index
        %get3A_314 = tpu.vector_load %arg6[%get3A_312, %get3A_313] {strides = array<i32>} : memref<128x128xf32, #tpu.memory_space<vmem>>, vector<1x16xf32>,
        %get3A_315 = vector.shape_cast %get3A_314 : vector<1x16xf32> to vector<16xf32>
        %max3A_316 = arith.maximumf %max3A_307, %get3A_315 : vector<16xf32>
        %swap3A_317 = arith.index_cast %add3A_32 : i32 to index
        %swap3A_318 = arith.constant 16 : index
        %swap3A_319 = tpu.vector_load %arg7[%swap3A_317, %swap3A_318] {strides = array<i32>} : memref<512x64xf32, #tpu.memory_space<vmem>>, vector<1x16xf32>,
        %swap3A_320 = vector.shape_cast %swap3A_319 : vector<1x16xf32> to vector<16xf32>
        %swap3A_321 = vector.shape_cast %max3A_316 : vector<16xf32> to vector<1x16xf32>
        tpu.vector_store %arg7[%swap3A_317, %swap3A_318], %swap3A_321 {strides = array<i32>} : memref<512x64xf32, #tpu.memory_space<vmem>>, vector<1x16xf32>,
        %mul3A_322 = arith.constant 16 : i32
        %mul3A_323 = arith.muli %scan3A_28, %mul3A_322 : i32
        %get3A_324 = arith.index_cast %mul3A_323 : i32 to index
        %get3A_325 = arith.constant 32 : index
        %get3A_326 = tpu.vector_load %arg6[%get3A_324, %get3A_325] {strides = array<i32>} : memref<128x128xf32, #tpu.memory_space<vmem>>, vector<1x16xf32>,
        %get3A_327 = vector.shape_cast %get3A_326 : vector<1x16xf32> to vector<16xf32>
        %mul3A_328 = arith.constant 16 : i32
        %mul3A_329 = arith.muli %scan3A_28, %mul3A_328 : i32
        %add3A_330 = arith.constant 1 : i32
        %add3A_331 = arith.addi %mul3A_329, %add3A_330 : i32
        %get3A_332 = arith.index_cast %add3A_331 : i32 to index
        %get3A_333 = arith.constant 32 : index
        %get3A_334 = tpu.vector_load %arg6[%get3A_332, %get3A_333] {strides = array<i32>} : memref<128x128xf32, #tpu.memory_space<vmem>>, vector<1x16xf32>,
        %get3A_335 = vector.shape_cast %get3A_334 : vector<1x16xf32> to vector<16xf32>
        %max3A_336 = arith.maximumf %get3A_327, %get3A_335 : vector<16xf32>
        %mul3A_337 = arith.constant 16 : i32
        %mul3A_338 = arith.muli %scan3A_28, %mul3A_337 : i32
        %add3A_339 = arith.constant 2 : i32
        %add3A_340 = arith.addi %mul3A_338, %add3A_339 : i32
        %get3A_341 = arith.index_cast %add3A_340 : i32 to index
        %get3A_342 = arith.constant 32 : index
        %get3A_343 = tpu.vector_load %arg6[%get3A_341, %get3A_342] {strides = array<i32>} : memref<128x128xf32, #tpu.memory_space<vmem>>, vector<1x16xf32>,
        %get3A_344 = vector.shape_cast %get3A_343 : vector<1x16xf32> to vector<16xf32>
        %max3A_345 = arith.maximumf %max3A_336, %get3A_344 : vector<16xf32>
        %mul3A_346 = arith.constant 16 : i32
        %mul3A_347 = arith.muli %scan3A_28, %mul3A_346 : i32
        %add3A_348 = arith.constant 3 : i32
        %add3A_349 = arith.addi %mul3A_347, %add3A_348 : i32
        %get3A_350 = arith.index_cast %add3A_349 : i32 to index
        %get3A_351 = arith.constant 32 : index
        %get3A_352 = tpu.vector_load %arg6[%get3A_350, %get3A_351] {strides = array<i32>} : memref<128x128xf32, #tpu.memory_space<vmem>>, vector<1x16xf32>,
        %get3A_353 = vector.shape_cast %get3A_352 : vector<1x16xf32> to vector<16xf32>
        %max3A_354 = arith.maximumf %max3A_345, %get3A_353 : vector<16xf32>
        %mul3A_355 = arith.constant 16 : i32
        %mul3A_356 = arith.muli %scan3A_28, %mul3A_355 : i32
        %add3A_357 = arith.constant 4 : i32
        %add3A_358 = arith.addi %mul3A_356, %add3A_357 : i32
        %get3A_359 = arith.index_cast %add3A_358 : i32 to index
        %get3A_360 = arith.constant 32 : index
        %get3A_361 = tpu.vector_load %arg6[%get3A_359, %get3A_360] {strides = array<i32>} : memref<128x128xf32, #tpu.memory_space<vmem>>, vector<1x16xf32>,
        %get3A_362 = vector.shape_cast %get3A_361 : vector<1x16xf32> to vector<16xf32>
        %max3A_363 = arith.maximumf %max3A_354, %get3A_362 : vector<16xf32>
        %mul3A_364 = arith.constant 16 : i32
        %mul3A_365 = arith.muli %scan3A_28, %mul3A_364 : i32
        %add3A_366 = arith.constant 5 : i32
        %add3A_367 = arith.addi %mul3A_365, %add3A_366 : i32
        %get3A_368 = arith.index_cast %add3A_367 : i32 to index
        %get3A_369 = arith.constant 32 : index
        %get3A_370 = tpu.vector_load %arg6[%get3A_368, %get3A_369] {strides = array<i32>} : memref<128x128xf32, #tpu.memory_space<vmem>>, vector<1x16xf32>,
        %get3A_371 = vector.shape_cast %get3A_370 : vector<1x16xf32> to vector<16xf32>
        %max3A_372 = arith.maximumf %max3A_363, %get3A_371 : vector<16xf32>
        %mul3A_373 = arith.constant 16 : i32
        %mul3A_374 = arith.muli %scan3A_28, %mul3A_373 : i32
        %add3A_375 = arith.constant 6 : i32
        %add3A_376 = arith.addi %mul3A_374, %add3A_375 : i32
        %get3A_377 = arith.index_cast %add3A_376 : i32 to index
        %get3A_378 = arith.constant 32 : index
        %get3A_379 = tpu.vector_load %arg6[%get3A_377, %get3A_378] {strides = array<i32>} : memref<128x128xf32, #tpu.memory_space<vmem>>, vector<1x16xf32>,
        %get3A_380 = vector.shape_cast %get3A_379 : vector<1x16xf32> to vector<16xf32>
        %max3A_381 = arith.maximumf %max3A_372, %get3A_380 : vector<16xf32>
        %mul3A_382 = arith.constant 16 : i32
        %mul3A_383 = arith.muli %scan3A_28, %mul3A_382 : i32
        %add3A_384 = arith.constant 7 : i32
        %add3A_385 = arith.addi %mul3A_383, %add3A_384 : i32
        %get3A_386 = arith.index_cast %add3A_385 : i32 to index
        %get3A_387 = arith.constant 32 : index
        %get3A_388 = tpu.vector_load %arg6[%get3A_386, %get3A_387] {strides = array<i32>} : memref<128x128xf32, #tpu.memory_space<vmem>>, vector<1x16xf32>,
        %get3A_389 = vector.shape_cast %get3A_388 : vector<1x16xf32> to vector<16xf32>
        %max3A_390 = arith.maximumf %max3A_381, %get3A_389 : vector<16xf32>
        %mul3A_391 = arith.constant 16 : i32
        %mul3A_392 = arith.muli %scan3A_28, %mul3A_391 : i32
        %add3A_393 = arith.constant 8 : i32
        %add3A_394 = arith.addi %mul3A_392, %add3A_393 : i32
        %get3A_395 = arith.index_cast %add3A_394 : i32 to index
        %get3A_396 = arith.constant 32 : index
        %get3A_397 = tpu.vector_load %arg6[%get3A_395, %get3A_396] {strides = array<i32>} : memref<128x128xf32, #tpu.memory_space<vmem>>, vector<1x16xf32>,
        %get3A_398 = vector.shape_cast %get3A_397 : vector<1x16xf32> to vector<16xf32>
        %max3A_399 = arith.maximumf %max3A_390, %get3A_398 : vector<16xf32>
        %mul3A_400 = arith.constant 16 : i32
        %mul3A_401 = arith.muli %scan3A_28, %mul3A_400 : i32
        %add3A_402 = arith.constant 9 : i32
        %add3A_403 = arith.addi %mul3A_401, %add3A_402 : i32
        %get3A_404 = arith.index_cast %add3A_403 : i32 to index
        %get3A_405 = arith.constant 32 : index
        %get3A_406 = tpu.vector_load %arg6[%get3A_404, %get3A_405] {strides = array<i32>} : memref<128x128xf32, #tpu.memory_space<vmem>>, vector<1x16xf32>,
        %get3A_407 = vector.shape_cast %get3A_406 : vector<1x16xf32> to vector<16xf32>
        %max3A_408 = arith.maximumf %max3A_399, %get3A_407 : vector<16xf32>
        %mul3A_409 = arith.constant 16 : i32
        %mul3A_410 = arith.muli %scan3A_28, %mul3A_409 : i32
        %add3A_411 = arith.constant 10 : i32
        %add3A_412 = arith.addi %mul3A_410, %add3A_411 : i32
        %get3A_413 = arith.index_cast %add3A_412 : i32 to index
        %get3A_414 = arith.constant 32 : index
        %get3A_415 = tpu.vector_load %arg6[%get3A_413, %get3A_414] {strides = array<i32>} : memref<128x128xf32, #tpu.memory_space<vmem>>, vector<1x16xf32>,
        %get3A_416 = vector.shape_cast %get3A_415 : vector<1x16xf32> to vector<16xf32>
        %max3A_417 = arith.maximumf %max3A_408, %get3A_416 : vector<16xf32>
        %mul3A_418 = arith.constant 16 : i32
        %mul3A_419 = arith.muli %scan3A_28, %mul3A_418 : i32
        %add3A_420 = arith.constant 11 : i32
        %add3A_421 = arith.addi %mul3A_419, %add3A_420 : i32
        %get3A_422 = arith.index_cast %add3A_421 : i32 to index
        %get3A_423 = arith.constant 32 : index
        %get3A_424 = tpu.vector_load %arg6[%get3A_422, %get3A_423] {strides = array<i32>} : memref<128x128xf32, #tpu.memory_space<vmem>>, vector<1x16xf32>,
        %get3A_425 = vector.shape_cast %get3A_424 : vector<1x16xf32> to vector<16xf32>
        %max3A_426 = arith.maximumf %max3A_417, %get3A_425 : vector<16xf32>
        %mul3A_427 = arith.constant 16 : i32
        %mul3A_428 = arith.muli %scan3A_28, %mul3A_427 : i32
        %add3A_429 = arith.constant 12 : i32
        %add3A_430 = arith.addi %mul3A_428, %add3A_429 : i32
        %get3A_431 = arith.index_cast %add3A_430 : i32 to index
        %get3A_432 = arith.constant 32 : index
        %get3A_433 = tpu.vector_load %arg6[%get3A_431, %get3A_432] {strides = array<i32>} : memref<128x128xf32, #tpu.memory_space<vmem>>, vector<1x16xf32>,
        %get3A_434 = vector.shape_cast %get3A_433 : vector<1x16xf32> to vector<16xf32>
        %max3A_435 = arith.maximumf %max3A_426, %get3A_434 : vector<16xf32>
        %mul3A_436 = arith.constant 16 : i32
        %mul3A_437 = arith.muli %scan3A_28, %mul3A_436 : i32
        %add3A_438 = arith.constant 13 : i32
        %add3A_439 = arith.addi %mul3A_437, %add3A_438 : i32
        %get3A_440 = arith.index_cast %add3A_439 : i32 to index
        %get3A_441 = arith.constant 32 : index
        %get3A_442 = tpu.vector_load %arg6[%get3A_440, %get3A_441] {strides = array<i32>} : memref<128x128xf32, #tpu.memory_space<vmem>>, vector<1x16xf32>,
        %get3A_443 = vector.shape_cast %get3A_442 : vector<1x16xf32> to vector<16xf32>
        %max3A_444 = arith.maximumf %max3A_435, %get3A_443 : vector<16xf32>
        %mul3A_445 = arith.constant 16 : i32
        %mul3A_446 = arith.muli %scan3A_28, %mul3A_445 : i32
        %add3A_447 = arith.constant 14 : i32
        %add3A_448 = arith.addi %mul3A_446, %add3A_447 : i32
        %get3A_449 = arith.index_cast %add3A_448 : i32 to index
        %get3A_450 = arith.constant 32 : index
        %get3A_451 = tpu.vector_load %arg6[%get3A_449, %get3A_450] {strides = array<i32>} : memref<128x128xf32, #tpu.memory_space<vmem>>, vector<1x16xf32>,
        %get3A_452 = vector.shape_cast %get3A_451 : vector<1x16xf32> to vector<16xf32>
        %max3A_453 = arith.maximumf %max3A_444, %get3A_452 : vector<16xf32>
        %mul3A_454 = arith.constant 16 : i32
        %mul3A_455 = arith.muli %scan3A_28, %mul3A_454 : i32
        %add3A_456 = arith.constant 15 : i32
        %add3A_457 = arith.addi %mul3A_455, %add3A_456 : i32
        %get3A_458 = arith.index_cast %add3A_457 : i32 to index
        %get3A_459 = arith.constant 32 : index
        %get3A_460 = tpu.vector_load %arg6[%get3A_458, %get3A_459] {strides = array<i32>} : memref<128x128xf32, #tpu.memory_space<vmem>>, vector<1x16xf32>,
        %get3A_461 = vector.shape_cast %get3A_460 : vector<1x16xf32> to vector<16xf32>
        %max3A_462 = arith.maximumf %max3A_453, %get3A_461 : vector<16xf32>
        %swap3A_463 = arith.index_cast %add3A_32 : i32 to index
        %swap3A_464 = arith.constant 32 : index
        %swap3A_465 = tpu.vector_load %arg7[%swap3A_463, %swap3A_464] {strides = array<i32>} : memref<512x64xf32, #tpu.memory_space<vmem>>, vector<1x16xf32>,
        %swap3A_466 = vector.shape_cast %swap3A_465 : vector<1x16xf32> to vector<16xf32>
        %swap3A_467 = vector.shape_cast %max3A_462 : vector<16xf32> to vector<1x16xf32>
        tpu.vector_store %arg7[%swap3A_463, %swap3A_464], %swap3A_467 {strides = array<i32>} : memref<512x64xf32, #tpu.memory_space<vmem>>, vector<1x16xf32>,
        %mul3A_468 = arith.constant 16 : i32
        %mul3A_469 = arith.muli %scan3A_28, %mul3A_468 : i32
        %get3A_470 = arith.index_cast %mul3A_469 : i32 to index
        %get3A_471 = arith.constant 48 : index
        %get3A_472 = tpu.vector_load %arg6[%get3A_470, %get3A_471] {strides = array<i32>} : memref<128x128xf32, #tpu.memory_space<vmem>>, vector<1x16xf32>,
        %get3A_473 = vector.shape_cast %get3A_472 : vector<1x16xf32> to vector<16xf32>
        %mul3A_474 = arith.constant 16 : i32
        %mul3A_475 = arith.muli %scan3A_28, %mul3A_474 : i32
        %add3A_476 = arith.constant 1 : i32
        %add3A_477 = arith.addi %mul3A_475, %add3A_476 : i32
        %get3A_478 = arith.index_cast %add3A_477 : i32 to index
        %get3A_479 = arith.constant 48 : index
        %get3A_480 = tpu.vector_load %arg6[%get3A_478, %get3A_479] {strides = array<i32>} : memref<128x128xf32, #tpu.memory_space<vmem>>, vector<1x16xf32>,
        %get3A_481 = vector.shape_cast %get3A_480 : vector<1x16xf32> to vector<16xf32>
        %max3A_482 = arith.maximumf %get3A_473, %get3A_481 : vector<16xf32>
        %mul3A_483 = arith.constant 16 : i32
        %mul3A_484 = arith.muli %scan3A_28, %mul3A_483 : i32
        %add3A_485 = arith.constant 2 : i32
        %add3A_486 = arith.addi %mul3A_484, %add3A_485 : i32
        %get3A_487 = arith.index_cast %add3A_486 : i32 to index
        %get3A_488 = arith.constant 48 : index
        %get3A_489 = tpu.vector_load %arg6[%get3A_487, %get3A_488] {strides = array<i32>} : memref<128x128xf32, #tpu.memory_space<vmem>>, vector<1x16xf32>,
        %get3A_490 = vector.shape_cast %get3A_489 : vector<1x16xf32> to vector<16xf32>
        %max3A_491 = arith.maximumf %max3A_482, %get3A_490 : vector<16xf32>
        %mul3A_492 = arith.constant 16 : i32
        %mul3A_493 = arith.muli %scan3A_28, %mul3A_492 : i32
        %add3A_494 = arith.constant 3 : i32
        %add3A_495 = arith.addi %mul3A_493, %add3A_494 : i32
        %get3A_496 = arith.index_cast %add3A_495 : i32 to index
        %get3A_497 = arith.constant 48 : index
        %get3A_498 = tpu.vector_load %arg6[%get3A_496, %get3A_497] {strides = array<i32>} : memref<128x128xf32, #tpu.memory_space<vmem>>, vector<1x16xf32>,
        %get3A_499 = vector.shape_cast %get3A_498 : vector<1x16xf32> to vector<16xf32>
        %max3A_500 = arith.maximumf %max3A_491, %get3A_499 : vector<16xf32>
        %mul3A_501 = arith.constant 16 : i32
        %mul3A_502 = arith.muli %scan3A_28, %mul3A_501 : i32
        %add3A_503 = arith.constant 4 : i32
        %add3A_504 = arith.addi %mul3A_502, %add3A_503 : i32
        %get3A_505 = arith.index_cast %add3A_504 : i32 to index
        %get3A_506 = arith.constant 48 : index
        %get3A_507 = tpu.vector_load %arg6[%get3A_505, %get3A_506] {strides = array<i32>} : memref<128x128xf32, #tpu.memory_space<vmem>>, vector<1x16xf32>,
        %get3A_508 = vector.shape_cast %get3A_507 : vector<1x16xf32> to vector<16xf32>
        %max3A_509 = arith.maximumf %max3A_500, %get3A_508 : vector<16xf32>
        %mul3A_510 = arith.constant 16 : i32
        %mul3A_511 = arith.muli %scan3A_28, %mul3A_510 : i32
        %add3A_512 = arith.constant 5 : i32
        %add3A_513 = arith.addi %mul3A_511, %add3A_512 : i32
        %get3A_514 = arith.index_cast %add3A_513 : i32 to index
        %get3A_515 = arith.constant 48 : index
        %get3A_516 = tpu.vector_load %arg6[%get3A_514, %get3A_515] {strides = array<i32>} : memref<128x128xf32, #tpu.memory_space<vmem>>, vector<1x16xf32>,
        %get3A_517 = vector.shape_cast %get3A_516 : vector<1x16xf32> to vector<16xf32>
        %max3A_518 = arith.maximumf %max3A_509, %get3A_517 : vector<16xf32>
        %mul3A_519 = arith.constant 16 : i32
        %mul3A_520 = arith.muli %scan3A_28, %mul3A_519 : i32
        %add3A_521 = arith.constant 6 : i32
        %add3A_522 = arith.addi %mul3A_520, %add3A_521 : i32
        %get3A_523 = arith.index_cast %add3A_522 : i32 to index
        %get3A_524 = arith.constant 48 : index
        %get3A_525 = tpu.vector_load %arg6[%get3A_523, %get3A_524] {strides = array<i32>} : memref<128x128xf32, #tpu.memory_space<vmem>>, vector<1x16xf32>,
        %get3A_526 = vector.shape_cast %get3A_525 : vector<1x16xf32> to vector<16xf32>
        %max3A_527 = arith.maximumf %max3A_518, %get3A_526 : vector<16xf32>
        %mul3A_528 = arith.constant 16 : i32
        %mul3A_529 = arith.muli %scan3A_28, %mul3A_528 : i32
        %add3A_530 = arith.constant 7 : i32
        %add3A_531 = arith.addi %mul3A_529, %add3A_530 : i32
        %get3A_532 = arith.index_cast %add3A_531 : i32 to index
        %get3A_533 = arith.constant 48 : index
        %get3A_534 = tpu.vector_load %arg6[%get3A_532, %get3A_533] {strides = array<i32>} : memref<128x128xf32, #tpu.memory_space<vmem>>, vector<1x16xf32>,
        %get3A_535 = vector.shape_cast %get3A_534 : vector<1x16xf32> to vector<16xf32>
        %max3A_536 = arith.maximumf %max3A_527, %get3A_535 : vector<16xf32>
        %mul3A_537 = arith.constant 16 : i32
        %mul3A_538 = arith.muli %scan3A_28, %mul3A_537 : i32
        %add3A_539 = arith.constant 8 : i32
        %add3A_540 = arith.addi %mul3A_538, %add3A_539 : i32
        %get3A_541 = arith.index_cast %add3A_540 : i32 to index
        %get3A_542 = arith.constant 48 : index
        %get3A_543 = tpu.vector_load %arg6[%get3A_541, %get3A_542] {strides = array<i32>} : memref<128x128xf32, #tpu.memory_space<vmem>>, vector<1x16xf32>,
        %get3A_544 = vector.shape_cast %get3A_543 : vector<1x16xf32> to vector<16xf32>
        %max3A_545 = arith.maximumf %max3A_536, %get3A_544 : vector<16xf32>
        %mul3A_546 = arith.constant 16 : i32
        %mul3A_547 = arith.muli %scan3A_28, %mul3A_546 : i32
        %add3A_548 = arith.constant 9 : i32
        %add3A_549 = arith.addi %mul3A_547, %add3A_548 : i32
        %get3A_550 = arith.index_cast %add3A_549 : i32 to index
        %get3A_551 = arith.constant 48 : index
        %get3A_552 = tpu.vector_load %arg6[%get3A_550, %get3A_551] {strides = array<i32>} : memref<128x128xf32, #tpu.memory_space<vmem>>, vector<1x16xf32>,
        %get3A_553 = vector.shape_cast %get3A_552 : vector<1x16xf32> to vector<16xf32>
        %max3A_554 = arith.maximumf %max3A_545, %get3A_553 : vector<16xf32>
        %mul3A_555 = arith.constant 16 : i32
        %mul3A_556 = arith.muli %scan3A_28, %mul3A_555 : i32
        %add3A_557 = arith.constant 10 : i32
        %add3A_558 = arith.addi %mul3A_556, %add3A_557 : i32
        %get3A_559 = arith.index_cast %add3A_558 : i32 to index
        %get3A_560 = arith.constant 48 : index
        %get3A_561 = tpu.vector_load %arg6[%get3A_559, %get3A_560] {strides = array<i32>} : memref<128x128xf32, #tpu.memory_space<vmem>>, vector<1x16xf32>,
        %get3A_562 = vector.shape_cast %get3A_561 : vector<1x16xf32> to vector<16xf32>
        %max3A_563 = arith.maximumf %max3A_554, %get3A_562 : vector<16xf32>
        %mul3A_564 = arith.constant 16 : i32
        %mul3A_565 = arith.muli %scan3A_28, %mul3A_564 : i32
        %add3A_566 = arith.constant 11 : i32
        %add3A_567 = arith.addi %mul3A_565, %add3A_566 : i32
        %get3A_568 = arith.index_cast %add3A_567 : i32 to index
        %get3A_569 = arith.constant 48 : index
        %get3A_570 = tpu.vector_load %arg6[%get3A_568, %get3A_569] {strides = array<i32>} : memref<128x128xf32, #tpu.memory_space<vmem>>, vector<1x16xf32>,
        %get3A_571 = vector.shape_cast %get3A_570 : vector<1x16xf32> to vector<16xf32>
        %max3A_572 = arith.maximumf %max3A_563, %get3A_571 : vector<16xf32>
        %mul3A_573 = arith.constant 16 : i32
        %mul3A_574 = arith.muli %scan3A_28, %mul3A_573 : i32
        %add3A_575 = arith.constant 12 : i32
        %add3A_576 = arith.addi %mul3A_574, %add3A_575 : i32
        %get3A_577 = arith.index_cast %add3A_576 : i32 to index
        %get3A_578 = arith.constant 48 : index
        %get3A_579 = tpu.vector_load %arg6[%get3A_577, %get3A_578] {strides = array<i32>} : memref<128x128xf32, #tpu.memory_space<vmem>>, vector<1x16xf32>,
        %get3A_580 = vector.shape_cast %get3A_579 : vector<1x16xf32> to vector<16xf32>
        %max3A_581 = arith.maximumf %max3A_572, %get3A_580 : vector<16xf32>
        %mul3A_582 = arith.constant 16 : i32
        %mul3A_583 = arith.muli %scan3A_28, %mul3A_582 : i32
        %add3A_584 = arith.constant 13 : i32
        %add3A_585 = arith.addi %mul3A_583, %add3A_584 : i32
        %get3A_586 = arith.index_cast %add3A_585 : i32 to index
        %get3A_587 = arith.constant 48 : index
        %get3A_588 = tpu.vector_load %arg6[%get3A_586, %get3A_587] {strides = array<i32>} : memref<128x128xf32, #tpu.memory_space<vmem>>, vector<1x16xf32>,
        %get3A_589 = vector.shape_cast %get3A_588 : vector<1x16xf32> to vector<16xf32>
        %max3A_590 = arith.maximumf %max3A_581, %get3A_589 : vector<16xf32>
        %mul3A_591 = arith.constant 16 : i32
        %mul3A_592 = arith.muli %scan3A_28, %mul3A_591 : i32
        %add3A_593 = arith.constant 14 : i32
        %add3A_594 = arith.addi %mul3A_592, %add3A_593 : i32
        %get3A_595 = arith.index_cast %add3A_594 : i32 to index
        %get3A_596 = arith.constant 48 : index
        %get3A_597 = tpu.vector_load %arg6[%get3A_595, %get3A_596] {strides = array<i32>} : memref<128x128xf32, #tpu.memory_space<vmem>>, vector<1x16xf32>,
        %get3A_598 = vector.shape_cast %get3A_597 : vector<1x16xf32> to vector<16xf32>
        %max3A_599 = arith.maximumf %max3A_590, %get3A_598 : vector<16xf32>
        %mul3A_600 = arith.constant 16 : i32
        %mul3A_601 = arith.muli %scan3A_28, %mul3A_600 : i32
        %add3A_602 = arith.constant 15 : i32
        %add3A_603 = arith.addi %mul3A_601, %add3A_602 : i32
        %get3A_604 = arith.index_cast %add3A_603 : i32 to index
        %get3A_605 = arith.constant 48 : index
        %get3A_606 = tpu.vector_load %arg6[%get3A_604, %get3A_605] {strides = array<i32>} : memref<128x128xf32, #tpu.memory_space<vmem>>, vector<1x16xf32>,
        %get3A_607 = vector.shape_cast %get3A_606 : vector<1x16xf32> to vector<16xf32>
        %max3A_608 = arith.maximumf %max3A_599, %get3A_607 : vector<16xf32>
        %swap3A_609 = arith.index_cast %add3A_32 : i32 to index
        %swap3A_610 = arith.constant 48 : index
        %swap3A_611 = tpu.vector_load %arg7[%swap3A_609, %swap3A_610] {strides = array<i32>} : memref<512x64xf32, #tpu.memory_space<vmem>>, vector<1x16xf32>,
        %swap3A_612 = vector.shape_cast %swap3A_611 : vector<1x16xf32> to vector<16xf32>
        %swap3A_613 = vector.shape_cast %max3A_608 : vector<16xf32> to vector<1x16xf32>
        tpu.vector_store %arg7[%swap3A_609, %swap3A_610], %swap3A_613 {strides = array<i32>} : memref<512x64xf32, #tpu.memory_space<vmem>>, vector<1x16xf32>,
        %scan3A_614 = arith.constant 0 : i32
        scf.yield %scan3A_614 : i32
      }
      %scan3A_27 = arith.constant 8 : i32
      scf.yield %scan3A_26 : i32
    }
    %scan3A_6 = arith.constant 64 : i32
    %mul3A_7 = arith.constant 512 : i32
    %mul3A_8 = arith.muli %add3A, %mul3A_7 : i32
    "tpu.region"() ({
      %run_scoped3A = tpu.sem_alloc : memref<!tpu.dma_semaphore, #tpu.memory_space<semaphore_mem>>
      %dma_start3A = arith.constant 0 : i32
      %dma_start3A_9 = tpu.memref_slice %arg4[%mul3A_8, %dma_start3A] : memref<16384x64xf32, #tpu.memory_space<hbm>> -> memref<512x64xf32, #tpu.memory_space<hbm>>
      %dma_start3A_10 = arith.constant 0 : i32
      %dma_start3A_11 = tpu.memref_slice %arg4[%mul3A_8, %dma_start3A_10] : memref<16384x64xf32, #tpu.memory_space<hbm>> -> memref<512x64xf32, #tpu.memory_space<hbm>>
      tpu.enqueue_dma source(%arg7 : memref<512x64xf32, #tpu.memory_space<vmem>>) target(%dma_start3A_11 : memref<512x64xf32, #tpu.memory_space<hbm>>) target_semaphore(%run_scoped3A : memref<!tpu.dma_semaphore, #tpu.memory_space<semaphore_mem>>)
      %dma_wait3A = arith.constant 0 : i32
      %dma_wait3A_12 = tpu.memref_slice %arg4[%mul3A_8, %dma_wait3A] : memref<16384x64xf32, #tpu.memory_space<hbm>> -> memref<512x64xf32, #tpu.memory_space<hbm>>
      %dma_wait3A_13 = arith.constant 0 : i32
      %dma_wait3A_14 = tpu.memref_slice %arg4[%mul3A_8, %dma_wait3A_13] : memref<16384x64xf32, #tpu.memory_space<hbm>> -> memref<512x64xf32, #tpu.memory_space<hbm>>
      tpu.wait_dma2 semaphore(%run_scoped3A : memref<!tpu.dma_semaphore, #tpu.memory_space<semaphore_mem>>) src(%arg7 : memref<512x64xf32, #tpu.memory_space<vmem>>) dst(%dma_wait3A_14 : memref<512x64xf32, #tpu.memory_space<hbm>>)
      tpu.yield
    }) : () -> ()
    return
  }
}

#map = affine_map<(d0, d1) -> (0, 0)>
#map1 = affine_map<(d0, d1) -> (0, 0, 0)>
module attributes {stable_mosaic.version = 14 : i64} {
  func.func @_sc_pool_body(%arg0: i32, %arg1: i32, %arg2: memref<16384x128xf32, #tpu.memory_space<hbm>>, %arg3: memref<32x64x128xi32, #tpu.memory_space<hbm>>, %arg4: memref<16384x128xf32, #tpu.memory_space<hbm>>, %arg5: memref<64x128xi32, #tpu.memory_space<vmem>>, %arg6: memref<128x128xf32, #tpu.memory_space<vmem>>, %arg7: memref<512x128xf32, #tpu.memory_space<vmem>>, %arg8: memref<!tpu.dma_semaphore, #tpu.memory_space<semaphore_mem>>) attributes {dimension_semantics = [#tpu.dimension_semantics<core_parallel>, #tpu.dimension_semantics<subcore_parallel>], iteration_bounds = array<i64: 2, 16>, scalar_prefetch = 0 : i64, scratch_operands = 4 : i64, tpu.core_type = #tpu.core_type<sc_vector_subcore>, window_params = [{transform_indices = #map}, {transform_indices = #map1}, {transform_indices = #map}]} {
    %mul3A = arith.constant 2 : i32
    %mul3A_0 = arith.muli %arg1, %mul3A : i32
    %add3A = arith.addi %mul3A_0, %arg0 : i32
    "tpu.region"() ({
      %run_scoped3A = tpu.sem_alloc : memref<!tpu.dma_semaphore, #tpu.memory_space<semaphore_mem>>
      %dma_start3A = arith.constant 0 : i32
      %dma_start3A_9 = arith.constant 0 : i32
      %dma_start3A_10 = tpu.memref_slice %arg3[%add3A, %dma_start3A, %dma_start3A_9] : memref<32x64x128xi32, #tpu.memory_space<hbm>> -> memref<1x64x128xi32, #tpu.memory_space<hbm>>
      %dma_start3A_11 = tpu.memref_squeeze %dma_start3A_10 : memref<1x64x128xi32, #tpu.memory_space<hbm>> -> memref<64x128xi32, #tpu.memory_space<hbm>>
      %dma_start3A_12 = arith.constant 0 : i32
      %dma_start3A_13 = arith.constant 0 : i32
      %dma_start3A_14 = tpu.memref_slice %arg3[%add3A, %dma_start3A_12, %dma_start3A_13] : memref<32x64x128xi32, #tpu.memory_space<hbm>> -> memref<1x64x128xi32, #tpu.memory_space<hbm>>
      %dma_start3A_15 = tpu.memref_squeeze %dma_start3A_14 : memref<1x64x128xi32, #tpu.memory_space<hbm>> -> memref<64x128xi32, #tpu.memory_space<hbm>>
      tpu.enqueue_dma source(%dma_start3A_15 : memref<64x128xi32, #tpu.memory_space<hbm>>) target(%arg5 : memref<64x128xi32, #tpu.memory_space<vmem>>) target_semaphore(%run_scoped3A : memref<!tpu.dma_semaphore, #tpu.memory_space<semaphore_mem>>)
      %dma_wait3A = arith.constant 0 : i32
      %dma_wait3A_16 = arith.constant 0 : i32
      %dma_wait3A_17 = tpu.memref_slice %arg3[%add3A, %dma_wait3A, %dma_wait3A_16] : memref<32x64x128xi32, #tpu.memory_space<hbm>> -> memref<1x64x128xi32, #tpu.memory_space<hbm>>
      %dma_wait3A_18 = tpu.memref_squeeze %dma_wait3A_17 : memref<1x64x128xi32, #tpu.memory_space<hbm>> -> memref<64x128xi32, #tpu.memory_space<hbm>>
      %dma_wait3A_19 = arith.constant 0 : i32
      %dma_wait3A_20 = arith.constant 0 : i32
      %dma_wait3A_21 = tpu.memref_slice %arg3[%add3A, %dma_wait3A_19, %dma_wait3A_20] : memref<32x64x128xi32, #tpu.memory_space<hbm>> -> memref<1x64x128xi32, #tpu.memory_space<hbm>>
      %dma_wait3A_22 = tpu.memref_squeeze %dma_wait3A_21 : memref<1x64x128xi32, #tpu.memory_space<hbm>> -> memref<64x128xi32, #tpu.memory_space<hbm>>
      tpu.wait_dma2 semaphore(%run_scoped3A : memref<!tpu.dma_semaphore, #tpu.memory_space<semaphore_mem>>) src(%dma_wait3A_22 : memref<64x128xi32, #tpu.memory_space<hbm>>) dst(%arg5 : memref<64x128xi32, #tpu.memory_space<vmem>>)
      tpu.yield
    }) : () -> ()
    %scan3A = arith.constant 0 : i32
    %scan3A_1 = arith.constant 0 : i32
    %scan3A_2 = arith.constant 64 : i32
    %scan3A_3 = arith.addi %scan3A_1, %scan3A_2 : i32
    %scan3A_4 = arith.constant 1 : i32
    %scan3A_5 = scf.for %scan3A_9 = %scan3A_1 to %scan3A_3 step %scan3A_4 iter_args(%scan3A_10 = %scan3A) -> (i32)  : i32 {
      %dma_start3A = arith.constant 0 : i32
      %dma_start3A_11 = tpu.memref_slice %arg5[%scan3A_9, %dma_start3A] : memref<64x128xi32, #tpu.memory_space<vmem>> -> memref<1x128xi32, #tpu.memory_space<vmem>>
      %dma_start3A_12 = tpu.memref_squeeze %dma_start3A_11 : memref<1x128xi32, #tpu.memory_space<vmem>> -> memref<128xi32, #tpu.memory_space<vmem>>
      %dma_start3A_13 = arith.constant 0 : i32
      %dma_start3A_14 = arith.constant 0 : i32
      %dma_start3A_15 = tpu.memref_slice %arg2[%dma_start3A_13, %dma_start3A_14] : memref<16384x128xf32, #tpu.memory_space<hbm>> -> memref<16384x128xf32, #tpu.memory_space<hbm>>
      tpu.enqueue_indirect_dma source(%dma_start3A_15 : memref<16384x128xf32, #tpu.memory_space<hbm>>) target(%arg6 : memref<128x128xf32, #tpu.memory_space<vmem>>) offsets(%dma_start3A_12 : memref<128xi32, #tpu.memory_space<vmem>>) semaphore(%arg8 : memref<!tpu.dma_semaphore, #tpu.memory_space<semaphore_mem>>)
      %dma_wait3A = arith.constant 0 : i32
      %dma_wait3A_16 = tpu.memref_slice %arg5[%scan3A_9, %dma_wait3A] : memref<64x128xi32, #tpu.memory_space<vmem>> -> memref<1x128xi32, #tpu.memory_space<vmem>>
      %dma_wait3A_17 = tpu.memref_squeeze %dma_wait3A_16 : memref<1x128xi32, #tpu.memory_space<vmem>> -> memref<128xi32, #tpu.memory_space<vmem>>
      %dma_wait3A_18 = arith.constant 0 : i32
      %dma_wait3A_19 = arith.constant 0 : i32
      %dma_wait3A_20 = tpu.memref_slice %arg2[%dma_wait3A_18, %dma_wait3A_19] : memref<16384x128xf32, #tpu.memory_space<hbm>> -> memref<16384x128xf32, #tpu.memory_space<hbm>>
      tpu.wait_indirect_dma semaphore(%arg8 : memref<!tpu.dma_semaphore, #tpu.memory_space<semaphore_mem>>) src(%dma_wait3A_20 : memref<16384x128xf32, #tpu.memory_space<hbm>>) dst(%arg6 : memref<128x128xf32, #tpu.memory_space<vmem>>)
      %scan3A_21 = arith.constant 0 : i32
      %scan3A_22 = arith.constant 0 : i32
      %scan3A_23 = arith.constant 8 : i32
      %scan3A_24 = arith.addi %scan3A_22, %scan3A_23 : i32
      %scan3A_25 = arith.constant 1 : i32
      %scan3A_26 = scf.for %scan3A_28 = %scan3A_22 to %scan3A_24 step %scan3A_25 iter_args(%scan3A_29 = %scan3A_21) -> (i32)  : i32 {
        %mul3A_30 = arith.constant 8 : i32
        %mul3A_31 = arith.muli %scan3A_9, %mul3A_30 : i32
        %add3A_32 = arith.addi %mul3A_31, %scan3A_28 : i32
        %mul3A_33 = arith.constant 16 : i32
        %mul3A_34 = arith.muli %scan3A_28, %mul3A_33 : i32
        %get3A = arith.index_cast %mul3A_34 : i32 to index
        %get3A_35 = arith.constant 0 : index
        %get3A_36 = tpu.vector_load %arg6[%get3A, %get3A_35] {strides = array<i32>} : memref<128x128xf32, #tpu.memory_space<vmem>>, vector<1x16xf32>,
        %get3A_37 = vector.shape_cast %get3A_36 : vector<1x16xf32> to vector<16xf32>
        %mul3A_38 = arith.constant 16 : i32
        %mul3A_39 = arith.muli %scan3A_28, %mul3A_38 : i32
        %add3A_40 = arith.constant 1 : i32
        %add3A_41 = arith.addi %mul3A_39, %add3A_40 : i32
        %get3A_42 = arith.index_cast %add3A_41 : i32 to index
        %get3A_43 = arith.constant 0 : index
        %get3A_44 = tpu.vector_load %arg6[%get3A_42, %get3A_43] {strides = array<i32>} : memref<128x128xf32, #tpu.memory_space<vmem>>, vector<1x16xf32>,
        %get3A_45 = vector.shape_cast %get3A_44 : vector<1x16xf32> to vector<16xf32>
        %max3A = arith.maximumf %get3A_37, %get3A_45 : vector<16xf32>
        %mul3A_46 = arith.constant 16 : i32
        %mul3A_47 = arith.muli %scan3A_28, %mul3A_46 : i32
        %add3A_48 = arith.constant 2 : i32
        %add3A_49 = arith.addi %mul3A_47, %add3A_48 : i32
        %get3A_50 = arith.index_cast %add3A_49 : i32 to index
        %get3A_51 = arith.constant 0 : index
        %get3A_52 = tpu.vector_load %arg6[%get3A_50, %get3A_51] {strides = array<i32>} : memref<128x128xf32, #tpu.memory_space<vmem>>, vector<1x16xf32>,
        %get3A_53 = vector.shape_cast %get3A_52 : vector<1x16xf32> to vector<16xf32>
        %max3A_54 = arith.maximumf %max3A, %get3A_53 : vector<16xf32>
        %mul3A_55 = arith.constant 16 : i32
        %mul3A_56 = arith.muli %scan3A_28, %mul3A_55 : i32
        %add3A_57 = arith.constant 3 : i32
        %add3A_58 = arith.addi %mul3A_56, %add3A_57 : i32
        %get3A_59 = arith.index_cast %add3A_58 : i32 to index
        %get3A_60 = arith.constant 0 : index
        %get3A_61 = tpu.vector_load %arg6[%get3A_59, %get3A_60] {strides = array<i32>} : memref<128x128xf32, #tpu.memory_space<vmem>>, vector<1x16xf32>,
        %get3A_62 = vector.shape_cast %get3A_61 : vector<1x16xf32> to vector<16xf32>
        %max3A_63 = arith.maximumf %max3A_54, %get3A_62 : vector<16xf32>
        %mul3A_64 = arith.constant 16 : i32
        %mul3A_65 = arith.muli %scan3A_28, %mul3A_64 : i32
        %add3A_66 = arith.constant 4 : i32
        %add3A_67 = arith.addi %mul3A_65, %add3A_66 : i32
        %get3A_68 = arith.index_cast %add3A_67 : i32 to index
        %get3A_69 = arith.constant 0 : index
        %get3A_70 = tpu.vector_load %arg6[%get3A_68, %get3A_69] {strides = array<i32>} : memref<128x128xf32, #tpu.memory_space<vmem>>, vector<1x16xf32>,
        %get3A_71 = vector.shape_cast %get3A_70 : vector<1x16xf32> to vector<16xf32>
        %max3A_72 = arith.maximumf %max3A_63, %get3A_71 : vector<16xf32>
        %mul3A_73 = arith.constant 16 : i32
        %mul3A_74 = arith.muli %scan3A_28, %mul3A_73 : i32
        %add3A_75 = arith.constant 5 : i32
        %add3A_76 = arith.addi %mul3A_74, %add3A_75 : i32
        %get3A_77 = arith.index_cast %add3A_76 : i32 to index
        %get3A_78 = arith.constant 0 : index
        %get3A_79 = tpu.vector_load %arg6[%get3A_77, %get3A_78] {strides = array<i32>} : memref<128x128xf32, #tpu.memory_space<vmem>>, vector<1x16xf32>,
        %get3A_80 = vector.shape_cast %get3A_79 : vector<1x16xf32> to vector<16xf32>
        %max3A_81 = arith.maximumf %max3A_72, %get3A_80 : vector<16xf32>
        %mul3A_82 = arith.constant 16 : i32
        %mul3A_83 = arith.muli %scan3A_28, %mul3A_82 : i32
        %add3A_84 = arith.constant 6 : i32
        %add3A_85 = arith.addi %mul3A_83, %add3A_84 : i32
        %get3A_86 = arith.index_cast %add3A_85 : i32 to index
        %get3A_87 = arith.constant 0 : index
        %get3A_88 = tpu.vector_load %arg6[%get3A_86, %get3A_87] {strides = array<i32>} : memref<128x128xf32, #tpu.memory_space<vmem>>, vector<1x16xf32>,
        %get3A_89 = vector.shape_cast %get3A_88 : vector<1x16xf32> to vector<16xf32>
        %max3A_90 = arith.maximumf %max3A_81, %get3A_89 : vector<16xf32>
        %mul3A_91 = arith.constant 16 : i32
        %mul3A_92 = arith.muli %scan3A_28, %mul3A_91 : i32
        %add3A_93 = arith.constant 7 : i32
        %add3A_94 = arith.addi %mul3A_92, %add3A_93 : i32
        %get3A_95 = arith.index_cast %add3A_94 : i32 to index
        %get3A_96 = arith.constant 0 : index
        %get3A_97 = tpu.vector_load %arg6[%get3A_95, %get3A_96] {strides = array<i32>} : memref<128x128xf32, #tpu.memory_space<vmem>>, vector<1x16xf32>,
        %get3A_98 = vector.shape_cast %get3A_97 : vector<1x16xf32> to vector<16xf32>
        %max3A_99 = arith.maximumf %max3A_90, %get3A_98 : vector<16xf32>
        %mul3A_100 = arith.constant 16 : i32
        %mul3A_101 = arith.muli %scan3A_28, %mul3A_100 : i32
        %add3A_102 = arith.constant 8 : i32
        %add3A_103 = arith.addi %mul3A_101, %add3A_102 : i32
        %get3A_104 = arith.index_cast %add3A_103 : i32 to index
        %get3A_105 = arith.constant 0 : index
        %get3A_106 = tpu.vector_load %arg6[%get3A_104, %get3A_105] {strides = array<i32>} : memref<128x128xf32, #tpu.memory_space<vmem>>, vector<1x16xf32>,
        %get3A_107 = vector.shape_cast %get3A_106 : vector<1x16xf32> to vector<16xf32>
        %max3A_108 = arith.maximumf %max3A_99, %get3A_107 : vector<16xf32>
        %mul3A_109 = arith.constant 16 : i32
        %mul3A_110 = arith.muli %scan3A_28, %mul3A_109 : i32
        %add3A_111 = arith.constant 9 : i32
        %add3A_112 = arith.addi %mul3A_110, %add3A_111 : i32
        %get3A_113 = arith.index_cast %add3A_112 : i32 to index
        %get3A_114 = arith.constant 0 : index
        %get3A_115 = tpu.vector_load %arg6[%get3A_113, %get3A_114] {strides = array<i32>} : memref<128x128xf32, #tpu.memory_space<vmem>>, vector<1x16xf32>,
        %get3A_116 = vector.shape_cast %get3A_115 : vector<1x16xf32> to vector<16xf32>
        %max3A_117 = arith.maximumf %max3A_108, %get3A_116 : vector<16xf32>
        %mul3A_118 = arith.constant 16 : i32
        %mul3A_119 = arith.muli %scan3A_28, %mul3A_118 : i32
        %add3A_120 = arith.constant 10 : i32
        %add3A_121 = arith.addi %mul3A_119, %add3A_120 : i32
        %get3A_122 = arith.index_cast %add3A_121 : i32 to index
        %get3A_123 = arith.constant 0 : index
        %get3A_124 = tpu.vector_load %arg6[%get3A_122, %get3A_123] {strides = array<i32>} : memref<128x128xf32, #tpu.memory_space<vmem>>, vector<1x16xf32>,
        %get3A_125 = vector.shape_cast %get3A_124 : vector<1x16xf32> to vector<16xf32>
        %max3A_126 = arith.maximumf %max3A_117, %get3A_125 : vector<16xf32>
        %mul3A_127 = arith.constant 16 : i32
        %mul3A_128 = arith.muli %scan3A_28, %mul3A_127 : i32
        %add3A_129 = arith.constant 11 : i32
        %add3A_130 = arith.addi %mul3A_128, %add3A_129 : i32
        %get3A_131 = arith.index_cast %add3A_130 : i32 to index
        %get3A_132 = arith.constant 0 : index
        %get3A_133 = tpu.vector_load %arg6[%get3A_131, %get3A_132] {strides = array<i32>} : memref<128x128xf32, #tpu.memory_space<vmem>>, vector<1x16xf32>,
        %get3A_134 = vector.shape_cast %get3A_133 : vector<1x16xf32> to vector<16xf32>
        %max3A_135 = arith.maximumf %max3A_126, %get3A_134 : vector<16xf32>
        %mul3A_136 = arith.constant 16 : i32
        %mul3A_137 = arith.muli %scan3A_28, %mul3A_136 : i32
        %add3A_138 = arith.constant 12 : i32
        %add3A_139 = arith.addi %mul3A_137, %add3A_138 : i32
        %get3A_140 = arith.index_cast %add3A_139 : i32 to index
        %get3A_141 = arith.constant 0 : index
        %get3A_142 = tpu.vector_load %arg6[%get3A_140, %get3A_141] {strides = array<i32>} : memref<128x128xf32, #tpu.memory_space<vmem>>, vector<1x16xf32>,
        %get3A_143 = vector.shape_cast %get3A_142 : vector<1x16xf32> to vector<16xf32>
        %max3A_144 = arith.maximumf %max3A_135, %get3A_143 : vector<16xf32>
        %mul3A_145 = arith.constant 16 : i32
        %mul3A_146 = arith.muli %scan3A_28, %mul3A_145 : i32
        %add3A_147 = arith.constant 13 : i32
        %add3A_148 = arith.addi %mul3A_146, %add3A_147 : i32
        %get3A_149 = arith.index_cast %add3A_148 : i32 to index
        %get3A_150 = arith.constant 0 : index
        %get3A_151 = tpu.vector_load %arg6[%get3A_149, %get3A_150] {strides = array<i32>} : memref<128x128xf32, #tpu.memory_space<vmem>>, vector<1x16xf32>,
        %get3A_152 = vector.shape_cast %get3A_151 : vector<1x16xf32> to vector<16xf32>
        %max3A_153 = arith.maximumf %max3A_144, %get3A_152 : vector<16xf32>
        %mul3A_154 = arith.constant 16 : i32
        %mul3A_155 = arith.muli %scan3A_28, %mul3A_154 : i32
        %add3A_156 = arith.constant 14 : i32
        %add3A_157 = arith.addi %mul3A_155, %add3A_156 : i32
        %get3A_158 = arith.index_cast %add3A_157 : i32 to index
        %get3A_159 = arith.constant 0 : index
        %get3A_160 = tpu.vector_load %arg6[%get3A_158, %get3A_159] {strides = array<i32>} : memref<128x128xf32, #tpu.memory_space<vmem>>, vector<1x16xf32>,
        %get3A_161 = vector.shape_cast %get3A_160 : vector<1x16xf32> to vector<16xf32>
        %max3A_162 = arith.maximumf %max3A_153, %get3A_161 : vector<16xf32>
        %mul3A_163 = arith.constant 16 : i32
        %mul3A_164 = arith.muli %scan3A_28, %mul3A_163 : i32
        %add3A_165 = arith.constant 15 : i32
        %add3A_166 = arith.addi %mul3A_164, %add3A_165 : i32
        %get3A_167 = arith.index_cast %add3A_166 : i32 to index
        %get3A_168 = arith.constant 0 : index
        %get3A_169 = tpu.vector_load %arg6[%get3A_167, %get3A_168] {strides = array<i32>} : memref<128x128xf32, #tpu.memory_space<vmem>>, vector<1x16xf32>,
        %get3A_170 = vector.shape_cast %get3A_169 : vector<1x16xf32> to vector<16xf32>
        %max3A_171 = arith.maximumf %max3A_162, %get3A_170 : vector<16xf32>
        %swap3A = arith.index_cast %add3A_32 : i32 to index
        %swap3A_172 = arith.constant 0 : index
        %swap3A_173 = tpu.vector_load %arg7[%swap3A, %swap3A_172] {strides = array<i32>} : memref<512x128xf32, #tpu.memory_space<vmem>>, vector<1x16xf32>,
        %swap3A_174 = vector.shape_cast %swap3A_173 : vector<1x16xf32> to vector<16xf32>
        %swap3A_175 = vector.shape_cast %max3A_171 : vector<16xf32> to vector<1x16xf32>
        tpu.vector_store %arg7[%swap3A, %swap3A_172], %swap3A_175 {strides = array<i32>} : memref<512x128xf32, #tpu.memory_space<vmem>>, vector<1x16xf32>,
        %mul3A_176 = arith.constant 16 : i32
        %mul3A_177 = arith.muli %scan3A_28, %mul3A_176 : i32
        %get3A_178 = arith.index_cast %mul3A_177 : i32 to index
        %get3A_179 = arith.constant 16 : index
        %get3A_180 = tpu.vector_load %arg6[%get3A_178, %get3A_179] {strides = array<i32>} : memref<128x128xf32, #tpu.memory_space<vmem>>, vector<1x16xf32>,
        %get3A_181 = vector.shape_cast %get3A_180 : vector<1x16xf32> to vector<16xf32>
        %mul3A_182 = arith.constant 16 : i32
        %mul3A_183 = arith.muli %scan3A_28, %mul3A_182 : i32
        %add3A_184 = arith.constant 1 : i32
        %add3A_185 = arith.addi %mul3A_183, %add3A_184 : i32
        %get3A_186 = arith.index_cast %add3A_185 : i32 to index
        %get3A_187 = arith.constant 16 : index
        %get3A_188 = tpu.vector_load %arg6[%get3A_186, %get3A_187] {strides = array<i32>} : memref<128x128xf32, #tpu.memory_space<vmem>>, vector<1x16xf32>,
        %get3A_189 = vector.shape_cast %get3A_188 : vector<1x16xf32> to vector<16xf32>
        %max3A_190 = arith.maximumf %get3A_181, %get3A_189 : vector<16xf32>
        %mul3A_191 = arith.constant 16 : i32
        %mul3A_192 = arith.muli %scan3A_28, %mul3A_191 : i32
        %add3A_193 = arith.constant 2 : i32
        %add3A_194 = arith.addi %mul3A_192, %add3A_193 : i32
        %get3A_195 = arith.index_cast %add3A_194 : i32 to index
        %get3A_196 = arith.constant 16 : index
        %get3A_197 = tpu.vector_load %arg6[%get3A_195, %get3A_196] {strides = array<i32>} : memref<128x128xf32, #tpu.memory_space<vmem>>, vector<1x16xf32>,
        %get3A_198 = vector.shape_cast %get3A_197 : vector<1x16xf32> to vector<16xf32>
        %max3A_199 = arith.maximumf %max3A_190, %get3A_198 : vector<16xf32>
        %mul3A_200 = arith.constant 16 : i32
        %mul3A_201 = arith.muli %scan3A_28, %mul3A_200 : i32
        %add3A_202 = arith.constant 3 : i32
        %add3A_203 = arith.addi %mul3A_201, %add3A_202 : i32
        %get3A_204 = arith.index_cast %add3A_203 : i32 to index
        %get3A_205 = arith.constant 16 : index
        %get3A_206 = tpu.vector_load %arg6[%get3A_204, %get3A_205] {strides = array<i32>} : memref<128x128xf32, #tpu.memory_space<vmem>>, vector<1x16xf32>,
        %get3A_207 = vector.shape_cast %get3A_206 : vector<1x16xf32> to vector<16xf32>
        %max3A_208 = arith.maximumf %max3A_199, %get3A_207 : vector<16xf32>
        %mul3A_209 = arith.constant 16 : i32
        %mul3A_210 = arith.muli %scan3A_28, %mul3A_209 : i32
        %add3A_211 = arith.constant 4 : i32
        %add3A_212 = arith.addi %mul3A_210, %add3A_211 : i32
        %get3A_213 = arith.index_cast %add3A_212 : i32 to index
        %get3A_214 = arith.constant 16 : index
        %get3A_215 = tpu.vector_load %arg6[%get3A_213, %get3A_214] {strides = array<i32>} : memref<128x128xf32, #tpu.memory_space<vmem>>, vector<1x16xf32>,
        %get3A_216 = vector.shape_cast %get3A_215 : vector<1x16xf32> to vector<16xf32>
        %max3A_217 = arith.maximumf %max3A_208, %get3A_216 : vector<16xf32>
        %mul3A_218 = arith.constant 16 : i32
        %mul3A_219 = arith.muli %scan3A_28, %mul3A_218 : i32
        %add3A_220 = arith.constant 5 : i32
        %add3A_221 = arith.addi %mul3A_219, %add3A_220 : i32
        %get3A_222 = arith.index_cast %add3A_221 : i32 to index
        %get3A_223 = arith.constant 16 : index
        %get3A_224 = tpu.vector_load %arg6[%get3A_222, %get3A_223] {strides = array<i32>} : memref<128x128xf32, #tpu.memory_space<vmem>>, vector<1x16xf32>,
        %get3A_225 = vector.shape_cast %get3A_224 : vector<1x16xf32> to vector<16xf32>
        %max3A_226 = arith.maximumf %max3A_217, %get3A_225 : vector<16xf32>
        %mul3A_227 = arith.constant 16 : i32
        %mul3A_228 = arith.muli %scan3A_28, %mul3A_227 : i32
        %add3A_229 = arith.constant 6 : i32
        %add3A_230 = arith.addi %mul3A_228, %add3A_229 : i32
        %get3A_231 = arith.index_cast %add3A_230 : i32 to index
        %get3A_232 = arith.constant 16 : index
        %get3A_233 = tpu.vector_load %arg6[%get3A_231, %get3A_232] {strides = array<i32>} : memref<128x128xf32, #tpu.memory_space<vmem>>, vector<1x16xf32>,
        %get3A_234 = vector.shape_cast %get3A_233 : vector<1x16xf32> to vector<16xf32>
        %max3A_235 = arith.maximumf %max3A_226, %get3A_234 : vector<16xf32>
        %mul3A_236 = arith.constant 16 : i32
        %mul3A_237 = arith.muli %scan3A_28, %mul3A_236 : i32
        %add3A_238 = arith.constant 7 : i32
        %add3A_239 = arith.addi %mul3A_237, %add3A_238 : i32
        %get3A_240 = arith.index_cast %add3A_239 : i32 to index
        %get3A_241 = arith.constant 16 : index
        %get3A_242 = tpu.vector_load %arg6[%get3A_240, %get3A_241] {strides = array<i32>} : memref<128x128xf32, #tpu.memory_space<vmem>>, vector<1x16xf32>,
        %get3A_243 = vector.shape_cast %get3A_242 : vector<1x16xf32> to vector<16xf32>
        %max3A_244 = arith.maximumf %max3A_235, %get3A_243 : vector<16xf32>
        %mul3A_245 = arith.constant 16 : i32
        %mul3A_246 = arith.muli %scan3A_28, %mul3A_245 : i32
        %add3A_247 = arith.constant 8 : i32
        %add3A_248 = arith.addi %mul3A_246, %add3A_247 : i32
        %get3A_249 = arith.index_cast %add3A_248 : i32 to index
        %get3A_250 = arith.constant 16 : index
        %get3A_251 = tpu.vector_load %arg6[%get3A_249, %get3A_250] {strides = array<i32>} : memref<128x128xf32, #tpu.memory_space<vmem>>, vector<1x16xf32>,
        %get3A_252 = vector.shape_cast %get3A_251 : vector<1x16xf32> to vector<16xf32>
        %max3A_253 = arith.maximumf %max3A_244, %get3A_252 : vector<16xf32>
        %mul3A_254 = arith.constant 16 : i32
        %mul3A_255 = arith.muli %scan3A_28, %mul3A_254 : i32
        %add3A_256 = arith.constant 9 : i32
        %add3A_257 = arith.addi %mul3A_255, %add3A_256 : i32
        %get3A_258 = arith.index_cast %add3A_257 : i32 to index
        %get3A_259 = arith.constant 16 : index
        %get3A_260 = tpu.vector_load %arg6[%get3A_258, %get3A_259] {strides = array<i32>} : memref<128x128xf32, #tpu.memory_space<vmem>>, vector<1x16xf32>,
        %get3A_261 = vector.shape_cast %get3A_260 : vector<1x16xf32> to vector<16xf32>
        %max3A_262 = arith.maximumf %max3A_253, %get3A_261 : vector<16xf32>
        %mul3A_263 = arith.constant 16 : i32
        %mul3A_264 = arith.muli %scan3A_28, %mul3A_263 : i32
        %add3A_265 = arith.constant 10 : i32
        %add3A_266 = arith.addi %mul3A_264, %add3A_265 : i32
        %get3A_267 = arith.index_cast %add3A_266 : i32 to index
        %get3A_268 = arith.constant 16 : index
        %get3A_269 = tpu.vector_load %arg6[%get3A_267, %get3A_268] {strides = array<i32>} : memref<128x128xf32, #tpu.memory_space<vmem>>, vector<1x16xf32>,
        %get3A_270 = vector.shape_cast %get3A_269 : vector<1x16xf32> to vector<16xf32>
        %max3A_271 = arith.maximumf %max3A_262, %get3A_270 : vector<16xf32>
        %mul3A_272 = arith.constant 16 : i32
        %mul3A_273 = arith.muli %scan3A_28, %mul3A_272 : i32
        %add3A_274 = arith.constant 11 : i32
        %add3A_275 = arith.addi %mul3A_273, %add3A_274 : i32
        %get3A_276 = arith.index_cast %add3A_275 : i32 to index
        %get3A_277 = arith.constant 16 : index
        %get3A_278 = tpu.vector_load %arg6[%get3A_276, %get3A_277] {strides = array<i32>} : memref<128x128xf32, #tpu.memory_space<vmem>>, vector<1x16xf32>,
        %get3A_279 = vector.shape_cast %get3A_278 : vector<1x16xf32> to vector<16xf32>
        %max3A_280 = arith.maximumf %max3A_271, %get3A_279 : vector<16xf32>
        %mul3A_281 = arith.constant 16 : i32
        %mul3A_282 = arith.muli %scan3A_28, %mul3A_281 : i32
        %add3A_283 = arith.constant 12 : i32
        %add3A_284 = arith.addi %mul3A_282, %add3A_283 : i32
        %get3A_285 = arith.index_cast %add3A_284 : i32 to index
        %get3A_286 = arith.constant 16 : index
        %get3A_287 = tpu.vector_load %arg6[%get3A_285, %get3A_286] {strides = array<i32>} : memref<128x128xf32, #tpu.memory_space<vmem>>, vector<1x16xf32>,
        %get3A_288 = vector.shape_cast %get3A_287 : vector<1x16xf32> to vector<16xf32>
        %max3A_289 = arith.maximumf %max3A_280, %get3A_288 : vector<16xf32>
        %mul3A_290 = arith.constant 16 : i32
        %mul3A_291 = arith.muli %scan3A_28, %mul3A_290 : i32
        %add3A_292 = arith.constant 13 : i32
        %add3A_293 = arith.addi %mul3A_291, %add3A_292 : i32
        %get3A_294 = arith.index_cast %add3A_293 : i32 to index
        %get3A_295 = arith.constant 16 : index
        %get3A_296 = tpu.vector_load %arg6[%get3A_294, %get3A_295] {strides = array<i32>} : memref<128x128xf32, #tpu.memory_space<vmem>>, vector<1x16xf32>,
        %get3A_297 = vector.shape_cast %get3A_296 : vector<1x16xf32> to vector<16xf32>
        %max3A_298 = arith.maximumf %max3A_289, %get3A_297 : vector<16xf32>
        %mul3A_299 = arith.constant 16 : i32
        %mul3A_300 = arith.muli %scan3A_28, %mul3A_299 : i32
        %add3A_301 = arith.constant 14 : i32
        %add3A_302 = arith.addi %mul3A_300, %add3A_301 : i32
        %get3A_303 = arith.index_cast %add3A_302 : i32 to index
        %get3A_304 = arith.constant 16 : index
        %get3A_305 = tpu.vector_load %arg6[%get3A_303, %get3A_304] {strides = array<i32>} : memref<128x128xf32, #tpu.memory_space<vmem>>, vector<1x16xf32>,
        %get3A_306 = vector.shape_cast %get3A_305 : vector<1x16xf32> to vector<16xf32>
        %max3A_307 = arith.maximumf %max3A_298, %get3A_306 : vector<16xf32>
        %mul3A_308 = arith.constant 16 : i32
        %mul3A_309 = arith.muli %scan3A_28, %mul3A_308 : i32
        %add3A_310 = arith.constant 15 : i32
        %add3A_311 = arith.addi %mul3A_309, %add3A_310 : i32
        %get3A_312 = arith.index_cast %add3A_311 : i32 to index
        %get3A_313 = arith.constant 16 : index
        %get3A_314 = tpu.vector_load %arg6[%get3A_312, %get3A_313] {strides = array<i32>} : memref<128x128xf32, #tpu.memory_space<vmem>>, vector<1x16xf32>,
        %get3A_315 = vector.shape_cast %get3A_314 : vector<1x16xf32> to vector<16xf32>
        %max3A_316 = arith.maximumf %max3A_307, %get3A_315 : vector<16xf32>
        %swap3A_317 = arith.index_cast %add3A_32 : i32 to index
        %swap3A_318 = arith.constant 16 : index
        %swap3A_319 = tpu.vector_load %arg7[%swap3A_317, %swap3A_318] {strides = array<i32>} : memref<512x128xf32, #tpu.memory_space<vmem>>, vector<1x16xf32>,
        %swap3A_320 = vector.shape_cast %swap3A_319 : vector<1x16xf32> to vector<16xf32>
        %swap3A_321 = vector.shape_cast %max3A_316 : vector<16xf32> to vector<1x16xf32>
        tpu.vector_store %arg7[%swap3A_317, %swap3A_318], %swap3A_321 {strides = array<i32>} : memref<512x128xf32, #tpu.memory_space<vmem>>, vector<1x16xf32>,
        %mul3A_322 = arith.constant 16 : i32
        %mul3A_323 = arith.muli %scan3A_28, %mul3A_322 : i32
        %get3A_324 = arith.index_cast %mul3A_323 : i32 to index
        %get3A_325 = arith.constant 32 : index
        %get3A_326 = tpu.vector_load %arg6[%get3A_324, %get3A_325] {strides = array<i32>} : memref<128x128xf32, #tpu.memory_space<vmem>>, vector<1x16xf32>,
        %get3A_327 = vector.shape_cast %get3A_326 : vector<1x16xf32> to vector<16xf32>
        %mul3A_328 = arith.constant 16 : i32
        %mul3A_329 = arith.muli %scan3A_28, %mul3A_328 : i32
        %add3A_330 = arith.constant 1 : i32
        %add3A_331 = arith.addi %mul3A_329, %add3A_330 : i32
        %get3A_332 = arith.index_cast %add3A_331 : i32 to index
        %get3A_333 = arith.constant 32 : index
        %get3A_334 = tpu.vector_load %arg6[%get3A_332, %get3A_333] {strides = array<i32>} : memref<128x128xf32, #tpu.memory_space<vmem>>, vector<1x16xf32>,
        %get3A_335 = vector.shape_cast %get3A_334 : vector<1x16xf32> to vector<16xf32>
        %max3A_336 = arith.maximumf %get3A_327, %get3A_335 : vector<16xf32>
        %mul3A_337 = arith.constant 16 : i32
        %mul3A_338 = arith.muli %scan3A_28, %mul3A_337 : i32
        %add3A_339 = arith.constant 2 : i32
        %add3A_340 = arith.addi %mul3A_338, %add3A_339 : i32
        %get3A_341 = arith.index_cast %add3A_340 : i32 to index
        %get3A_342 = arith.constant 32 : index
        %get3A_343 = tpu.vector_load %arg6[%get3A_341, %get3A_342] {strides = array<i32>} : memref<128x128xf32, #tpu.memory_space<vmem>>, vector<1x16xf32>,
        %get3A_344 = vector.shape_cast %get3A_343 : vector<1x16xf32> to vector<16xf32>
        %max3A_345 = arith.maximumf %max3A_336, %get3A_344 : vector<16xf32>
        %mul3A_346 = arith.constant 16 : i32
        %mul3A_347 = arith.muli %scan3A_28, %mul3A_346 : i32
        %add3A_348 = arith.constant 3 : i32
        %add3A_349 = arith.addi %mul3A_347, %add3A_348 : i32
        %get3A_350 = arith.index_cast %add3A_349 : i32 to index
        %get3A_351 = arith.constant 32 : index
        %get3A_352 = tpu.vector_load %arg6[%get3A_350, %get3A_351] {strides = array<i32>} : memref<128x128xf32, #tpu.memory_space<vmem>>, vector<1x16xf32>,
        %get3A_353 = vector.shape_cast %get3A_352 : vector<1x16xf32> to vector<16xf32>
        %max3A_354 = arith.maximumf %max3A_345, %get3A_353 : vector<16xf32>
        %mul3A_355 = arith.constant 16 : i32
        %mul3A_356 = arith.muli %scan3A_28, %mul3A_355 : i32
        %add3A_357 = arith.constant 4 : i32
        %add3A_358 = arith.addi %mul3A_356, %add3A_357 : i32
        %get3A_359 = arith.index_cast %add3A_358 : i32 to index
        %get3A_360 = arith.constant 32 : index
        %get3A_361 = tpu.vector_load %arg6[%get3A_359, %get3A_360] {strides = array<i32>} : memref<128x128xf32, #tpu.memory_space<vmem>>, vector<1x16xf32>,
        %get3A_362 = vector.shape_cast %get3A_361 : vector<1x16xf32> to vector<16xf32>
        %max3A_363 = arith.maximumf %max3A_354, %get3A_362 : vector<16xf32>
        %mul3A_364 = arith.constant 16 : i32
        %mul3A_365 = arith.muli %scan3A_28, %mul3A_364 : i32
        %add3A_366 = arith.constant 5 : i32
        %add3A_367 = arith.addi %mul3A_365, %add3A_366 : i32
        %get3A_368 = arith.index_cast %add3A_367 : i32 to index
        %get3A_369 = arith.constant 32 : index
        %get3A_370 = tpu.vector_load %arg6[%get3A_368, %get3A_369] {strides = array<i32>} : memref<128x128xf32, #tpu.memory_space<vmem>>, vector<1x16xf32>,
        %get3A_371 = vector.shape_cast %get3A_370 : vector<1x16xf32> to vector<16xf32>
        %max3A_372 = arith.maximumf %max3A_363, %get3A_371 : vector<16xf32>
        %mul3A_373 = arith.constant 16 : i32
        %mul3A_374 = arith.muli %scan3A_28, %mul3A_373 : i32
        %add3A_375 = arith.constant 6 : i32
        %add3A_376 = arith.addi %mul3A_374, %add3A_375 : i32
        %get3A_377 = arith.index_cast %add3A_376 : i32 to index
        %get3A_378 = arith.constant 32 : index
        %get3A_379 = tpu.vector_load %arg6[%get3A_377, %get3A_378] {strides = array<i32>} : memref<128x128xf32, #tpu.memory_space<vmem>>, vector<1x16xf32>,
        %get3A_380 = vector.shape_cast %get3A_379 : vector<1x16xf32> to vector<16xf32>
        %max3A_381 = arith.maximumf %max3A_372, %get3A_380 : vector<16xf32>
        %mul3A_382 = arith.constant 16 : i32
        %mul3A_383 = arith.muli %scan3A_28, %mul3A_382 : i32
        %add3A_384 = arith.constant 7 : i32
        %add3A_385 = arith.addi %mul3A_383, %add3A_384 : i32
        %get3A_386 = arith.index_cast %add3A_385 : i32 to index
        %get3A_387 = arith.constant 32 : index
        %get3A_388 = tpu.vector_load %arg6[%get3A_386, %get3A_387] {strides = array<i32>} : memref<128x128xf32, #tpu.memory_space<vmem>>, vector<1x16xf32>,
        %get3A_389 = vector.shape_cast %get3A_388 : vector<1x16xf32> to vector<16xf32>
        %max3A_390 = arith.maximumf %max3A_381, %get3A_389 : vector<16xf32>
        %mul3A_391 = arith.constant 16 : i32
        %mul3A_392 = arith.muli %scan3A_28, %mul3A_391 : i32
        %add3A_393 = arith.constant 8 : i32
        %add3A_394 = arith.addi %mul3A_392, %add3A_393 : i32
        %get3A_395 = arith.index_cast %add3A_394 : i32 to index
        %get3A_396 = arith.constant 32 : index
        %get3A_397 = tpu.vector_load %arg6[%get3A_395, %get3A_396] {strides = array<i32>} : memref<128x128xf32, #tpu.memory_space<vmem>>, vector<1x16xf32>,
        %get3A_398 = vector.shape_cast %get3A_397 : vector<1x16xf32> to vector<16xf32>
        %max3A_399 = arith.maximumf %max3A_390, %get3A_398 : vector<16xf32>
        %mul3A_400 = arith.constant 16 : i32
        %mul3A_401 = arith.muli %scan3A_28, %mul3A_400 : i32
        %add3A_402 = arith.constant 9 : i32
        %add3A_403 = arith.addi %mul3A_401, %add3A_402 : i32
        %get3A_404 = arith.index_cast %add3A_403 : i32 to index
        %get3A_405 = arith.constant 32 : index
        %get3A_406 = tpu.vector_load %arg6[%get3A_404, %get3A_405] {strides = array<i32>} : memref<128x128xf32, #tpu.memory_space<vmem>>, vector<1x16xf32>,
        %get3A_407 = vector.shape_cast %get3A_406 : vector<1x16xf32> to vector<16xf32>
        %max3A_408 = arith.maximumf %max3A_399, %get3A_407 : vector<16xf32>
        %mul3A_409 = arith.constant 16 : i32
        %mul3A_410 = arith.muli %scan3A_28, %mul3A_409 : i32
        %add3A_411 = arith.constant 10 : i32
        %add3A_412 = arith.addi %mul3A_410, %add3A_411 : i32
        %get3A_413 = arith.index_cast %add3A_412 : i32 to index
        %get3A_414 = arith.constant 32 : index
        %get3A_415 = tpu.vector_load %arg6[%get3A_413, %get3A_414] {strides = array<i32>} : memref<128x128xf32, #tpu.memory_space<vmem>>, vector<1x16xf32>,
        %get3A_416 = vector.shape_cast %get3A_415 : vector<1x16xf32> to vector<16xf32>
        %max3A_417 = arith.maximumf %max3A_408, %get3A_416 : vector<16xf32>
        %mul3A_418 = arith.constant 16 : i32
        %mul3A_419 = arith.muli %scan3A_28, %mul3A_418 : i32
        %add3A_420 = arith.constant 11 : i32
        %add3A_421 = arith.addi %mul3A_419, %add3A_420 : i32
        %get3A_422 = arith.index_cast %add3A_421 : i32 to index
        %get3A_423 = arith.constant 32 : index
        %get3A_424 = tpu.vector_load %arg6[%get3A_422, %get3A_423] {strides = array<i32>} : memref<128x128xf32, #tpu.memory_space<vmem>>, vector<1x16xf32>,
        %get3A_425 = vector.shape_cast %get3A_424 : vector<1x16xf32> to vector<16xf32>
        %max3A_426 = arith.maximumf %max3A_417, %get3A_425 : vector<16xf32>
        %mul3A_427 = arith.constant 16 : i32
        %mul3A_428 = arith.muli %scan3A_28, %mul3A_427 : i32
        %add3A_429 = arith.constant 12 : i32
        %add3A_430 = arith.addi %mul3A_428, %add3A_429 : i32
        %get3A_431 = arith.index_cast %add3A_430 : i32 to index
        %get3A_432 = arith.constant 32 : index
        %get3A_433 = tpu.vector_load %arg6[%get3A_431, %get3A_432] {strides = array<i32>} : memref<128x128xf32, #tpu.memory_space<vmem>>, vector<1x16xf32>,
        %get3A_434 = vector.shape_cast %get3A_433 : vector<1x16xf32> to vector<16xf32>
        %max3A_435 = arith.maximumf %max3A_426, %get3A_434 : vector<16xf32>
        %mul3A_436 = arith.constant 16 : i32
        %mul3A_437 = arith.muli %scan3A_28, %mul3A_436 : i32
        %add3A_438 = arith.constant 13 : i32
        %add3A_439 = arith.addi %mul3A_437, %add3A_438 : i32
        %get3A_440 = arith.index_cast %add3A_439 : i32 to index
        %get3A_441 = arith.constant 32 : index
        %get3A_442 = tpu.vector_load %arg6[%get3A_440, %get3A_441] {strides = array<i32>} : memref<128x128xf32, #tpu.memory_space<vmem>>, vector<1x16xf32>,
        %get3A_443 = vector.shape_cast %get3A_442 : vector<1x16xf32> to vector<16xf32>
        %max3A_444 = arith.maximumf %max3A_435, %get3A_443 : vector<16xf32>
        %mul3A_445 = arith.constant 16 : i32
        %mul3A_446 = arith.muli %scan3A_28, %mul3A_445 : i32
        %add3A_447 = arith.constant 14 : i32
        %add3A_448 = arith.addi %mul3A_446, %add3A_447 : i32
        %get3A_449 = arith.index_cast %add3A_448 : i32 to index
        %get3A_450 = arith.constant 32 : index
        %get3A_451 = tpu.vector_load %arg6[%get3A_449, %get3A_450] {strides = array<i32>} : memref<128x128xf32, #tpu.memory_space<vmem>>, vector<1x16xf32>,
        %get3A_452 = vector.shape_cast %get3A_451 : vector<1x16xf32> to vector<16xf32>
        %max3A_453 = arith.maximumf %max3A_444, %get3A_452 : vector<16xf32>
        %mul3A_454 = arith.constant 16 : i32
        %mul3A_455 = arith.muli %scan3A_28, %mul3A_454 : i32
        %add3A_456 = arith.constant 15 : i32
        %add3A_457 = arith.addi %mul3A_455, %add3A_456 : i32
        %get3A_458 = arith.index_cast %add3A_457 : i32 to index
        %get3A_459 = arith.constant 32 : index
        %get3A_460 = tpu.vector_load %arg6[%get3A_458, %get3A_459] {strides = array<i32>} : memref<128x128xf32, #tpu.memory_space<vmem>>, vector<1x16xf32>,
        %get3A_461 = vector.shape_cast %get3A_460 : vector<1x16xf32> to vector<16xf32>
        %max3A_462 = arith.maximumf %max3A_453, %get3A_461 : vector<16xf32>
        %swap3A_463 = arith.index_cast %add3A_32 : i32 to index
        %swap3A_464 = arith.constant 32 : index
        %swap3A_465 = tpu.vector_load %arg7[%swap3A_463, %swap3A_464] {strides = array<i32>} : memref<512x128xf32, #tpu.memory_space<vmem>>, vector<1x16xf32>,
        %swap3A_466 = vector.shape_cast %swap3A_465 : vector<1x16xf32> to vector<16xf32>
        %swap3A_467 = vector.shape_cast %max3A_462 : vector<16xf32> to vector<1x16xf32>
        tpu.vector_store %arg7[%swap3A_463, %swap3A_464], %swap3A_467 {strides = array<i32>} : memref<512x128xf32, #tpu.memory_space<vmem>>, vector<1x16xf32>,
        %mul3A_468 = arith.constant 16 : i32
        %mul3A_469 = arith.muli %scan3A_28, %mul3A_468 : i32
        %get3A_470 = arith.index_cast %mul3A_469 : i32 to index
        %get3A_471 = arith.constant 48 : index
        %get3A_472 = tpu.vector_load %arg6[%get3A_470, %get3A_471] {strides = array<i32>} : memref<128x128xf32, #tpu.memory_space<vmem>>, vector<1x16xf32>,
        %get3A_473 = vector.shape_cast %get3A_472 : vector<1x16xf32> to vector<16xf32>
        %mul3A_474 = arith.constant 16 : i32
        %mul3A_475 = arith.muli %scan3A_28, %mul3A_474 : i32
        %add3A_476 = arith.constant 1 : i32
        %add3A_477 = arith.addi %mul3A_475, %add3A_476 : i32
        %get3A_478 = arith.index_cast %add3A_477 : i32 to index
        %get3A_479 = arith.constant 48 : index
        %get3A_480 = tpu.vector_load %arg6[%get3A_478, %get3A_479] {strides = array<i32>} : memref<128x128xf32, #tpu.memory_space<vmem>>, vector<1x16xf32>,
        %get3A_481 = vector.shape_cast %get3A_480 : vector<1x16xf32> to vector<16xf32>
        %max3A_482 = arith.maximumf %get3A_473, %get3A_481 : vector<16xf32>
        %mul3A_483 = arith.constant 16 : i32
        %mul3A_484 = arith.muli %scan3A_28, %mul3A_483 : i32
        %add3A_485 = arith.constant 2 : i32
        %add3A_486 = arith.addi %mul3A_484, %add3A_485 : i32
        %get3A_487 = arith.index_cast %add3A_486 : i32 to index
        %get3A_488 = arith.constant 48 : index
        %get3A_489 = tpu.vector_load %arg6[%get3A_487, %get3A_488] {strides = array<i32>} : memref<128x128xf32, #tpu.memory_space<vmem>>, vector<1x16xf32>,
        %get3A_490 = vector.shape_cast %get3A_489 : vector<1x16xf32> to vector<16xf32>
        %max3A_491 = arith.maximumf %max3A_482, %get3A_490 : vector<16xf32>
        %mul3A_492 = arith.constant 16 : i32
        %mul3A_493 = arith.muli %scan3A_28, %mul3A_492 : i32
        %add3A_494 = arith.constant 3 : i32
        %add3A_495 = arith.addi %mul3A_493, %add3A_494 : i32
        %get3A_496 = arith.index_cast %add3A_495 : i32 to index
        %get3A_497 = arith.constant 48 : index
        %get3A_498 = tpu.vector_load %arg6[%get3A_496, %get3A_497] {strides = array<i32>} : memref<128x128xf32, #tpu.memory_space<vmem>>, vector<1x16xf32>,
        %get3A_499 = vector.shape_cast %get3A_498 : vector<1x16xf32> to vector<16xf32>
        %max3A_500 = arith.maximumf %max3A_491, %get3A_499 : vector<16xf32>
        %mul3A_501 = arith.constant 16 : i32
        %mul3A_502 = arith.muli %scan3A_28, %mul3A_501 : i32
        %add3A_503 = arith.constant 4 : i32
        %add3A_504 = arith.addi %mul3A_502, %add3A_503 : i32
        %get3A_505 = arith.index_cast %add3A_504 : i32 to index
        %get3A_506 = arith.constant 48 : index
        %get3A_507 = tpu.vector_load %arg6[%get3A_505, %get3A_506] {strides = array<i32>} : memref<128x128xf32, #tpu.memory_space<vmem>>, vector<1x16xf32>,
        %get3A_508 = vector.shape_cast %get3A_507 : vector<1x16xf32> to vector<16xf32>
        %max3A_509 = arith.maximumf %max3A_500, %get3A_508 : vector<16xf32>
        %mul3A_510 = arith.constant 16 : i32
        %mul3A_511 = arith.muli %scan3A_28, %mul3A_510 : i32
        %add3A_512 = arith.constant 5 : i32
        %add3A_513 = arith.addi %mul3A_511, %add3A_512 : i32
        %get3A_514 = arith.index_cast %add3A_513 : i32 to index
        %get3A_515 = arith.constant 48 : index
        %get3A_516 = tpu.vector_load %arg6[%get3A_514, %get3A_515] {strides = array<i32>} : memref<128x128xf32, #tpu.memory_space<vmem>>, vector<1x16xf32>,
        %get3A_517 = vector.shape_cast %get3A_516 : vector<1x16xf32> to vector<16xf32>
        %max3A_518 = arith.maximumf %max3A_509, %get3A_517 : vector<16xf32>
        %mul3A_519 = arith.constant 16 : i32
        %mul3A_520 = arith.muli %scan3A_28, %mul3A_519 : i32
        %add3A_521 = arith.constant 6 : i32
        %add3A_522 = arith.addi %mul3A_520, %add3A_521 : i32
        %get3A_523 = arith.index_cast %add3A_522 : i32 to index
        %get3A_524 = arith.constant 48 : index
        %get3A_525 = tpu.vector_load %arg6[%get3A_523, %get3A_524] {strides = array<i32>} : memref<128x128xf32, #tpu.memory_space<vmem>>, vector<1x16xf32>,
        %get3A_526 = vector.shape_cast %get3A_525 : vector<1x16xf32> to vector<16xf32>
        %max3A_527 = arith.maximumf %max3A_518, %get3A_526 : vector<16xf32>
        %mul3A_528 = arith.constant 16 : i32
        %mul3A_529 = arith.muli %scan3A_28, %mul3A_528 : i32
        %add3A_530 = arith.constant 7 : i32
        %add3A_531 = arith.addi %mul3A_529, %add3A_530 : i32
        %get3A_532 = arith.index_cast %add3A_531 : i32 to index
        %get3A_533 = arith.constant 48 : index
        %get3A_534 = tpu.vector_load %arg6[%get3A_532, %get3A_533] {strides = array<i32>} : memref<128x128xf32, #tpu.memory_space<vmem>>, vector<1x16xf32>,
        %get3A_535 = vector.shape_cast %get3A_534 : vector<1x16xf32> to vector<16xf32>
        %max3A_536 = arith.maximumf %max3A_527, %get3A_535 : vector<16xf32>
        %mul3A_537 = arith.constant 16 : i32
        %mul3A_538 = arith.muli %scan3A_28, %mul3A_537 : i32
        %add3A_539 = arith.constant 8 : i32
        %add3A_540 = arith.addi %mul3A_538, %add3A_539 : i32
        %get3A_541 = arith.index_cast %add3A_540 : i32 to index
        %get3A_542 = arith.constant 48 : index
        %get3A_543 = tpu.vector_load %arg6[%get3A_541, %get3A_542] {strides = array<i32>} : memref<128x128xf32, #tpu.memory_space<vmem>>, vector<1x16xf32>,
        %get3A_544 = vector.shape_cast %get3A_543 : vector<1x16xf32> to vector<16xf32>
        %max3A_545 = arith.maximumf %max3A_536, %get3A_544 : vector<16xf32>
        %mul3A_546 = arith.constant 16 : i32
        %mul3A_547 = arith.muli %scan3A_28, %mul3A_546 : i32
        %add3A_548 = arith.constant 9 : i32
        %add3A_549 = arith.addi %mul3A_547, %add3A_548 : i32
        %get3A_550 = arith.index_cast %add3A_549 : i32 to index
        %get3A_551 = arith.constant 48 : index
        %get3A_552 = tpu.vector_load %arg6[%get3A_550, %get3A_551] {strides = array<i32>} : memref<128x128xf32, #tpu.memory_space<vmem>>, vector<1x16xf32>,
        %get3A_553 = vector.shape_cast %get3A_552 : vector<1x16xf32> to vector<16xf32>
        %max3A_554 = arith.maximumf %max3A_545, %get3A_553 : vector<16xf32>
        %mul3A_555 = arith.constant 16 : i32
        %mul3A_556 = arith.muli %scan3A_28, %mul3A_555 : i32
        %add3A_557 = arith.constant 10 : i32
        %add3A_558 = arith.addi %mul3A_556, %add3A_557 : i32
        %get3A_559 = arith.index_cast %add3A_558 : i32 to index
        %get3A_560 = arith.constant 48 : index
        %get3A_561 = tpu.vector_load %arg6[%get3A_559, %get3A_560] {strides = array<i32>} : memref<128x128xf32, #tpu.memory_space<vmem>>, vector<1x16xf32>,
        %get3A_562 = vector.shape_cast %get3A_561 : vector<1x16xf32> to vector<16xf32>
        %max3A_563 = arith.maximumf %max3A_554, %get3A_562 : vector<16xf32>
        %mul3A_564 = arith.constant 16 : i32
        %mul3A_565 = arith.muli %scan3A_28, %mul3A_564 : i32
        %add3A_566 = arith.constant 11 : i32
        %add3A_567 = arith.addi %mul3A_565, %add3A_566 : i32
        %get3A_568 = arith.index_cast %add3A_567 : i32 to index
        %get3A_569 = arith.constant 48 : index
        %get3A_570 = tpu.vector_load %arg6[%get3A_568, %get3A_569] {strides = array<i32>} : memref<128x128xf32, #tpu.memory_space<vmem>>, vector<1x16xf32>,
        %get3A_571 = vector.shape_cast %get3A_570 : vector<1x16xf32> to vector<16xf32>
        %max3A_572 = arith.maximumf %max3A_563, %get3A_571 : vector<16xf32>
        %mul3A_573 = arith.constant 16 : i32
        %mul3A_574 = arith.muli %scan3A_28, %mul3A_573 : i32
        %add3A_575 = arith.constant 12 : i32
        %add3A_576 = arith.addi %mul3A_574, %add3A_575 : i32
        %get3A_577 = arith.index_cast %add3A_576 : i32 to index
        %get3A_578 = arith.constant 48 : index
        %get3A_579 = tpu.vector_load %arg6[%get3A_577, %get3A_578] {strides = array<i32>} : memref<128x128xf32, #tpu.memory_space<vmem>>, vector<1x16xf32>,
        %get3A_580 = vector.shape_cast %get3A_579 : vector<1x16xf32> to vector<16xf32>
        %max3A_581 = arith.maximumf %max3A_572, %get3A_580 : vector<16xf32>
        %mul3A_582 = arith.constant 16 : i32
        %mul3A_583 = arith.muli %scan3A_28, %mul3A_582 : i32
        %add3A_584 = arith.constant 13 : i32
        %add3A_585 = arith.addi %mul3A_583, %add3A_584 : i32
        %get3A_586 = arith.index_cast %add3A_585 : i32 to index
        %get3A_587 = arith.constant 48 : index
        %get3A_588 = tpu.vector_load %arg6[%get3A_586, %get3A_587] {strides = array<i32>} : memref<128x128xf32, #tpu.memory_space<vmem>>, vector<1x16xf32>,
        %get3A_589 = vector.shape_cast %get3A_588 : vector<1x16xf32> to vector<16xf32>
        %max3A_590 = arith.maximumf %max3A_581, %get3A_589 : vector<16xf32>
        %mul3A_591 = arith.constant 16 : i32
        %mul3A_592 = arith.muli %scan3A_28, %mul3A_591 : i32
        %add3A_593 = arith.constant 14 : i32
        %add3A_594 = arith.addi %mul3A_592, %add3A_593 : i32
        %get3A_595 = arith.index_cast %add3A_594 : i32 to index
        %get3A_596 = arith.constant 48 : index
        %get3A_597 = tpu.vector_load %arg6[%get3A_595, %get3A_596] {strides = array<i32>} : memref<128x128xf32, #tpu.memory_space<vmem>>, vector<1x16xf32>,
        %get3A_598 = vector.shape_cast %get3A_597 : vector<1x16xf32> to vector<16xf32>
        %max3A_599 = arith.maximumf %max3A_590, %get3A_598 : vector<16xf32>
        %mul3A_600 = arith.constant 16 : i32
        %mul3A_601 = arith.muli %scan3A_28, %mul3A_600 : i32
        %add3A_602 = arith.constant 15 : i32
        %add3A_603 = arith.addi %mul3A_601, %add3A_602 : i32
        %get3A_604 = arith.index_cast %add3A_603 : i32 to index
        %get3A_605 = arith.constant 48 : index
        %get3A_606 = tpu.vector_load %arg6[%get3A_604, %get3A_605] {strides = array<i32>} : memref<128x128xf32, #tpu.memory_space<vmem>>, vector<1x16xf32>,
        %get3A_607 = vector.shape_cast %get3A_606 : vector<1x16xf32> to vector<16xf32>
        %max3A_608 = arith.maximumf %max3A_599, %get3A_607 : vector<16xf32>
        %swap3A_609 = arith.index_cast %add3A_32 : i32 to index
        %swap3A_610 = arith.constant 48 : index
        %swap3A_611 = tpu.vector_load %arg7[%swap3A_609, %swap3A_610] {strides = array<i32>} : memref<512x128xf32, #tpu.memory_space<vmem>>, vector<1x16xf32>,
        %swap3A_612 = vector.shape_cast %swap3A_611 : vector<1x16xf32> to vector<16xf32>
        %swap3A_613 = vector.shape_cast %max3A_608 : vector<16xf32> to vector<1x16xf32>
        tpu.vector_store %arg7[%swap3A_609, %swap3A_610], %swap3A_613 {strides = array<i32>} : memref<512x128xf32, #tpu.memory_space<vmem>>, vector<1x16xf32>,
        %mul3A_614 = arith.constant 16 : i32
        %mul3A_615 = arith.muli %scan3A_28, %mul3A_614 : i32
        %get3A_616 = arith.index_cast %mul3A_615 : i32 to index
        %get3A_617 = arith.constant 64 : index
        %get3A_618 = tpu.vector_load %arg6[%get3A_616, %get3A_617] {strides = array<i32>} : memref<128x128xf32, #tpu.memory_space<vmem>>, vector<1x16xf32>,
        %get3A_619 = vector.shape_cast %get3A_618 : vector<1x16xf32> to vector<16xf32>
        %mul3A_620 = arith.constant 16 : i32
        %mul3A_621 = arith.muli %scan3A_28, %mul3A_620 : i32
        %add3A_622 = arith.constant 1 : i32
        %add3A_623 = arith.addi %mul3A_621, %add3A_622 : i32
        %get3A_624 = arith.index_cast %add3A_623 : i32 to index
        %get3A_625 = arith.constant 64 : index
        %get3A_626 = tpu.vector_load %arg6[%get3A_624, %get3A_625] {strides = array<i32>} : memref<128x128xf32, #tpu.memory_space<vmem>>, vector<1x16xf32>,
        %get3A_627 = vector.shape_cast %get3A_626 : vector<1x16xf32> to vector<16xf32>
        %max3A_628 = arith.maximumf %get3A_619, %get3A_627 : vector<16xf32>
        %mul3A_629 = arith.constant 16 : i32
        %mul3A_630 = arith.muli %scan3A_28, %mul3A_629 : i32
        %add3A_631 = arith.constant 2 : i32
        %add3A_632 = arith.addi %mul3A_630, %add3A_631 : i32
        %get3A_633 = arith.index_cast %add3A_632 : i32 to index
        %get3A_634 = arith.constant 64 : index
        %get3A_635 = tpu.vector_load %arg6[%get3A_633, %get3A_634] {strides = array<i32>} : memref<128x128xf32, #tpu.memory_space<vmem>>, vector<1x16xf32>,
        %get3A_636 = vector.shape_cast %get3A_635 : vector<1x16xf32> to vector<16xf32>
        %max3A_637 = arith.maximumf %max3A_628, %get3A_636 : vector<16xf32>
        %mul3A_638 = arith.constant 16 : i32
        %mul3A_639 = arith.muli %scan3A_28, %mul3A_638 : i32
        %add3A_640 = arith.constant 3 : i32
        %add3A_641 = arith.addi %mul3A_639, %add3A_640 : i32
        %get3A_642 = arith.index_cast %add3A_641 : i32 to index
        %get3A_643 = arith.constant 64 : index
        %get3A_644 = tpu.vector_load %arg6[%get3A_642, %get3A_643] {strides = array<i32>} : memref<128x128xf32, #tpu.memory_space<vmem>>, vector<1x16xf32>,
        %get3A_645 = vector.shape_cast %get3A_644 : vector<1x16xf32> to vector<16xf32>
        %max3A_646 = arith.maximumf %max3A_637, %get3A_645 : vector<16xf32>
        %mul3A_647 = arith.constant 16 : i32
        %mul3A_648 = arith.muli %scan3A_28, %mul3A_647 : i32
        %add3A_649 = arith.constant 4 : i32
        %add3A_650 = arith.addi %mul3A_648, %add3A_649 : i32
        %get3A_651 = arith.index_cast %add3A_650 : i32 to index
        %get3A_652 = arith.constant 64 : index
        %get3A_653 = tpu.vector_load %arg6[%get3A_651, %get3A_652] {strides = array<i32>} : memref<128x128xf32, #tpu.memory_space<vmem>>, vector<1x16xf32>,
        %get3A_654 = vector.shape_cast %get3A_653 : vector<1x16xf32> to vector<16xf32>
        %max3A_655 = arith.maximumf %max3A_646, %get3A_654 : vector<16xf32>
        %mul3A_656 = arith.constant 16 : i32
        %mul3A_657 = arith.muli %scan3A_28, %mul3A_656 : i32
        %add3A_658 = arith.constant 5 : i32
        %add3A_659 = arith.addi %mul3A_657, %add3A_658 : i32
        %get3A_660 = arith.index_cast %add3A_659 : i32 to index
        %get3A_661 = arith.constant 64 : index
        %get3A_662 = tpu.vector_load %arg6[%get3A_660, %get3A_661] {strides = array<i32>} : memref<128x128xf32, #tpu.memory_space<vmem>>, vector<1x16xf32>,
        %get3A_663 = vector.shape_cast %get3A_662 : vector<1x16xf32> to vector<16xf32>
        %max3A_664 = arith.maximumf %max3A_655, %get3A_663 : vector<16xf32>
        %mul3A_665 = arith.constant 16 : i32
        %mul3A_666 = arith.muli %scan3A_28, %mul3A_665 : i32
        %add3A_667 = arith.constant 6 : i32
        %add3A_668 = arith.addi %mul3A_666, %add3A_667 : i32
        %get3A_669 = arith.index_cast %add3A_668 : i32 to index
        %get3A_670 = arith.constant 64 : index
        %get3A_671 = tpu.vector_load %arg6[%get3A_669, %get3A_670] {strides = array<i32>} : memref<128x128xf32, #tpu.memory_space<vmem>>, vector<1x16xf32>,
        %get3A_672 = vector.shape_cast %get3A_671 : vector<1x16xf32> to vector<16xf32>
        %max3A_673 = arith.maximumf %max3A_664, %get3A_672 : vector<16xf32>
        %mul3A_674 = arith.constant 16 : i32
        %mul3A_675 = arith.muli %scan3A_28, %mul3A_674 : i32
        %add3A_676 = arith.constant 7 : i32
        %add3A_677 = arith.addi %mul3A_675, %add3A_676 : i32
        %get3A_678 = arith.index_cast %add3A_677 : i32 to index
        %get3A_679 = arith.constant 64 : index
        %get3A_680 = tpu.vector_load %arg6[%get3A_678, %get3A_679] {strides = array<i32>} : memref<128x128xf32, #tpu.memory_space<vmem>>, vector<1x16xf32>,
        %get3A_681 = vector.shape_cast %get3A_680 : vector<1x16xf32> to vector<16xf32>
        %max3A_682 = arith.maximumf %max3A_673, %get3A_681 : vector<16xf32>
        %mul3A_683 = arith.constant 16 : i32
        %mul3A_684 = arith.muli %scan3A_28, %mul3A_683 : i32
        %add3A_685 = arith.constant 8 : i32
        %add3A_686 = arith.addi %mul3A_684, %add3A_685 : i32
        %get3A_687 = arith.index_cast %add3A_686 : i32 to index
        %get3A_688 = arith.constant 64 : index
        %get3A_689 = tpu.vector_load %arg6[%get3A_687, %get3A_688] {strides = array<i32>} : memref<128x128xf32, #tpu.memory_space<vmem>>, vector<1x16xf32>,
        %get3A_690 = vector.shape_cast %get3A_689 : vector<1x16xf32> to vector<16xf32>
        %max3A_691 = arith.maximumf %max3A_682, %get3A_690 : vector<16xf32>
        %mul3A_692 = arith.constant 16 : i32
        %mul3A_693 = arith.muli %scan3A_28, %mul3A_692 : i32
        %add3A_694 = arith.constant 9 : i32
        %add3A_695 = arith.addi %mul3A_693, %add3A_694 : i32
        %get3A_696 = arith.index_cast %add3A_695 : i32 to index
        %get3A_697 = arith.constant 64 : index
        %get3A_698 = tpu.vector_load %arg6[%get3A_696, %get3A_697] {strides = array<i32>} : memref<128x128xf32, #tpu.memory_space<vmem>>, vector<1x16xf32>,
        %get3A_699 = vector.shape_cast %get3A_698 : vector<1x16xf32> to vector<16xf32>
        %max3A_700 = arith.maximumf %max3A_691, %get3A_699 : vector<16xf32>
        %mul3A_701 = arith.constant 16 : i32
        %mul3A_702 = arith.muli %scan3A_28, %mul3A_701 : i32
        %add3A_703 = arith.constant 10 : i32
        %add3A_704 = arith.addi %mul3A_702, %add3A_703 : i32
        %get3A_705 = arith.index_cast %add3A_704 : i32 to index
        %get3A_706 = arith.constant 64 : index
        %get3A_707 = tpu.vector_load %arg6[%get3A_705, %get3A_706] {strides = array<i32>} : memref<128x128xf32, #tpu.memory_space<vmem>>, vector<1x16xf32>,
        %get3A_708 = vector.shape_cast %get3A_707 : vector<1x16xf32> to vector<16xf32>
        %max3A_709 = arith.maximumf %max3A_700, %get3A_708 : vector<16xf32>
        %mul3A_710 = arith.constant 16 : i32
        %mul3A_711 = arith.muli %scan3A_28, %mul3A_710 : i32
        %add3A_712 = arith.constant 11 : i32
        %add3A_713 = arith.addi %mul3A_711, %add3A_712 : i32
        %get3A_714 = arith.index_cast %add3A_713 : i32 to index
        %get3A_715 = arith.constant 64 : index
        %get3A_716 = tpu.vector_load %arg6[%get3A_714, %get3A_715] {strides = array<i32>} : memref<128x128xf32, #tpu.memory_space<vmem>>, vector<1x16xf32>,
        %get3A_717 = vector.shape_cast %get3A_716 : vector<1x16xf32> to vector<16xf32>
        %max3A_718 = arith.maximumf %max3A_709, %get3A_717 : vector<16xf32>
        %mul3A_719 = arith.constant 16 : i32
        %mul3A_720 = arith.muli %scan3A_28, %mul3A_719 : i32
        %add3A_721 = arith.constant 12 : i32
        %add3A_722 = arith.addi %mul3A_720, %add3A_721 : i32
        %get3A_723 = arith.index_cast %add3A_722 : i32 to index
        %get3A_724 = arith.constant 64 : index
        %get3A_725 = tpu.vector_load %arg6[%get3A_723, %get3A_724] {strides = array<i32>} : memref<128x128xf32, #tpu.memory_space<vmem>>, vector<1x16xf32>,
        %get3A_726 = vector.shape_cast %get3A_725 : vector<1x16xf32> to vector<16xf32>
        %max3A_727 = arith.maximumf %max3A_718, %get3A_726 : vector<16xf32>
        %mul3A_728 = arith.constant 16 : i32
        %mul3A_729 = arith.muli %scan3A_28, %mul3A_728 : i32
        %add3A_730 = arith.constant 13 : i32
        %add3A_731 = arith.addi %mul3A_729, %add3A_730 : i32
        %get3A_732 = arith.index_cast %add3A_731 : i32 to index
        %get3A_733 = arith.constant 64 : index
        %get3A_734 = tpu.vector_load %arg6[%get3A_732, %get3A_733] {strides = array<i32>} : memref<128x128xf32, #tpu.memory_space<vmem>>, vector<1x16xf32>,
        %get3A_735 = vector.shape_cast %get3A_734 : vector<1x16xf32> to vector<16xf32>
        %max3A_736 = arith.maximumf %max3A_727, %get3A_735 : vector<16xf32>
        %mul3A_737 = arith.constant 16 : i32
        %mul3A_738 = arith.muli %scan3A_28, %mul3A_737 : i32
        %add3A_739 = arith.constant 14 : i32
        %add3A_740 = arith.addi %mul3A_738, %add3A_739 : i32
        %get3A_741 = arith.index_cast %add3A_740 : i32 to index
        %get3A_742 = arith.constant 64 : index
        %get3A_743 = tpu.vector_load %arg6[%get3A_741, %get3A_742] {strides = array<i32>} : memref<128x128xf32, #tpu.memory_space<vmem>>, vector<1x16xf32>,
        %get3A_744 = vector.shape_cast %get3A_743 : vector<1x16xf32> to vector<16xf32>
        %max3A_745 = arith.maximumf %max3A_736, %get3A_744 : vector<16xf32>
        %mul3A_746 = arith.constant 16 : i32
        %mul3A_747 = arith.muli %scan3A_28, %mul3A_746 : i32
        %add3A_748 = arith.constant 15 : i32
        %add3A_749 = arith.addi %mul3A_747, %add3A_748 : i32
        %get3A_750 = arith.index_cast %add3A_749 : i32 to index
        %get3A_751 = arith.constant 64 : index
        %get3A_752 = tpu.vector_load %arg6[%get3A_750, %get3A_751] {strides = array<i32>} : memref<128x128xf32, #tpu.memory_space<vmem>>, vector<1x16xf32>,
        %get3A_753 = vector.shape_cast %get3A_752 : vector<1x16xf32> to vector<16xf32>
        %max3A_754 = arith.maximumf %max3A_745, %get3A_753 : vector<16xf32>
        %swap3A_755 = arith.index_cast %add3A_32 : i32 to index
        %swap3A_756 = arith.constant 64 : index
        %swap3A_757 = tpu.vector_load %arg7[%swap3A_755, %swap3A_756] {strides = array<i32>} : memref<512x128xf32, #tpu.memory_space<vmem>>, vector<1x16xf32>,
        %swap3A_758 = vector.shape_cast %swap3A_757 : vector<1x16xf32> to vector<16xf32>
        %swap3A_759 = vector.shape_cast %max3A_754 : vector<16xf32> to vector<1x16xf32>
        tpu.vector_store %arg7[%swap3A_755, %swap3A_756], %swap3A_759 {strides = array<i32>} : memref<512x128xf32, #tpu.memory_space<vmem>>, vector<1x16xf32>,
        %mul3A_760 = arith.constant 16 : i32
        %mul3A_761 = arith.muli %scan3A_28, %mul3A_760 : i32
        %get3A_762 = arith.index_cast %mul3A_761 : i32 to index
        %get3A_763 = arith.constant 80 : index
        %get3A_764 = tpu.vector_load %arg6[%get3A_762, %get3A_763] {strides = array<i32>} : memref<128x128xf32, #tpu.memory_space<vmem>>, vector<1x16xf32>,
        %get3A_765 = vector.shape_cast %get3A_764 : vector<1x16xf32> to vector<16xf32>
        %mul3A_766 = arith.constant 16 : i32
        %mul3A_767 = arith.muli %scan3A_28, %mul3A_766 : i32
        %add3A_768 = arith.constant 1 : i32
        %add3A_769 = arith.addi %mul3A_767, %add3A_768 : i32
        %get3A_770 = arith.index_cast %add3A_769 : i32 to index
        %get3A_771 = arith.constant 80 : index
        %get3A_772 = tpu.vector_load %arg6[%get3A_770, %get3A_771] {strides = array<i32>} : memref<128x128xf32, #tpu.memory_space<vmem>>, vector<1x16xf32>,
        %get3A_773 = vector.shape_cast %get3A_772 : vector<1x16xf32> to vector<16xf32>
        %max3A_774 = arith.maximumf %get3A_765, %get3A_773 : vector<16xf32>
        %mul3A_775 = arith.constant 16 : i32
        %mul3A_776 = arith.muli %scan3A_28, %mul3A_775 : i32
        %add3A_777 = arith.constant 2 : i32
        %add3A_778 = arith.addi %mul3A_776, %add3A_777 : i32
        %get3A_779 = arith.index_cast %add3A_778 : i32 to index
        %get3A_780 = arith.constant 80 : index
        %get3A_781 = tpu.vector_load %arg6[%get3A_779, %get3A_780] {strides = array<i32>} : memref<128x128xf32, #tpu.memory_space<vmem>>, vector<1x16xf32>,
        %get3A_782 = vector.shape_cast %get3A_781 : vector<1x16xf32> to vector<16xf32>
        %max3A_783 = arith.maximumf %max3A_774, %get3A_782 : vector<16xf32>
        %mul3A_784 = arith.constant 16 : i32
        %mul3A_785 = arith.muli %scan3A_28, %mul3A_784 : i32
        %add3A_786 = arith.constant 3 : i32
        %add3A_787 = arith.addi %mul3A_785, %add3A_786 : i32
        %get3A_788 = arith.index_cast %add3A_787 : i32 to index
        %get3A_789 = arith.constant 80 : index
        %get3A_790 = tpu.vector_load %arg6[%get3A_788, %get3A_789] {strides = array<i32>} : memref<128x128xf32, #tpu.memory_space<vmem>>, vector<1x16xf32>,
        %get3A_791 = vector.shape_cast %get3A_790 : vector<1x16xf32> to vector<16xf32>
        %max3A_792 = arith.maximumf %max3A_783, %get3A_791 : vector<16xf32>
        %mul3A_793 = arith.constant 16 : i32
        %mul3A_794 = arith.muli %scan3A_28, %mul3A_793 : i32
        %add3A_795 = arith.constant 4 : i32
        %add3A_796 = arith.addi %mul3A_794, %add3A_795 : i32
        %get3A_797 = arith.index_cast %add3A_796 : i32 to index
        %get3A_798 = arith.constant 80 : index
        %get3A_799 = tpu.vector_load %arg6[%get3A_797, %get3A_798] {strides = array<i32>} : memref<128x128xf32, #tpu.memory_space<vmem>>, vector<1x16xf32>,
        %get3A_800 = vector.shape_cast %get3A_799 : vector<1x16xf32> to vector<16xf32>
        %max3A_801 = arith.maximumf %max3A_792, %get3A_800 : vector<16xf32>
        %mul3A_802 = arith.constant 16 : i32
        %mul3A_803 = arith.muli %scan3A_28, %mul3A_802 : i32
        %add3A_804 = arith.constant 5 : i32
        %add3A_805 = arith.addi %mul3A_803, %add3A_804 : i32
        %get3A_806 = arith.index_cast %add3A_805 : i32 to index
        %get3A_807 = arith.constant 80 : index
        %get3A_808 = tpu.vector_load %arg6[%get3A_806, %get3A_807] {strides = array<i32>} : memref<128x128xf32, #tpu.memory_space<vmem>>, vector<1x16xf32>,
        %get3A_809 = vector.shape_cast %get3A_808 : vector<1x16xf32> to vector<16xf32>
        %max3A_810 = arith.maximumf %max3A_801, %get3A_809 : vector<16xf32>
        %mul3A_811 = arith.constant 16 : i32
        %mul3A_812 = arith.muli %scan3A_28, %mul3A_811 : i32
        %add3A_813 = arith.constant 6 : i32
        %add3A_814 = arith.addi %mul3A_812, %add3A_813 : i32
        %get3A_815 = arith.index_cast %add3A_814 : i32 to index
        %get3A_816 = arith.constant 80 : index
        %get3A_817 = tpu.vector_load %arg6[%get3A_815, %get3A_816] {strides = array<i32>} : memref<128x128xf32, #tpu.memory_space<vmem>>, vector<1x16xf32>,
        %get3A_818 = vector.shape_cast %get3A_817 : vector<1x16xf32> to vector<16xf32>
        %max3A_819 = arith.maximumf %max3A_810, %get3A_818 : vector<16xf32>
        %mul3A_820 = arith.constant 16 : i32
        %mul3A_821 = arith.muli %scan3A_28, %mul3A_820 : i32
        %add3A_822 = arith.constant 7 : i32
        %add3A_823 = arith.addi %mul3A_821, %add3A_822 : i32
        %get3A_824 = arith.index_cast %add3A_823 : i32 to index
        %get3A_825 = arith.constant 80 : index
        %get3A_826 = tpu.vector_load %arg6[%get3A_824, %get3A_825] {strides = array<i32>} : memref<128x128xf32, #tpu.memory_space<vmem>>, vector<1x16xf32>,
        %get3A_827 = vector.shape_cast %get3A_826 : vector<1x16xf32> to vector<16xf32>
        %max3A_828 = arith.maximumf %max3A_819, %get3A_827 : vector<16xf32>
        %mul3A_829 = arith.constant 16 : i32
        %mul3A_830 = arith.muli %scan3A_28, %mul3A_829 : i32
        %add3A_831 = arith.constant 8 : i32
        %add3A_832 = arith.addi %mul3A_830, %add3A_831 : i32
        %get3A_833 = arith.index_cast %add3A_832 : i32 to index
        %get3A_834 = arith.constant 80 : index
        %get3A_835 = tpu.vector_load %arg6[%get3A_833, %get3A_834] {strides = array<i32>} : memref<128x128xf32, #tpu.memory_space<vmem>>, vector<1x16xf32>,
        %get3A_836 = vector.shape_cast %get3A_835 : vector<1x16xf32> to vector<16xf32>
        %max3A_837 = arith.maximumf %max3A_828, %get3A_836 : vector<16xf32>
        %mul3A_838 = arith.constant 16 : i32
        %mul3A_839 = arith.muli %scan3A_28, %mul3A_838 : i32
        %add3A_840 = arith.constant 9 : i32
        %add3A_841 = arith.addi %mul3A_839, %add3A_840 : i32
        %get3A_842 = arith.index_cast %add3A_841 : i32 to index
        %get3A_843 = arith.constant 80 : index
        %get3A_844 = tpu.vector_load %arg6[%get3A_842, %get3A_843] {strides = array<i32>} : memref<128x128xf32, #tpu.memory_space<vmem>>, vector<1x16xf32>,
        %get3A_845 = vector.shape_cast %get3A_844 : vector<1x16xf32> to vector<16xf32>
        %max3A_846 = arith.maximumf %max3A_837, %get3A_845 : vector<16xf32>
        %mul3A_847 = arith.constant 16 : i32
        %mul3A_848 = arith.muli %scan3A_28, %mul3A_847 : i32
        %add3A_849 = arith.constant 10 : i32
        %add3A_850 = arith.addi %mul3A_848, %add3A_849 : i32
        %get3A_851 = arith.index_cast %add3A_850 : i32 to index
        %get3A_852 = arith.constant 80 : index
        %get3A_853 = tpu.vector_load %arg6[%get3A_851, %get3A_852] {strides = array<i32>} : memref<128x128xf32, #tpu.memory_space<vmem>>, vector<1x16xf32>,
        %get3A_854 = vector.shape_cast %get3A_853 : vector<1x16xf32> to vector<16xf32>
        %max3A_855 = arith.maximumf %max3A_846, %get3A_854 : vector<16xf32>
        %mul3A_856 = arith.constant 16 : i32
        %mul3A_857 = arith.muli %scan3A_28, %mul3A_856 : i32
        %add3A_858 = arith.constant 11 : i32
        %add3A_859 = arith.addi %mul3A_857, %add3A_858 : i32
        %get3A_860 = arith.index_cast %add3A_859 : i32 to index
        %get3A_861 = arith.constant 80 : index
        %get3A_862 = tpu.vector_load %arg6[%get3A_860, %get3A_861] {strides = array<i32>} : memref<128x128xf32, #tpu.memory_space<vmem>>, vector<1x16xf32>,
        %get3A_863 = vector.shape_cast %get3A_862 : vector<1x16xf32> to vector<16xf32>
        %max3A_864 = arith.maximumf %max3A_855, %get3A_863 : vector<16xf32>
        %mul3A_865 = arith.constant 16 : i32
        %mul3A_866 = arith.muli %scan3A_28, %mul3A_865 : i32
        %add3A_867 = arith.constant 12 : i32
        %add3A_868 = arith.addi %mul3A_866, %add3A_867 : i32
        %get3A_869 = arith.index_cast %add3A_868 : i32 to index
        %get3A_870 = arith.constant 80 : index
        %get3A_871 = tpu.vector_load %arg6[%get3A_869, %get3A_870] {strides = array<i32>} : memref<128x128xf32, #tpu.memory_space<vmem>>, vector<1x16xf32>,
        %get3A_872 = vector.shape_cast %get3A_871 : vector<1x16xf32> to vector<16xf32>
        %max3A_873 = arith.maximumf %max3A_864, %get3A_872 : vector<16xf32>
        %mul3A_874 = arith.constant 16 : i32
        %mul3A_875 = arith.muli %scan3A_28, %mul3A_874 : i32
        %add3A_876 = arith.constant 13 : i32
        %add3A_877 = arith.addi %mul3A_875, %add3A_876 : i32
        %get3A_878 = arith.index_cast %add3A_877 : i32 to index
        %get3A_879 = arith.constant 80 : index
        %get3A_880 = tpu.vector_load %arg6[%get3A_878, %get3A_879] {strides = array<i32>} : memref<128x128xf32, #tpu.memory_space<vmem>>, vector<1x16xf32>,
        %get3A_881 = vector.shape_cast %get3A_880 : vector<1x16xf32> to vector<16xf32>
        %max3A_882 = arith.maximumf %max3A_873, %get3A_881 : vector<16xf32>
        %mul3A_883 = arith.constant 16 : i32
        %mul3A_884 = arith.muli %scan3A_28, %mul3A_883 : i32
        %add3A_885 = arith.constant 14 : i32
        %add3A_886 = arith.addi %mul3A_884, %add3A_885 : i32
        %get3A_887 = arith.index_cast %add3A_886 : i32 to index
        %get3A_888 = arith.constant 80 : index
        %get3A_889 = tpu.vector_load %arg6[%get3A_887, %get3A_888] {strides = array<i32>} : memref<128x128xf32, #tpu.memory_space<vmem>>, vector<1x16xf32>,
        %get3A_890 = vector.shape_cast %get3A_889 : vector<1x16xf32> to vector<16xf32>
        %max3A_891 = arith.maximumf %max3A_882, %get3A_890 : vector<16xf32>
        %mul3A_892 = arith.constant 16 : i32
        %mul3A_893 = arith.muli %scan3A_28, %mul3A_892 : i32
        %add3A_894 = arith.constant 15 : i32
        %add3A_895 = arith.addi %mul3A_893, %add3A_894 : i32
        %get3A_896 = arith.index_cast %add3A_895 : i32 to index
        %get3A_897 = arith.constant 80 : index
        %get3A_898 = tpu.vector_load %arg6[%get3A_896, %get3A_897] {strides = array<i32>} : memref<128x128xf32, #tpu.memory_space<vmem>>, vector<1x16xf32>,
        %get3A_899 = vector.shape_cast %get3A_898 : vector<1x16xf32> to vector<16xf32>
        %max3A_900 = arith.maximumf %max3A_891, %get3A_899 : vector<16xf32>
        %swap3A_901 = arith.index_cast %add3A_32 : i32 to index
        %swap3A_902 = arith.constant 80 : index
        %swap3A_903 = tpu.vector_load %arg7[%swap3A_901, %swap3A_902] {strides = array<i32>} : memref<512x128xf32, #tpu.memory_space<vmem>>, vector<1x16xf32>,
        %swap3A_904 = vector.shape_cast %swap3A_903 : vector<1x16xf32> to vector<16xf32>
        %swap3A_905 = vector.shape_cast %max3A_900 : vector<16xf32> to vector<1x16xf32>
        tpu.vector_store %arg7[%swap3A_901, %swap3A_902], %swap3A_905 {strides = array<i32>} : memref<512x128xf32, #tpu.memory_space<vmem>>, vector<1x16xf32>,
        %mul3A_906 = arith.constant 16 : i32
        %mul3A_907 = arith.muli %scan3A_28, %mul3A_906 : i32
        %get3A_908 = arith.index_cast %mul3A_907 : i32 to index
        %get3A_909 = arith.constant 96 : index
        %get3A_910 = tpu.vector_load %arg6[%get3A_908, %get3A_909] {strides = array<i32>} : memref<128x128xf32, #tpu.memory_space<vmem>>, vector<1x16xf32>,
        %get3A_911 = vector.shape_cast %get3A_910 : vector<1x16xf32> to vector<16xf32>
        %mul3A_912 = arith.constant 16 : i32
        %mul3A_913 = arith.muli %scan3A_28, %mul3A_912 : i32
        %add3A_914 = arith.constant 1 : i32
        %add3A_915 = arith.addi %mul3A_913, %add3A_914 : i32
        %get3A_916 = arith.index_cast %add3A_915 : i32 to index
        %get3A_917 = arith.constant 96 : index
        %get3A_918 = tpu.vector_load %arg6[%get3A_916, %get3A_917] {strides = array<i32>} : memref<128x128xf32, #tpu.memory_space<vmem>>, vector<1x16xf32>,
        %get3A_919 = vector.shape_cast %get3A_918 : vector<1x16xf32> to vector<16xf32>
        %max3A_920 = arith.maximumf %get3A_911, %get3A_919 : vector<16xf32>
        %mul3A_921 = arith.constant 16 : i32
        %mul3A_922 = arith.muli %scan3A_28, %mul3A_921 : i32
        %add3A_923 = arith.constant 2 : i32
        %add3A_924 = arith.addi %mul3A_922, %add3A_923 : i32
        %get3A_925 = arith.index_cast %add3A_924 : i32 to index
        %get3A_926 = arith.constant 96 : index
        %get3A_927 = tpu.vector_load %arg6[%get3A_925, %get3A_926] {strides = array<i32>} : memref<128x128xf32, #tpu.memory_space<vmem>>, vector<1x16xf32>,
        %get3A_928 = vector.shape_cast %get3A_927 : vector<1x16xf32> to vector<16xf32>
        %max3A_929 = arith.maximumf %max3A_920, %get3A_928 : vector<16xf32>
        %mul3A_930 = arith.constant 16 : i32
        %mul3A_931 = arith.muli %scan3A_28, %mul3A_930 : i32
        %add3A_932 = arith.constant 3 : i32
        %add3A_933 = arith.addi %mul3A_931, %add3A_932 : i32
        %get3A_934 = arith.index_cast %add3A_933 : i32 to index
        %get3A_935 = arith.constant 96 : index
        %get3A_936 = tpu.vector_load %arg6[%get3A_934, %get3A_935] {strides = array<i32>} : memref<128x128xf32, #tpu.memory_space<vmem>>, vector<1x16xf32>,
        %get3A_937 = vector.shape_cast %get3A_936 : vector<1x16xf32> to vector<16xf32>
        %max3A_938 = arith.maximumf %max3A_929, %get3A_937 : vector<16xf32>
        %mul3A_939 = arith.constant 16 : i32
        %mul3A_940 = arith.muli %scan3A_28, %mul3A_939 : i32
        %add3A_941 = arith.constant 4 : i32
        %add3A_942 = arith.addi %mul3A_940, %add3A_941 : i32
        %get3A_943 = arith.index_cast %add3A_942 : i32 to index
        %get3A_944 = arith.constant 96 : index
        %get3A_945 = tpu.vector_load %arg6[%get3A_943, %get3A_944] {strides = array<i32>} : memref<128x128xf32, #tpu.memory_space<vmem>>, vector<1x16xf32>,
        %get3A_946 = vector.shape_cast %get3A_945 : vector<1x16xf32> to vector<16xf32>
        %max3A_947 = arith.maximumf %max3A_938, %get3A_946 : vector<16xf32>
        %mul3A_948 = arith.constant 16 : i32
        %mul3A_949 = arith.muli %scan3A_28, %mul3A_948 : i32
        %add3A_950 = arith.constant 5 : i32
        %add3A_951 = arith.addi %mul3A_949, %add3A_950 : i32
        %get3A_952 = arith.index_cast %add3A_951 : i32 to index
        %get3A_953 = arith.constant 96 : index
        %get3A_954 = tpu.vector_load %arg6[%get3A_952, %get3A_953] {strides = array<i32>} : memref<128x128xf32, #tpu.memory_space<vmem>>, vector<1x16xf32>,
        %get3A_955 = vector.shape_cast %get3A_954 : vector<1x16xf32> to vector<16xf32>
        %max3A_956 = arith.maximumf %max3A_947, %get3A_955 : vector<16xf32>
        %mul3A_957 = arith.constant 16 : i32
        %mul3A_958 = arith.muli %scan3A_28, %mul3A_957 : i32
        %add3A_959 = arith.constant 6 : i32
        %add3A_960 = arith.addi %mul3A_958, %add3A_959 : i32
        %get3A_961 = arith.index_cast %add3A_960 : i32 to index
        %get3A_962 = arith.constant 96 : index
        %get3A_963 = tpu.vector_load %arg6[%get3A_961, %get3A_962] {strides = array<i32>} : memref<128x128xf32, #tpu.memory_space<vmem>>, vector<1x16xf32>,
        %get3A_964 = vector.shape_cast %get3A_963 : vector<1x16xf32> to vector<16xf32>
        %max3A_965 = arith.maximumf %max3A_956, %get3A_964 : vector<16xf32>
        %mul3A_966 = arith.constant 16 : i32
        %mul3A_967 = arith.muli %scan3A_28, %mul3A_966 : i32
        %add3A_968 = arith.constant 7 : i32
        %add3A_969 = arith.addi %mul3A_967, %add3A_968 : i32
        %get3A_970 = arith.index_cast %add3A_969 : i32 to index
        %get3A_971 = arith.constant 96 : index
        %get3A_972 = tpu.vector_load %arg6[%get3A_970, %get3A_971] {strides = array<i32>} : memref<128x128xf32, #tpu.memory_space<vmem>>, vector<1x16xf32>,
        %get3A_973 = vector.shape_cast %get3A_972 : vector<1x16xf32> to vector<16xf32>
        %max3A_974 = arith.maximumf %max3A_965, %get3A_973 : vector<16xf32>
        %mul3A_975 = arith.constant 16 : i32
        %mul3A_976 = arith.muli %scan3A_28, %mul3A_975 : i32
        %add3A_977 = arith.constant 8 : i32
        %add3A_978 = arith.addi %mul3A_976, %add3A_977 : i32
        %get3A_979 = arith.index_cast %add3A_978 : i32 to index
        %get3A_980 = arith.constant 96 : index
        %get3A_981 = tpu.vector_load %arg6[%get3A_979, %get3A_980] {strides = array<i32>} : memref<128x128xf32, #tpu.memory_space<vmem>>, vector<1x16xf32>,
        %get3A_982 = vector.shape_cast %get3A_981 : vector<1x16xf32> to vector<16xf32>
        %max3A_983 = arith.maximumf %max3A_974, %get3A_982 : vector<16xf32>
        %mul3A_984 = arith.constant 16 : i32
        %mul3A_985 = arith.muli %scan3A_28, %mul3A_984 : i32
        %add3A_986 = arith.constant 9 : i32
        %add3A_987 = arith.addi %mul3A_985, %add3A_986 : i32
        %get3A_988 = arith.index_cast %add3A_987 : i32 to index
        %get3A_989 = arith.constant 96 : index
        %get3A_990 = tpu.vector_load %arg6[%get3A_988, %get3A_989] {strides = array<i32>} : memref<128x128xf32, #tpu.memory_space<vmem>>, vector<1x16xf32>,
        %get3A_991 = vector.shape_cast %get3A_990 : vector<1x16xf32> to vector<16xf32>
        %max3A_992 = arith.maximumf %max3A_983, %get3A_991 : vector<16xf32>
        %mul3A_993 = arith.constant 16 : i32
        %mul3A_994 = arith.muli %scan3A_28, %mul3A_993 : i32
        %add3A_995 = arith.constant 10 : i32
        %add3A_996 = arith.addi %mul3A_994, %add3A_995 : i32
        %get3A_997 = arith.index_cast %add3A_996 : i32 to index
        %get3A_998 = arith.constant 96 : index
        %get3A_999 = tpu.vector_load %arg6[%get3A_997, %get3A_998] {strides = array<i32>} : memref<128x128xf32, #tpu.memory_space<vmem>>, vector<1x16xf32>,
        %get3A_1000 = vector.shape_cast %get3A_999 : vector<1x16xf32> to vector<16xf32>
        %max3A_1001 = arith.maximumf %max3A_992, %get3A_1000 : vector<16xf32>
        %mul3A_1002 = arith.constant 16 : i32
        %mul3A_1003 = arith.muli %scan3A_28, %mul3A_1002 : i32
        %add3A_1004 = arith.constant 11 : i32
        %add3A_1005 = arith.addi %mul3A_1003, %add3A_1004 : i32
        %get3A_1006 = arith.index_cast %add3A_1005 : i32 to index
        %get3A_1007 = arith.constant 96 : index
        %get3A_1008 = tpu.vector_load %arg6[%get3A_1006, %get3A_1007] {strides = array<i32>} : memref<128x128xf32, #tpu.memory_space<vmem>>, vector<1x16xf32>,
        %get3A_1009 = vector.shape_cast %get3A_1008 : vector<1x16xf32> to vector<16xf32>
        %max3A_1010 = arith.maximumf %max3A_1001, %get3A_1009 : vector<16xf32>
        %mul3A_1011 = arith.constant 16 : i32
        %mul3A_1012 = arith.muli %scan3A_28, %mul3A_1011 : i32
        %add3A_1013 = arith.constant 12 : i32
        %add3A_1014 = arith.addi %mul3A_1012, %add3A_1013 : i32
        %get3A_1015 = arith.index_cast %add3A_1014 : i32 to index
        %get3A_1016 = arith.constant 96 : index
        %get3A_1017 = tpu.vector_load %arg6[%get3A_1015, %get3A_1016] {strides = array<i32>} : memref<128x128xf32, #tpu.memory_space<vmem>>, vector<1x16xf32>,
        %get3A_1018 = vector.shape_cast %get3A_1017 : vector<1x16xf32> to vector<16xf32>
        %max3A_1019 = arith.maximumf %max3A_1010, %get3A_1018 : vector<16xf32>
        %mul3A_1020 = arith.constant 16 : i32
        %mul3A_1021 = arith.muli %scan3A_28, %mul3A_1020 : i32
        %add3A_1022 = arith.constant 13 : i32
        %add3A_1023 = arith.addi %mul3A_1021, %add3A_1022 : i32
        %get3A_1024 = arith.index_cast %add3A_1023 : i32 to index
        %get3A_1025 = arith.constant 96 : index
        %get3A_1026 = tpu.vector_load %arg6[%get3A_1024, %get3A_1025] {strides = array<i32>} : memref<128x128xf32, #tpu.memory_space<vmem>>, vector<1x16xf32>,
        %get3A_1027 = vector.shape_cast %get3A_1026 : vector<1x16xf32> to vector<16xf32>
        %max3A_1028 = arith.maximumf %max3A_1019, %get3A_1027 : vector<16xf32>
        %mul3A_1029 = arith.constant 16 : i32
        %mul3A_1030 = arith.muli %scan3A_28, %mul3A_1029 : i32
        %add3A_1031 = arith.constant 14 : i32
        %add3A_1032 = arith.addi %mul3A_1030, %add3A_1031 : i32
        %get3A_1033 = arith.index_cast %add3A_1032 : i32 to index
        %get3A_1034 = arith.constant 96 : index
        %get3A_1035 = tpu.vector_load %arg6[%get3A_1033, %get3A_1034] {strides = array<i32>} : memref<128x128xf32, #tpu.memory_space<vmem>>, vector<1x16xf32>,
        %get3A_1036 = vector.shape_cast %get3A_1035 : vector<1x16xf32> to vector<16xf32>
        %max3A_1037 = arith.maximumf %max3A_1028, %get3A_1036 : vector<16xf32>
        %mul3A_1038 = arith.constant 16 : i32
        %mul3A_1039 = arith.muli %scan3A_28, %mul3A_1038 : i32
        %add3A_1040 = arith.constant 15 : i32
        %add3A_1041 = arith.addi %mul3A_1039, %add3A_1040 : i32
        %get3A_1042 = arith.index_cast %add3A_1041 : i32 to index
        %get3A_1043 = arith.constant 96 : index
        %get3A_1044 = tpu.vector_load %arg6[%get3A_1042, %get3A_1043] {strides = array<i32>} : memref<128x128xf32, #tpu.memory_space<vmem>>, vector<1x16xf32>,
        %get3A_1045 = vector.shape_cast %get3A_1044 : vector<1x16xf32> to vector<16xf32>
        %max3A_1046 = arith.maximumf %max3A_1037, %get3A_1045 : vector<16xf32>
        %swap3A_1047 = arith.index_cast %add3A_32 : i32 to index
        %swap3A_1048 = arith.constant 96 : index
        %swap3A_1049 = tpu.vector_load %arg7[%swap3A_1047, %swap3A_1048] {strides = array<i32>} : memref<512x128xf32, #tpu.memory_space<vmem>>, vector<1x16xf32>,
        %swap3A_1050 = vector.shape_cast %swap3A_1049 : vector<1x16xf32> to vector<16xf32>
        %swap3A_1051 = vector.shape_cast %max3A_1046 : vector<16xf32> to vector<1x16xf32>
        tpu.vector_store %arg7[%swap3A_1047, %swap3A_1048], %swap3A_1051 {strides = array<i32>} : memref<512x128xf32, #tpu.memory_space<vmem>>, vector<1x16xf32>,
        %mul3A_1052 = arith.constant 16 : i32
        %mul3A_1053 = arith.muli %scan3A_28, %mul3A_1052 : i32
        %get3A_1054 = arith.index_cast %mul3A_1053 : i32 to index
        %get3A_1055 = arith.constant 112 : index
        %get3A_1056 = tpu.vector_load %arg6[%get3A_1054, %get3A_1055] {strides = array<i32>} : memref<128x128xf32, #tpu.memory_space<vmem>>, vector<1x16xf32>,
        %get3A_1057 = vector.shape_cast %get3A_1056 : vector<1x16xf32> to vector<16xf32>
        %mul3A_1058 = arith.constant 16 : i32
        %mul3A_1059 = arith.muli %scan3A_28, %mul3A_1058 : i32
        %add3A_1060 = arith.constant 1 : i32
        %add3A_1061 = arith.addi %mul3A_1059, %add3A_1060 : i32
        %get3A_1062 = arith.index_cast %add3A_1061 : i32 to index
        %get3A_1063 = arith.constant 112 : index
        %get3A_1064 = tpu.vector_load %arg6[%get3A_1062, %get3A_1063] {strides = array<i32>} : memref<128x128xf32, #tpu.memory_space<vmem>>, vector<1x16xf32>,
        %get3A_1065 = vector.shape_cast %get3A_1064 : vector<1x16xf32> to vector<16xf32>
        %max3A_1066 = arith.maximumf %get3A_1057, %get3A_1065 : vector<16xf32>
        %mul3A_1067 = arith.constant 16 : i32
        %mul3A_1068 = arith.muli %scan3A_28, %mul3A_1067 : i32
        %add3A_1069 = arith.constant 2 : i32
        %add3A_1070 = arith.addi %mul3A_1068, %add3A_1069 : i32
        %get3A_1071 = arith.index_cast %add3A_1070 : i32 to index
        %get3A_1072 = arith.constant 112 : index
        %get3A_1073 = tpu.vector_load %arg6[%get3A_1071, %get3A_1072] {strides = array<i32>} : memref<128x128xf32, #tpu.memory_space<vmem>>, vector<1x16xf32>,
        %get3A_1074 = vector.shape_cast %get3A_1073 : vector<1x16xf32> to vector<16xf32>
        %max3A_1075 = arith.maximumf %max3A_1066, %get3A_1074 : vector<16xf32>
        %mul3A_1076 = arith.constant 16 : i32
        %mul3A_1077 = arith.muli %scan3A_28, %mul3A_1076 : i32
        %add3A_1078 = arith.constant 3 : i32
        %add3A_1079 = arith.addi %mul3A_1077, %add3A_1078 : i32
        %get3A_1080 = arith.index_cast %add3A_1079 : i32 to index
        %get3A_1081 = arith.constant 112 : index
        %get3A_1082 = tpu.vector_load %arg6[%get3A_1080, %get3A_1081] {strides = array<i32>} : memref<128x128xf32, #tpu.memory_space<vmem>>, vector<1x16xf32>,
        %get3A_1083 = vector.shape_cast %get3A_1082 : vector<1x16xf32> to vector<16xf32>
        %max3A_1084 = arith.maximumf %max3A_1075, %get3A_1083 : vector<16xf32>
        %mul3A_1085 = arith.constant 16 : i32
        %mul3A_1086 = arith.muli %scan3A_28, %mul3A_1085 : i32
        %add3A_1087 = arith.constant 4 : i32
        %add3A_1088 = arith.addi %mul3A_1086, %add3A_1087 : i32
        %get3A_1089 = arith.index_cast %add3A_1088 : i32 to index
        %get3A_1090 = arith.constant 112 : index
        %get3A_1091 = tpu.vector_load %arg6[%get3A_1089, %get3A_1090] {strides = array<i32>} : memref<128x128xf32, #tpu.memory_space<vmem>>, vector<1x16xf32>,
        %get3A_1092 = vector.shape_cast %get3A_1091 : vector<1x16xf32> to vector<16xf32>
        %max3A_1093 = arith.maximumf %max3A_1084, %get3A_1092 : vector<16xf32>
        %mul3A_1094 = arith.constant 16 : i32
        %mul3A_1095 = arith.muli %scan3A_28, %mul3A_1094 : i32
        %add3A_1096 = arith.constant 5 : i32
        %add3A_1097 = arith.addi %mul3A_1095, %add3A_1096 : i32
        %get3A_1098 = arith.index_cast %add3A_1097 : i32 to index
        %get3A_1099 = arith.constant 112 : index
        %get3A_1100 = tpu.vector_load %arg6[%get3A_1098, %get3A_1099] {strides = array<i32>} : memref<128x128xf32, #tpu.memory_space<vmem>>, vector<1x16xf32>,
        %get3A_1101 = vector.shape_cast %get3A_1100 : vector<1x16xf32> to vector<16xf32>
        %max3A_1102 = arith.maximumf %max3A_1093, %get3A_1101 : vector<16xf32>
        %mul3A_1103 = arith.constant 16 : i32
        %mul3A_1104 = arith.muli %scan3A_28, %mul3A_1103 : i32
        %add3A_1105 = arith.constant 6 : i32
        %add3A_1106 = arith.addi %mul3A_1104, %add3A_1105 : i32
        %get3A_1107 = arith.index_cast %add3A_1106 : i32 to index
        %get3A_1108 = arith.constant 112 : index
        %get3A_1109 = tpu.vector_load %arg6[%get3A_1107, %get3A_1108] {strides = array<i32>} : memref<128x128xf32, #tpu.memory_space<vmem>>, vector<1x16xf32>,
        %get3A_1110 = vector.shape_cast %get3A_1109 : vector<1x16xf32> to vector<16xf32>
        %max3A_1111 = arith.maximumf %max3A_1102, %get3A_1110 : vector<16xf32>
        %mul3A_1112 = arith.constant 16 : i32
        %mul3A_1113 = arith.muli %scan3A_28, %mul3A_1112 : i32
        %add3A_1114 = arith.constant 7 : i32
        %add3A_1115 = arith.addi %mul3A_1113, %add3A_1114 : i32
        %get3A_1116 = arith.index_cast %add3A_1115 : i32 to index
        %get3A_1117 = arith.constant 112 : index
        %get3A_1118 = tpu.vector_load %arg6[%get3A_1116, %get3A_1117] {strides = array<i32>} : memref<128x128xf32, #tpu.memory_space<vmem>>, vector<1x16xf32>,
        %get3A_1119 = vector.shape_cast %get3A_1118 : vector<1x16xf32> to vector<16xf32>
        %max3A_1120 = arith.maximumf %max3A_1111, %get3A_1119 : vector<16xf32>
        %mul3A_1121 = arith.constant 16 : i32
        %mul3A_1122 = arith.muli %scan3A_28, %mul3A_1121 : i32
        %add3A_1123 = arith.constant 8 : i32
        %add3A_1124 = arith.addi %mul3A_1122, %add3A_1123 : i32
        %get3A_1125 = arith.index_cast %add3A_1124 : i32 to index
        %get3A_1126 = arith.constant 112 : index
        %get3A_1127 = tpu.vector_load %arg6[%get3A_1125, %get3A_1126] {strides = array<i32>} : memref<128x128xf32, #tpu.memory_space<vmem>>, vector<1x16xf32>,
        %get3A_1128 = vector.shape_cast %get3A_1127 : vector<1x16xf32> to vector<16xf32>
        %max3A_1129 = arith.maximumf %max3A_1120, %get3A_1128 : vector<16xf32>
        %mul3A_1130 = arith.constant 16 : i32
        %mul3A_1131 = arith.muli %scan3A_28, %mul3A_1130 : i32
        %add3A_1132 = arith.constant 9 : i32
        %add3A_1133 = arith.addi %mul3A_1131, %add3A_1132 : i32
        %get3A_1134 = arith.index_cast %add3A_1133 : i32 to index
        %get3A_1135 = arith.constant 112 : index
        %get3A_1136 = tpu.vector_load %arg6[%get3A_1134, %get3A_1135] {strides = array<i32>} : memref<128x128xf32, #tpu.memory_space<vmem>>, vector<1x16xf32>,
        %get3A_1137 = vector.shape_cast %get3A_1136 : vector<1x16xf32> to vector<16xf32>
        %max3A_1138 = arith.maximumf %max3A_1129, %get3A_1137 : vector<16xf32>
        %mul3A_1139 = arith.constant 16 : i32
        %mul3A_1140 = arith.muli %scan3A_28, %mul3A_1139 : i32
        %add3A_1141 = arith.constant 10 : i32
        %add3A_1142 = arith.addi %mul3A_1140, %add3A_1141 : i32
        %get3A_1143 = arith.index_cast %add3A_1142 : i32 to index
        %get3A_1144 = arith.constant 112 : index
        %get3A_1145 = tpu.vector_load %arg6[%get3A_1143, %get3A_1144] {strides = array<i32>} : memref<128x128xf32, #tpu.memory_space<vmem>>, vector<1x16xf32>,
        %get3A_1146 = vector.shape_cast %get3A_1145 : vector<1x16xf32> to vector<16xf32>
        %max3A_1147 = arith.maximumf %max3A_1138, %get3A_1146 : vector<16xf32>
        %mul3A_1148 = arith.constant 16 : i32
        %mul3A_1149 = arith.muli %scan3A_28, %mul3A_1148 : i32
        %add3A_1150 = arith.constant 11 : i32
        %add3A_1151 = arith.addi %mul3A_1149, %add3A_1150 : i32
        %get3A_1152 = arith.index_cast %add3A_1151 : i32 to index
        %get3A_1153 = arith.constant 112 : index
        %get3A_1154 = tpu.vector_load %arg6[%get3A_1152, %get3A_1153] {strides = array<i32>} : memref<128x128xf32, #tpu.memory_space<vmem>>, vector<1x16xf32>,
        %get3A_1155 = vector.shape_cast %get3A_1154 : vector<1x16xf32> to vector<16xf32>
        %max3A_1156 = arith.maximumf %max3A_1147, %get3A_1155 : vector<16xf32>
        %mul3A_1157 = arith.constant 16 : i32
        %mul3A_1158 = arith.muli %scan3A_28, %mul3A_1157 : i32
        %add3A_1159 = arith.constant 12 : i32
        %add3A_1160 = arith.addi %mul3A_1158, %add3A_1159 : i32
        %get3A_1161 = arith.index_cast %add3A_1160 : i32 to index
        %get3A_1162 = arith.constant 112 : index
        %get3A_1163 = tpu.vector_load %arg6[%get3A_1161, %get3A_1162] {strides = array<i32>} : memref<128x128xf32, #tpu.memory_space<vmem>>, vector<1x16xf32>,
        %get3A_1164 = vector.shape_cast %get3A_1163 : vector<1x16xf32> to vector<16xf32>
        %max3A_1165 = arith.maximumf %max3A_1156, %get3A_1164 : vector<16xf32>
        %mul3A_1166 = arith.constant 16 : i32
        %mul3A_1167 = arith.muli %scan3A_28, %mul3A_1166 : i32
        %add3A_1168 = arith.constant 13 : i32
        %add3A_1169 = arith.addi %mul3A_1167, %add3A_1168 : i32
        %get3A_1170 = arith.index_cast %add3A_1169 : i32 to index
        %get3A_1171 = arith.constant 112 : index
        %get3A_1172 = tpu.vector_load %arg6[%get3A_1170, %get3A_1171] {strides = array<i32>} : memref<128x128xf32, #tpu.memory_space<vmem>>, vector<1x16xf32>,
        %get3A_1173 = vector.shape_cast %get3A_1172 : vector<1x16xf32> to vector<16xf32>
        %max3A_1174 = arith.maximumf %max3A_1165, %get3A_1173 : vector<16xf32>
        %mul3A_1175 = arith.constant 16 : i32
        %mul3A_1176 = arith.muli %scan3A_28, %mul3A_1175 : i32
        %add3A_1177 = arith.constant 14 : i32
        %add3A_1178 = arith.addi %mul3A_1176, %add3A_1177 : i32
        %get3A_1179 = arith.index_cast %add3A_1178 : i32 to index
        %get3A_1180 = arith.constant 112 : index
        %get3A_1181 = tpu.vector_load %arg6[%get3A_1179, %get3A_1180] {strides = array<i32>} : memref<128x128xf32, #tpu.memory_space<vmem>>, vector<1x16xf32>,
        %get3A_1182 = vector.shape_cast %get3A_1181 : vector<1x16xf32> to vector<16xf32>
        %max3A_1183 = arith.maximumf %max3A_1174, %get3A_1182 : vector<16xf32>
        %mul3A_1184 = arith.constant 16 : i32
        %mul3A_1185 = arith.muli %scan3A_28, %mul3A_1184 : i32
        %add3A_1186 = arith.constant 15 : i32
        %add3A_1187 = arith.addi %mul3A_1185, %add3A_1186 : i32
        %get3A_1188 = arith.index_cast %add3A_1187 : i32 to index
        %get3A_1189 = arith.constant 112 : index
        %get3A_1190 = tpu.vector_load %arg6[%get3A_1188, %get3A_1189] {strides = array<i32>} : memref<128x128xf32, #tpu.memory_space<vmem>>, vector<1x16xf32>,
        %get3A_1191 = vector.shape_cast %get3A_1190 : vector<1x16xf32> to vector<16xf32>
        %max3A_1192 = arith.maximumf %max3A_1183, %get3A_1191 : vector<16xf32>
        %swap3A_1193 = arith.index_cast %add3A_32 : i32 to index
        %swap3A_1194 = arith.constant 112 : index
        %swap3A_1195 = tpu.vector_load %arg7[%swap3A_1193, %swap3A_1194] {strides = array<i32>} : memref<512x128xf32, #tpu.memory_space<vmem>>, vector<1x16xf32>,
        %swap3A_1196 = vector.shape_cast %swap3A_1195 : vector<1x16xf32> to vector<16xf32>
        %swap3A_1197 = vector.shape_cast %max3A_1192 : vector<16xf32> to vector<1x16xf32>
        tpu.vector_store %arg7[%swap3A_1193, %swap3A_1194], %swap3A_1197 {strides = array<i32>} : memref<512x128xf32, #tpu.memory_space<vmem>>, vector<1x16xf32>,
        %scan3A_1198 = arith.constant 0 : i32
        scf.yield %scan3A_1198 : i32
      }
      %scan3A_27 = arith.constant 8 : i32
      scf.yield %scan3A_26 : i32
    }
    %scan3A_6 = arith.constant 64 : i32
    %mul3A_7 = arith.constant 512 : i32
    %mul3A_8 = arith.muli %add3A, %mul3A_7 : i32
    "tpu.region"() ({
      %run_scoped3A = tpu.sem_alloc : memref<!tpu.dma_semaphore, #tpu.memory_space<semaphore_mem>>
      %dma_start3A = arith.constant 0 : i32
      %dma_start3A_9 = tpu.memref_slice %arg4[%mul3A_8, %dma_start3A] : memref<16384x128xf32, #tpu.memory_space<hbm>> -> memref<512x128xf32, #tpu.memory_space<hbm>>
      %dma_start3A_10 = arith.constant 0 : i32
      %dma_start3A_11 = tpu.memref_slice %arg4[%mul3A_8, %dma_start3A_10] : memref<16384x128xf32, #tpu.memory_space<hbm>> -> memref<512x128xf32, #tpu.memory_space<hbm>>
      tpu.enqueue_dma source(%arg7 : memref<512x128xf32, #tpu.memory_space<vmem>>) target(%dma_start3A_11 : memref<512x128xf32, #tpu.memory_space<hbm>>) target_semaphore(%run_scoped3A : memref<!tpu.dma_semaphore, #tpu.memory_space<semaphore_mem>>)
      %dma_wait3A = arith.constant 0 : i32
      %dma_wait3A_12 = tpu.memref_slice %arg4[%mul3A_8, %dma_wait3A] : memref<16384x128xf32, #tpu.memory_space<hbm>> -> memref<512x128xf32, #tpu.memory_space<hbm>>
      %dma_wait3A_13 = arith.constant 0 : i32
      %dma_wait3A_14 = tpu.memref_slice %arg4[%mul3A_8, %dma_wait3A_13] : memref<16384x128xf32, #tpu.memory_space<hbm>> -> memref<512x128xf32, #tpu.memory_space<hbm>>
      tpu.wait_dma2 semaphore(%run_scoped3A : memref<!tpu.dma_semaphore, #tpu.memory_space<semaphore_mem>>) src(%arg7 : memref<512x128xf32, #tpu.memory_space<vmem>>) dst(%dma_wait3A_14 : memref<512x128xf32, #tpu.memory_space<hbm>>)
      tpu.yield
    }) : () -> ()
    return
  }
}

module attributes {stable_mosaic.version = 14 : i64} {
  func.func @_matmul_body(%arg0: i32, %arg1: memref<2048x12xf32, #tpu.memory_space<vmem>>, %arg2: memref<12x64xf32, #tpu.memory_space<vmem>>, %arg3: memref<64xf32, #tpu.memory_space<vmem>>, %arg4: memref<2048x64xf32, #tpu.memory_space<vmem>>) attributes {dimension_semantics = [#tpu.dimension_semantics<arbitrary>], iteration_bounds = array<i64: 8>, scalar_prefetch = 0 : i64, scratch_operands = 0 : i64, tpu.core_type = #tpu.core_type<tc>, window_params = [{transform_indices = @transform_0, window_bounds = array<i64: 2048, 12>}, {pipeline_mode = #tpu.pipeline_mode<synchronous>, transform_indices = @transform_1, window_bounds = array<i64: 12, 64>}, {pipeline_mode = #tpu.pipeline_mode<synchronous>, transform_indices = @transform_2, window_bounds = array<i64: 64>}, {transform_indices = @transform_3, window_bounds = array<i64: 2048, 64>}]} {
    %get3A = arith.constant 0 : index
    %get3A_0 = arith.constant 0 : index
    %get3A_1 = vector.load %arg1[%get3A, %get3A_0] : memref<2048x12xf32, #tpu.memory_space<vmem>>, vector<2048x12xf32>
    %get3A_2 = arith.constant 0 : index
    %get3A_3 = arith.constant 0 : index
    %get3A_4 = vector.load %arg2[%get3A_2, %get3A_3] : memref<12x64xf32, #tpu.memory_space<vmem>>, vector<12x64xf32>
    %dot_general3A = arith.constant dense<0.000000e+00> : vector<2048x64xf32>
    %dot_general3A_5 = tpu.matmul %get3A_1, %get3A_4, %dot_general3A {dimension_numbers = #tpu.dot_dimension_numbers<[1], [0], [0], [1], [0, 0, 1, 1], [], []>, transpose_lhs_hint = false} : vector<2048x12xf32>, vector<12x64xf32>, vector<2048x64xf32> -> vector<2048x64xf32>
    %get3A_6 = arith.constant 0 : index
    %get3A_7 = vector.load %arg3[%get3A_6] : memref<64xf32, #tpu.memory_space<vmem>>, vector<64xf32>
    %broadcast_in_dim3A = vector.shape_cast %get3A_7 : vector<64xf32> to vector<1x64xf32>
    %add3A = vector.broadcast %broadcast_in_dim3A : vector<1x64xf32> to vector<2048x64xf32>
    %add3A_8 = arith.addf %dot_general3A_5, %add3A : vector<2048x64xf32>
    %swap3A = arith.constant 0 : index
    %swap3A_9 = arith.constant 0 : index
    %swap3A_10 = vector.load %arg4[%swap3A, %swap3A_9] : memref<2048x64xf32, #tpu.memory_space<vmem>>, vector<2048x64xf32>
    tpu.vector_store %arg4[%swap3A, %swap3A_9], %add3A_8 {strides = array<i32>} : memref<2048x64xf32, #tpu.memory_space<vmem>>, vector<2048x64xf32>,
    return
  }
  func.func @transform_0(%arg0: i32) -> (i32, i32) {
    %c0_i32 = arith.constant 0 : i32
    %c0_i32_0 = arith.constant 0 : i32
    return %arg0, %c0_i32 : i32, i32
  }
  func.func @transform_1(%arg0: i32) -> (i32, i32) {
    %c0_i32 = arith.constant 0 : i32
    %c0_i32_0 = arith.constant 0 : i32
    %c0_i32_1 = arith.constant 0 : i32
    return %c0_i32, %c0_i32_0 : i32, i32
  }
  func.func @transform_2(%arg0: i32) -> i32 {
    %c0_i32 = arith.constant 0 : i32
    %c0_i32_0 = arith.constant 0 : i32
    return %c0_i32 : i32
  }
  func.func @transform_3(%arg0: i32) -> (i32, i32) {
    %c0_i32 = arith.constant 0 : i32
    %c0_i32_0 = arith.constant 0 : i32
    return %arg0, %c0_i32 : i32, i32
  }
}

module attributes {stable_mosaic.version = 14 : i64} {
  func.func @_knn_cov_body(%arg0: i32, %arg1: i32, %arg2: memref<1x2048x3xf32, #tpu.memory_space<vmem>>, %arg3: memref<1x256x3xf32, #tpu.memory_space<vmem>>, %arg4: memref<1x256x12xf32, #tpu.memory_space<vmem>>) attributes {dimension_semantics = [#tpu.dimension_semantics<arbitrary>, #tpu.dimension_semantics<arbitrary>], iteration_bounds = array<i64: 8, 8>, scalar_prefetch = 0 : i64, scratch_operands = 0 : i64, tpu.core_type = #tpu.core_type<tc>, window_params = [{transform_indices = @transform_0, window_bounds = array<i64: 1, 2048, 3>}, {transform_indices = @transform_1, window_bounds = array<i64: 1, 256, 3>}, {transform_indices = @transform_2, window_bounds = array<i64: 1, 256, 12>}]} {
    %get3A = arith.constant 0 : index
    %get3A_0 = arith.constant 0 : index
    %get3A_1 = arith.constant 0 : index
    %get3A_2 = vector.load %arg2[%get3A, %get3A_0, %get3A_1] : memref<1x2048x3xf32, #tpu.memory_space<vmem>>, vector<1x2048x3xf32>
    %get3A_3 = vector.shape_cast %get3A_2 : vector<1x2048x3xf32> to vector<2048x3xf32>
    %get3A_4 = arith.constant 0 : index
    %get3A_5 = arith.constant 0 : index
    %get3A_6 = arith.constant 0 : index
    %get3A_7 = vector.load %arg3[%get3A_4, %get3A_5, %get3A_6] : memref<1x256x3xf32, #tpu.memory_space<vmem>>, vector<1x256x3xf32>
    %get3A_8 = vector.shape_cast %get3A_7 : vector<1x256x3xf32> to vector<256x3xf32>
    %mul3A = arith.mulf %get3A_3, %get3A_3 : vector<2048x3xf32>
    %reduce_sum3A = arith.constant dense<0.000000e+00> : vector<2048xf32>
    %reduce_sum3A_9 = vector.multi_reduction <add>, %mul3A, %reduce_sum3A [1] : vector<2048x3xf32> to vector<2048xf32>
    %mul3A_10 = arith.mulf %get3A_8, %get3A_8 : vector<256x3xf32>
    %reduce_sum3A_11 = arith.constant dense<0.000000e+00> : vector<256xf32>
    %reduce_sum3A_12 = vector.multi_reduction <add>, %mul3A_10, %reduce_sum3A_11 [1] : vector<256x3xf32> to vector<256xf32>
    %dot_general3A = arith.constant dense<0.000000e+00> : vector<256x2048xf32>
    %dot_general3A_13 = tpu.matmul %get3A_8, %get3A_3, %dot_general3A {dimension_numbers = #tpu.dot_dimension_numbers<[1], [1], [0], [0], [0, 0, 1, 0], [], []>, transpose_lhs_hint = false} : vector<256x3xf32>, vector<2048x3xf32>, vector<256x2048xf32> -> vector<256x2048xf32>
    %broadcast_in_dim3A = vector.shape_cast %reduce_sum3A_12 : vector<256xf32> to vector<256x1xf32>
    %broadcast_in_dim3A_14 = vector.shape_cast %reduce_sum3A_9 : vector<2048xf32> to vector<1x2048xf32>
    %add3A = vector.broadcast %broadcast_in_dim3A : vector<256x1xf32> to vector<256x2048xf32>
    %add3A_15 = vector.broadcast %broadcast_in_dim3A_14 : vector<1x2048xf32> to vector<256x2048xf32>
    %add3A_16 = arith.addf %add3A, %add3A_15 : vector<256x2048xf32>
    %mul3A_17 = arith.constant 2.000000e+00 : f32
    %mul3A_18 = vector.broadcast %mul3A_17 : f32 to vector<256x2048xf32>
    %mul3A_19 = arith.mulf %mul3A_18, %dot_general3A_13 : vector<256x2048xf32>
    %sub3A = arith.subf %add3A_16, %mul3A_19 : vector<256x2048xf32>
    %iota3A = tpu.iota {dimensions = array<i32: 0>} : vector<256x2048xi32>
    %iota3A_20 = tpu.iota {dimensions = array<i32: 1>} : vector<256x2048xi32>
    %mul3A_21 = arith.constant 256 : i32
    %mul3A_22 = arith.muli %arg1, %mul3A_21 : i32
    %add3A_23 = vector.broadcast %mul3A_22 : i32 to vector<256x2048xi32>
    %add3A_24 = arith.addi %iota3A, %add3A_23 : vector<256x2048xi32>
    %eq3A = arith.cmpi eq, %iota3A_20, %add3A_24 : vector<256x2048xi32>
    %add3A_25 = arith.constant 1.000000e+10 : f32
    %add3A_26 = vector.broadcast %add3A_25 : f32 to vector<256x2048xf32>
    %add3A_27 = arith.addf %sub3A, %add3A_26 : vector<256x2048xf32>
    %select_n3A = arith.select %eq3A, %add3A_27, %sub3A : vector<256x2048xi1>, vector<256x2048xf32>
    %iota3A_28 = tpu.iota {dimensions = array<i32: 1>} : vector<256x2048xi32>
    %reduce_min3A = arith.constant dense<0x7F800000> : vector<256xf32>
    %reduce_min3A_29 = vector.multi_reduction <minimumf>, %select_n3A, %reduce_min3A [1] : vector<256x2048xf32> to vector<256xf32>
    %broadcast_in_dim3A_30 = vector.shape_cast %reduce_min3A_29 : vector<256xf32> to vector<256x1xf32>
    %eq3A_31 = vector.broadcast %broadcast_in_dim3A_30 : vector<256x1xf32> to vector<256x2048xf32>
    %eq3A_32 = arith.cmpf oeq, %select_n3A, %eq3A_31 : vector<256x2048xf32>
    %jit3A = arith.constant 2048 : i32
    %broadcast_in_dim3A_33 = vector.broadcast %jit3A : i32 to vector<256x2048xi32>
    %select_n3A_34 = arith.select %eq3A_32, %iota3A_28, %broadcast_in_dim3A_33 : vector<256x2048xi1>, vector<256x2048xi32>
    %reduce_min3A_35 = arith.constant dense<2147483647> : vector<256xi32>
    %reduce_min3A_36 = vector.multi_reduction <minsi>, %select_n3A_34, %reduce_min3A_35 [1] : vector<256x2048xi32> to vector<256xi32>
    %broadcast_in_dim3A_37 = vector.shape_cast %reduce_min3A_36 : vector<256xi32> to vector<256x1xi32>
    %eq3A_38 = vector.broadcast %broadcast_in_dim3A_37 : vector<256x1xi32> to vector<256x2048xi32>
    %eq3A_39 = arith.cmpi eq, %iota3A_28, %eq3A_38 : vector<256x2048xi32>
    %jit3A_40 = arith.constant 0x7F800000 : f32
    %broadcast_in_dim3A_41 = vector.broadcast %jit3A_40 : f32 to vector<256x2048xf32>
    %select_n3A_42 = arith.select %eq3A_39, %broadcast_in_dim3A_41, %select_n3A : vector<256x2048xi1>, vector<256x2048xf32>
    %convert_element_type3A = arith.extui %eq3A_39 : vector<256x2048xi1> to vector<256x2048xi32>
    %convert_element_type3A_43 = arith.sitofp %convert_element_type3A : vector<256x2048xi32> to vector<256x2048xf32>
    %dot_general3A_44 = arith.constant dense<0.000000e+00> : vector<256x3xf32>
    %dot_general3A_45 = tpu.matmul %convert_element_type3A_43, %get3A_3, %dot_general3A_44 {dimension_numbers = #tpu.dot_dimension_numbers<[1], [0], [0], [1], [0, 0, 1, 1], [], []>, precision = #tpu.contract_precision<fp32>, transpose_lhs_hint = false} : vector<256x2048xf32>, vector<2048x3xf32>, vector<256x3xf32> -> vector<256x3xf32>
    %reduce_min3A_46 = arith.constant dense<0x7F800000> : vector<256xf32>
    %reduce_min3A_47 = vector.multi_reduction <minimumf>, %select_n3A_42, %reduce_min3A_46 [1] : vector<256x2048xf32> to vector<256xf32>
    %broadcast_in_dim3A_48 = vector.shape_cast %reduce_min3A_47 : vector<256xf32> to vector<256x1xf32>
    %eq3A_49 = vector.broadcast %broadcast_in_dim3A_48 : vector<256x1xf32> to vector<256x2048xf32>
    %eq3A_50 = arith.cmpf oeq, %select_n3A_42, %eq3A_49 : vector<256x2048xf32>
    %jit3A_51 = arith.constant 2048 : i32
    %broadcast_in_dim3A_52 = vector.broadcast %jit3A_51 : i32 to vector<256x2048xi32>
    %select_n3A_53 = arith.select %eq3A_50, %iota3A_28, %broadcast_in_dim3A_52 : vector<256x2048xi1>, vector<256x2048xi32>
    %reduce_min3A_54 = arith.constant dense<2147483647> : vector<256xi32>
    %reduce_min3A_55 = vector.multi_reduction <minsi>, %select_n3A_53, %reduce_min3A_54 [1] : vector<256x2048xi32> to vector<256xi32>
    %broadcast_in_dim3A_56 = vector.shape_cast %reduce_min3A_55 : vector<256xi32> to vector<256x1xi32>
    %eq3A_57 = vector.broadcast %broadcast_in_dim3A_56 : vector<256x1xi32> to vector<256x2048xi32>
    %eq3A_58 = arith.cmpi eq, %iota3A_28, %eq3A_57 : vector<256x2048xi32>
    %jit3A_59 = arith.constant 0x7F800000 : f32
    %broadcast_in_dim3A_60 = vector.broadcast %jit3A_59 : f32 to vector<256x2048xf32>
    %select_n3A_61 = arith.select %eq3A_58, %broadcast_in_dim3A_60, %select_n3A_42 : vector<256x2048xi1>, vector<256x2048xf32>
    %convert_element_type3A_62 = arith.extui %eq3A_58 : vector<256x2048xi1> to vector<256x2048xi32>
    %convert_element_type3A_63 = arith.sitofp %convert_element_type3A_62 : vector<256x2048xi32> to vector<256x2048xf32>
    %dot_general3A_64 = arith.constant dense<0.000000e+00> : vector<256x3xf32>
    %dot_general3A_65 = tpu.matmul %convert_element_type3A_63, %get3A_3, %dot_general3A_64 {dimension_numbers = #tpu.dot_dimension_numbers<[1], [0], [0], [1], [0, 0, 1, 1], [], []>, precision = #tpu.contract_precision<fp32>, transpose_lhs_hint = false} : vector<256x2048xf32>, vector<2048x3xf32>, vector<256x3xf32> -> vector<256x3xf32>
    %reduce_min3A_66 = arith.constant dense<0x7F800000> : vector<256xf32>
    %reduce_min3A_67 = vector.multi_reduction <minimumf>, %select_n3A_61, %reduce_min3A_66 [1] : vector<256x2048xf32> to vector<256xf32>
    %broadcast_in_dim3A_68 = vector.shape_cast %reduce_min3A_67 : vector<256xf32> to vector<256x1xf32>
    %eq3A_69 = vector.broadcast %broadcast_in_dim3A_68 : vector<256x1xf32> to vector<256x2048xf32>
    %eq3A_70 = arith.cmpf oeq, %select_n3A_61, %eq3A_69 : vector<256x2048xf32>
    %jit3A_71 = arith.constant 2048 : i32
    %broadcast_in_dim3A_72 = vector.broadcast %jit3A_71 : i32 to vector<256x2048xi32>
    %select_n3A_73 = arith.select %eq3A_70, %iota3A_28, %broadcast_in_dim3A_72 : vector<256x2048xi1>, vector<256x2048xi32>
    %reduce_min3A_74 = arith.constant dense<2147483647> : vector<256xi32>
    %reduce_min3A_75 = vector.multi_reduction <minsi>, %select_n3A_73, %reduce_min3A_74 [1] : vector<256x2048xi32> to vector<256xi32>
    %broadcast_in_dim3A_76 = vector.shape_cast %reduce_min3A_75 : vector<256xi32> to vector<256x1xi32>
    %eq3A_77 = vector.broadcast %broadcast_in_dim3A_76 : vector<256x1xi32> to vector<256x2048xi32>
    %eq3A_78 = arith.cmpi eq, %iota3A_28, %eq3A_77 : vector<256x2048xi32>
    %jit3A_79 = arith.constant 0x7F800000 : f32
    %broadcast_in_dim3A_80 = vector.broadcast %jit3A_79 : f32 to vector<256x2048xf32>
    %select_n3A_81 = arith.select %eq3A_78, %broadcast_in_dim3A_80, %select_n3A_61 : vector<256x2048xi1>, vector<256x2048xf32>
    %convert_element_type3A_82 = arith.extui %eq3A_78 : vector<256x2048xi1> to vector<256x2048xi32>
    %convert_element_type3A_83 = arith.sitofp %convert_element_type3A_82 : vector<256x2048xi32> to vector<256x2048xf32>
    %dot_general3A_84 = arith.constant dense<0.000000e+00> : vector<256x3xf32>
    %dot_general3A_85 = tpu.matmul %convert_element_type3A_83, %get3A_3, %dot_general3A_84 {dimension_numbers = #tpu.dot_dimension_numbers<[1], [0], [0], [1], [0, 0, 1, 1], [], []>, precision = #tpu.contract_precision<fp32>, transpose_lhs_hint = false} : vector<256x2048xf32>, vector<2048x3xf32>, vector<256x3xf32> -> vector<256x3xf32>
    %reduce_min3A_86 = arith.constant dense<0x7F800000> : vector<256xf32>
    %reduce_min3A_87 = vector.multi_reduction <minimumf>, %select_n3A_81, %reduce_min3A_86 [1] : vector<256x2048xf32> to vector<256xf32>
    %broadcast_in_dim3A_88 = vector.shape_cast %reduce_min3A_87 : vector<256xf32> to vector<256x1xf32>
    %eq3A_89 = vector.broadcast %broadcast_in_dim3A_88 : vector<256x1xf32> to vector<256x2048xf32>
    %eq3A_90 = arith.cmpf oeq, %select_n3A_81, %eq3A_89 : vector<256x2048xf32>
    %jit3A_91 = arith.constant 2048 : i32
    %broadcast_in_dim3A_92 = vector.broadcast %jit3A_91 : i32 to vector<256x2048xi32>
    %select_n3A_93 = arith.select %eq3A_90, %iota3A_28, %broadcast_in_dim3A_92 : vector<256x2048xi1>, vector<256x2048xi32>
    %reduce_min3A_94 = arith.constant dense<2147483647> : vector<256xi32>
    %reduce_min3A_95 = vector.multi_reduction <minsi>, %select_n3A_93, %reduce_min3A_94 [1] : vector<256x2048xi32> to vector<256xi32>
    %broadcast_in_dim3A_96 = vector.shape_cast %reduce_min3A_95 : vector<256xi32> to vector<256x1xi32>
    %eq3A_97 = vector.broadcast %broadcast_in_dim3A_96 : vector<256x1xi32> to vector<256x2048xi32>
    %eq3A_98 = arith.cmpi eq, %iota3A_28, %eq3A_97 : vector<256x2048xi32>
    %jit3A_99 = arith.constant 0x7F800000 : f32
    %broadcast_in_dim3A_100 = vector.broadcast %jit3A_99 : f32 to vector<256x2048xf32>
    %select_n3A_101 = arith.select %eq3A_98, %broadcast_in_dim3A_100, %select_n3A_81 : vector<256x2048xi1>, vector<256x2048xf32>
    %convert_element_type3A_102 = arith.extui %eq3A_98 : vector<256x2048xi1> to vector<256x2048xi32>
    %convert_element_type3A_103 = arith.sitofp %convert_element_type3A_102 : vector<256x2048xi32> to vector<256x2048xf32>
    %dot_general3A_104 = arith.constant dense<0.000000e+00> : vector<256x3xf32>
    %dot_general3A_105 = tpu.matmul %convert_element_type3A_103, %get3A_3, %dot_general3A_104 {dimension_numbers = #tpu.dot_dimension_numbers<[1], [0], [0], [1], [0, 0, 1, 1], [], []>, precision = #tpu.contract_precision<fp32>, transpose_lhs_hint = false} : vector<256x2048xf32>, vector<2048x3xf32>, vector<256x3xf32> -> vector<256x3xf32>
    %reduce_min3A_106 = arith.constant dense<0x7F800000> : vector<256xf32>
    %reduce_min3A_107 = vector.multi_reduction <minimumf>, %select_n3A_101, %reduce_min3A_106 [1] : vector<256x2048xf32> to vector<256xf32>
    %broadcast_in_dim3A_108 = vector.shape_cast %reduce_min3A_107 : vector<256xf32> to vector<256x1xf32>
    %eq3A_109 = vector.broadcast %broadcast_in_dim3A_108 : vector<256x1xf32> to vector<256x2048xf32>
    %eq3A_110 = arith.cmpf oeq, %select_n3A_101, %eq3A_109 : vector<256x2048xf32>
    %jit3A_111 = arith.constant 2048 : i32
    %broadcast_in_dim3A_112 = vector.broadcast %jit3A_111 : i32 to vector<256x2048xi32>
    %select_n3A_113 = arith.select %eq3A_110, %iota3A_28, %broadcast_in_dim3A_112 : vector<256x2048xi1>, vector<256x2048xi32>
    %reduce_min3A_114 = arith.constant dense<2147483647> : vector<256xi32>
    %reduce_min3A_115 = vector.multi_reduction <minsi>, %select_n3A_113, %reduce_min3A_114 [1] : vector<256x2048xi32> to vector<256xi32>
    %broadcast_in_dim3A_116 = vector.shape_cast %reduce_min3A_115 : vector<256xi32> to vector<256x1xi32>
    %eq3A_117 = vector.broadcast %broadcast_in_dim3A_116 : vector<256x1xi32> to vector<256x2048xi32>
    %eq3A_118 = arith.cmpi eq, %iota3A_28, %eq3A_117 : vector<256x2048xi32>
    %jit3A_119 = arith.constant 0x7F800000 : f32
    %broadcast_in_dim3A_120 = vector.broadcast %jit3A_119 : f32 to vector<256x2048xf32>
    %select_n3A_121 = arith.select %eq3A_118, %broadcast_in_dim3A_120, %select_n3A_101 : vector<256x2048xi1>, vector<256x2048xf32>
    %convert_element_type3A_122 = arith.extui %eq3A_118 : vector<256x2048xi1> to vector<256x2048xi32>
    %convert_element_type3A_123 = arith.sitofp %convert_element_type3A_122 : vector<256x2048xi32> to vector<256x2048xf32>
    %dot_general3A_124 = arith.constant dense<0.000000e+00> : vector<256x3xf32>
    %dot_general3A_125 = tpu.matmul %convert_element_type3A_123, %get3A_3, %dot_general3A_124 {dimension_numbers = #tpu.dot_dimension_numbers<[1], [0], [0], [1], [0, 0, 1, 1], [], []>, precision = #tpu.contract_precision<fp32>, transpose_lhs_hint = false} : vector<256x2048xf32>, vector<2048x3xf32>, vector<256x3xf32> -> vector<256x3xf32>
    %reduce_min3A_126 = arith.constant dense<0x7F800000> : vector<256xf32>
    %reduce_min3A_127 = vector.multi_reduction <minimumf>, %select_n3A_121, %reduce_min3A_126 [1] : vector<256x2048xf32> to vector<256xf32>
    %broadcast_in_dim3A_128 = vector.shape_cast %reduce_min3A_127 : vector<256xf32> to vector<256x1xf32>
    %eq3A_129 = vector.broadcast %broadcast_in_dim3A_128 : vector<256x1xf32> to vector<256x2048xf32>
    %eq3A_130 = arith.cmpf oeq, %select_n3A_121, %eq3A_129 : vector<256x2048xf32>
    %jit3A_131 = arith.constant 2048 : i32
    %broadcast_in_dim3A_132 = vector.broadcast %jit3A_131 : i32 to vector<256x2048xi32>
    %select_n3A_133 = arith.select %eq3A_130, %iota3A_28, %broadcast_in_dim3A_132 : vector<256x2048xi1>, vector<256x2048xi32>
    %reduce_min3A_134 = arith.constant dense<2147483647> : vector<256xi32>
    %reduce_min3A_135 = vector.multi_reduction <minsi>, %select_n3A_133, %reduce_min3A_134 [1] : vector<256x2048xi32> to vector<256xi32>
    %broadcast_in_dim3A_136 = vector.shape_cast %reduce_min3A_135 : vector<256xi32> to vector<256x1xi32>
    %eq3A_137 = vector.broadcast %broadcast_in_dim3A_136 : vector<256x1xi32> to vector<256x2048xi32>
    %eq3A_138 = arith.cmpi eq, %iota3A_28, %eq3A_137 : vector<256x2048xi32>
    %jit3A_139 = arith.constant 0x7F800000 : f32
    %broadcast_in_dim3A_140 = vector.broadcast %jit3A_139 : f32 to vector<256x2048xf32>
    %select_n3A_141 = arith.select %eq3A_138, %broadcast_in_dim3A_140, %select_n3A_121 : vector<256x2048xi1>, vector<256x2048xf32>
    %convert_element_type3A_142 = arith.extui %eq3A_138 : vector<256x2048xi1> to vector<256x2048xi32>
    %convert_element_type3A_143 = arith.sitofp %convert_element_type3A_142 : vector<256x2048xi32> to vector<256x2048xf32>
    %dot_general3A_144 = arith.constant dense<0.000000e+00> : vector<256x3xf32>
    %dot_general3A_145 = tpu.matmul %convert_element_type3A_143, %get3A_3, %dot_general3A_144 {dimension_numbers = #tpu.dot_dimension_numbers<[1], [0], [0], [1], [0, 0, 1, 1], [], []>, precision = #tpu.contract_precision<fp32>, transpose_lhs_hint = false} : vector<256x2048xf32>, vector<2048x3xf32>, vector<256x3xf32> -> vector<256x3xf32>
    %reduce_min3A_146 = arith.constant dense<0x7F800000> : vector<256xf32>
    %reduce_min3A_147 = vector.multi_reduction <minimumf>, %select_n3A_141, %reduce_min3A_146 [1] : vector<256x2048xf32> to vector<256xf32>
    %broadcast_in_dim3A_148 = vector.shape_cast %reduce_min3A_147 : vector<256xf32> to vector<256x1xf32>
    %eq3A_149 = vector.broadcast %broadcast_in_dim3A_148 : vector<256x1xf32> to vector<256x2048xf32>
    %eq3A_150 = arith.cmpf oeq, %select_n3A_141, %eq3A_149 : vector<256x2048xf32>
    %jit3A_151 = arith.constant 2048 : i32
    %broadcast_in_dim3A_152 = vector.broadcast %jit3A_151 : i32 to vector<256x2048xi32>
    %select_n3A_153 = arith.select %eq3A_150, %iota3A_28, %broadcast_in_dim3A_152 : vector<256x2048xi1>, vector<256x2048xi32>
    %reduce_min3A_154 = arith.constant dense<2147483647> : vector<256xi32>
    %reduce_min3A_155 = vector.multi_reduction <minsi>, %select_n3A_153, %reduce_min3A_154 [1] : vector<256x2048xi32> to vector<256xi32>
    %broadcast_in_dim3A_156 = vector.shape_cast %reduce_min3A_155 : vector<256xi32> to vector<256x1xi32>
    %eq3A_157 = vector.broadcast %broadcast_in_dim3A_156 : vector<256x1xi32> to vector<256x2048xi32>
    %eq3A_158 = arith.cmpi eq, %iota3A_28, %eq3A_157 : vector<256x2048xi32>
    %jit3A_159 = arith.constant 0x7F800000 : f32
    %broadcast_in_dim3A_160 = vector.broadcast %jit3A_159 : f32 to vector<256x2048xf32>
    %select_n3A_161 = arith.select %eq3A_158, %broadcast_in_dim3A_160, %select_n3A_141 : vector<256x2048xi1>, vector<256x2048xf32>
    %convert_element_type3A_162 = arith.extui %eq3A_158 : vector<256x2048xi1> to vector<256x2048xi32>
    %convert_element_type3A_163 = arith.sitofp %convert_element_type3A_162 : vector<256x2048xi32> to vector<256x2048xf32>
    %dot_general3A_164 = arith.constant dense<0.000000e+00> : vector<256x3xf32>
    %dot_general3A_165 = tpu.matmul %convert_element_type3A_163, %get3A_3, %dot_general3A_164 {dimension_numbers = #tpu.dot_dimension_numbers<[1], [0], [0], [1], [0, 0, 1, 1], [], []>, precision = #tpu.contract_precision<fp32>, transpose_lhs_hint = false} : vector<256x2048xf32>, vector<2048x3xf32>, vector<256x3xf32> -> vector<256x3xf32>
    %reduce_min3A_166 = arith.constant dense<0x7F800000> : vector<256xf32>
    %reduce_min3A_167 = vector.multi_reduction <minimumf>, %select_n3A_161, %reduce_min3A_166 [1] : vector<256x2048xf32> to vector<256xf32>
    %broadcast_in_dim3A_168 = vector.shape_cast %reduce_min3A_167 : vector<256xf32> to vector<256x1xf32>
    %eq3A_169 = vector.broadcast %broadcast_in_dim3A_168 : vector<256x1xf32> to vector<256x2048xf32>
    %eq3A_170 = arith.cmpf oeq, %select_n3A_161, %eq3A_169 : vector<256x2048xf32>
    %jit3A_171 = arith.constant 2048 : i32
    %broadcast_in_dim3A_172 = vector.broadcast %jit3A_171 : i32 to vector<256x2048xi32>
    %select_n3A_173 = arith.select %eq3A_170, %iota3A_28, %broadcast_in_dim3A_172 : vector<256x2048xi1>, vector<256x2048xi32>
    %reduce_min3A_174 = arith.constant dense<2147483647> : vector<256xi32>
    %reduce_min3A_175 = vector.multi_reduction <minsi>, %select_n3A_173, %reduce_min3A_174 [1] : vector<256x2048xi32> to vector<256xi32>
    %broadcast_in_dim3A_176 = vector.shape_cast %reduce_min3A_175 : vector<256xi32> to vector<256x1xi32>
    %eq3A_177 = vector.broadcast %broadcast_in_dim3A_176 : vector<256x1xi32> to vector<256x2048xi32>
    %eq3A_178 = arith.cmpi eq, %iota3A_28, %eq3A_177 : vector<256x2048xi32>
    %jit3A_179 = arith.constant 0x7F800000 : f32
    %broadcast_in_dim3A_180 = vector.broadcast %jit3A_179 : f32 to vector<256x2048xf32>
    %select_n3A_181 = arith.select %eq3A_178, %broadcast_in_dim3A_180, %select_n3A_161 : vector<256x2048xi1>, vector<256x2048xf32>
    %convert_element_type3A_182 = arith.extui %eq3A_178 : vector<256x2048xi1> to vector<256x2048xi32>
    %convert_element_type3A_183 = arith.sitofp %convert_element_type3A_182 : vector<256x2048xi32> to vector<256x2048xf32>
    %dot_general3A_184 = arith.constant dense<0.000000e+00> : vector<256x3xf32>
    %dot_general3A_185 = tpu.matmul %convert_element_type3A_183, %get3A_3, %dot_general3A_184 {dimension_numbers = #tpu.dot_dimension_numbers<[1], [0], [0], [1], [0, 0, 1, 1], [], []>, precision = #tpu.contract_precision<fp32>, transpose_lhs_hint = false} : vector<256x2048xf32>, vector<2048x3xf32>, vector<256x3xf32> -> vector<256x3xf32>
    %reduce_min3A_186 = arith.constant dense<0x7F800000> : vector<256xf32>
    %reduce_min3A_187 = vector.multi_reduction <minimumf>, %select_n3A_181, %reduce_min3A_186 [1] : vector<256x2048xf32> to vector<256xf32>
    %broadcast_in_dim3A_188 = vector.shape_cast %reduce_min3A_187 : vector<256xf32> to vector<256x1xf32>
    %eq3A_189 = vector.broadcast %broadcast_in_dim3A_188 : vector<256x1xf32> to vector<256x2048xf32>
    %eq3A_190 = arith.cmpf oeq, %select_n3A_181, %eq3A_189 : vector<256x2048xf32>
    %jit3A_191 = arith.constant 2048 : i32
    %broadcast_in_dim3A_192 = vector.broadcast %jit3A_191 : i32 to vector<256x2048xi32>
    %select_n3A_193 = arith.select %eq3A_190, %iota3A_28, %broadcast_in_dim3A_192 : vector<256x2048xi1>, vector<256x2048xi32>
    %reduce_min3A_194 = arith.constant dense<2147483647> : vector<256xi32>
    %reduce_min3A_195 = vector.multi_reduction <minsi>, %select_n3A_193, %reduce_min3A_194 [1] : vector<256x2048xi32> to vector<256xi32>
    %broadcast_in_dim3A_196 = vector.shape_cast %reduce_min3A_195 : vector<256xi32> to vector<256x1xi32>
    %eq3A_197 = vector.broadcast %broadcast_in_dim3A_196 : vector<256x1xi32> to vector<256x2048xi32>
    %eq3A_198 = arith.cmpi eq, %iota3A_28, %eq3A_197 : vector<256x2048xi32>
    %jit3A_199 = arith.constant 0x7F800000 : f32
    %broadcast_in_dim3A_200 = vector.broadcast %jit3A_199 : f32 to vector<256x2048xf32>
    %select_n3A_201 = arith.select %eq3A_198, %broadcast_in_dim3A_200, %select_n3A_181 : vector<256x2048xi1>, vector<256x2048xf32>
    %convert_element_type3A_202 = arith.extui %eq3A_198 : vector<256x2048xi1> to vector<256x2048xi32>
    %convert_element_type3A_203 = arith.sitofp %convert_element_type3A_202 : vector<256x2048xi32> to vector<256x2048xf32>
    %dot_general3A_204 = arith.constant dense<0.000000e+00> : vector<256x3xf32>
    %dot_general3A_205 = tpu.matmul %convert_element_type3A_203, %get3A_3, %dot_general3A_204 {dimension_numbers = #tpu.dot_dimension_numbers<[1], [0], [0], [1], [0, 0, 1, 1], [], []>, precision = #tpu.contract_precision<fp32>, transpose_lhs_hint = false} : vector<256x2048xf32>, vector<2048x3xf32>, vector<256x3xf32> -> vector<256x3xf32>
    %reduce_min3A_206 = arith.constant dense<0x7F800000> : vector<256xf32>
    %reduce_min3A_207 = vector.multi_reduction <minimumf>, %select_n3A_201, %reduce_min3A_206 [1] : vector<256x2048xf32> to vector<256xf32>
    %broadcast_in_dim3A_208 = vector.shape_cast %reduce_min3A_207 : vector<256xf32> to vector<256x1xf32>
    %eq3A_209 = vector.broadcast %broadcast_in_dim3A_208 : vector<256x1xf32> to vector<256x2048xf32>
    %eq3A_210 = arith.cmpf oeq, %select_n3A_201, %eq3A_209 : vector<256x2048xf32>
    %jit3A_211 = arith.constant 2048 : i32
    %broadcast_in_dim3A_212 = vector.broadcast %jit3A_211 : i32 to vector<256x2048xi32>
    %select_n3A_213 = arith.select %eq3A_210, %iota3A_28, %broadcast_in_dim3A_212 : vector<256x2048xi1>, vector<256x2048xi32>
    %reduce_min3A_214 = arith.constant dense<2147483647> : vector<256xi32>
    %reduce_min3A_215 = vector.multi_reduction <minsi>, %select_n3A_213, %reduce_min3A_214 [1] : vector<256x2048xi32> to vector<256xi32>
    %broadcast_in_dim3A_216 = vector.shape_cast %reduce_min3A_215 : vector<256xi32> to vector<256x1xi32>
    %eq3A_217 = vector.broadcast %broadcast_in_dim3A_216 : vector<256x1xi32> to vector<256x2048xi32>
    %eq3A_218 = arith.cmpi eq, %iota3A_28, %eq3A_217 : vector<256x2048xi32>
    %jit3A_219 = arith.constant 0x7F800000 : f32
    %broadcast_in_dim3A_220 = vector.broadcast %jit3A_219 : f32 to vector<256x2048xf32>
    %select_n3A_221 = arith.select %eq3A_218, %broadcast_in_dim3A_220, %select_n3A_201 : vector<256x2048xi1>, vector<256x2048xf32>
    %convert_element_type3A_222 = arith.extui %eq3A_218 : vector<256x2048xi1> to vector<256x2048xi32>
    %convert_element_type3A_223 = arith.sitofp %convert_element_type3A_222 : vector<256x2048xi32> to vector<256x2048xf32>
    %dot_general3A_224 = arith.constant dense<0.000000e+00> : vector<256x3xf32>
    %dot_general3A_225 = tpu.matmul %convert_element_type3A_223, %get3A_3, %dot_general3A_224 {dimension_numbers = #tpu.dot_dimension_numbers<[1], [0], [0], [1], [0, 0, 1, 1], [], []>, precision = #tpu.contract_precision<fp32>, transpose_lhs_hint = false} : vector<256x2048xf32>, vector<2048x3xf32>, vector<256x3xf32> -> vector<256x3xf32>
    %reduce_min3A_226 = arith.constant dense<0x7F800000> : vector<256xf32>
    %reduce_min3A_227 = vector.multi_reduction <minimumf>, %select_n3A_221, %reduce_min3A_226 [1] : vector<256x2048xf32> to vector<256xf32>
    %broadcast_in_dim3A_228 = vector.shape_cast %reduce_min3A_227 : vector<256xf32> to vector<256x1xf32>
    %eq3A_229 = vector.broadcast %broadcast_in_dim3A_228 : vector<256x1xf32> to vector<256x2048xf32>
    %eq3A_230 = arith.cmpf oeq, %select_n3A_221, %eq3A_229 : vector<256x2048xf32>
    %jit3A_231 = arith.constant 2048 : i32
    %broadcast_in_dim3A_232 = vector.broadcast %jit3A_231 : i32 to vector<256x2048xi32>
    %select_n3A_233 = arith.select %eq3A_230, %iota3A_28, %broadcast_in_dim3A_232 : vector<256x2048xi1>, vector<256x2048xi32>
    %reduce_min3A_234 = arith.constant dense<2147483647> : vector<256xi32>
    %reduce_min3A_235 = vector.multi_reduction <minsi>, %select_n3A_233, %reduce_min3A_234 [1] : vector<256x2048xi32> to vector<256xi32>
    %broadcast_in_dim3A_236 = vector.shape_cast %reduce_min3A_235 : vector<256xi32> to vector<256x1xi32>
    %eq3A_237 = vector.broadcast %broadcast_in_dim3A_236 : vector<256x1xi32> to vector<256x2048xi32>
    %eq3A_238 = arith.cmpi eq, %iota3A_28, %eq3A_237 : vector<256x2048xi32>
    %jit3A_239 = arith.constant 0x7F800000 : f32
    %broadcast_in_dim3A_240 = vector.broadcast %jit3A_239 : f32 to vector<256x2048xf32>
    %select_n3A_241 = arith.select %eq3A_238, %broadcast_in_dim3A_240, %select_n3A_221 : vector<256x2048xi1>, vector<256x2048xf32>
    %convert_element_type3A_242 = arith.extui %eq3A_238 : vector<256x2048xi1> to vector<256x2048xi32>
    %convert_element_type3A_243 = arith.sitofp %convert_element_type3A_242 : vector<256x2048xi32> to vector<256x2048xf32>
    %dot_general3A_244 = arith.constant dense<0.000000e+00> : vector<256x3xf32>
    %dot_general3A_245 = tpu.matmul %convert_element_type3A_243, %get3A_3, %dot_general3A_244 {dimension_numbers = #tpu.dot_dimension_numbers<[1], [0], [0], [1], [0, 0, 1, 1], [], []>, precision = #tpu.contract_precision<fp32>, transpose_lhs_hint = false} : vector<256x2048xf32>, vector<2048x3xf32>, vector<256x3xf32> -> vector<256x3xf32>
    %reduce_min3A_246 = arith.constant dense<0x7F800000> : vector<256xf32>
    %reduce_min3A_247 = vector.multi_reduction <minimumf>, %select_n3A_241, %reduce_min3A_246 [1] : vector<256x2048xf32> to vector<256xf32>
    %broadcast_in_dim3A_248 = vector.shape_cast %reduce_min3A_247 : vector<256xf32> to vector<256x1xf32>
    %eq3A_249 = vector.broadcast %broadcast_in_dim3A_248 : vector<256x1xf32> to vector<256x2048xf32>
    %eq3A_250 = arith.cmpf oeq, %select_n3A_241, %eq3A_249 : vector<256x2048xf32>
    %jit3A_251 = arith.constant 2048 : i32
    %broadcast_in_dim3A_252 = vector.broadcast %jit3A_251 : i32 to vector<256x2048xi32>
    %select_n3A_253 = arith.select %eq3A_250, %iota3A_28, %broadcast_in_dim3A_252 : vector<256x2048xi1>, vector<256x2048xi32>
    %reduce_min3A_254 = arith.constant dense<2147483647> : vector<256xi32>
    %reduce_min3A_255 = vector.multi_reduction <minsi>, %select_n3A_253, %reduce_min3A_254 [1] : vector<256x2048xi32> to vector<256xi32>
    %broadcast_in_dim3A_256 = vector.shape_cast %reduce_min3A_255 : vector<256xi32> to vector<256x1xi32>
    %eq3A_257 = vector.broadcast %broadcast_in_dim3A_256 : vector<256x1xi32> to vector<256x2048xi32>
    %eq3A_258 = arith.cmpi eq, %iota3A_28, %eq3A_257 : vector<256x2048xi32>
    %jit3A_259 = arith.constant 0x7F800000 : f32
    %broadcast_in_dim3A_260 = vector.broadcast %jit3A_259 : f32 to vector<256x2048xf32>
    %select_n3A_261 = arith.select %eq3A_258, %broadcast_in_dim3A_260, %select_n3A_241 : vector<256x2048xi1>, vector<256x2048xf32>
    %convert_element_type3A_262 = arith.extui %eq3A_258 : vector<256x2048xi1> to vector<256x2048xi32>
    %convert_element_type3A_263 = arith.sitofp %convert_element_type3A_262 : vector<256x2048xi32> to vector<256x2048xf32>
    %dot_general3A_264 = arith.constant dense<0.000000e+00> : vector<256x3xf32>
    %dot_general3A_265 = tpu.matmul %convert_element_type3A_263, %get3A_3, %dot_general3A_264 {dimension_numbers = #tpu.dot_dimension_numbers<[1], [0], [0], [1], [0, 0, 1, 1], [], []>, precision = #tpu.contract_precision<fp32>, transpose_lhs_hint = false} : vector<256x2048xf32>, vector<2048x3xf32>, vector<256x3xf32> -> vector<256x3xf32>
    %reduce_min3A_266 = arith.constant dense<0x7F800000> : vector<256xf32>
    %reduce_min3A_267 = vector.multi_reduction <minimumf>, %select_n3A_261, %reduce_min3A_266 [1] : vector<256x2048xf32> to vector<256xf32>
    %broadcast_in_dim3A_268 = vector.shape_cast %reduce_min3A_267 : vector<256xf32> to vector<256x1xf32>
    %eq3A_269 = vector.broadcast %broadcast_in_dim3A_268 : vector<256x1xf32> to vector<256x2048xf32>
    %eq3A_270 = arith.cmpf oeq, %select_n3A_261, %eq3A_269 : vector<256x2048xf32>
    %jit3A_271 = arith.constant 2048 : i32
    %broadcast_in_dim3A_272 = vector.broadcast %jit3A_271 : i32 to vector<256x2048xi32>
    %select_n3A_273 = arith.select %eq3A_270, %iota3A_28, %broadcast_in_dim3A_272 : vector<256x2048xi1>, vector<256x2048xi32>
    %reduce_min3A_274 = arith.constant dense<2147483647> : vector<256xi32>
    %reduce_min3A_275 = vector.multi_reduction <minsi>, %select_n3A_273, %reduce_min3A_274 [1] : vector<256x2048xi32> to vector<256xi32>
    %broadcast_in_dim3A_276 = vector.shape_cast %reduce_min3A_275 : vector<256xi32> to vector<256x1xi32>
    %eq3A_277 = vector.broadcast %broadcast_in_dim3A_276 : vector<256x1xi32> to vector<256x2048xi32>
    %eq3A_278 = arith.cmpi eq, %iota3A_28, %eq3A_277 : vector<256x2048xi32>
    %jit3A_279 = arith.constant 0x7F800000 : f32
    %broadcast_in_dim3A_280 = vector.broadcast %jit3A_279 : f32 to vector<256x2048xf32>
    %select_n3A_281 = arith.select %eq3A_278, %broadcast_in_dim3A_280, %select_n3A_261 : vector<256x2048xi1>, vector<256x2048xf32>
    %convert_element_type3A_282 = arith.extui %eq3A_278 : vector<256x2048xi1> to vector<256x2048xi32>
    %convert_element_type3A_283 = arith.sitofp %convert_element_type3A_282 : vector<256x2048xi32> to vector<256x2048xf32>
    %dot_general3A_284 = arith.constant dense<0.000000e+00> : vector<256x3xf32>
    %dot_general3A_285 = tpu.matmul %convert_element_type3A_283, %get3A_3, %dot_general3A_284 {dimension_numbers = #tpu.dot_dimension_numbers<[1], [0], [0], [1], [0, 0, 1, 1], [], []>, precision = #tpu.contract_precision<fp32>, transpose_lhs_hint = false} : vector<256x2048xf32>, vector<2048x3xf32>, vector<256x3xf32> -> vector<256x3xf32>
    %reduce_min3A_286 = arith.constant dense<0x7F800000> : vector<256xf32>
    %reduce_min3A_287 = vector.multi_reduction <minimumf>, %select_n3A_281, %reduce_min3A_286 [1] : vector<256x2048xf32> to vector<256xf32>
    %broadcast_in_dim3A_288 = vector.shape_cast %reduce_min3A_287 : vector<256xf32> to vector<256x1xf32>
    %eq3A_289 = vector.broadcast %broadcast_in_dim3A_288 : vector<256x1xf32> to vector<256x2048xf32>
    %eq3A_290 = arith.cmpf oeq, %select_n3A_281, %eq3A_289 : vector<256x2048xf32>
    %jit3A_291 = arith.constant 2048 : i32
    %broadcast_in_dim3A_292 = vector.broadcast %jit3A_291 : i32 to vector<256x2048xi32>
    %select_n3A_293 = arith.select %eq3A_290, %iota3A_28, %broadcast_in_dim3A_292 : vector<256x2048xi1>, vector<256x2048xi32>
    %reduce_min3A_294 = arith.constant dense<2147483647> : vector<256xi32>
    %reduce_min3A_295 = vector.multi_reduction <minsi>, %select_n3A_293, %reduce_min3A_294 [1] : vector<256x2048xi32> to vector<256xi32>
    %broadcast_in_dim3A_296 = vector.shape_cast %reduce_min3A_295 : vector<256xi32> to vector<256x1xi32>
    %eq3A_297 = vector.broadcast %broadcast_in_dim3A_296 : vector<256x1xi32> to vector<256x2048xi32>
    %eq3A_298 = arith.cmpi eq, %iota3A_28, %eq3A_297 : vector<256x2048xi32>
    %jit3A_299 = arith.constant 0x7F800000 : f32
    %broadcast_in_dim3A_300 = vector.broadcast %jit3A_299 : f32 to vector<256x2048xf32>
    %select_n3A_301 = arith.select %eq3A_298, %broadcast_in_dim3A_300, %select_n3A_281 : vector<256x2048xi1>, vector<256x2048xf32>
    %convert_element_type3A_302 = arith.extui %eq3A_298 : vector<256x2048xi1> to vector<256x2048xi32>
    %convert_element_type3A_303 = arith.sitofp %convert_element_type3A_302 : vector<256x2048xi32> to vector<256x2048xf32>
    %dot_general3A_304 = arith.constant dense<0.000000e+00> : vector<256x3xf32>
    %dot_general3A_305 = tpu.matmul %convert_element_type3A_303, %get3A_3, %dot_general3A_304 {dimension_numbers = #tpu.dot_dimension_numbers<[1], [0], [0], [1], [0, 0, 1, 1], [], []>, precision = #tpu.contract_precision<fp32>, transpose_lhs_hint = false} : vector<256x2048xf32>, vector<2048x3xf32>, vector<256x3xf32> -> vector<256x3xf32>
    %reduce_min3A_306 = arith.constant dense<0x7F800000> : vector<256xf32>
    %reduce_min3A_307 = vector.multi_reduction <minimumf>, %select_n3A_301, %reduce_min3A_306 [1] : vector<256x2048xf32> to vector<256xf32>
    %broadcast_in_dim3A_308 = vector.shape_cast %reduce_min3A_307 : vector<256xf32> to vector<256x1xf32>
    %eq3A_309 = vector.broadcast %broadcast_in_dim3A_308 : vector<256x1xf32> to vector<256x2048xf32>
    %eq3A_310 = arith.cmpf oeq, %select_n3A_301, %eq3A_309 : vector<256x2048xf32>
    %jit3A_311 = arith.constant 2048 : i32
    %broadcast_in_dim3A_312 = vector.broadcast %jit3A_311 : i32 to vector<256x2048xi32>
    %select_n3A_313 = arith.select %eq3A_310, %iota3A_28, %broadcast_in_dim3A_312 : vector<256x2048xi1>, vector<256x2048xi32>
    %reduce_min3A_314 = arith.constant dense<2147483647> : vector<256xi32>
    %reduce_min3A_315 = vector.multi_reduction <minsi>, %select_n3A_313, %reduce_min3A_314 [1] : vector<256x2048xi32> to vector<256xi32>
    %broadcast_in_dim3A_316 = vector.shape_cast %reduce_min3A_315 : vector<256xi32> to vector<256x1xi32>
    %eq3A_317 = vector.broadcast %broadcast_in_dim3A_316 : vector<256x1xi32> to vector<256x2048xi32>
    %eq3A_318 = arith.cmpi eq, %iota3A_28, %eq3A_317 : vector<256x2048xi32>
    %jit3A_319 = arith.constant 0x7F800000 : f32
    %broadcast_in_dim3A_320 = vector.broadcast %jit3A_319 : f32 to vector<256x2048xf32>
    %select_n3A_321 = arith.select %eq3A_318, %broadcast_in_dim3A_320, %select_n3A_301 : vector<256x2048xi1>, vector<256x2048xf32>
    %convert_element_type3A_322 = arith.extui %eq3A_318 : vector<256x2048xi1> to vector<256x2048xi32>
    %convert_element_type3A_323 = arith.sitofp %convert_element_type3A_322 : vector<256x2048xi32> to vector<256x2048xf32>
    %dot_general3A_324 = arith.constant dense<0.000000e+00> : vector<256x3xf32>
    %dot_general3A_325 = tpu.matmul %convert_element_type3A_323, %get3A_3, %dot_general3A_324 {dimension_numbers = #tpu.dot_dimension_numbers<[1], [0], [0], [1], [0, 0, 1, 1], [], []>, precision = #tpu.contract_precision<fp32>, transpose_lhs_hint = false} : vector<256x2048xf32>, vector<2048x3xf32>, vector<256x3xf32> -> vector<256x3xf32>
    %reduce_min3A_326 = arith.constant dense<0x7F800000> : vector<256xf32>
    %reduce_min3A_327 = vector.multi_reduction <minimumf>, %select_n3A_321, %reduce_min3A_326 [1] : vector<256x2048xf32> to vector<256xf32>
    %broadcast_in_dim3A_328 = vector.shape_cast %reduce_min3A_327 : vector<256xf32> to vector<256x1xf32>
    %eq3A_329 = vector.broadcast %broadcast_in_dim3A_328 : vector<256x1xf32> to vector<256x2048xf32>
    %eq3A_330 = arith.cmpf oeq, %select_n3A_321, %eq3A_329 : vector<256x2048xf32>
    %jit3A_331 = arith.constant 2048 : i32
    %broadcast_in_dim3A_332 = vector.broadcast %jit3A_331 : i32 to vector<256x2048xi32>
    %select_n3A_333 = arith.select %eq3A_330, %iota3A_28, %broadcast_in_dim3A_332 : vector<256x2048xi1>, vector<256x2048xi32>
    %reduce_min3A_334 = arith.constant dense<2147483647> : vector<256xi32>
    %reduce_min3A_335 = vector.multi_reduction <minsi>, %select_n3A_333, %reduce_min3A_334 [1] : vector<256x2048xi32> to vector<256xi32>
    %broadcast_in_dim3A_336 = vector.shape_cast %reduce_min3A_335 : vector<256xi32> to vector<256x1xi32>
    %eq3A_337 = vector.broadcast %broadcast_in_dim3A_336 : vector<256x1xi32> to vector<256x2048xi32>
    %eq3A_338 = arith.cmpi eq, %iota3A_28, %eq3A_337 : vector<256x2048xi32>
    %convert_element_type3A_339 = arith.extui %eq3A_338 : vector<256x2048xi1> to vector<256x2048xi32>
    %convert_element_type3A_340 = arith.sitofp %convert_element_type3A_339 : vector<256x2048xi32> to vector<256x2048xf32>
    %dot_general3A_341 = arith.constant dense<0.000000e+00> : vector<256x3xf32>
    %dot_general3A_342 = tpu.matmul %convert_element_type3A_340, %get3A_3, %dot_general3A_341 {dimension_numbers = #tpu.dot_dimension_numbers<[1], [0], [0], [1], [0, 0, 1, 1], [], []>, precision = #tpu.contract_precision<fp32>, transpose_lhs_hint = false} : vector<256x2048xf32>, vector<2048x3xf32>, vector<256x3xf32> -> vector<256x3xf32>
    %add3A_343 = arith.addf %dot_general3A_45, %dot_general3A_205 : vector<256x3xf32>
    %add3A_344 = arith.addf %dot_general3A_65, %dot_general3A_225 : vector<256x3xf32>
    %add3A_345 = arith.addf %dot_general3A_85, %dot_general3A_245 : vector<256x3xf32>
    %add3A_346 = arith.addf %dot_general3A_105, %dot_general3A_265 : vector<256x3xf32>
    %add3A_347 = arith.addf %dot_general3A_125, %dot_general3A_285 : vector<256x3xf32>
    %add3A_348 = arith.addf %dot_general3A_145, %dot_general3A_305 : vector<256x3xf32>
    %add3A_349 = arith.addf %dot_general3A_165, %dot_general3A_325 : vector<256x3xf32>
    %add3A_350 = arith.addf %dot_general3A_185, %dot_general3A_342 : vector<256x3xf32>
    %add3A_351 = arith.addf %add3A_343, %add3A_347 : vector<256x3xf32>
    %add3A_352 = arith.addf %add3A_344, %add3A_348 : vector<256x3xf32>
    %add3A_353 = arith.addf %add3A_345, %add3A_349 : vector<256x3xf32>
    %add3A_354 = arith.addf %add3A_346, %add3A_350 : vector<256x3xf32>
    %add3A_355 = arith.addf %add3A_351, %add3A_353 : vector<256x3xf32>
    %add3A_356 = arith.addf %add3A_352, %add3A_354 : vector<256x3xf32>
    %add3A_357 = arith.addf %add3A_355, %add3A_356 : vector<256x3xf32>
    %mul3A_358 = arith.constant 6.250000e-02 : f32
    %mul3A_359 = vector.broadcast %mul3A_358 : f32 to vector<256x3xf32>
    %mul3A_360 = arith.mulf %add3A_357, %mul3A_359 : vector<256x3xf32>
    %sub3A_361 = arith.subf %dot_general3A_45, %mul3A_360 : vector<256x3xf32>
    %convert_element_type3A_362 = arith.truncf %sub3A_361 : vector<256x3xf32> to vector<256x3xbf16>
    %convert_element_type3A_363 = arith.extf %convert_element_type3A_362 : vector<256x3xbf16> to vector<256x3xf32>
    %sub3A_364 = arith.subf %dot_general3A_65, %mul3A_360 : vector<256x3xf32>
    %convert_element_type3A_365 = arith.truncf %sub3A_364 : vector<256x3xf32> to vector<256x3xbf16>
    %convert_element_type3A_366 = arith.extf %convert_element_type3A_365 : vector<256x3xbf16> to vector<256x3xf32>
    %sub3A_367 = arith.subf %dot_general3A_85, %mul3A_360 : vector<256x3xf32>
    %convert_element_type3A_368 = arith.truncf %sub3A_367 : vector<256x3xf32> to vector<256x3xbf16>
    %convert_element_type3A_369 = arith.extf %convert_element_type3A_368 : vector<256x3xbf16> to vector<256x3xf32>
    %sub3A_370 = arith.subf %dot_general3A_105, %mul3A_360 : vector<256x3xf32>
    %convert_element_type3A_371 = arith.truncf %sub3A_370 : vector<256x3xf32> to vector<256x3xbf16>
    %convert_element_type3A_372 = arith.extf %convert_element_type3A_371 : vector<256x3xbf16> to vector<256x3xf32>
    %sub3A_373 = arith.subf %dot_general3A_125, %mul3A_360 : vector<256x3xf32>
    %convert_element_type3A_374 = arith.truncf %sub3A_373 : vector<256x3xf32> to vector<256x3xbf16>
    %convert_element_type3A_375 = arith.extf %convert_element_type3A_374 : vector<256x3xbf16> to vector<256x3xf32>
    %sub3A_376 = arith.subf %dot_general3A_145, %mul3A_360 : vector<256x3xf32>
    %convert_element_type3A_377 = arith.truncf %sub3A_376 : vector<256x3xf32> to vector<256x3xbf16>
    %convert_element_type3A_378 = arith.extf %convert_element_type3A_377 : vector<256x3xbf16> to vector<256x3xf32>
    %sub3A_379 = arith.subf %dot_general3A_165, %mul3A_360 : vector<256x3xf32>
    %convert_element_type3A_380 = arith.truncf %sub3A_379 : vector<256x3xf32> to vector<256x3xbf16>
    %convert_element_type3A_381 = arith.extf %convert_element_type3A_380 : vector<256x3xbf16> to vector<256x3xf32>
    %sub3A_382 = arith.subf %dot_general3A_185, %mul3A_360 : vector<256x3xf32>
    %convert_element_type3A_383 = arith.truncf %sub3A_382 : vector<256x3xf32> to vector<256x3xbf16>
    %convert_element_type3A_384 = arith.extf %convert_element_type3A_383 : vector<256x3xbf16> to vector<256x3xf32>
    %sub3A_385 = arith.subf %dot_general3A_205, %mul3A_360 : vector<256x3xf32>
    %convert_element_type3A_386 = arith.truncf %sub3A_385 : vector<256x3xf32> to vector<256x3xbf16>
    %convert_element_type3A_387 = arith.extf %convert_element_type3A_386 : vector<256x3xbf16> to vector<256x3xf32>
    %sub3A_388 = arith.subf %dot_general3A_225, %mul3A_360 : vector<256x3xf32>
    %convert_element_type3A_389 = arith.truncf %sub3A_388 : vector<256x3xf32> to vector<256x3xbf16>
    %convert_element_type3A_390 = arith.extf %convert_element_type3A_389 : vector<256x3xbf16> to vector<256x3xf32>
    %sub3A_391 = arith.subf %dot_general3A_245, %mul3A_360 : vector<256x3xf32>
    %convert_element_type3A_392 = arith.truncf %sub3A_391 : vector<256x3xf32> to vector<256x3xbf16>
    %convert_element_type3A_393 = arith.extf %convert_element_type3A_392 : vector<256x3xbf16> to vector<256x3xf32>
    %sub3A_394 = arith.subf %dot_general3A_265, %mul3A_360 : vector<256x3xf32>
    %convert_element_type3A_395 = arith.truncf %sub3A_394 : vector<256x3xf32> to vector<256x3xbf16>
    %convert_element_type3A_396 = arith.extf %convert_element_type3A_395 : vector<256x3xbf16> to vector<256x3xf32>
    %sub3A_397 = arith.subf %dot_general3A_285, %mul3A_360 : vector<256x3xf32>
    %convert_element_type3A_398 = arith.truncf %sub3A_397 : vector<256x3xf32> to vector<256x3xbf16>
    %convert_element_type3A_399 = arith.extf %convert_element_type3A_398 : vector<256x3xbf16> to vector<256x3xf32>
    %sub3A_400 = arith.subf %dot_general3A_305, %mul3A_360 : vector<256x3xf32>
    %convert_element_type3A_401 = arith.truncf %sub3A_400 : vector<256x3xf32> to vector<256x3xbf16>
    %convert_element_type3A_402 = arith.extf %convert_element_type3A_401 : vector<256x3xbf16> to vector<256x3xf32>
    %sub3A_403 = arith.subf %dot_general3A_325, %mul3A_360 : vector<256x3xf32>
    %convert_element_type3A_404 = arith.truncf %sub3A_403 : vector<256x3xf32> to vector<256x3xbf16>
    %convert_element_type3A_405 = arith.extf %convert_element_type3A_404 : vector<256x3xbf16> to vector<256x3xf32>
    %sub3A_406 = arith.subf %dot_general3A_342, %mul3A_360 : vector<256x3xf32>
    %convert_element_type3A_407 = arith.truncf %sub3A_406 : vector<256x3xf32> to vector<256x3xbf16>
    %convert_element_type3A_408 = arith.extf %convert_element_type3A_407 : vector<256x3xbf16> to vector<256x3xf32>
    %slice3A = vector.extract_strided_slice %convert_element_type3A_363 {offsets = [0, 0], sizes = [256, 1], strides = [1, 1]} : vector<256x3xf32> to vector<256x1xf32>
    %slice3A_409 = vector.extract_strided_slice %convert_element_type3A_363 {offsets = [0, 0], sizes = [256, 1], strides = [1, 1]} : vector<256x3xf32> to vector<256x1xf32>
    %mul3A_410 = arith.mulf %slice3A, %slice3A_409 : vector<256x1xf32>
    %slice3A_411 = vector.extract_strided_slice %convert_element_type3A_366 {offsets = [0, 0], sizes = [256, 1], strides = [1, 1]} : vector<256x3xf32> to vector<256x1xf32>
    %slice3A_412 = vector.extract_strided_slice %convert_element_type3A_366 {offsets = [0, 0], sizes = [256, 1], strides = [1, 1]} : vector<256x3xf32> to vector<256x1xf32>
    %mul3A_413 = arith.mulf %slice3A_411, %slice3A_412 : vector<256x1xf32>
    %slice3A_414 = vector.extract_strided_slice %convert_element_type3A_369 {offsets = [0, 0], sizes = [256, 1], strides = [1, 1]} : vector<256x3xf32> to vector<256x1xf32>
    %slice3A_415 = vector.extract_strided_slice %convert_element_type3A_369 {offsets = [0, 0], sizes = [256, 1], strides = [1, 1]} : vector<256x3xf32> to vector<256x1xf32>
    %mul3A_416 = arith.mulf %slice3A_414, %slice3A_415 : vector<256x1xf32>
    %slice3A_417 = vector.extract_strided_slice %convert_element_type3A_372 {offsets = [0, 0], sizes = [256, 1], strides = [1, 1]} : vector<256x3xf32> to vector<256x1xf32>
    %slice3A_418 = vector.extract_strided_slice %convert_element_type3A_372 {offsets = [0, 0], sizes = [256, 1], strides = [1, 1]} : vector<256x3xf32> to vector<256x1xf32>
    %mul3A_419 = arith.mulf %slice3A_417, %slice3A_418 : vector<256x1xf32>
    %slice3A_420 = vector.extract_strided_slice %convert_element_type3A_375 {offsets = [0, 0], sizes = [256, 1], strides = [1, 1]} : vector<256x3xf32> to vector<256x1xf32>
    %slice3A_421 = vector.extract_strided_slice %convert_element_type3A_375 {offsets = [0, 0], sizes = [256, 1], strides = [1, 1]} : vector<256x3xf32> to vector<256x1xf32>
    %mul3A_422 = arith.mulf %slice3A_420, %slice3A_421 : vector<256x1xf32>
    %slice3A_423 = vector.extract_strided_slice %convert_element_type3A_378 {offsets = [0, 0], sizes = [256, 1], strides = [1, 1]} : vector<256x3xf32> to vector<256x1xf32>
    %slice3A_424 = vector.extract_strided_slice %convert_element_type3A_378 {offsets = [0, 0], sizes = [256, 1], strides = [1, 1]} : vector<256x3xf32> to vector<256x1xf32>
    %mul3A_425 = arith.mulf %slice3A_423, %slice3A_424 : vector<256x1xf32>
    %slice3A_426 = vector.extract_strided_slice %convert_element_type3A_381 {offsets = [0, 0], sizes = [256, 1], strides = [1, 1]} : vector<256x3xf32> to vector<256x1xf32>
    %slice3A_427 = vector.extract_strided_slice %convert_element_type3A_381 {offsets = [0, 0], sizes = [256, 1], strides = [1, 1]} : vector<256x3xf32> to vector<256x1xf32>
    %mul3A_428 = arith.mulf %slice3A_426, %slice3A_427 : vector<256x1xf32>
    %slice3A_429 = vector.extract_strided_slice %convert_element_type3A_384 {offsets = [0, 0], sizes = [256, 1], strides = [1, 1]} : vector<256x3xf32> to vector<256x1xf32>
    %slice3A_430 = vector.extract_strided_slice %convert_element_type3A_384 {offsets = [0, 0], sizes = [256, 1], strides = [1, 1]} : vector<256x3xf32> to vector<256x1xf32>
    %mul3A_431 = arith.mulf %slice3A_429, %slice3A_430 : vector<256x1xf32>
    %slice3A_432 = vector.extract_strided_slice %convert_element_type3A_387 {offsets = [0, 0], sizes = [256, 1], strides = [1, 1]} : vector<256x3xf32> to vector<256x1xf32>
    %slice3A_433 = vector.extract_strided_slice %convert_element_type3A_387 {offsets = [0, 0], sizes = [256, 1], strides = [1, 1]} : vector<256x3xf32> to vector<256x1xf32>
    %mul3A_434 = arith.mulf %slice3A_432, %slice3A_433 : vector<256x1xf32>
    %slice3A_435 = vector.extract_strided_slice %convert_element_type3A_390 {offsets = [0, 0], sizes = [256, 1], strides = [1, 1]} : vector<256x3xf32> to vector<256x1xf32>
    %slice3A_436 = vector.extract_strided_slice %convert_element_type3A_390 {offsets = [0, 0], sizes = [256, 1], strides = [1, 1]} : vector<256x3xf32> to vector<256x1xf32>
    %mul3A_437 = arith.mulf %slice3A_435, %slice3A_436 : vector<256x1xf32>
    %slice3A_438 = vector.extract_strided_slice %convert_element_type3A_393 {offsets = [0, 0], sizes = [256, 1], strides = [1, 1]} : vector<256x3xf32> to vector<256x1xf32>
    %slice3A_439 = vector.extract_strided_slice %convert_element_type3A_393 {offsets = [0, 0], sizes = [256, 1], strides = [1, 1]} : vector<256x3xf32> to vector<256x1xf32>
    %mul3A_440 = arith.mulf %slice3A_438, %slice3A_439 : vector<256x1xf32>
    %slice3A_441 = vector.extract_strided_slice %convert_element_type3A_396 {offsets = [0, 0], sizes = [256, 1], strides = [1, 1]} : vector<256x3xf32> to vector<256x1xf32>
    %slice3A_442 = vector.extract_strided_slice %convert_element_type3A_396 {offsets = [0, 0], sizes = [256, 1], strides = [1, 1]} : vector<256x3xf32> to vector<256x1xf32>
    %mul3A_443 = arith.mulf %slice3A_441, %slice3A_442 : vector<256x1xf32>
    %slice3A_444 = vector.extract_strided_slice %convert_element_type3A_399 {offsets = [0, 0], sizes = [256, 1], strides = [1, 1]} : vector<256x3xf32> to vector<256x1xf32>
    %slice3A_445 = vector.extract_strided_slice %convert_element_type3A_399 {offsets = [0, 0], sizes = [256, 1], strides = [1, 1]} : vector<256x3xf32> to vector<256x1xf32>
    %mul3A_446 = arith.mulf %slice3A_444, %slice3A_445 : vector<256x1xf32>
    %slice3A_447 = vector.extract_strided_slice %convert_element_type3A_402 {offsets = [0, 0], sizes = [256, 1], strides = [1, 1]} : vector<256x3xf32> to vector<256x1xf32>
    %slice3A_448 = vector.extract_strided_slice %convert_element_type3A_402 {offsets = [0, 0], sizes = [256, 1], strides = [1, 1]} : vector<256x3xf32> to vector<256x1xf32>
    %mul3A_449 = arith.mulf %slice3A_447, %slice3A_448 : vector<256x1xf32>
    %slice3A_450 = vector.extract_strided_slice %convert_element_type3A_405 {offsets = [0, 0], sizes = [256, 1], strides = [1, 1]} : vector<256x3xf32> to vector<256x1xf32>
    %slice3A_451 = vector.extract_strided_slice %convert_element_type3A_405 {offsets = [0, 0], sizes = [256, 1], strides = [1, 1]} : vector<256x3xf32> to vector<256x1xf32>
    %mul3A_452 = arith.mulf %slice3A_450, %slice3A_451 : vector<256x1xf32>
    %slice3A_453 = vector.extract_strided_slice %convert_element_type3A_408 {offsets = [0, 0], sizes = [256, 1], strides = [1, 1]} : vector<256x3xf32> to vector<256x1xf32>
    %slice3A_454 = vector.extract_strided_slice %convert_element_type3A_408 {offsets = [0, 0], sizes = [256, 1], strides = [1, 1]} : vector<256x3xf32> to vector<256x1xf32>
    %mul3A_455 = arith.mulf %slice3A_453, %slice3A_454 : vector<256x1xf32>
    %add3A_456 = arith.addf %mul3A_410, %mul3A_413 : vector<256x1xf32>
    %add3A_457 = arith.addf %mul3A_416, %mul3A_419 : vector<256x1xf32>
    %add3A_458 = arith.addf %mul3A_422, %mul3A_425 : vector<256x1xf32>
    %add3A_459 = arith.addf %mul3A_428, %mul3A_431 : vector<256x1xf32>
    %add3A_460 = arith.addf %mul3A_434, %mul3A_437 : vector<256x1xf32>
    %add3A_461 = arith.addf %mul3A_440, %mul3A_443 : vector<256x1xf32>
    %add3A_462 = arith.addf %mul3A_446, %mul3A_449 : vector<256x1xf32>
    %add3A_463 = arith.addf %mul3A_452, %mul3A_455 : vector<256x1xf32>
    %add3A_464 = arith.addf %add3A_456, %add3A_457 : vector<256x1xf32>
    %add3A_465 = arith.addf %add3A_458, %add3A_459 : vector<256x1xf32>
    %add3A_466 = arith.addf %add3A_460, %add3A_461 : vector<256x1xf32>
    %add3A_467 = arith.addf %add3A_462, %add3A_463 : vector<256x1xf32>
    %add3A_468 = arith.addf %add3A_464, %add3A_465 : vector<256x1xf32>
    %add3A_469 = arith.addf %add3A_466, %add3A_467 : vector<256x1xf32>
    %add3A_470 = arith.addf %add3A_468, %add3A_469 : vector<256x1xf32>
    %mul3A_471 = arith.constant 6.250000e-02 : f32
    %mul3A_472 = vector.broadcast %mul3A_471 : f32 to vector<256x1xf32>
    %mul3A_473 = arith.mulf %add3A_470, %mul3A_472 : vector<256x1xf32>
    %slice3A_474 = vector.extract_strided_slice %convert_element_type3A_363 {offsets = [0, 0], sizes = [256, 1], strides = [1, 1]} : vector<256x3xf32> to vector<256x1xf32>
    %slice3A_475 = vector.extract_strided_slice %convert_element_type3A_363 {offsets = [0, 1], sizes = [256, 1], strides = [1, 1]} : vector<256x3xf32> to vector<256x1xf32>
    %mul3A_476 = arith.mulf %slice3A_474, %slice3A_475 : vector<256x1xf32>
    %slice3A_477 = vector.extract_strided_slice %convert_element_type3A_366 {offsets = [0, 0], sizes = [256, 1], strides = [1, 1]} : vector<256x3xf32> to vector<256x1xf32>
    %slice3A_478 = vector.extract_strided_slice %convert_element_type3A_366 {offsets = [0, 1], sizes = [256, 1], strides = [1, 1]} : vector<256x3xf32> to vector<256x1xf32>
    %mul3A_479 = arith.mulf %slice3A_477, %slice3A_478 : vector<256x1xf32>
    %slice3A_480 = vector.extract_strided_slice %convert_element_type3A_369 {offsets = [0, 0], sizes = [256, 1], strides = [1, 1]} : vector<256x3xf32> to vector<256x1xf32>
    %slice3A_481 = vector.extract_strided_slice %convert_element_type3A_369 {offsets = [0, 1], sizes = [256, 1], strides = [1, 1]} : vector<256x3xf32> to vector<256x1xf32>
    %mul3A_482 = arith.mulf %slice3A_480, %slice3A_481 : vector<256x1xf32>
    %slice3A_483 = vector.extract_strided_slice %convert_element_type3A_372 {offsets = [0, 0], sizes = [256, 1], strides = [1, 1]} : vector<256x3xf32> to vector<256x1xf32>
    %slice3A_484 = vector.extract_strided_slice %convert_element_type3A_372 {offsets = [0, 1], sizes = [256, 1], strides = [1, 1]} : vector<256x3xf32> to vector<256x1xf32>
    %mul3A_485 = arith.mulf %slice3A_483, %slice3A_484 : vector<256x1xf32>
    %slice3A_486 = vector.extract_strided_slice %convert_element_type3A_375 {offsets = [0, 0], sizes = [256, 1], strides = [1, 1]} : vector<256x3xf32> to vector<256x1xf32>
    %slice3A_487 = vector.extract_strided_slice %convert_element_type3A_375 {offsets = [0, 1], sizes = [256, 1], strides = [1, 1]} : vector<256x3xf32> to vector<256x1xf32>
    %mul3A_488 = arith.mulf %slice3A_486, %slice3A_487 : vector<256x1xf32>
    %slice3A_489 = vector.extract_strided_slice %convert_element_type3A_378 {offsets = [0, 0], sizes = [256, 1], strides = [1, 1]} : vector<256x3xf32> to vector<256x1xf32>
    %slice3A_490 = vector.extract_strided_slice %convert_element_type3A_378 {offsets = [0, 1], sizes = [256, 1], strides = [1, 1]} : vector<256x3xf32> to vector<256x1xf32>
    %mul3A_491 = arith.mulf %slice3A_489, %slice3A_490 : vector<256x1xf32>
    %slice3A_492 = vector.extract_strided_slice %convert_element_type3A_381 {offsets = [0, 0], sizes = [256, 1], strides = [1, 1]} : vector<256x3xf32> to vector<256x1xf32>
    %slice3A_493 = vector.extract_strided_slice %convert_element_type3A_381 {offsets = [0, 1], sizes = [256, 1], strides = [1, 1]} : vector<256x3xf32> to vector<256x1xf32>
    %mul3A_494 = arith.mulf %slice3A_492, %slice3A_493 : vector<256x1xf32>
    %slice3A_495 = vector.extract_strided_slice %convert_element_type3A_384 {offsets = [0, 0], sizes = [256, 1], strides = [1, 1]} : vector<256x3xf32> to vector<256x1xf32>
    %slice3A_496 = vector.extract_strided_slice %convert_element_type3A_384 {offsets = [0, 1], sizes = [256, 1], strides = [1, 1]} : vector<256x3xf32> to vector<256x1xf32>
    %mul3A_497 = arith.mulf %slice3A_495, %slice3A_496 : vector<256x1xf32>
    %slice3A_498 = vector.extract_strided_slice %convert_element_type3A_387 {offsets = [0, 0], sizes = [256, 1], strides = [1, 1]} : vector<256x3xf32> to vector<256x1xf32>
    %slice3A_499 = vector.extract_strided_slice %convert_element_type3A_387 {offsets = [0, 1], sizes = [256, 1], strides = [1, 1]} : vector<256x3xf32> to vector<256x1xf32>
    %mul3A_500 = arith.mulf %slice3A_498, %slice3A_499 : vector<256x1xf32>
    %slice3A_501 = vector.extract_strided_slice %convert_element_type3A_390 {offsets = [0, 0], sizes = [256, 1], strides = [1, 1]} : vector<256x3xf32> to vector<256x1xf32>
    %slice3A_502 = vector.extract_strided_slice %convert_element_type3A_390 {offsets = [0, 1], sizes = [256, 1], strides = [1, 1]} : vector<256x3xf32> to vector<256x1xf32>
    %mul3A_503 = arith.mulf %slice3A_501, %slice3A_502 : vector<256x1xf32>
    %slice3A_504 = vector.extract_strided_slice %convert_element_type3A_393 {offsets = [0, 0], sizes = [256, 1], strides = [1, 1]} : vector<256x3xf32> to vector<256x1xf32>
    %slice3A_505 = vector.extract_strided_slice %convert_element_type3A_393 {offsets = [0, 1], sizes = [256, 1], strides = [1, 1]} : vector<256x3xf32> to vector<256x1xf32>
    %mul3A_506 = arith.mulf %slice3A_504, %slice3A_505 : vector<256x1xf32>
    %slice3A_507 = vector.extract_strided_slice %convert_element_type3A_396 {offsets = [0, 0], sizes = [256, 1], strides = [1, 1]} : vector<256x3xf32> to vector<256x1xf32>
    %slice3A_508 = vector.extract_strided_slice %convert_element_type3A_396 {offsets = [0, 1], sizes = [256, 1], strides = [1, 1]} : vector<256x3xf32> to vector<256x1xf32>
    %mul3A_509 = arith.mulf %slice3A_507, %slice3A_508 : vector<256x1xf32>
    %slice3A_510 = vector.extract_strided_slice %convert_element_type3A_399 {offsets = [0, 0], sizes = [256, 1], strides = [1, 1]} : vector<256x3xf32> to vector<256x1xf32>
    %slice3A_511 = vector.extract_strided_slice %convert_element_type3A_399 {offsets = [0, 1], sizes = [256, 1], strides = [1, 1]} : vector<256x3xf32> to vector<256x1xf32>
    %mul3A_512 = arith.mulf %slice3A_510, %slice3A_511 : vector<256x1xf32>
    %slice3A_513 = vector.extract_strided_slice %convert_element_type3A_402 {offsets = [0, 0], sizes = [256, 1], strides = [1, 1]} : vector<256x3xf32> to vector<256x1xf32>
    %slice3A_514 = vector.extract_strided_slice %convert_element_type3A_402 {offsets = [0, 1], sizes = [256, 1], strides = [1, 1]} : vector<256x3xf32> to vector<256x1xf32>
    %mul3A_515 = arith.mulf %slice3A_513, %slice3A_514 : vector<256x1xf32>
    %slice3A_516 = vector.extract_strided_slice %convert_element_type3A_405 {offsets = [0, 0], sizes = [256, 1], strides = [1, 1]} : vector<256x3xf32> to vector<256x1xf32>
    %slice3A_517 = vector.extract_strided_slice %convert_element_type3A_405 {offsets = [0, 1], sizes = [256, 1], strides = [1, 1]} : vector<256x3xf32> to vector<256x1xf32>
    %mul3A_518 = arith.mulf %slice3A_516, %slice3A_517 : vector<256x1xf32>
    %slice3A_519 = vector.extract_strided_slice %convert_element_type3A_408 {offsets = [0, 0], sizes = [256, 1], strides = [1, 1]} : vector<256x3xf32> to vector<256x1xf32>
    %slice3A_520 = vector.extract_strided_slice %convert_element_type3A_408 {offsets = [0, 1], sizes = [256, 1], strides = [1, 1]} : vector<256x3xf32> to vector<256x1xf32>
    %mul3A_521 = arith.mulf %slice3A_519, %slice3A_520 : vector<256x1xf32>
    %add3A_522 = arith.addf %mul3A_476, %mul3A_479 : vector<256x1xf32>
    %add3A_523 = arith.addf %mul3A_482, %mul3A_485 : vector<256x1xf32>
    %add3A_524 = arith.addf %mul3A_488, %mul3A_491 : vector<256x1xf32>
    %add3A_525 = arith.addf %mul3A_494, %mul3A_497 : vector<256x1xf32>
    %add3A_526 = arith.addf %mul3A_500, %mul3A_503 : vector<256x1xf32>
    %add3A_527 = arith.addf %mul3A_506, %mul3A_509 : vector<256x1xf32>
    %add3A_528 = arith.addf %mul3A_512, %mul3A_515 : vector<256x1xf32>
    %add3A_529 = arith.addf %mul3A_518, %mul3A_521 : vector<256x1xf32>
    %add3A_530 = arith.addf %add3A_522, %add3A_523 : vector<256x1xf32>
    %add3A_531 = arith.addf %add3A_524, %add3A_525 : vector<256x1xf32>
    %add3A_532 = arith.addf %add3A_526, %add3A_527 : vector<256x1xf32>
    %add3A_533 = arith.addf %add3A_528, %add3A_529 : vector<256x1xf32>
    %add3A_534 = arith.addf %add3A_530, %add3A_531 : vector<256x1xf32>
    %add3A_535 = arith.addf %add3A_532, %add3A_533 : vector<256x1xf32>
    %add3A_536 = arith.addf %add3A_534, %add3A_535 : vector<256x1xf32>
    %mul3A_537 = arith.constant 6.250000e-02 : f32
    %mul3A_538 = vector.broadcast %mul3A_537 : f32 to vector<256x1xf32>
    %mul3A_539 = arith.mulf %add3A_536, %mul3A_538 : vector<256x1xf32>
    %slice3A_540 = vector.extract_strided_slice %convert_element_type3A_363 {offsets = [0, 0], sizes = [256, 1], strides = [1, 1]} : vector<256x3xf32> to vector<256x1xf32>
    %slice3A_541 = vector.extract_strided_slice %convert_element_type3A_363 {offsets = [0, 2], sizes = [256, 1], strides = [1, 1]} : vector<256x3xf32> to vector<256x1xf32>
    %mul3A_542 = arith.mulf %slice3A_540, %slice3A_541 : vector<256x1xf32>
    %slice3A_543 = vector.extract_strided_slice %convert_element_type3A_366 {offsets = [0, 0], sizes = [256, 1], strides = [1, 1]} : vector<256x3xf32> to vector<256x1xf32>
    %slice3A_544 = vector.extract_strided_slice %convert_element_type3A_366 {offsets = [0, 2], sizes = [256, 1], strides = [1, 1]} : vector<256x3xf32> to vector<256x1xf32>
    %mul3A_545 = arith.mulf %slice3A_543, %slice3A_544 : vector<256x1xf32>
    %slice3A_546 = vector.extract_strided_slice %convert_element_type3A_369 {offsets = [0, 0], sizes = [256, 1], strides = [1, 1]} : vector<256x3xf32> to vector<256x1xf32>
    %slice3A_547 = vector.extract_strided_slice %convert_element_type3A_369 {offsets = [0, 2], sizes = [256, 1], strides = [1, 1]} : vector<256x3xf32> to vector<256x1xf32>
    %mul3A_548 = arith.mulf %slice3A_546, %slice3A_547 : vector<256x1xf32>
    %slice3A_549 = vector.extract_strided_slice %convert_element_type3A_372 {offsets = [0, 0], sizes = [256, 1], strides = [1, 1]} : vector<256x3xf32> to vector<256x1xf32>
    %slice3A_550 = vector.extract_strided_slice %convert_element_type3A_372 {offsets = [0, 2], sizes = [256, 1], strides = [1, 1]} : vector<256x3xf32> to vector<256x1xf32>
    %mul3A_551 = arith.mulf %slice3A_549, %slice3A_550 : vector<256x1xf32>
    %slice3A_552 = vector.extract_strided_slice %convert_element_type3A_375 {offsets = [0, 0], sizes = [256, 1], strides = [1, 1]} : vector<256x3xf32> to vector<256x1xf32>
    %slice3A_553 = vector.extract_strided_slice %convert_element_type3A_375 {offsets = [0, 2], sizes = [256, 1], strides = [1, 1]} : vector<256x3xf32> to vector<256x1xf32>
    %mul3A_554 = arith.mulf %slice3A_552, %slice3A_553 : vector<256x1xf32>
    %slice3A_555 = vector.extract_strided_slice %convert_element_type3A_378 {offsets = [0, 0], sizes = [256, 1], strides = [1, 1]} : vector<256x3xf32> to vector<256x1xf32>
    %slice3A_556 = vector.extract_strided_slice %convert_element_type3A_378 {offsets = [0, 2], sizes = [256, 1], strides = [1, 1]} : vector<256x3xf32> to vector<256x1xf32>
    %mul3A_557 = arith.mulf %slice3A_555, %slice3A_556 : vector<256x1xf32>
    %slice3A_558 = vector.extract_strided_slice %convert_element_type3A_381 {offsets = [0, 0], sizes = [256, 1], strides = [1, 1]} : vector<256x3xf32> to vector<256x1xf32>
    %slice3A_559 = vector.extract_strided_slice %convert_element_type3A_381 {offsets = [0, 2], sizes = [256, 1], strides = [1, 1]} : vector<256x3xf32> to vector<256x1xf32>
    %mul3A_560 = arith.mulf %slice3A_558, %slice3A_559 : vector<256x1xf32>
    %slice3A_561 = vector.extract_strided_slice %convert_element_type3A_384 {offsets = [0, 0], sizes = [256, 1], strides = [1, 1]} : vector<256x3xf32> to vector<256x1xf32>
    %slice3A_562 = vector.extract_strided_slice %convert_element_type3A_384 {offsets = [0, 2], sizes = [256, 1], strides = [1, 1]} : vector<256x3xf32> to vector<256x1xf32>
    %mul3A_563 = arith.mulf %slice3A_561, %slice3A_562 : vector<256x1xf32>
    %slice3A_564 = vector.extract_strided_slice %convert_element_type3A_387 {offsets = [0, 0], sizes = [256, 1], strides = [1, 1]} : vector<256x3xf32> to vector<256x1xf32>
    %slice3A_565 = vector.extract_strided_slice %convert_element_type3A_387 {offsets = [0, 2], sizes = [256, 1], strides = [1, 1]} : vector<256x3xf32> to vector<256x1xf32>
    %mul3A_566 = arith.mulf %slice3A_564, %slice3A_565 : vector<256x1xf32>
    %slice3A_567 = vector.extract_strided_slice %convert_element_type3A_390 {offsets = [0, 0], sizes = [256, 1], strides = [1, 1]} : vector<256x3xf32> to vector<256x1xf32>
    %slice3A_568 = vector.extract_strided_slice %convert_element_type3A_390 {offsets = [0, 2], sizes = [256, 1], strides = [1, 1]} : vector<256x3xf32> to vector<256x1xf32>
    %mul3A_569 = arith.mulf %slice3A_567, %slice3A_568 : vector<256x1xf32>
    %slice3A_570 = vector.extract_strided_slice %convert_element_type3A_393 {offsets = [0, 0], sizes = [256, 1], strides = [1, 1]} : vector<256x3xf32> to vector<256x1xf32>
    %slice3A_571 = vector.extract_strided_slice %convert_element_type3A_393 {offsets = [0, 2], sizes = [256, 1], strides = [1, 1]} : vector<256x3xf32> to vector<256x1xf32>
    %mul3A_572 = arith.mulf %slice3A_570, %slice3A_571 : vector<256x1xf32>
    %slice3A_573 = vector.extract_strided_slice %convert_element_type3A_396 {offsets = [0, 0], sizes = [256, 1], strides = [1, 1]} : vector<256x3xf32> to vector<256x1xf32>
    %slice3A_574 = vector.extract_strided_slice %convert_element_type3A_396 {offsets = [0, 2], sizes = [256, 1], strides = [1, 1]} : vector<256x3xf32> to vector<256x1xf32>
    %mul3A_575 = arith.mulf %slice3A_573, %slice3A_574 : vector<256x1xf32>
    %slice3A_576 = vector.extract_strided_slice %convert_element_type3A_399 {offsets = [0, 0], sizes = [256, 1], strides = [1, 1]} : vector<256x3xf32> to vector<256x1xf32>
    %slice3A_577 = vector.extract_strided_slice %convert_element_type3A_399 {offsets = [0, 2], sizes = [256, 1], strides = [1, 1]} : vector<256x3xf32> to vector<256x1xf32>
    %mul3A_578 = arith.mulf %slice3A_576, %slice3A_577 : vector<256x1xf32>
    %slice3A_579 = vector.extract_strided_slice %convert_element_type3A_402 {offsets = [0, 0], sizes = [256, 1], strides = [1, 1]} : vector<256x3xf32> to vector<256x1xf32>
    %slice3A_580 = vector.extract_strided_slice %convert_element_type3A_402 {offsets = [0, 2], sizes = [256, 1], strides = [1, 1]} : vector<256x3xf32> to vector<256x1xf32>
    %mul3A_581 = arith.mulf %slice3A_579, %slice3A_580 : vector<256x1xf32>
    %slice3A_582 = vector.extract_strided_slice %convert_element_type3A_405 {offsets = [0, 0], sizes = [256, 1], strides = [1, 1]} : vector<256x3xf32> to vector<256x1xf32>
    %slice3A_583 = vector.extract_strided_slice %convert_element_type3A_405 {offsets = [0, 2], sizes = [256, 1], strides = [1, 1]} : vector<256x3xf32> to vector<256x1xf32>
    %mul3A_584 = arith.mulf %slice3A_582, %slice3A_583 : vector<256x1xf32>
    %slice3A_585 = vector.extract_strided_slice %convert_element_type3A_408 {offsets = [0, 0], sizes = [256, 1], strides = [1, 1]} : vector<256x3xf32> to vector<256x1xf32>
    %slice3A_586 = vector.extract_strided_slice %convert_element_type3A_408 {offsets = [0, 2], sizes = [256, 1], strides = [1, 1]} : vector<256x3xf32> to vector<256x1xf32>
    %mul3A_587 = arith.mulf %slice3A_585, %slice3A_586 : vector<256x1xf32>
    %add3A_588 = arith.addf %mul3A_542, %mul3A_545 : vector<256x1xf32>
    %add3A_589 = arith.addf %mul3A_548, %mul3A_551 : vector<256x1xf32>
    %add3A_590 = arith.addf %mul3A_554, %mul3A_557 : vector<256x1xf32>
    %add3A_591 = arith.addf %mul3A_560, %mul3A_563 : vector<256x1xf32>
    %add3A_592 = arith.addf %mul3A_566, %mul3A_569 : vector<256x1xf32>
    %add3A_593 = arith.addf %mul3A_572, %mul3A_575 : vector<256x1xf32>
    %add3A_594 = arith.addf %mul3A_578, %mul3A_581 : vector<256x1xf32>
    %add3A_595 = arith.addf %mul3A_584, %mul3A_587 : vector<256x1xf32>
    %add3A_596 = arith.addf %add3A_588, %add3A_589 : vector<256x1xf32>
    %add3A_597 = arith.addf %add3A_590, %add3A_591 : vector<256x1xf32>
    %add3A_598 = arith.addf %add3A_592, %add3A_593 : vector<256x1xf32>
    %add3A_599 = arith.addf %add3A_594, %add3A_595 : vector<256x1xf32>
    %add3A_600 = arith.addf %add3A_596, %add3A_597 : vector<256x1xf32>
    %add3A_601 = arith.addf %add3A_598, %add3A_599 : vector<256x1xf32>
    %add3A_602 = arith.addf %add3A_600, %add3A_601 : vector<256x1xf32>
    %mul3A_603 = arith.constant 6.250000e-02 : f32
    %mul3A_604 = vector.broadcast %mul3A_603 : f32 to vector<256x1xf32>
    %mul3A_605 = arith.mulf %add3A_602, %mul3A_604 : vector<256x1xf32>
    %slice3A_606 = vector.extract_strided_slice %convert_element_type3A_363 {offsets = [0, 1], sizes = [256, 1], strides = [1, 1]} : vector<256x3xf32> to vector<256x1xf32>
    %slice3A_607 = vector.extract_strided_slice %convert_element_type3A_363 {offsets = [0, 0], sizes = [256, 1], strides = [1, 1]} : vector<256x3xf32> to vector<256x1xf32>
    %mul3A_608 = arith.mulf %slice3A_606, %slice3A_607 : vector<256x1xf32>
    %slice3A_609 = vector.extract_strided_slice %convert_element_type3A_366 {offsets = [0, 1], sizes = [256, 1], strides = [1, 1]} : vector<256x3xf32> to vector<256x1xf32>
    %slice3A_610 = vector.extract_strided_slice %convert_element_type3A_366 {offsets = [0, 0], sizes = [256, 1], strides = [1, 1]} : vector<256x3xf32> to vector<256x1xf32>
    %mul3A_611 = arith.mulf %slice3A_609, %slice3A_610 : vector<256x1xf32>
    %slice3A_612 = vector.extract_strided_slice %convert_element_type3A_369 {offsets = [0, 1], sizes = [256, 1], strides = [1, 1]} : vector<256x3xf32> to vector<256x1xf32>
    %slice3A_613 = vector.extract_strided_slice %convert_element_type3A_369 {offsets = [0, 0], sizes = [256, 1], strides = [1, 1]} : vector<256x3xf32> to vector<256x1xf32>
    %mul3A_614 = arith.mulf %slice3A_612, %slice3A_613 : vector<256x1xf32>
    %slice3A_615 = vector.extract_strided_slice %convert_element_type3A_372 {offsets = [0, 1], sizes = [256, 1], strides = [1, 1]} : vector<256x3xf32> to vector<256x1xf32>
    %slice3A_616 = vector.extract_strided_slice %convert_element_type3A_372 {offsets = [0, 0], sizes = [256, 1], strides = [1, 1]} : vector<256x3xf32> to vector<256x1xf32>
    %mul3A_617 = arith.mulf %slice3A_615, %slice3A_616 : vector<256x1xf32>
    %slice3A_618 = vector.extract_strided_slice %convert_element_type3A_375 {offsets = [0, 1], sizes = [256, 1], strides = [1, 1]} : vector<256x3xf32> to vector<256x1xf32>
    %slice3A_619 = vector.extract_strided_slice %convert_element_type3A_375 {offsets = [0, 0], sizes = [256, 1], strides = [1, 1]} : vector<256x3xf32> to vector<256x1xf32>
    %mul3A_620 = arith.mulf %slice3A_618, %slice3A_619 : vector<256x1xf32>
    %slice3A_621 = vector.extract_strided_slice %convert_element_type3A_378 {offsets = [0, 1], sizes = [256, 1], strides = [1, 1]} : vector<256x3xf32> to vector<256x1xf32>
    %slice3A_622 = vector.extract_strided_slice %convert_element_type3A_378 {offsets = [0, 0], sizes = [256, 1], strides = [1, 1]} : vector<256x3xf32> to vector<256x1xf32>
    %mul3A_623 = arith.mulf %slice3A_621, %slice3A_622 : vector<256x1xf32>
    %slice3A_624 = vector.extract_strided_slice %convert_element_type3A_381 {offsets = [0, 1], sizes = [256, 1], strides = [1, 1]} : vector<256x3xf32> to vector<256x1xf32>
    %slice3A_625 = vector.extract_strided_slice %convert_element_type3A_381 {offsets = [0, 0], sizes = [256, 1], strides = [1, 1]} : vector<256x3xf32> to vector<256x1xf32>
    %mul3A_626 = arith.mulf %slice3A_624, %slice3A_625 : vector<256x1xf32>
    %slice3A_627 = vector.extract_strided_slice %convert_element_type3A_384 {offsets = [0, 1], sizes = [256, 1], strides = [1, 1]} : vector<256x3xf32> to vector<256x1xf32>
    %slice3A_628 = vector.extract_strided_slice %convert_element_type3A_384 {offsets = [0, 0], sizes = [256, 1], strides = [1, 1]} : vector<256x3xf32> to vector<256x1xf32>
    %mul3A_629 = arith.mulf %slice3A_627, %slice3A_628 : vector<256x1xf32>
    %slice3A_630 = vector.extract_strided_slice %convert_element_type3A_387 {offsets = [0, 1], sizes = [256, 1], strides = [1, 1]} : vector<256x3xf32> to vector<256x1xf32>
    %slice3A_631 = vector.extract_strided_slice %convert_element_type3A_387 {offsets = [0, 0], sizes = [256, 1], strides = [1, 1]} : vector<256x3xf32> to vector<256x1xf32>
    %mul3A_632 = arith.mulf %slice3A_630, %slice3A_631 : vector<256x1xf32>
    %slice3A_633 = vector.extract_strided_slice %convert_element_type3A_390 {offsets = [0, 1], sizes = [256, 1], strides = [1, 1]} : vector<256x3xf32> to vector<256x1xf32>
    %slice3A_634 = vector.extract_strided_slice %convert_element_type3A_390 {offsets = [0, 0], sizes = [256, 1], strides = [1, 1]} : vector<256x3xf32> to vector<256x1xf32>
    %mul3A_635 = arith.mulf %slice3A_633, %slice3A_634 : vector<256x1xf32>
    %slice3A_636 = vector.extract_strided_slice %convert_element_type3A_393 {offsets = [0, 1], sizes = [256, 1], strides = [1, 1]} : vector<256x3xf32> to vector<256x1xf32>
    %slice3A_637 = vector.extract_strided_slice %convert_element_type3A_393 {offsets = [0, 0], sizes = [256, 1], strides = [1, 1]} : vector<256x3xf32> to vector<256x1xf32>
    %mul3A_638 = arith.mulf %slice3A_636, %slice3A_637 : vector<256x1xf32>
    %slice3A_639 = vector.extract_strided_slice %convert_element_type3A_396 {offsets = [0, 1], sizes = [256, 1], strides = [1, 1]} : vector<256x3xf32> to vector<256x1xf32>
    %slice3A_640 = vector.extract_strided_slice %convert_element_type3A_396 {offsets = [0, 0], sizes = [256, 1], strides = [1, 1]} : vector<256x3xf32> to vector<256x1xf32>
    %mul3A_641 = arith.mulf %slice3A_639, %slice3A_640 : vector<256x1xf32>
    %slice3A_642 = vector.extract_strided_slice %convert_element_type3A_399 {offsets = [0, 1], sizes = [256, 1], strides = [1, 1]} : vector<256x3xf32> to vector<256x1xf32>
    %slice3A_643 = vector.extract_strided_slice %convert_element_type3A_399 {offsets = [0, 0], sizes = [256, 1], strides = [1, 1]} : vector<256x3xf32> to vector<256x1xf32>
    %mul3A_644 = arith.mulf %slice3A_642, %slice3A_643 : vector<256x1xf32>
    %slice3A_645 = vector.extract_strided_slice %convert_element_type3A_402 {offsets = [0, 1], sizes = [256, 1], strides = [1, 1]} : vector<256x3xf32> to vector<256x1xf32>
    %slice3A_646 = vector.extract_strided_slice %convert_element_type3A_402 {offsets = [0, 0], sizes = [256, 1], strides = [1, 1]} : vector<256x3xf32> to vector<256x1xf32>
    %mul3A_647 = arith.mulf %slice3A_645, %slice3A_646 : vector<256x1xf32>
    %slice3A_648 = vector.extract_strided_slice %convert_element_type3A_405 {offsets = [0, 1], sizes = [256, 1], strides = [1, 1]} : vector<256x3xf32> to vector<256x1xf32>
    %slice3A_649 = vector.extract_strided_slice %convert_element_type3A_405 {offsets = [0, 0], sizes = [256, 1], strides = [1, 1]} : vector<256x3xf32> to vector<256x1xf32>
    %mul3A_650 = arith.mulf %slice3A_648, %slice3A_649 : vector<256x1xf32>
    %slice3A_651 = vector.extract_strided_slice %convert_element_type3A_408 {offsets = [0, 1], sizes = [256, 1], strides = [1, 1]} : vector<256x3xf32> to vector<256x1xf32>
    %slice3A_652 = vector.extract_strided_slice %convert_element_type3A_408 {offsets = [0, 0], sizes = [256, 1], strides = [1, 1]} : vector<256x3xf32> to vector<256x1xf32>
    %mul3A_653 = arith.mulf %slice3A_651, %slice3A_652 : vector<256x1xf32>
    %add3A_654 = arith.addf %mul3A_608, %mul3A_611 : vector<256x1xf32>
    %add3A_655 = arith.addf %mul3A_614, %mul3A_617 : vector<256x1xf32>
    %add3A_656 = arith.addf %mul3A_620, %mul3A_623 : vector<256x1xf32>
    %add3A_657 = arith.addf %mul3A_626, %mul3A_629 : vector<256x1xf32>
    %add3A_658 = arith.addf %mul3A_632, %mul3A_635 : vector<256x1xf32>
    %add3A_659 = arith.addf %mul3A_638, %mul3A_641 : vector<256x1xf32>
    %add3A_660 = arith.addf %mul3A_644, %mul3A_647 : vector<256x1xf32>
    %add3A_661 = arith.addf %mul3A_650, %mul3A_653 : vector<256x1xf32>
    %add3A_662 = arith.addf %add3A_654, %add3A_655 : vector<256x1xf32>
    %add3A_663 = arith.addf %add3A_656, %add3A_657 : vector<256x1xf32>
    %add3A_664 = arith.addf %add3A_658, %add3A_659 : vector<256x1xf32>
    %add3A_665 = arith.addf %add3A_660, %add3A_661 : vector<256x1xf32>
    %add3A_666 = arith.addf %add3A_662, %add3A_663 : vector<256x1xf32>
    %add3A_667 = arith.addf %add3A_664, %add3A_665 : vector<256x1xf32>
    %add3A_668 = arith.addf %add3A_666, %add3A_667 : vector<256x1xf32>
    %mul3A_669 = arith.constant 6.250000e-02 : f32
    %mul3A_670 = vector.broadcast %mul3A_669 : f32 to vector<256x1xf32>
    %mul3A_671 = arith.mulf %add3A_668, %mul3A_670 : vector<256x1xf32>
    %slice3A_672 = vector.extract_strided_slice %convert_element_type3A_363 {offsets = [0, 1], sizes = [256, 1], strides = [1, 1]} : vector<256x3xf32> to vector<256x1xf32>
    %slice3A_673 = vector.extract_strided_slice %convert_element_type3A_363 {offsets = [0, 1], sizes = [256, 1], strides = [1, 1]} : vector<256x3xf32> to vector<256x1xf32>
    %mul3A_674 = arith.mulf %slice3A_672, %slice3A_673 : vector<256x1xf32>
    %slice3A_675 = vector.extract_strided_slice %convert_element_type3A_366 {offsets = [0, 1], sizes = [256, 1], strides = [1, 1]} : vector<256x3xf32> to vector<256x1xf32>
    %slice3A_676 = vector.extract_strided_slice %convert_element_type3A_366 {offsets = [0, 1], sizes = [256, 1], strides = [1, 1]} : vector<256x3xf32> to vector<256x1xf32>
    %mul3A_677 = arith.mulf %slice3A_675, %slice3A_676 : vector<256x1xf32>
    %slice3A_678 = vector.extract_strided_slice %convert_element_type3A_369 {offsets = [0, 1], sizes = [256, 1], strides = [1, 1]} : vector<256x3xf32> to vector<256x1xf32>
    %slice3A_679 = vector.extract_strided_slice %convert_element_type3A_369 {offsets = [0, 1], sizes = [256, 1], strides = [1, 1]} : vector<256x3xf32> to vector<256x1xf32>
    %mul3A_680 = arith.mulf %slice3A_678, %slice3A_679 : vector<256x1xf32>
    %slice3A_681 = vector.extract_strided_slice %convert_element_type3A_372 {offsets = [0, 1], sizes = [256, 1], strides = [1, 1]} : vector<256x3xf32> to vector<256x1xf32>
    %slice3A_682 = vector.extract_strided_slice %convert_element_type3A_372 {offsets = [0, 1], sizes = [256, 1], strides = [1, 1]} : vector<256x3xf32> to vector<256x1xf32>
    %mul3A_683 = arith.mulf %slice3A_681, %slice3A_682 : vector<256x1xf32>
    %slice3A_684 = vector.extract_strided_slice %convert_element_type3A_375 {offsets = [0, 1], sizes = [256, 1], strides = [1, 1]} : vector<256x3xf32> to vector<256x1xf32>
    %slice3A_685 = vector.extract_strided_slice %convert_element_type3A_375 {offsets = [0, 1], sizes = [256, 1], strides = [1, 1]} : vector<256x3xf32> to vector<256x1xf32>
    %mul3A_686 = arith.mulf %slice3A_684, %slice3A_685 : vector<256x1xf32>
    %slice3A_687 = vector.extract_strided_slice %convert_element_type3A_378 {offsets = [0, 1], sizes = [256, 1], strides = [1, 1]} : vector<256x3xf32> to vector<256x1xf32>
    %slice3A_688 = vector.extract_strided_slice %convert_element_type3A_378 {offsets = [0, 1], sizes = [256, 1], strides = [1, 1]} : vector<256x3xf32> to vector<256x1xf32>
    %mul3A_689 = arith.mulf %slice3A_687, %slice3A_688 : vector<256x1xf32>
    %slice3A_690 = vector.extract_strided_slice %convert_element_type3A_381 {offsets = [0, 1], sizes = [256, 1], strides = [1, 1]} : vector<256x3xf32> to vector<256x1xf32>
    %slice3A_691 = vector.extract_strided_slice %convert_element_type3A_381 {offsets = [0, 1], sizes = [256, 1], strides = [1, 1]} : vector<256x3xf32> to vector<256x1xf32>
    %mul3A_692 = arith.mulf %slice3A_690, %slice3A_691 : vector<256x1xf32>
    %slice3A_693 = vector.extract_strided_slice %convert_element_type3A_384 {offsets = [0, 1], sizes = [256, 1], strides = [1, 1]} : vector<256x3xf32> to vector<256x1xf32>
    %slice3A_694 = vector.extract_strided_slice %convert_element_type3A_384 {offsets = [0, 1], sizes = [256, 1], strides = [1, 1]} : vector<256x3xf32> to vector<256x1xf32>
    %mul3A_695 = arith.mulf %slice3A_693, %slice3A_694 : vector<256x1xf32>
    %slice3A_696 = vector.extract_strided_slice %convert_element_type3A_387 {offsets = [0, 1], sizes = [256, 1], strides = [1, 1]} : vector<256x3xf32> to vector<256x1xf32>
    %slice3A_697 = vector.extract_strided_slice %convert_element_type3A_387 {offsets = [0, 1], sizes = [256, 1], strides = [1, 1]} : vector<256x3xf32> to vector<256x1xf32>
    %mul3A_698 = arith.mulf %slice3A_696, %slice3A_697 : vector<256x1xf32>
    %slice3A_699 = vector.extract_strided_slice %convert_element_type3A_390 {offsets = [0, 1], sizes = [256, 1], strides = [1, 1]} : vector<256x3xf32> to vector<256x1xf32>
    %slice3A_700 = vector.extract_strided_slice %convert_element_type3A_390 {offsets = [0, 1], sizes = [256, 1], strides = [1, 1]} : vector<256x3xf32> to vector<256x1xf32>
    %mul3A_701 = arith.mulf %slice3A_699, %slice3A_700 : vector<256x1xf32>
    %slice3A_702 = vector.extract_strided_slice %convert_element_type3A_393 {offsets = [0, 1], sizes = [256, 1], strides = [1, 1]} : vector<256x3xf32> to vector<256x1xf32>
    %slice3A_703 = vector.extract_strided_slice %convert_element_type3A_393 {offsets = [0, 1], sizes = [256, 1], strides = [1, 1]} : vector<256x3xf32> to vector<256x1xf32>
    %mul3A_704 = arith.mulf %slice3A_702, %slice3A_703 : vector<256x1xf32>
    %slice3A_705 = vector.extract_strided_slice %convert_element_type3A_396 {offsets = [0, 1], sizes = [256, 1], strides = [1, 1]} : vector<256x3xf32> to vector<256x1xf32>
    %slice3A_706 = vector.extract_strided_slice %convert_element_type3A_396 {offsets = [0, 1], sizes = [256, 1], strides = [1, 1]} : vector<256x3xf32> to vector<256x1xf32>
    %mul3A_707 = arith.mulf %slice3A_705, %slice3A_706 : vector<256x1xf32>
    %slice3A_708 = vector.extract_strided_slice %convert_element_type3A_399 {offsets = [0, 1], sizes = [256, 1], strides = [1, 1]} : vector<256x3xf32> to vector<256x1xf32>
    %slice3A_709 = vector.extract_strided_slice %convert_element_type3A_399 {offsets = [0, 1], sizes = [256, 1], strides = [1, 1]} : vector<256x3xf32> to vector<256x1xf32>
    %mul3A_710 = arith.mulf %slice3A_708, %slice3A_709 : vector<256x1xf32>
    %slice3A_711 = vector.extract_strided_slice %convert_element_type3A_402 {offsets = [0, 1], sizes = [256, 1], strides = [1, 1]} : vector<256x3xf32> to vector<256x1xf32>
    %slice3A_712 = vector.extract_strided_slice %convert_element_type3A_402 {offsets = [0, 1], sizes = [256, 1], strides = [1, 1]} : vector<256x3xf32> to vector<256x1xf32>
    %mul3A_713 = arith.mulf %slice3A_711, %slice3A_712 : vector<256x1xf32>
    %slice3A_714 = vector.extract_strided_slice %convert_element_type3A_405 {offsets = [0, 1], sizes = [256, 1], strides = [1, 1]} : vector<256x3xf32> to vector<256x1xf32>
    %slice3A_715 = vector.extract_strided_slice %convert_element_type3A_405 {offsets = [0, 1], sizes = [256, 1], strides = [1, 1]} : vector<256x3xf32> to vector<256x1xf32>
    %mul3A_716 = arith.mulf %slice3A_714, %slice3A_715 : vector<256x1xf32>
    %slice3A_717 = vector.extract_strided_slice %convert_element_type3A_408 {offsets = [0, 1], sizes = [256, 1], strides = [1, 1]} : vector<256x3xf32> to vector<256x1xf32>
    %slice3A_718 = vector.extract_strided_slice %convert_element_type3A_408 {offsets = [0, 1], sizes = [256, 1], strides = [1, 1]} : vector<256x3xf32> to vector<256x1xf32>
    %mul3A_719 = arith.mulf %slice3A_717, %slice3A_718 : vector<256x1xf32>
    %add3A_720 = arith.addf %mul3A_674, %mul3A_677 : vector<256x1xf32>
    %add3A_721 = arith.addf %mul3A_680, %mul3A_683 : vector<256x1xf32>
    %add3A_722 = arith.addf %mul3A_686, %mul3A_689 : vector<256x1xf32>
    %add3A_723 = arith.addf %mul3A_692, %mul3A_695 : vector<256x1xf32>
    %add3A_724 = arith.addf %mul3A_698, %mul3A_701 : vector<256x1xf32>
    %add3A_725 = arith.addf %mul3A_704, %mul3A_707 : vector<256x1xf32>
    %add3A_726 = arith.addf %mul3A_710, %mul3A_713 : vector<256x1xf32>
    %add3A_727 = arith.addf %mul3A_716, %mul3A_719 : vector<256x1xf32>
    %add3A_728 = arith.addf %add3A_720, %add3A_721 : vector<256x1xf32>
    %add3A_729 = arith.addf %add3A_722, %add3A_723 : vector<256x1xf32>
    %add3A_730 = arith.addf %add3A_724, %add3A_725 : vector<256x1xf32>
    %add3A_731 = arith.addf %add3A_726, %add3A_727 : vector<256x1xf32>
    %add3A_732 = arith.addf %add3A_728, %add3A_729 : vector<256x1xf32>
    %add3A_733 = arith.addf %add3A_730, %add3A_731 : vector<256x1xf32>
    %add3A_734 = arith.addf %add3A_732, %add3A_733 : vector<256x1xf32>
    %mul3A_735 = arith.constant 6.250000e-02 : f32
    %mul3A_736 = vector.broadcast %mul3A_735 : f32 to vector<256x1xf32>
    %mul3A_737 = arith.mulf %add3A_734, %mul3A_736 : vector<256x1xf32>
    %slice3A_738 = vector.extract_strided_slice %convert_element_type3A_363 {offsets = [0, 1], sizes = [256, 1], strides = [1, 1]} : vector<256x3xf32> to vector<256x1xf32>
    %slice3A_739 = vector.extract_strided_slice %convert_element_type3A_363 {offsets = [0, 2], sizes = [256, 1], strides = [1, 1]} : vector<256x3xf32> to vector<256x1xf32>
    %mul3A_740 = arith.mulf %slice3A_738, %slice3A_739 : vector<256x1xf32>
    %slice3A_741 = vector.extract_strided_slice %convert_element_type3A_366 {offsets = [0, 1], sizes = [256, 1], strides = [1, 1]} : vector<256x3xf32> to vector<256x1xf32>
    %slice3A_742 = vector.extract_strided_slice %convert_element_type3A_366 {offsets = [0, 2], sizes = [256, 1], strides = [1, 1]} : vector<256x3xf32> to vector<256x1xf32>
    %mul3A_743 = arith.mulf %slice3A_741, %slice3A_742 : vector<256x1xf32>
    %slice3A_744 = vector.extract_strided_slice %convert_element_type3A_369 {offsets = [0, 1], sizes = [256, 1], strides = [1, 1]} : vector<256x3xf32> to vector<256x1xf32>
    %slice3A_745 = vector.extract_strided_slice %convert_element_type3A_369 {offsets = [0, 2], sizes = [256, 1], strides = [1, 1]} : vector<256x3xf32> to vector<256x1xf32>
    %mul3A_746 = arith.mulf %slice3A_744, %slice3A_745 : vector<256x1xf32>
    %slice3A_747 = vector.extract_strided_slice %convert_element_type3A_372 {offsets = [0, 1], sizes = [256, 1], strides = [1, 1]} : vector<256x3xf32> to vector<256x1xf32>
    %slice3A_748 = vector.extract_strided_slice %convert_element_type3A_372 {offsets = [0, 2], sizes = [256, 1], strides = [1, 1]} : vector<256x3xf32> to vector<256x1xf32>
    %mul3A_749 = arith.mulf %slice3A_747, %slice3A_748 : vector<256x1xf32>
    %slice3A_750 = vector.extract_strided_slice %convert_element_type3A_375 {offsets = [0, 1], sizes = [256, 1], strides = [1, 1]} : vector<256x3xf32> to vector<256x1xf32>
    %slice3A_751 = vector.extract_strided_slice %convert_element_type3A_375 {offsets = [0, 2], sizes = [256, 1], strides = [1, 1]} : vector<256x3xf32> to vector<256x1xf32>
    %mul3A_752 = arith.mulf %slice3A_750, %slice3A_751 : vector<256x1xf32>
    %slice3A_753 = vector.extract_strided_slice %convert_element_type3A_378 {offsets = [0, 1], sizes = [256, 1], strides = [1, 1]} : vector<256x3xf32> to vector<256x1xf32>
    %slice3A_754 = vector.extract_strided_slice %convert_element_type3A_378 {offsets = [0, 2], sizes = [256, 1], strides = [1, 1]} : vector<256x3xf32> to vector<256x1xf32>
    %mul3A_755 = arith.mulf %slice3A_753, %slice3A_754 : vector<256x1xf32>
    %slice3A_756 = vector.extract_strided_slice %convert_element_type3A_381 {offsets = [0, 1], sizes = [256, 1], strides = [1, 1]} : vector<256x3xf32> to vector<256x1xf32>
    %slice3A_757 = vector.extract_strided_slice %convert_element_type3A_381 {offsets = [0, 2], sizes = [256, 1], strides = [1, 1]} : vector<256x3xf32> to vector<256x1xf32>
    %mul3A_758 = arith.mulf %slice3A_756, %slice3A_757 : vector<256x1xf32>
    %slice3A_759 = vector.extract_strided_slice %convert_element_type3A_384 {offsets = [0, 1], sizes = [256, 1], strides = [1, 1]} : vector<256x3xf32> to vector<256x1xf32>
    %slice3A_760 = vector.extract_strided_slice %convert_element_type3A_384 {offsets = [0, 2], sizes = [256, 1], strides = [1, 1]} : vector<256x3xf32> to vector<256x1xf32>
    %mul3A_761 = arith.mulf %slice3A_759, %slice3A_760 : vector<256x1xf32>
    %slice3A_762 = vector.extract_strided_slice %convert_element_type3A_387 {offsets = [0, 1], sizes = [256, 1], strides = [1, 1]} : vector<256x3xf32> to vector<256x1xf32>
    %slice3A_763 = vector.extract_strided_slice %convert_element_type3A_387 {offsets = [0, 2], sizes = [256, 1], strides = [1, 1]} : vector<256x3xf32> to vector<256x1xf32>
    %mul3A_764 = arith.mulf %slice3A_762, %slice3A_763 : vector<256x1xf32>
    %slice3A_765 = vector.extract_strided_slice %convert_element_type3A_390 {offsets = [0, 1], sizes = [256, 1], strides = [1, 1]} : vector<256x3xf32> to vector<256x1xf32>
    %slice3A_766 = vector.extract_strided_slice %convert_element_type3A_390 {offsets = [0, 2], sizes = [256, 1], strides = [1, 1]} : vector<256x3xf32> to vector<256x1xf32>
    %mul3A_767 = arith.mulf %slice3A_765, %slice3A_766 : vector<256x1xf32>
    %slice3A_768 = vector.extract_strided_slice %convert_element_type3A_393 {offsets = [0, 1], sizes = [256, 1], strides = [1, 1]} : vector<256x3xf32> to vector<256x1xf32>
    %slice3A_769 = vector.extract_strided_slice %convert_element_type3A_393 {offsets = [0, 2], sizes = [256, 1], strides = [1, 1]} : vector<256x3xf32> to vector<256x1xf32>
    %mul3A_770 = arith.mulf %slice3A_768, %slice3A_769 : vector<256x1xf32>
    %slice3A_771 = vector.extract_strided_slice %convert_element_type3A_396 {offsets = [0, 1], sizes = [256, 1], strides = [1, 1]} : vector<256x3xf32> to vector<256x1xf32>
    %slice3A_772 = vector.extract_strided_slice %convert_element_type3A_396 {offsets = [0, 2], sizes = [256, 1], strides = [1, 1]} : vector<256x3xf32> to vector<256x1xf32>
    %mul3A_773 = arith.mulf %slice3A_771, %slice3A_772 : vector<256x1xf32>
    %slice3A_774 = vector.extract_strided_slice %convert_element_type3A_399 {offsets = [0, 1], sizes = [256, 1], strides = [1, 1]} : vector<256x3xf32> to vector<256x1xf32>
    %slice3A_775 = vector.extract_strided_slice %convert_element_type3A_399 {offsets = [0, 2], sizes = [256, 1], strides = [1, 1]} : vector<256x3xf32> to vector<256x1xf32>
    %mul3A_776 = arith.mulf %slice3A_774, %slice3A_775 : vector<256x1xf32>
    %slice3A_777 = vector.extract_strided_slice %convert_element_type3A_402 {offsets = [0, 1], sizes = [256, 1], strides = [1, 1]} : vector<256x3xf32> to vector<256x1xf32>
    %slice3A_778 = vector.extract_strided_slice %convert_element_type3A_402 {offsets = [0, 2], sizes = [256, 1], strides = [1, 1]} : vector<256x3xf32> to vector<256x1xf32>
    %mul3A_779 = arith.mulf %slice3A_777, %slice3A_778 : vector<256x1xf32>
    %slice3A_780 = vector.extract_strided_slice %convert_element_type3A_405 {offsets = [0, 1], sizes = [256, 1], strides = [1, 1]} : vector<256x3xf32> to vector<256x1xf32>
    %slice3A_781 = vector.extract_strided_slice %convert_element_type3A_405 {offsets = [0, 2], sizes = [256, 1], strides = [1, 1]} : vector<256x3xf32> to vector<256x1xf32>
    %mul3A_782 = arith.mulf %slice3A_780, %slice3A_781 : vector<256x1xf32>
    %slice3A_783 = vector.extract_strided_slice %convert_element_type3A_408 {offsets = [0, 1], sizes = [256, 1], strides = [1, 1]} : vector<256x3xf32> to vector<256x1xf32>
    %slice3A_784 = vector.extract_strided_slice %convert_element_type3A_408 {offsets = [0, 2], sizes = [256, 1], strides = [1, 1]} : vector<256x3xf32> to vector<256x1xf32>
    %mul3A_785 = arith.mulf %slice3A_783, %slice3A_784 : vector<256x1xf32>
    %add3A_786 = arith.addf %mul3A_740, %mul3A_743 : vector<256x1xf32>
    %add3A_787 = arith.addf %mul3A_746, %mul3A_749 : vector<256x1xf32>
    %add3A_788 = arith.addf %mul3A_752, %mul3A_755 : vector<256x1xf32>
    %add3A_789 = arith.addf %mul3A_758, %mul3A_761 : vector<256x1xf32>
    %add3A_790 = arith.addf %mul3A_764, %mul3A_767 : vector<256x1xf32>
    %add3A_791 = arith.addf %mul3A_770, %mul3A_773 : vector<256x1xf32>
    %add3A_792 = arith.addf %mul3A_776, %mul3A_779 : vector<256x1xf32>
    %add3A_793 = arith.addf %mul3A_782, %mul3A_785 : vector<256x1xf32>
    %add3A_794 = arith.addf %add3A_786, %add3A_787 : vector<256x1xf32>
    %add3A_795 = arith.addf %add3A_788, %add3A_789 : vector<256x1xf32>
    %add3A_796 = arith.addf %add3A_790, %add3A_791 : vector<256x1xf32>
    %add3A_797 = arith.addf %add3A_792, %add3A_793 : vector<256x1xf32>
    %add3A_798 = arith.addf %add3A_794, %add3A_795 : vector<256x1xf32>
    %add3A_799 = arith.addf %add3A_796, %add3A_797 : vector<256x1xf32>
    %add3A_800 = arith.addf %add3A_798, %add3A_799 : vector<256x1xf32>
    %mul3A_801 = arith.constant 6.250000e-02 : f32
    %mul3A_802 = vector.broadcast %mul3A_801 : f32 to vector<256x1xf32>
    %mul3A_803 = arith.mulf %add3A_800, %mul3A_802 : vector<256x1xf32>
    %slice3A_804 = vector.extract_strided_slice %convert_element_type3A_363 {offsets = [0, 2], sizes = [256, 1], strides = [1, 1]} : vector<256x3xf32> to vector<256x1xf32>
    %slice3A_805 = vector.extract_strided_slice %convert_element_type3A_363 {offsets = [0, 0], sizes = [256, 1], strides = [1, 1]} : vector<256x3xf32> to vector<256x1xf32>
    %mul3A_806 = arith.mulf %slice3A_804, %slice3A_805 : vector<256x1xf32>
    %slice3A_807 = vector.extract_strided_slice %convert_element_type3A_366 {offsets = [0, 2], sizes = [256, 1], strides = [1, 1]} : vector<256x3xf32> to vector<256x1xf32>
    %slice3A_808 = vector.extract_strided_slice %convert_element_type3A_366 {offsets = [0, 0], sizes = [256, 1], strides = [1, 1]} : vector<256x3xf32> to vector<256x1xf32>
    %mul3A_809 = arith.mulf %slice3A_807, %slice3A_808 : vector<256x1xf32>
    %slice3A_810 = vector.extract_strided_slice %convert_element_type3A_369 {offsets = [0, 2], sizes = [256, 1], strides = [1, 1]} : vector<256x3xf32> to vector<256x1xf32>
    %slice3A_811 = vector.extract_strided_slice %convert_element_type3A_369 {offsets = [0, 0], sizes = [256, 1], strides = [1, 1]} : vector<256x3xf32> to vector<256x1xf32>
    %mul3A_812 = arith.mulf %slice3A_810, %slice3A_811 : vector<256x1xf32>
    %slice3A_813 = vector.extract_strided_slice %convert_element_type3A_372 {offsets = [0, 2], sizes = [256, 1], strides = [1, 1]} : vector<256x3xf32> to vector<256x1xf32>
    %slice3A_814 = vector.extract_strided_slice %convert_element_type3A_372 {offsets = [0, 0], sizes = [256, 1], strides = [1, 1]} : vector<256x3xf32> to vector<256x1xf32>
    %mul3A_815 = arith.mulf %slice3A_813, %slice3A_814 : vector<256x1xf32>
    %slice3A_816 = vector.extract_strided_slice %convert_element_type3A_375 {offsets = [0, 2], sizes = [256, 1], strides = [1, 1]} : vector<256x3xf32> to vector<256x1xf32>
    %slice3A_817 = vector.extract_strided_slice %convert_element_type3A_375 {offsets = [0, 0], sizes = [256, 1], strides = [1, 1]} : vector<256x3xf32> to vector<256x1xf32>
    %mul3A_818 = arith.mulf %slice3A_816, %slice3A_817 : vector<256x1xf32>
    %slice3A_819 = vector.extract_strided_slice %convert_element_type3A_378 {offsets = [0, 2], sizes = [256, 1], strides = [1, 1]} : vector<256x3xf32> to vector<256x1xf32>
    %slice3A_820 = vector.extract_strided_slice %convert_element_type3A_378 {offsets = [0, 0], sizes = [256, 1], strides = [1, 1]} : vector<256x3xf32> to vector<256x1xf32>
    %mul3A_821 = arith.mulf %slice3A_819, %slice3A_820 : vector<256x1xf32>
    %slice3A_822 = vector.extract_strided_slice %convert_element_type3A_381 {offsets = [0, 2], sizes = [256, 1], strides = [1, 1]} : vector<256x3xf32> to vector<256x1xf32>
    %slice3A_823 = vector.extract_strided_slice %convert_element_type3A_381 {offsets = [0, 0], sizes = [256, 1], strides = [1, 1]} : vector<256x3xf32> to vector<256x1xf32>
    %mul3A_824 = arith.mulf %slice3A_822, %slice3A_823 : vector<256x1xf32>
    %slice3A_825 = vector.extract_strided_slice %convert_element_type3A_384 {offsets = [0, 2], sizes = [256, 1], strides = [1, 1]} : vector<256x3xf32> to vector<256x1xf32>
    %slice3A_826 = vector.extract_strided_slice %convert_element_type3A_384 {offsets = [0, 0], sizes = [256, 1], strides = [1, 1]} : vector<256x3xf32> to vector<256x1xf32>
    %mul3A_827 = arith.mulf %slice3A_825, %slice3A_826 : vector<256x1xf32>
    %slice3A_828 = vector.extract_strided_slice %convert_element_type3A_387 {offsets = [0, 2], sizes = [256, 1], strides = [1, 1]} : vector<256x3xf32> to vector<256x1xf32>
    %slice3A_829 = vector.extract_strided_slice %convert_element_type3A_387 {offsets = [0, 0], sizes = [256, 1], strides = [1, 1]} : vector<256x3xf32> to vector<256x1xf32>
    %mul3A_830 = arith.mulf %slice3A_828, %slice3A_829 : vector<256x1xf32>
    %slice3A_831 = vector.extract_strided_slice %convert_element_type3A_390 {offsets = [0, 2], sizes = [256, 1], strides = [1, 1]} : vector<256x3xf32> to vector<256x1xf32>
    %slice3A_832 = vector.extract_strided_slice %convert_element_type3A_390 {offsets = [0, 0], sizes = [256, 1], strides = [1, 1]} : vector<256x3xf32> to vector<256x1xf32>
    %mul3A_833 = arith.mulf %slice3A_831, %slice3A_832 : vector<256x1xf32>
    %slice3A_834 = vector.extract_strided_slice %convert_element_type3A_393 {offsets = [0, 2], sizes = [256, 1], strides = [1, 1]} : vector<256x3xf32> to vector<256x1xf32>
    %slice3A_835 = vector.extract_strided_slice %convert_element_type3A_393 {offsets = [0, 0], sizes = [256, 1], strides = [1, 1]} : vector<256x3xf32> to vector<256x1xf32>
    %mul3A_836 = arith.mulf %slice3A_834, %slice3A_835 : vector<256x1xf32>
    %slice3A_837 = vector.extract_strided_slice %convert_element_type3A_396 {offsets = [0, 2], sizes = [256, 1], strides = [1, 1]} : vector<256x3xf32> to vector<256x1xf32>
    %slice3A_838 = vector.extract_strided_slice %convert_element_type3A_396 {offsets = [0, 0], sizes = [256, 1], strides = [1, 1]} : vector<256x3xf32> to vector<256x1xf32>
    %mul3A_839 = arith.mulf %slice3A_837, %slice3A_838 : vector<256x1xf32>
    %slice3A_840 = vector.extract_strided_slice %convert_element_type3A_399 {offsets = [0, 2], sizes = [256, 1], strides = [1, 1]} : vector<256x3xf32> to vector<256x1xf32>
    %slice3A_841 = vector.extract_strided_slice %convert_element_type3A_399 {offsets = [0, 0], sizes = [256, 1], strides = [1, 1]} : vector<256x3xf32> to vector<256x1xf32>
    %mul3A_842 = arith.mulf %slice3A_840, %slice3A_841 : vector<256x1xf32>
    %slice3A_843 = vector.extract_strided_slice %convert_element_type3A_402 {offsets = [0, 2], sizes = [256, 1], strides = [1, 1]} : vector<256x3xf32> to vector<256x1xf32>
    %slice3A_844 = vector.extract_strided_slice %convert_element_type3A_402 {offsets = [0, 0], sizes = [256, 1], strides = [1, 1]} : vector<256x3xf32> to vector<256x1xf32>
    %mul3A_845 = arith.mulf %slice3A_843, %slice3A_844 : vector<256x1xf32>
    %slice3A_846 = vector.extract_strided_slice %convert_element_type3A_405 {offsets = [0, 2], sizes = [256, 1], strides = [1, 1]} : vector<256x3xf32> to vector<256x1xf32>
    %slice3A_847 = vector.extract_strided_slice %convert_element_type3A_405 {offsets = [0, 0], sizes = [256, 1], strides = [1, 1]} : vector<256x3xf32> to vector<256x1xf32>
    %mul3A_848 = arith.mulf %slice3A_846, %slice3A_847 : vector<256x1xf32>
    %slice3A_849 = vector.extract_strided_slice %convert_element_type3A_408 {offsets = [0, 2], sizes = [256, 1], strides = [1, 1]} : vector<256x3xf32> to vector<256x1xf32>
    %slice3A_850 = vector.extract_strided_slice %convert_element_type3A_408 {offsets = [0, 0], sizes = [256, 1], strides = [1, 1]} : vector<256x3xf32> to vector<256x1xf32>
    %mul3A_851 = arith.mulf %slice3A_849, %slice3A_850 : vector<256x1xf32>
    %add3A_852 = arith.addf %mul3A_806, %mul3A_809 : vector<256x1xf32>
    %add3A_853 = arith.addf %mul3A_812, %mul3A_815 : vector<256x1xf32>
    %add3A_854 = arith.addf %mul3A_818, %mul3A_821 : vector<256x1xf32>
    %add3A_855 = arith.addf %mul3A_824, %mul3A_827 : vector<256x1xf32>
    %add3A_856 = arith.addf %mul3A_830, %mul3A_833 : vector<256x1xf32>
    %add3A_857 = arith.addf %mul3A_836, %mul3A_839 : vector<256x1xf32>
    %add3A_858 = arith.addf %mul3A_842, %mul3A_845 : vector<256x1xf32>
    %add3A_859 = arith.addf %mul3A_848, %mul3A_851 : vector<256x1xf32>
    %add3A_860 = arith.addf %add3A_852, %add3A_853 : vector<256x1xf32>
    %add3A_861 = arith.addf %add3A_854, %add3A_855 : vector<256x1xf32>
    %add3A_862 = arith.addf %add3A_856, %add3A_857 : vector<256x1xf32>
    %add3A_863 = arith.addf %add3A_858, %add3A_859 : vector<256x1xf32>
    %add3A_864 = arith.addf %add3A_860, %add3A_861 : vector<256x1xf32>
    %add3A_865 = arith.addf %add3A_862, %add3A_863 : vector<256x1xf32>
    %add3A_866 = arith.addf %add3A_864, %add3A_865 : vector<256x1xf32>
    %mul3A_867 = arith.constant 6.250000e-02 : f32
    %mul3A_868 = vector.broadcast %mul3A_867 : f32 to vector<256x1xf32>
    %mul3A_869 = arith.mulf %add3A_866, %mul3A_868 : vector<256x1xf32>
    %slice3A_870 = vector.extract_strided_slice %convert_element_type3A_363 {offsets = [0, 2], sizes = [256, 1], strides = [1, 1]} : vector<256x3xf32> to vector<256x1xf32>
    %slice3A_871 = vector.extract_strided_slice %convert_element_type3A_363 {offsets = [0, 1], sizes = [256, 1], strides = [1, 1]} : vector<256x3xf32> to vector<256x1xf32>
    %mul3A_872 = arith.mulf %slice3A_870, %slice3A_871 : vector<256x1xf32>
    %slice3A_873 = vector.extract_strided_slice %convert_element_type3A_366 {offsets = [0, 2], sizes = [256, 1], strides = [1, 1]} : vector<256x3xf32> to vector<256x1xf32>
    %slice3A_874 = vector.extract_strided_slice %convert_element_type3A_366 {offsets = [0, 1], sizes = [256, 1], strides = [1, 1]} : vector<256x3xf32> to vector<256x1xf32>
    %mul3A_875 = arith.mulf %slice3A_873, %slice3A_874 : vector<256x1xf32>
    %slice3A_876 = vector.extract_strided_slice %convert_element_type3A_369 {offsets = [0, 2], sizes = [256, 1], strides = [1, 1]} : vector<256x3xf32> to vector<256x1xf32>
    %slice3A_877 = vector.extract_strided_slice %convert_element_type3A_369 {offsets = [0, 1], sizes = [256, 1], strides = [1, 1]} : vector<256x3xf32> to vector<256x1xf32>
    %mul3A_878 = arith.mulf %slice3A_876, %slice3A_877 : vector<256x1xf32>
    %slice3A_879 = vector.extract_strided_slice %convert_element_type3A_372 {offsets = [0, 2], sizes = [256, 1], strides = [1, 1]} : vector<256x3xf32> to vector<256x1xf32>
    %slice3A_880 = vector.extract_strided_slice %convert_element_type3A_372 {offsets = [0, 1], sizes = [256, 1], strides = [1, 1]} : vector<256x3xf32> to vector<256x1xf32>
    %mul3A_881 = arith.mulf %slice3A_879, %slice3A_880 : vector<256x1xf32>
    %slice3A_882 = vector.extract_strided_slice %convert_element_type3A_375 {offsets = [0, 2], sizes = [256, 1], strides = [1, 1]} : vector<256x3xf32> to vector<256x1xf32>
    %slice3A_883 = vector.extract_strided_slice %convert_element_type3A_375 {offsets = [0, 1], sizes = [256, 1], strides = [1, 1]} : vector<256x3xf32> to vector<256x1xf32>
    %mul3A_884 = arith.mulf %slice3A_882, %slice3A_883 : vector<256x1xf32>
    %slice3A_885 = vector.extract_strided_slice %convert_element_type3A_378 {offsets = [0, 2], sizes = [256, 1], strides = [1, 1]} : vector<256x3xf32> to vector<256x1xf32>
    %slice3A_886 = vector.extract_strided_slice %convert_element_type3A_378 {offsets = [0, 1], sizes = [256, 1], strides = [1, 1]} : vector<256x3xf32> to vector<256x1xf32>
    %mul3A_887 = arith.mulf %slice3A_885, %slice3A_886 : vector<256x1xf32>
    %slice3A_888 = vector.extract_strided_slice %convert_element_type3A_381 {offsets = [0, 2], sizes = [256, 1], strides = [1, 1]} : vector<256x3xf32> to vector<256x1xf32>
    %slice3A_889 = vector.extract_strided_slice %convert_element_type3A_381 {offsets = [0, 1], sizes = [256, 1], strides = [1, 1]} : vector<256x3xf32> to vector<256x1xf32>
    %mul3A_890 = arith.mulf %slice3A_888, %slice3A_889 : vector<256x1xf32>
    %slice3A_891 = vector.extract_strided_slice %convert_element_type3A_384 {offsets = [0, 2], sizes = [256, 1], strides = [1, 1]} : vector<256x3xf32> to vector<256x1xf32>
    %slice3A_892 = vector.extract_strided_slice %convert_element_type3A_384 {offsets = [0, 1], sizes = [256, 1], strides = [1, 1]} : vector<256x3xf32> to vector<256x1xf32>
    %mul3A_893 = arith.mulf %slice3A_891, %slice3A_892 : vector<256x1xf32>
    %slice3A_894 = vector.extract_strided_slice %convert_element_type3A_387 {offsets = [0, 2], sizes = [256, 1], strides = [1, 1]} : vector<256x3xf32> to vector<256x1xf32>
    %slice3A_895 = vector.extract_strided_slice %convert_element_type3A_387 {offsets = [0, 1], sizes = [256, 1], strides = [1, 1]} : vector<256x3xf32> to vector<256x1xf32>
    %mul3A_896 = arith.mulf %slice3A_894, %slice3A_895 : vector<256x1xf32>
    %slice3A_897 = vector.extract_strided_slice %convert_element_type3A_390 {offsets = [0, 2], sizes = [256, 1], strides = [1, 1]} : vector<256x3xf32> to vector<256x1xf32>
    %slice3A_898 = vector.extract_strided_slice %convert_element_type3A_390 {offsets = [0, 1], sizes = [256, 1], strides = [1, 1]} : vector<256x3xf32> to vector<256x1xf32>
    %mul3A_899 = arith.mulf %slice3A_897, %slice3A_898 : vector<256x1xf32>
    %slice3A_900 = vector.extract_strided_slice %convert_element_type3A_393 {offsets = [0, 2], sizes = [256, 1], strides = [1, 1]} : vector<256x3xf32> to vector<256x1xf32>
    %slice3A_901 = vector.extract_strided_slice %convert_element_type3A_393 {offsets = [0, 1], sizes = [256, 1], strides = [1, 1]} : vector<256x3xf32> to vector<256x1xf32>
    %mul3A_902 = arith.mulf %slice3A_900, %slice3A_901 : vector<256x1xf32>
    %slice3A_903 = vector.extract_strided_slice %convert_element_type3A_396 {offsets = [0, 2], sizes = [256, 1], strides = [1, 1]} : vector<256x3xf32> to vector<256x1xf32>
    %slice3A_904 = vector.extract_strided_slice %convert_element_type3A_396 {offsets = [0, 1], sizes = [256, 1], strides = [1, 1]} : vector<256x3xf32> to vector<256x1xf32>
    %mul3A_905 = arith.mulf %slice3A_903, %slice3A_904 : vector<256x1xf32>
    %slice3A_906 = vector.extract_strided_slice %convert_element_type3A_399 {offsets = [0, 2], sizes = [256, 1], strides = [1, 1]} : vector<256x3xf32> to vector<256x1xf32>
    %slice3A_907 = vector.extract_strided_slice %convert_element_type3A_399 {offsets = [0, 1], sizes = [256, 1], strides = [1, 1]} : vector<256x3xf32> to vector<256x1xf32>
    %mul3A_908 = arith.mulf %slice3A_906, %slice3A_907 : vector<256x1xf32>
    %slice3A_909 = vector.extract_strided_slice %convert_element_type3A_402 {offsets = [0, 2], sizes = [256, 1], strides = [1, 1]} : vector<256x3xf32> to vector<256x1xf32>
    %slice3A_910 = vector.extract_strided_slice %convert_element_type3A_402 {offsets = [0, 1], sizes = [256, 1], strides = [1, 1]} : vector<256x3xf32> to vector<256x1xf32>
    %mul3A_911 = arith.mulf %slice3A_909, %slice3A_910 : vector<256x1xf32>
    %slice3A_912 = vector.extract_strided_slice %convert_element_type3A_405 {offsets = [0, 2], sizes = [256, 1], strides = [1, 1]} : vector<256x3xf32> to vector<256x1xf32>
    %slice3A_913 = vector.extract_strided_slice %convert_element_type3A_405 {offsets = [0, 1], sizes = [256, 1], strides = [1, 1]} : vector<256x3xf32> to vector<256x1xf32>
    %mul3A_914 = arith.mulf %slice3A_912, %slice3A_913 : vector<256x1xf32>
    %slice3A_915 = vector.extract_strided_slice %convert_element_type3A_408 {offsets = [0, 2], sizes = [256, 1], strides = [1, 1]} : vector<256x3xf32> to vector<256x1xf32>
    %slice3A_916 = vector.extract_strided_slice %convert_element_type3A_408 {offsets = [0, 1], sizes = [256, 1], strides = [1, 1]} : vector<256x3xf32> to vector<256x1xf32>
    %mul3A_917 = arith.mulf %slice3A_915, %slice3A_916 : vector<256x1xf32>
    %add3A_918 = arith.addf %mul3A_872, %mul3A_875 : vector<256x1xf32>
    %add3A_919 = arith.addf %mul3A_878, %mul3A_881 : vector<256x1xf32>
    %add3A_920 = arith.addf %mul3A_884, %mul3A_887 : vector<256x1xf32>
    %add3A_921 = arith.addf %mul3A_890, %mul3A_893 : vector<256x1xf32>
    %add3A_922 = arith.addf %mul3A_896, %mul3A_899 : vector<256x1xf32>
    %add3A_923 = arith.addf %mul3A_902, %mul3A_905 : vector<256x1xf32>
    %add3A_924 = arith.addf %mul3A_908, %mul3A_911 : vector<256x1xf32>
    %add3A_925 = arith.addf %mul3A_914, %mul3A_917 : vector<256x1xf32>
    %add3A_926 = arith.addf %add3A_918, %add3A_919 : vector<256x1xf32>
    %add3A_927 = arith.addf %add3A_920, %add3A_921 : vector<256x1xf32>
    %add3A_928 = arith.addf %add3A_922, %add3A_923 : vector<256x1xf32>
    %add3A_929 = arith.addf %add3A_924, %add3A_925 : vector<256x1xf32>
    %add3A_930 = arith.addf %add3A_926, %add3A_927 : vector<256x1xf32>
    %add3A_931 = arith.addf %add3A_928, %add3A_929 : vector<256x1xf32>
    %add3A_932 = arith.addf %add3A_930, %add3A_931 : vector<256x1xf32>
    %mul3A_933 = arith.constant 6.250000e-02 : f32
    %mul3A_934 = vector.broadcast %mul3A_933 : f32 to vector<256x1xf32>
    %mul3A_935 = arith.mulf %add3A_932, %mul3A_934 : vector<256x1xf32>
    %slice3A_936 = vector.extract_strided_slice %convert_element_type3A_363 {offsets = [0, 2], sizes = [256, 1], strides = [1, 1]} : vector<256x3xf32> to vector<256x1xf32>
    %slice3A_937 = vector.extract_strided_slice %convert_element_type3A_363 {offsets = [0, 2], sizes = [256, 1], strides = [1, 1]} : vector<256x3xf32> to vector<256x1xf32>
    %mul3A_938 = arith.mulf %slice3A_936, %slice3A_937 : vector<256x1xf32>
    %slice3A_939 = vector.extract_strided_slice %convert_element_type3A_366 {offsets = [0, 2], sizes = [256, 1], strides = [1, 1]} : vector<256x3xf32> to vector<256x1xf32>
    %slice3A_940 = vector.extract_strided_slice %convert_element_type3A_366 {offsets = [0, 2], sizes = [256, 1], strides = [1, 1]} : vector<256x3xf32> to vector<256x1xf32>
    %mul3A_941 = arith.mulf %slice3A_939, %slice3A_940 : vector<256x1xf32>
    %slice3A_942 = vector.extract_strided_slice %convert_element_type3A_369 {offsets = [0, 2], sizes = [256, 1], strides = [1, 1]} : vector<256x3xf32> to vector<256x1xf32>
    %slice3A_943 = vector.extract_strided_slice %convert_element_type3A_369 {offsets = [0, 2], sizes = [256, 1], strides = [1, 1]} : vector<256x3xf32> to vector<256x1xf32>
    %mul3A_944 = arith.mulf %slice3A_942, %slice3A_943 : vector<256x1xf32>
    %slice3A_945 = vector.extract_strided_slice %convert_element_type3A_372 {offsets = [0, 2], sizes = [256, 1], strides = [1, 1]} : vector<256x3xf32> to vector<256x1xf32>
    %slice3A_946 = vector.extract_strided_slice %convert_element_type3A_372 {offsets = [0, 2], sizes = [256, 1], strides = [1, 1]} : vector<256x3xf32> to vector<256x1xf32>
    %mul3A_947 = arith.mulf %slice3A_945, %slice3A_946 : vector<256x1xf32>
    %slice3A_948 = vector.extract_strided_slice %convert_element_type3A_375 {offsets = [0, 2], sizes = [256, 1], strides = [1, 1]} : vector<256x3xf32> to vector<256x1xf32>
    %slice3A_949 = vector.extract_strided_slice %convert_element_type3A_375 {offsets = [0, 2], sizes = [256, 1], strides = [1, 1]} : vector<256x3xf32> to vector<256x1xf32>
    %mul3A_950 = arith.mulf %slice3A_948, %slice3A_949 : vector<256x1xf32>
    %slice3A_951 = vector.extract_strided_slice %convert_element_type3A_378 {offsets = [0, 2], sizes = [256, 1], strides = [1, 1]} : vector<256x3xf32> to vector<256x1xf32>
    %slice3A_952 = vector.extract_strided_slice %convert_element_type3A_378 {offsets = [0, 2], sizes = [256, 1], strides = [1, 1]} : vector<256x3xf32> to vector<256x1xf32>
    %mul3A_953 = arith.mulf %slice3A_951, %slice3A_952 : vector<256x1xf32>
    %slice3A_954 = vector.extract_strided_slice %convert_element_type3A_381 {offsets = [0, 2], sizes = [256, 1], strides = [1, 1]} : vector<256x3xf32> to vector<256x1xf32>
    %slice3A_955 = vector.extract_strided_slice %convert_element_type3A_381 {offsets = [0, 2], sizes = [256, 1], strides = [1, 1]} : vector<256x3xf32> to vector<256x1xf32>
    %mul3A_956 = arith.mulf %slice3A_954, %slice3A_955 : vector<256x1xf32>
    %slice3A_957 = vector.extract_strided_slice %convert_element_type3A_384 {offsets = [0, 2], sizes = [256, 1], strides = [1, 1]} : vector<256x3xf32> to vector<256x1xf32>
    %slice3A_958 = vector.extract_strided_slice %convert_element_type3A_384 {offsets = [0, 2], sizes = [256, 1], strides = [1, 1]} : vector<256x3xf32> to vector<256x1xf32>
    %mul3A_959 = arith.mulf %slice3A_957, %slice3A_958 : vector<256x1xf32>
    %slice3A_960 = vector.extract_strided_slice %convert_element_type3A_387 {offsets = [0, 2], sizes = [256, 1], strides = [1, 1]} : vector<256x3xf32> to vector<256x1xf32>
    %slice3A_961 = vector.extract_strided_slice %convert_element_type3A_387 {offsets = [0, 2], sizes = [256, 1], strides = [1, 1]} : vector<256x3xf32> to vector<256x1xf32>
    %mul3A_962 = arith.mulf %slice3A_960, %slice3A_961 : vector<256x1xf32>
    %slice3A_963 = vector.extract_strided_slice %convert_element_type3A_390 {offsets = [0, 2], sizes = [256, 1], strides = [1, 1]} : vector<256x3xf32> to vector<256x1xf32>
    %slice3A_964 = vector.extract_strided_slice %convert_element_type3A_390 {offsets = [0, 2], sizes = [256, 1], strides = [1, 1]} : vector<256x3xf32> to vector<256x1xf32>
    %mul3A_965 = arith.mulf %slice3A_963, %slice3A_964 : vector<256x1xf32>
    %slice3A_966 = vector.extract_strided_slice %convert_element_type3A_393 {offsets = [0, 2], sizes = [256, 1], strides = [1, 1]} : vector<256x3xf32> to vector<256x1xf32>
    %slice3A_967 = vector.extract_strided_slice %convert_element_type3A_393 {offsets = [0, 2], sizes = [256, 1], strides = [1, 1]} : vector<256x3xf32> to vector<256x1xf32>
    %mul3A_968 = arith.mulf %slice3A_966, %slice3A_967 : vector<256x1xf32>
    %slice3A_969 = vector.extract_strided_slice %convert_element_type3A_396 {offsets = [0, 2], sizes = [256, 1], strides = [1, 1]} : vector<256x3xf32> to vector<256x1xf32>
    %slice3A_970 = vector.extract_strided_slice %convert_element_type3A_396 {offsets = [0, 2], sizes = [256, 1], strides = [1, 1]} : vector<256x3xf32> to vector<256x1xf32>
    %mul3A_971 = arith.mulf %slice3A_969, %slice3A_970 : vector<256x1xf32>
    %slice3A_972 = vector.extract_strided_slice %convert_element_type3A_399 {offsets = [0, 2], sizes = [256, 1], strides = [1, 1]} : vector<256x3xf32> to vector<256x1xf32>
    %slice3A_973 = vector.extract_strided_slice %convert_element_type3A_399 {offsets = [0, 2], sizes = [256, 1], strides = [1, 1]} : vector<256x3xf32> to vector<256x1xf32>
    %mul3A_974 = arith.mulf %slice3A_972, %slice3A_973 : vector<256x1xf32>
    %slice3A_975 = vector.extract_strided_slice %convert_element_type3A_402 {offsets = [0, 2], sizes = [256, 1], strides = [1, 1]} : vector<256x3xf32> to vector<256x1xf32>
    %slice3A_976 = vector.extract_strided_slice %convert_element_type3A_402 {offsets = [0, 2], sizes = [256, 1], strides = [1, 1]} : vector<256x3xf32> to vector<256x1xf32>
    %mul3A_977 = arith.mulf %slice3A_975, %slice3A_976 : vector<256x1xf32>
    %slice3A_978 = vector.extract_strided_slice %convert_element_type3A_405 {offsets = [0, 2], sizes = [256, 1], strides = [1, 1]} : vector<256x3xf32> to vector<256x1xf32>
    %slice3A_979 = vector.extract_strided_slice %convert_element_type3A_405 {offsets = [0, 2], sizes = [256, 1], strides = [1, 1]} : vector<256x3xf32> to vector<256x1xf32>
    %mul3A_980 = arith.mulf %slice3A_978, %slice3A_979 : vector<256x1xf32>
    %slice3A_981 = vector.extract_strided_slice %convert_element_type3A_408 {offsets = [0, 2], sizes = [256, 1], strides = [1, 1]} : vector<256x3xf32> to vector<256x1xf32>
    %slice3A_982 = vector.extract_strided_slice %convert_element_type3A_408 {offsets = [0, 2], sizes = [256, 1], strides = [1, 1]} : vector<256x3xf32> to vector<256x1xf32>
    %mul3A_983 = arith.mulf %slice3A_981, %slice3A_982 : vector<256x1xf32>
    %add3A_984 = arith.addf %mul3A_938, %mul3A_941 : vector<256x1xf32>
    %add3A_985 = arith.addf %mul3A_944, %mul3A_947 : vector<256x1xf32>
    %add3A_986 = arith.addf %mul3A_950, %mul3A_953 : vector<256x1xf32>
    %add3A_987 = arith.addf %mul3A_956, %mul3A_959 : vector<256x1xf32>
    %add3A_988 = arith.addf %mul3A_962, %mul3A_965 : vector<256x1xf32>
    %add3A_989 = arith.addf %mul3A_968, %mul3A_971 : vector<256x1xf32>
    %add3A_990 = arith.addf %mul3A_974, %mul3A_977 : vector<256x1xf32>
    %add3A_991 = arith.addf %mul3A_980, %mul3A_983 : vector<256x1xf32>
    %add3A_992 = arith.addf %add3A_984, %add3A_985 : vector<256x1xf32>
    %add3A_993 = arith.addf %add3A_986, %add3A_987 : vector<256x1xf32>
    %add3A_994 = arith.addf %add3A_988, %add3A_989 : vector<256x1xf32>
    %add3A_995 = arith.addf %add3A_990, %add3A_991 : vector<256x1xf32>
    %add3A_996 = arith.addf %add3A_992, %add3A_993 : vector<256x1xf32>
    %add3A_997 = arith.addf %add3A_994, %add3A_995 : vector<256x1xf32>
    %add3A_998 = arith.addf %add3A_996, %add3A_997 : vector<256x1xf32>
    %mul3A_999 = arith.constant 6.250000e-02 : f32
    %mul3A_1000 = vector.broadcast %mul3A_999 : f32 to vector<256x1xf32>
    %mul3A_1001 = arith.mulf %add3A_998, %mul3A_1000 : vector<256x1xf32>
    %concatenate3A = tpu.concatenate %get3A_8, %mul3A_473, %mul3A_539, %mul3A_605, %mul3A_671, %mul3A_737, %mul3A_803, %mul3A_869, %mul3A_935, %mul3A_1001 in 1 : vector<256x3xf32>, vector<256x1xf32>, vector<256x1xf32>, vector<256x1xf32>, vector<256x1xf32>, vector<256x1xf32>, vector<256x1xf32>, vector<256x1xf32>, vector<256x1xf32>, vector<256x1xf32> -> vector<256x12xf32>
    %swap3A = arith.constant 0 : index
    %swap3A_1002 = arith.constant 0 : index
    %swap3A_1003 = arith.constant 0 : index
    %swap3A_1004 = vector.load %arg4[%swap3A, %swap3A_1002, %swap3A_1003] : memref<1x256x12xf32, #tpu.memory_space<vmem>>, vector<1x256x12xf32>
    %swap3A_1005 = vector.shape_cast %swap3A_1004 : vector<1x256x12xf32> to vector<256x12xf32>
    %swap3A_1006 = vector.shape_cast %concatenate3A : vector<256x12xf32> to vector<1x256x12xf32>
    tpu.vector_store %arg4[%swap3A, %swap3A_1002, %swap3A_1003], %swap3A_1006 {strides = array<i32>} : memref<1x256x12xf32, #tpu.memory_space<vmem>>, vector<1x256x12xf32>,
    return
  }
  func.func @transform_0(%arg0: i32, %arg1: i32) -> (i32, i32, i32) {
    %c0_i32 = arith.constant 0 : i32
    %c0_i32_0 = arith.constant 0 : i32
    %c0_i32_1 = arith.constant 0 : i32
    return %arg0, %c0_i32, %c0_i32_0 : i32, i32, i32
  }
  func.func @transform_1(%arg0: i32, %arg1: i32) -> (i32, i32, i32) {
    %c0_i32 = arith.constant 0 : i32
    %c0_i32_0 = arith.constant 0 : i32
    return %arg0, %arg1, %c0_i32 : i32, i32, i32
  }
  func.func @transform_2(%arg0: i32, %arg1: i32) -> (i32, i32, i32) {
    %c0_i32 = arith.constant 0 : i32
    %c0_i32_0 = arith.constant 0 : i32
    return %arg0, %arg1, %c0_i32 : i32, i32, i32
  }
}

module attributes {stable_mosaic.version = 14 : i64} {
  func.func @_matmul_body(%arg0: i32, %arg1: memref<2048x64xf32, #tpu.memory_space<vmem>>, %arg2: memref<64x64xf32, #tpu.memory_space<vmem>>, %arg3: memref<64xf32, #tpu.memory_space<vmem>>, %arg4: memref<2048x64xf32, #tpu.memory_space<vmem>>) attributes {dimension_semantics = [#tpu.dimension_semantics<arbitrary>], iteration_bounds = array<i64: 8>, scalar_prefetch = 0 : i64, scratch_operands = 0 : i64, tpu.core_type = #tpu.core_type<tc>, window_params = [{transform_indices = @transform_0, window_bounds = array<i64: 2048, 64>}, {pipeline_mode = #tpu.pipeline_mode<synchronous>, transform_indices = @transform_1, window_bounds = array<i64: 64, 64>}, {pipeline_mode = #tpu.pipeline_mode<synchronous>, transform_indices = @transform_2, window_bounds = array<i64: 64>}, {transform_indices = @transform_3, window_bounds = array<i64: 2048, 64>}]} {
    %get3A = arith.constant 0 : index
    %get3A_0 = arith.constant 0 : index
    %get3A_1 = vector.load %arg1[%get3A, %get3A_0] : memref<2048x64xf32, #tpu.memory_space<vmem>>, vector<2048x64xf32>
    %get3A_2 = arith.constant 0 : index
    %get3A_3 = arith.constant 0 : index
    %get3A_4 = vector.load %arg2[%get3A_2, %get3A_3] : memref<64x64xf32, #tpu.memory_space<vmem>>, vector<64x64xf32>
    %dot_general3A = arith.constant dense<0.000000e+00> : vector<2048x64xf32>
    %dot_general3A_5 = tpu.matmul %get3A_1, %get3A_4, %dot_general3A {dimension_numbers = #tpu.dot_dimension_numbers<[1], [0], [0], [1], [0, 0, 1, 1], [], []>, transpose_lhs_hint = false} : vector<2048x64xf32>, vector<64x64xf32>, vector<2048x64xf32> -> vector<2048x64xf32>
    %get3A_6 = arith.constant 0 : index
    %get3A_7 = vector.load %arg3[%get3A_6] : memref<64xf32, #tpu.memory_space<vmem>>, vector<64xf32>
    %broadcast_in_dim3A = vector.shape_cast %get3A_7 : vector<64xf32> to vector<1x64xf32>
    %add3A = vector.broadcast %broadcast_in_dim3A : vector<1x64xf32> to vector<2048x64xf32>
    %add3A_8 = arith.addf %dot_general3A_5, %add3A : vector<2048x64xf32>
    %swap3A = arith.constant 0 : index
    %swap3A_9 = arith.constant 0 : index
    %swap3A_10 = vector.load %arg4[%swap3A, %swap3A_9] : memref<2048x64xf32, #tpu.memory_space<vmem>>, vector<2048x64xf32>
    tpu.vector_store %arg4[%swap3A, %swap3A_9], %add3A_8 {strides = array<i32>} : memref<2048x64xf32, #tpu.memory_space<vmem>>, vector<2048x64xf32>,
    return
  }
  func.func @transform_0(%arg0: i32) -> (i32, i32) {
    %c0_i32 = arith.constant 0 : i32
    %c0_i32_0 = arith.constant 0 : i32
    return %arg0, %c0_i32 : i32, i32
  }
  func.func @transform_1(%arg0: i32) -> (i32, i32) {
    %c0_i32 = arith.constant 0 : i32
    %c0_i32_0 = arith.constant 0 : i32
    %c0_i32_1 = arith.constant 0 : i32
    return %c0_i32, %c0_i32_0 : i32, i32
  }
  func.func @transform_2(%arg0: i32) -> i32 {
    %c0_i32 = arith.constant 0 : i32
    %c0_i32_0 = arith.constant 0 : i32
    return %c0_i32 : i32
  }
  func.func @transform_3(%arg0: i32) -> (i32, i32) {
    %c0_i32 = arith.constant 0 : i32
    %c0_i32_0 = arith.constant 0 : i32
    return %arg0, %c0_i32 : i32, i32
  }
}

module attributes {stable_mosaic.version = 14 : i64} {
  func.func @_knn_idx_body(%arg0: i32, %arg1: i32, %arg2: memref<1x2048x64xf32, #tpu.memory_space<vmem>>, %arg3: memref<1x256x64xf32, #tpu.memory_space<vmem>>, %arg4: memref<1x256x16xi32, #tpu.memory_space<vmem>>, %arg5: memref<1x256x128xf32, #tpu.memory_space<vmem>>) attributes {dimension_semantics = [#tpu.dimension_semantics<arbitrary>, #tpu.dimension_semantics<arbitrary>], iteration_bounds = array<i64: 8, 8>, scalar_prefetch = 0 : i64, scratch_operands = 0 : i64, tpu.core_type = #tpu.core_type<tc>, window_params = [{transform_indices = @transform_0, window_bounds = array<i64: 1, 2048, 64>}, {transform_indices = @transform_1, window_bounds = array<i64: 1, 256, 64>}, {transform_indices = @transform_2, window_bounds = array<i64: 1, 256, 16>}, {transform_indices = @transform_3, window_bounds = array<i64: 1, 256, 128>}]} {
    %get3A = arith.constant 0 : index
    %get3A_0 = arith.constant 0 : index
    %get3A_1 = arith.constant 0 : index
    %get3A_2 = vector.load %arg2[%get3A, %get3A_0, %get3A_1] : memref<1x2048x64xf32, #tpu.memory_space<vmem>>, vector<1x2048x64xf32>
    %get3A_3 = vector.shape_cast %get3A_2 : vector<1x2048x64xf32> to vector<2048x64xf32>
    %get3A_4 = arith.constant 0 : index
    %get3A_5 = arith.constant 0 : index
    %get3A_6 = arith.constant 0 : index
    %get3A_7 = vector.load %arg3[%get3A_4, %get3A_5, %get3A_6] : memref<1x256x64xf32, #tpu.memory_space<vmem>>, vector<1x256x64xf32>
    %get3A_8 = vector.shape_cast %get3A_7 : vector<1x256x64xf32> to vector<256x64xf32>
    %mul3A = arith.mulf %get3A_3, %get3A_3 : vector<2048x64xf32>
    %reduce_sum3A = arith.constant dense<0.000000e+00> : vector<2048xf32>
    %reduce_sum3A_9 = vector.multi_reduction <add>, %mul3A, %reduce_sum3A [1] : vector<2048x64xf32> to vector<2048xf32>
    %mul3A_10 = arith.mulf %get3A_8, %get3A_8 : vector<256x64xf32>
    %reduce_sum3A_11 = arith.constant dense<0.000000e+00> : vector<256xf32>
    %reduce_sum3A_12 = vector.multi_reduction <add>, %mul3A_10, %reduce_sum3A_11 [1] : vector<256x64xf32> to vector<256xf32>
    %dot_general3A = arith.constant dense<0.000000e+00> : vector<256x2048xf32>
    %dot_general3A_13 = tpu.matmul %get3A_8, %get3A_3, %dot_general3A {dimension_numbers = #tpu.dot_dimension_numbers<[1], [1], [0], [0], [0, 0, 1, 0], [], []>, transpose_lhs_hint = false} : vector<256x64xf32>, vector<2048x64xf32>, vector<256x2048xf32> -> vector<256x2048xf32>
    %broadcast_in_dim3A = vector.shape_cast %reduce_sum3A_12 : vector<256xf32> to vector<256x1xf32>
    %broadcast_in_dim3A_14 = vector.shape_cast %reduce_sum3A_9 : vector<2048xf32> to vector<1x2048xf32>
    %add3A = vector.broadcast %broadcast_in_dim3A : vector<256x1xf32> to vector<256x2048xf32>
    %add3A_15 = vector.broadcast %broadcast_in_dim3A_14 : vector<1x2048xf32> to vector<256x2048xf32>
    %add3A_16 = arith.addf %add3A, %add3A_15 : vector<256x2048xf32>
    %mul3A_17 = arith.constant 2.000000e+00 : f32
    %mul3A_18 = vector.broadcast %mul3A_17 : f32 to vector<256x2048xf32>
    %mul3A_19 = arith.mulf %mul3A_18, %dot_general3A_13 : vector<256x2048xf32>
    %sub3A = arith.subf %add3A_16, %mul3A_19 : vector<256x2048xf32>
    %iota3A = tpu.iota {dimensions = array<i32: 0>} : vector<256x2048xi32>
    %iota3A_20 = tpu.iota {dimensions = array<i32: 1>} : vector<256x2048xi32>
    %mul3A_21 = arith.constant 256 : i32
    %mul3A_22 = arith.muli %arg1, %mul3A_21 : i32
    %add3A_23 = vector.broadcast %mul3A_22 : i32 to vector<256x2048xi32>
    %add3A_24 = arith.addi %iota3A, %add3A_23 : vector<256x2048xi32>
    %eq3A = arith.cmpi eq, %iota3A_20, %add3A_24 : vector<256x2048xi32>
    %add3A_25 = arith.constant 1.000000e+10 : f32
    %add3A_26 = vector.broadcast %add3A_25 : f32 to vector<256x2048xf32>
    %add3A_27 = arith.addf %sub3A, %add3A_26 : vector<256x2048xf32>
    %select_n3A = arith.select %eq3A, %add3A_27, %sub3A : vector<256x2048xi1>, vector<256x2048xf32>
    %iota3A_28 = tpu.iota {dimensions = array<i32: 1>} : vector<256x2048xi32>
    %reduce_min3A = arith.constant dense<0x7F800000> : vector<256xf32>
    %reduce_min3A_29 = vector.multi_reduction <minimumf>, %select_n3A, %reduce_min3A [1] : vector<256x2048xf32> to vector<256xf32>
    %broadcast_in_dim3A_30 = vector.shape_cast %reduce_min3A_29 : vector<256xf32> to vector<256x1xf32>
    %eq3A_31 = vector.broadcast %broadcast_in_dim3A_30 : vector<256x1xf32> to vector<256x2048xf32>
    %eq3A_32 = arith.cmpf oeq, %select_n3A, %eq3A_31 : vector<256x2048xf32>
    %jit3A = arith.constant 2048 : i32
    %broadcast_in_dim3A_33 = vector.broadcast %jit3A : i32 to vector<256x2048xi32>
    %select_n3A_34 = arith.select %eq3A_32, %iota3A_28, %broadcast_in_dim3A_33 : vector<256x2048xi1>, vector<256x2048xi32>
    %reduce_min3A_35 = arith.constant dense<2147483647> : vector<256xi32>
    %reduce_min3A_36 = vector.multi_reduction <minsi>, %select_n3A_34, %reduce_min3A_35 [1] : vector<256x2048xi32> to vector<256xi32>
    %broadcast_in_dim3A_37 = vector.shape_cast %reduce_min3A_36 : vector<256xi32> to vector<256x1xi32>
    %eq3A_38 = vector.broadcast %broadcast_in_dim3A_37 : vector<256x1xi32> to vector<256x2048xi32>
    %eq3A_39 = arith.cmpi eq, %iota3A_28, %eq3A_38 : vector<256x2048xi32>
    %jit3A_40 = arith.constant 0x7F800000 : f32
    %broadcast_in_dim3A_41 = vector.broadcast %jit3A_40 : f32 to vector<256x2048xf32>
    %select_n3A_42 = arith.select %eq3A_39, %broadcast_in_dim3A_41, %select_n3A : vector<256x2048xi1>, vector<256x2048xf32>
    %mul3A_43 = arith.constant 2048 : i32
    %mul3A_44 = arith.muli %arg0, %mul3A_43 : i32
    %add3A_45 = vector.broadcast %mul3A_44 : i32 to vector<256x1xi32>
    %add3A_46 = arith.addi %broadcast_in_dim3A_37, %add3A_45 : vector<256x1xi32>
    %reduce_min3A_47 = arith.constant dense<0x7F800000> : vector<256xf32>
    %reduce_min3A_48 = vector.multi_reduction <minimumf>, %select_n3A_42, %reduce_min3A_47 [1] : vector<256x2048xf32> to vector<256xf32>
    %broadcast_in_dim3A_49 = vector.shape_cast %reduce_min3A_48 : vector<256xf32> to vector<256x1xf32>
    %eq3A_50 = vector.broadcast %broadcast_in_dim3A_49 : vector<256x1xf32> to vector<256x2048xf32>
    %eq3A_51 = arith.cmpf oeq, %select_n3A_42, %eq3A_50 : vector<256x2048xf32>
    %jit3A_52 = arith.constant 2048 : i32
    %broadcast_in_dim3A_53 = vector.broadcast %jit3A_52 : i32 to vector<256x2048xi32>
    %select_n3A_54 = arith.select %eq3A_51, %iota3A_28, %broadcast_in_dim3A_53 : vector<256x2048xi1>, vector<256x2048xi32>
    %reduce_min3A_55 = arith.constant dense<2147483647> : vector<256xi32>
    %reduce_min3A_56 = vector.multi_reduction <minsi>, %select_n3A_54, %reduce_min3A_55 [1] : vector<256x2048xi32> to vector<256xi32>
    %broadcast_in_dim3A_57 = vector.shape_cast %reduce_min3A_56 : vector<256xi32> to vector<256x1xi32>
    %eq3A_58 = vector.broadcast %broadcast_in_dim3A_57 : vector<256x1xi32> to vector<256x2048xi32>
    %eq3A_59 = arith.cmpi eq, %iota3A_28, %eq3A_58 : vector<256x2048xi32>
    %jit3A_60 = arith.constant 0x7F800000 : f32
    %broadcast_in_dim3A_61 = vector.broadcast %jit3A_60 : f32 to vector<256x2048xf32>
    %select_n3A_62 = arith.select %eq3A_59, %broadcast_in_dim3A_61, %select_n3A_42 : vector<256x2048xi1>, vector<256x2048xf32>
    %mul3A_63 = arith.constant 2048 : i32
    %mul3A_64 = arith.muli %arg0, %mul3A_63 : i32
    %add3A_65 = vector.broadcast %mul3A_64 : i32 to vector<256x1xi32>
    %add3A_66 = arith.addi %broadcast_in_dim3A_57, %add3A_65 : vector<256x1xi32>
    %reduce_min3A_67 = arith.constant dense<0x7F800000> : vector<256xf32>
    %reduce_min3A_68 = vector.multi_reduction <minimumf>, %select_n3A_62, %reduce_min3A_67 [1] : vector<256x2048xf32> to vector<256xf32>
    %broadcast_in_dim3A_69 = vector.shape_cast %reduce_min3A_68 : vector<256xf32> to vector<256x1xf32>
    %eq3A_70 = vector.broadcast %broadcast_in_dim3A_69 : vector<256x1xf32> to vector<256x2048xf32>
    %eq3A_71 = arith.cmpf oeq, %select_n3A_62, %eq3A_70 : vector<256x2048xf32>
    %jit3A_72 = arith.constant 2048 : i32
    %broadcast_in_dim3A_73 = vector.broadcast %jit3A_72 : i32 to vector<256x2048xi32>
    %select_n3A_74 = arith.select %eq3A_71, %iota3A_28, %broadcast_in_dim3A_73 : vector<256x2048xi1>, vector<256x2048xi32>
    %reduce_min3A_75 = arith.constant dense<2147483647> : vector<256xi32>
    %reduce_min3A_76 = vector.multi_reduction <minsi>, %select_n3A_74, %reduce_min3A_75 [1] : vector<256x2048xi32> to vector<256xi32>
    %broadcast_in_dim3A_77 = vector.shape_cast %reduce_min3A_76 : vector<256xi32> to vector<256x1xi32>
    %eq3A_78 = vector.broadcast %broadcast_in_dim3A_77 : vector<256x1xi32> to vector<256x2048xi32>
    %eq3A_79 = arith.cmpi eq, %iota3A_28, %eq3A_78 : vector<256x2048xi32>
    %jit3A_80 = arith.constant 0x7F800000 : f32
    %broadcast_in_dim3A_81 = vector.broadcast %jit3A_80 : f32 to vector<256x2048xf32>
    %select_n3A_82 = arith.select %eq3A_79, %broadcast_in_dim3A_81, %select_n3A_62 : vector<256x2048xi1>, vector<256x2048xf32>
    %mul3A_83 = arith.constant 2048 : i32
    %mul3A_84 = arith.muli %arg0, %mul3A_83 : i32
    %add3A_85 = vector.broadcast %mul3A_84 : i32 to vector<256x1xi32>
    %add3A_86 = arith.addi %broadcast_in_dim3A_77, %add3A_85 : vector<256x1xi32>
    %reduce_min3A_87 = arith.constant dense<0x7F800000> : vector<256xf32>
    %reduce_min3A_88 = vector.multi_reduction <minimumf>, %select_n3A_82, %reduce_min3A_87 [1] : vector<256x2048xf32> to vector<256xf32>
    %broadcast_in_dim3A_89 = vector.shape_cast %reduce_min3A_88 : vector<256xf32> to vector<256x1xf32>
    %eq3A_90 = vector.broadcast %broadcast_in_dim3A_89 : vector<256x1xf32> to vector<256x2048xf32>
    %eq3A_91 = arith.cmpf oeq, %select_n3A_82, %eq3A_90 : vector<256x2048xf32>
    %jit3A_92 = arith.constant 2048 : i32
    %broadcast_in_dim3A_93 = vector.broadcast %jit3A_92 : i32 to vector<256x2048xi32>
    %select_n3A_94 = arith.select %eq3A_91, %iota3A_28, %broadcast_in_dim3A_93 : vector<256x2048xi1>, vector<256x2048xi32>
    %reduce_min3A_95 = arith.constant dense<2147483647> : vector<256xi32>
    %reduce_min3A_96 = vector.multi_reduction <minsi>, %select_n3A_94, %reduce_min3A_95 [1] : vector<256x2048xi32> to vector<256xi32>
    %broadcast_in_dim3A_97 = vector.shape_cast %reduce_min3A_96 : vector<256xi32> to vector<256x1xi32>
    %eq3A_98 = vector.broadcast %broadcast_in_dim3A_97 : vector<256x1xi32> to vector<256x2048xi32>
    %eq3A_99 = arith.cmpi eq, %iota3A_28, %eq3A_98 : vector<256x2048xi32>
    %jit3A_100 = arith.constant 0x7F800000 : f32
    %broadcast_in_dim3A_101 = vector.broadcast %jit3A_100 : f32 to vector<256x2048xf32>
    %select_n3A_102 = arith.select %eq3A_99, %broadcast_in_dim3A_101, %select_n3A_82 : vector<256x2048xi1>, vector<256x2048xf32>
    %mul3A_103 = arith.constant 2048 : i32
    %mul3A_104 = arith.muli %arg0, %mul3A_103 : i32
    %add3A_105 = vector.broadcast %mul3A_104 : i32 to vector<256x1xi32>
    %add3A_106 = arith.addi %broadcast_in_dim3A_97, %add3A_105 : vector<256x1xi32>
    %reduce_min3A_107 = arith.constant dense<0x7F800000> : vector<256xf32>
    %reduce_min3A_108 = vector.multi_reduction <minimumf>, %select_n3A_102, %reduce_min3A_107 [1] : vector<256x2048xf32> to vector<256xf32>
    %broadcast_in_dim3A_109 = vector.shape_cast %reduce_min3A_108 : vector<256xf32> to vector<256x1xf32>
    %eq3A_110 = vector.broadcast %broadcast_in_dim3A_109 : vector<256x1xf32> to vector<256x2048xf32>
    %eq3A_111 = arith.cmpf oeq, %select_n3A_102, %eq3A_110 : vector<256x2048xf32>
    %jit3A_112 = arith.constant 2048 : i32
    %broadcast_in_dim3A_113 = vector.broadcast %jit3A_112 : i32 to vector<256x2048xi32>
    %select_n3A_114 = arith.select %eq3A_111, %iota3A_28, %broadcast_in_dim3A_113 : vector<256x2048xi1>, vector<256x2048xi32>
    %reduce_min3A_115 = arith.constant dense<2147483647> : vector<256xi32>
    %reduce_min3A_116 = vector.multi_reduction <minsi>, %select_n3A_114, %reduce_min3A_115 [1] : vector<256x2048xi32> to vector<256xi32>
    %broadcast_in_dim3A_117 = vector.shape_cast %reduce_min3A_116 : vector<256xi32> to vector<256x1xi32>
    %eq3A_118 = vector.broadcast %broadcast_in_dim3A_117 : vector<256x1xi32> to vector<256x2048xi32>
    %eq3A_119 = arith.cmpi eq, %iota3A_28, %eq3A_118 : vector<256x2048xi32>
    %jit3A_120 = arith.constant 0x7F800000 : f32
    %broadcast_in_dim3A_121 = vector.broadcast %jit3A_120 : f32 to vector<256x2048xf32>
    %select_n3A_122 = arith.select %eq3A_119, %broadcast_in_dim3A_121, %select_n3A_102 : vector<256x2048xi1>, vector<256x2048xf32>
    %mul3A_123 = arith.constant 2048 : i32
    %mul3A_124 = arith.muli %arg0, %mul3A_123 : i32
    %add3A_125 = vector.broadcast %mul3A_124 : i32 to vector<256x1xi32>
    %add3A_126 = arith.addi %broadcast_in_dim3A_117, %add3A_125 : vector<256x1xi32>
    %reduce_min3A_127 = arith.constant dense<0x7F800000> : vector<256xf32>
    %reduce_min3A_128 = vector.multi_reduction <minimumf>, %select_n3A_122, %reduce_min3A_127 [1] : vector<256x2048xf32> to vector<256xf32>
    %broadcast_in_dim3A_129 = vector.shape_cast %reduce_min3A_128 : vector<256xf32> to vector<256x1xf32>
    %eq3A_130 = vector.broadcast %broadcast_in_dim3A_129 : vector<256x1xf32> to vector<256x2048xf32>
    %eq3A_131 = arith.cmpf oeq, %select_n3A_122, %eq3A_130 : vector<256x2048xf32>
    %jit3A_132 = arith.constant 2048 : i32
    %broadcast_in_dim3A_133 = vector.broadcast %jit3A_132 : i32 to vector<256x2048xi32>
    %select_n3A_134 = arith.select %eq3A_131, %iota3A_28, %broadcast_in_dim3A_133 : vector<256x2048xi1>, vector<256x2048xi32>
    %reduce_min3A_135 = arith.constant dense<2147483647> : vector<256xi32>
    %reduce_min3A_136 = vector.multi_reduction <minsi>, %select_n3A_134, %reduce_min3A_135 [1] : vector<256x2048xi32> to vector<256xi32>
    %broadcast_in_dim3A_137 = vector.shape_cast %reduce_min3A_136 : vector<256xi32> to vector<256x1xi32>
    %eq3A_138 = vector.broadcast %broadcast_in_dim3A_137 : vector<256x1xi32> to vector<256x2048xi32>
    %eq3A_139 = arith.cmpi eq, %iota3A_28, %eq3A_138 : vector<256x2048xi32>
    %jit3A_140 = arith.constant 0x7F800000 : f32
    %broadcast_in_dim3A_141 = vector.broadcast %jit3A_140 : f32 to vector<256x2048xf32>
    %select_n3A_142 = arith.select %eq3A_139, %broadcast_in_dim3A_141, %select_n3A_122 : vector<256x2048xi1>, vector<256x2048xf32>
    %mul3A_143 = arith.constant 2048 : i32
    %mul3A_144 = arith.muli %arg0, %mul3A_143 : i32
    %add3A_145 = vector.broadcast %mul3A_144 : i32 to vector<256x1xi32>
    %add3A_146 = arith.addi %broadcast_in_dim3A_137, %add3A_145 : vector<256x1xi32>
    %reduce_min3A_147 = arith.constant dense<0x7F800000> : vector<256xf32>
    %reduce_min3A_148 = vector.multi_reduction <minimumf>, %select_n3A_142, %reduce_min3A_147 [1] : vector<256x2048xf32> to vector<256xf32>
    %broadcast_in_dim3A_149 = vector.shape_cast %reduce_min3A_148 : vector<256xf32> to vector<256x1xf32>
    %eq3A_150 = vector.broadcast %broadcast_in_dim3A_149 : vector<256x1xf32> to vector<256x2048xf32>
    %eq3A_151 = arith.cmpf oeq, %select_n3A_142, %eq3A_150 : vector<256x2048xf32>
    %jit3A_152 = arith.constant 2048 : i32
    %broadcast_in_dim3A_153 = vector.broadcast %jit3A_152 : i32 to vector<256x2048xi32>
    %select_n3A_154 = arith.select %eq3A_151, %iota3A_28, %broadcast_in_dim3A_153 : vector<256x2048xi1>, vector<256x2048xi32>
    %reduce_min3A_155 = arith.constant dense<2147483647> : vector<256xi32>
    %reduce_min3A_156 = vector.multi_reduction <minsi>, %select_n3A_154, %reduce_min3A_155 [1] : vector<256x2048xi32> to vector<256xi32>
    %broadcast_in_dim3A_157 = vector.shape_cast %reduce_min3A_156 : vector<256xi32> to vector<256x1xi32>
    %eq3A_158 = vector.broadcast %broadcast_in_dim3A_157 : vector<256x1xi32> to vector<256x2048xi32>
    %eq3A_159 = arith.cmpi eq, %iota3A_28, %eq3A_158 : vector<256x2048xi32>
    %jit3A_160 = arith.constant 0x7F800000 : f32
    %broadcast_in_dim3A_161 = vector.broadcast %jit3A_160 : f32 to vector<256x2048xf32>
    %select_n3A_162 = arith.select %eq3A_159, %broadcast_in_dim3A_161, %select_n3A_142 : vector<256x2048xi1>, vector<256x2048xf32>
    %mul3A_163 = arith.constant 2048 : i32
    %mul3A_164 = arith.muli %arg0, %mul3A_163 : i32
    %add3A_165 = vector.broadcast %mul3A_164 : i32 to vector<256x1xi32>
    %add3A_166 = arith.addi %broadcast_in_dim3A_157, %add3A_165 : vector<256x1xi32>
    %reduce_min3A_167 = arith.constant dense<0x7F800000> : vector<256xf32>
    %reduce_min3A_168 = vector.multi_reduction <minimumf>, %select_n3A_162, %reduce_min3A_167 [1] : vector<256x2048xf32> to vector<256xf32>
    %broadcast_in_dim3A_169 = vector.shape_cast %reduce_min3A_168 : vector<256xf32> to vector<256x1xf32>
    %eq3A_170 = vector.broadcast %broadcast_in_dim3A_169 : vector<256x1xf32> to vector<256x2048xf32>
    %eq3A_171 = arith.cmpf oeq, %select_n3A_162, %eq3A_170 : vector<256x2048xf32>
    %jit3A_172 = arith.constant 2048 : i32
    %broadcast_in_dim3A_173 = vector.broadcast %jit3A_172 : i32 to vector<256x2048xi32>
    %select_n3A_174 = arith.select %eq3A_171, %iota3A_28, %broadcast_in_dim3A_173 : vector<256x2048xi1>, vector<256x2048xi32>
    %reduce_min3A_175 = arith.constant dense<2147483647> : vector<256xi32>
    %reduce_min3A_176 = vector.multi_reduction <minsi>, %select_n3A_174, %reduce_min3A_175 [1] : vector<256x2048xi32> to vector<256xi32>
    %broadcast_in_dim3A_177 = vector.shape_cast %reduce_min3A_176 : vector<256xi32> to vector<256x1xi32>
    %eq3A_178 = vector.broadcast %broadcast_in_dim3A_177 : vector<256x1xi32> to vector<256x2048xi32>
    %eq3A_179 = arith.cmpi eq, %iota3A_28, %eq3A_178 : vector<256x2048xi32>
    %jit3A_180 = arith.constant 0x7F800000 : f32
    %broadcast_in_dim3A_181 = vector.broadcast %jit3A_180 : f32 to vector<256x2048xf32>
    %select_n3A_182 = arith.select %eq3A_179, %broadcast_in_dim3A_181, %select_n3A_162 : vector<256x2048xi1>, vector<256x2048xf32>
    %mul3A_183 = arith.constant 2048 : i32
    %mul3A_184 = arith.muli %arg0, %mul3A_183 : i32
    %add3A_185 = vector.broadcast %mul3A_184 : i32 to vector<256x1xi32>
    %add3A_186 = arith.addi %broadcast_in_dim3A_177, %add3A_185 : vector<256x1xi32>
    %reduce_min3A_187 = arith.constant dense<0x7F800000> : vector<256xf32>
    %reduce_min3A_188 = vector.multi_reduction <minimumf>, %select_n3A_182, %reduce_min3A_187 [1] : vector<256x2048xf32> to vector<256xf32>
    %broadcast_in_dim3A_189 = vector.shape_cast %reduce_min3A_188 : vector<256xf32> to vector<256x1xf32>
    %eq3A_190 = vector.broadcast %broadcast_in_dim3A_189 : vector<256x1xf32> to vector<256x2048xf32>
    %eq3A_191 = arith.cmpf oeq, %select_n3A_182, %eq3A_190 : vector<256x2048xf32>
    %jit3A_192 = arith.constant 2048 : i32
    %broadcast_in_dim3A_193 = vector.broadcast %jit3A_192 : i32 to vector<256x2048xi32>
    %select_n3A_194 = arith.select %eq3A_191, %iota3A_28, %broadcast_in_dim3A_193 : vector<256x2048xi1>, vector<256x2048xi32>
    %reduce_min3A_195 = arith.constant dense<2147483647> : vector<256xi32>
    %reduce_min3A_196 = vector.multi_reduction <minsi>, %select_n3A_194, %reduce_min3A_195 [1] : vector<256x2048xi32> to vector<256xi32>
    %broadcast_in_dim3A_197 = vector.shape_cast %reduce_min3A_196 : vector<256xi32> to vector<256x1xi32>
    %eq3A_198 = vector.broadcast %broadcast_in_dim3A_197 : vector<256x1xi32> to vector<256x2048xi32>
    %eq3A_199 = arith.cmpi eq, %iota3A_28, %eq3A_198 : vector<256x2048xi32>
    %jit3A_200 = arith.constant 0x7F800000 : f32
    %broadcast_in_dim3A_201 = vector.broadcast %jit3A_200 : f32 to vector<256x2048xf32>
    %select_n3A_202 = arith.select %eq3A_199, %broadcast_in_dim3A_201, %select_n3A_182 : vector<256x2048xi1>, vector<256x2048xf32>
    %mul3A_203 = arith.constant 2048 : i32
    %mul3A_204 = arith.muli %arg0, %mul3A_203 : i32
    %add3A_205 = vector.broadcast %mul3A_204 : i32 to vector<256x1xi32>
    %add3A_206 = arith.addi %broadcast_in_dim3A_197, %add3A_205 : vector<256x1xi32>
    %reduce_min3A_207 = arith.constant dense<0x7F800000> : vector<256xf32>
    %reduce_min3A_208 = vector.multi_reduction <minimumf>, %select_n3A_202, %reduce_min3A_207 [1] : vector<256x2048xf32> to vector<256xf32>
    %broadcast_in_dim3A_209 = vector.shape_cast %reduce_min3A_208 : vector<256xf32> to vector<256x1xf32>
    %eq3A_210 = vector.broadcast %broadcast_in_dim3A_209 : vector<256x1xf32> to vector<256x2048xf32>
    %eq3A_211 = arith.cmpf oeq, %select_n3A_202, %eq3A_210 : vector<256x2048xf32>
    %jit3A_212 = arith.constant 2048 : i32
    %broadcast_in_dim3A_213 = vector.broadcast %jit3A_212 : i32 to vector<256x2048xi32>
    %select_n3A_214 = arith.select %eq3A_211, %iota3A_28, %broadcast_in_dim3A_213 : vector<256x2048xi1>, vector<256x2048xi32>
    %reduce_min3A_215 = arith.constant dense<2147483647> : vector<256xi32>
    %reduce_min3A_216 = vector.multi_reduction <minsi>, %select_n3A_214, %reduce_min3A_215 [1] : vector<256x2048xi32> to vector<256xi32>
    %broadcast_in_dim3A_217 = vector.shape_cast %reduce_min3A_216 : vector<256xi32> to vector<256x1xi32>
    %eq3A_218 = vector.broadcast %broadcast_in_dim3A_217 : vector<256x1xi32> to vector<256x2048xi32>
    %eq3A_219 = arith.cmpi eq, %iota3A_28, %eq3A_218 : vector<256x2048xi32>
    %jit3A_220 = arith.constant 0x7F800000 : f32
    %broadcast_in_dim3A_221 = vector.broadcast %jit3A_220 : f32 to vector<256x2048xf32>
    %select_n3A_222 = arith.select %eq3A_219, %broadcast_in_dim3A_221, %select_n3A_202 : vector<256x2048xi1>, vector<256x2048xf32>
    %mul3A_223 = arith.constant 2048 : i32
    %mul3A_224 = arith.muli %arg0, %mul3A_223 : i32
    %add3A_225 = vector.broadcast %mul3A_224 : i32 to vector<256x1xi32>
    %add3A_226 = arith.addi %broadcast_in_dim3A_217, %add3A_225 : vector<256x1xi32>
    %reduce_min3A_227 = arith.constant dense<0x7F800000> : vector<256xf32>
    %reduce_min3A_228 = vector.multi_reduction <minimumf>, %select_n3A_222, %reduce_min3A_227 [1] : vector<256x2048xf32> to vector<256xf32>
    %broadcast_in_dim3A_229 = vector.shape_cast %reduce_min3A_228 : vector<256xf32> to vector<256x1xf32>
    %eq3A_230 = vector.broadcast %broadcast_in_dim3A_229 : vector<256x1xf32> to vector<256x2048xf32>
    %eq3A_231 = arith.cmpf oeq, %select_n3A_222, %eq3A_230 : vector<256x2048xf32>
    %jit3A_232 = arith.constant 2048 : i32
    %broadcast_in_dim3A_233 = vector.broadcast %jit3A_232 : i32 to vector<256x2048xi32>
    %select_n3A_234 = arith.select %eq3A_231, %iota3A_28, %broadcast_in_dim3A_233 : vector<256x2048xi1>, vector<256x2048xi32>
    %reduce_min3A_235 = arith.constant dense<2147483647> : vector<256xi32>
    %reduce_min3A_236 = vector.multi_reduction <minsi>, %select_n3A_234, %reduce_min3A_235 [1] : vector<256x2048xi32> to vector<256xi32>
    %broadcast_in_dim3A_237 = vector.shape_cast %reduce_min3A_236 : vector<256xi32> to vector<256x1xi32>
    %eq3A_238 = vector.broadcast %broadcast_in_dim3A_237 : vector<256x1xi32> to vector<256x2048xi32>
    %eq3A_239 = arith.cmpi eq, %iota3A_28, %eq3A_238 : vector<256x2048xi32>
    %jit3A_240 = arith.constant 0x7F800000 : f32
    %broadcast_in_dim3A_241 = vector.broadcast %jit3A_240 : f32 to vector<256x2048xf32>
    %select_n3A_242 = arith.select %eq3A_239, %broadcast_in_dim3A_241, %select_n3A_222 : vector<256x2048xi1>, vector<256x2048xf32>
    %mul3A_243 = arith.constant 2048 : i32
    %mul3A_244 = arith.muli %arg0, %mul3A_243 : i32
    %add3A_245 = vector.broadcast %mul3A_244 : i32 to vector<256x1xi32>
    %add3A_246 = arith.addi %broadcast_in_dim3A_237, %add3A_245 : vector<256x1xi32>
    %reduce_min3A_247 = arith.constant dense<0x7F800000> : vector<256xf32>
    %reduce_min3A_248 = vector.multi_reduction <minimumf>, %select_n3A_242, %reduce_min3A_247 [1] : vector<256x2048xf32> to vector<256xf32>
    %broadcast_in_dim3A_249 = vector.shape_cast %reduce_min3A_248 : vector<256xf32> to vector<256x1xf32>
    %eq3A_250 = vector.broadcast %broadcast_in_dim3A_249 : vector<256x1xf32> to vector<256x2048xf32>
    %eq3A_251 = arith.cmpf oeq, %select_n3A_242, %eq3A_250 : vector<256x2048xf32>
    %jit3A_252 = arith.constant 2048 : i32
    %broadcast_in_dim3A_253 = vector.broadcast %jit3A_252 : i32 to vector<256x2048xi32>
    %select_n3A_254 = arith.select %eq3A_251, %iota3A_28, %broadcast_in_dim3A_253 : vector<256x2048xi1>, vector<256x2048xi32>
    %reduce_min3A_255 = arith.constant dense<2147483647> : vector<256xi32>
    %reduce_min3A_256 = vector.multi_reduction <minsi>, %select_n3A_254, %reduce_min3A_255 [1] : vector<256x2048xi32> to vector<256xi32>
    %broadcast_in_dim3A_257 = vector.shape_cast %reduce_min3A_256 : vector<256xi32> to vector<256x1xi32>
    %eq3A_258 = vector.broadcast %broadcast_in_dim3A_257 : vector<256x1xi32> to vector<256x2048xi32>
    %eq3A_259 = arith.cmpi eq, %iota3A_28, %eq3A_258 : vector<256x2048xi32>
    %jit3A_260 = arith.constant 0x7F800000 : f32
    %broadcast_in_dim3A_261 = vector.broadcast %jit3A_260 : f32 to vector<256x2048xf32>
    %select_n3A_262 = arith.select %eq3A_259, %broadcast_in_dim3A_261, %select_n3A_242 : vector<256x2048xi1>, vector<256x2048xf32>
    %mul3A_263 = arith.constant 2048 : i32
    %mul3A_264 = arith.muli %arg0, %mul3A_263 : i32
    %add3A_265 = vector.broadcast %mul3A_264 : i32 to vector<256x1xi32>
    %add3A_266 = arith.addi %broadcast_in_dim3A_257, %add3A_265 : vector<256x1xi32>
    %reduce_min3A_267 = arith.constant dense<0x7F800000> : vector<256xf32>
    %reduce_min3A_268 = vector.multi_reduction <minimumf>, %select_n3A_262, %reduce_min3A_267 [1] : vector<256x2048xf32> to vector<256xf32>
    %broadcast_in_dim3A_269 = vector.shape_cast %reduce_min3A_268 : vector<256xf32> to vector<256x1xf32>
    %eq3A_270 = vector.broadcast %broadcast_in_dim3A_269 : vector<256x1xf32> to vector<256x2048xf32>
    %eq3A_271 = arith.cmpf oeq, %select_n3A_262, %eq3A_270 : vector<256x2048xf32>
    %jit3A_272 = arith.constant 2048 : i32
    %broadcast_in_dim3A_273 = vector.broadcast %jit3A_272 : i32 to vector<256x2048xi32>
    %select_n3A_274 = arith.select %eq3A_271, %iota3A_28, %broadcast_in_dim3A_273 : vector<256x2048xi1>, vector<256x2048xi32>
    %reduce_min3A_275 = arith.constant dense<2147483647> : vector<256xi32>
    %reduce_min3A_276 = vector.multi_reduction <minsi>, %select_n3A_274, %reduce_min3A_275 [1] : vector<256x2048xi32> to vector<256xi32>
    %broadcast_in_dim3A_277 = vector.shape_cast %reduce_min3A_276 : vector<256xi32> to vector<256x1xi32>
    %eq3A_278 = vector.broadcast %broadcast_in_dim3A_277 : vector<256x1xi32> to vector<256x2048xi32>
    %eq3A_279 = arith.cmpi eq, %iota3A_28, %eq3A_278 : vector<256x2048xi32>
    %jit3A_280 = arith.constant 0x7F800000 : f32
    %broadcast_in_dim3A_281 = vector.broadcast %jit3A_280 : f32 to vector<256x2048xf32>
    %select_n3A_282 = arith.select %eq3A_279, %broadcast_in_dim3A_281, %select_n3A_262 : vector<256x2048xi1>, vector<256x2048xf32>
    %mul3A_283 = arith.constant 2048 : i32
    %mul3A_284 = arith.muli %arg0, %mul3A_283 : i32
    %add3A_285 = vector.broadcast %mul3A_284 : i32 to vector<256x1xi32>
    %add3A_286 = arith.addi %broadcast_in_dim3A_277, %add3A_285 : vector<256x1xi32>
    %reduce_min3A_287 = arith.constant dense<0x7F800000> : vector<256xf32>
    %reduce_min3A_288 = vector.multi_reduction <minimumf>, %select_n3A_282, %reduce_min3A_287 [1] : vector<256x2048xf32> to vector<256xf32>
    %broadcast_in_dim3A_289 = vector.shape_cast %reduce_min3A_288 : vector<256xf32> to vector<256x1xf32>
    %eq3A_290 = vector.broadcast %broadcast_in_dim3A_289 : vector<256x1xf32> to vector<256x2048xf32>
    %eq3A_291 = arith.cmpf oeq, %select_n3A_282, %eq3A_290 : vector<256x2048xf32>
    %jit3A_292 = arith.constant 2048 : i32
    %broadcast_in_dim3A_293 = vector.broadcast %jit3A_292 : i32 to vector<256x2048xi32>
    %select_n3A_294 = arith.select %eq3A_291, %iota3A_28, %broadcast_in_dim3A_293 : vector<256x2048xi1>, vector<256x2048xi32>
    %reduce_min3A_295 = arith.constant dense<2147483647> : vector<256xi32>
    %reduce_min3A_296 = vector.multi_reduction <minsi>, %select_n3A_294, %reduce_min3A_295 [1] : vector<256x2048xi32> to vector<256xi32>
    %broadcast_in_dim3A_297 = vector.shape_cast %reduce_min3A_296 : vector<256xi32> to vector<256x1xi32>
    %eq3A_298 = vector.broadcast %broadcast_in_dim3A_297 : vector<256x1xi32> to vector<256x2048xi32>
    %eq3A_299 = arith.cmpi eq, %iota3A_28, %eq3A_298 : vector<256x2048xi32>
    %jit3A_300 = arith.constant 0x7F800000 : f32
    %broadcast_in_dim3A_301 = vector.broadcast %jit3A_300 : f32 to vector<256x2048xf32>
    %select_n3A_302 = arith.select %eq3A_299, %broadcast_in_dim3A_301, %select_n3A_282 : vector<256x2048xi1>, vector<256x2048xf32>
    %mul3A_303 = arith.constant 2048 : i32
    %mul3A_304 = arith.muli %arg0, %mul3A_303 : i32
    %add3A_305 = vector.broadcast %mul3A_304 : i32 to vector<256x1xi32>
    %add3A_306 = arith.addi %broadcast_in_dim3A_297, %add3A_305 : vector<256x1xi32>
    %reduce_min3A_307 = arith.constant dense<0x7F800000> : vector<256xf32>
    %reduce_min3A_308 = vector.multi_reduction <minimumf>, %select_n3A_302, %reduce_min3A_307 [1] : vector<256x2048xf32> to vector<256xf32>
    %broadcast_in_dim3A_309 = vector.shape_cast %reduce_min3A_308 : vector<256xf32> to vector<256x1xf32>
    %eq3A_310 = vector.broadcast %broadcast_in_dim3A_309 : vector<256x1xf32> to vector<256x2048xf32>
    %eq3A_311 = arith.cmpf oeq, %select_n3A_302, %eq3A_310 : vector<256x2048xf32>
    %jit3A_312 = arith.constant 2048 : i32
    %broadcast_in_dim3A_313 = vector.broadcast %jit3A_312 : i32 to vector<256x2048xi32>
    %select_n3A_314 = arith.select %eq3A_311, %iota3A_28, %broadcast_in_dim3A_313 : vector<256x2048xi1>, vector<256x2048xi32>
    %reduce_min3A_315 = arith.constant dense<2147483647> : vector<256xi32>
    %reduce_min3A_316 = vector.multi_reduction <minsi>, %select_n3A_314, %reduce_min3A_315 [1] : vector<256x2048xi32> to vector<256xi32>
    %broadcast_in_dim3A_317 = vector.shape_cast %reduce_min3A_316 : vector<256xi32> to vector<256x1xi32>
    %eq3A_318 = vector.broadcast %broadcast_in_dim3A_317 : vector<256x1xi32> to vector<256x2048xi32>
    %eq3A_319 = arith.cmpi eq, %iota3A_28, %eq3A_318 : vector<256x2048xi32>
    %jit3A_320 = arith.constant 0x7F800000 : f32
    %broadcast_in_dim3A_321 = vector.broadcast %jit3A_320 : f32 to vector<256x2048xf32>
    %select_n3A_322 = arith.select %eq3A_319, %broadcast_in_dim3A_321, %select_n3A_302 : vector<256x2048xi1>, vector<256x2048xf32>
    %mul3A_323 = arith.constant 2048 : i32
    %mul3A_324 = arith.muli %arg0, %mul3A_323 : i32
    %add3A_325 = vector.broadcast %mul3A_324 : i32 to vector<256x1xi32>
    %add3A_326 = arith.addi %broadcast_in_dim3A_317, %add3A_325 : vector<256x1xi32>
    %reduce_min3A_327 = arith.constant dense<0x7F800000> : vector<256xf32>
    %reduce_min3A_328 = vector.multi_reduction <minimumf>, %select_n3A_322, %reduce_min3A_327 [1] : vector<256x2048xf32> to vector<256xf32>
    %broadcast_in_dim3A_329 = vector.shape_cast %reduce_min3A_328 : vector<256xf32> to vector<256x1xf32>
    %eq3A_330 = vector.broadcast %broadcast_in_dim3A_329 : vector<256x1xf32> to vector<256x2048xf32>
    %eq3A_331 = arith.cmpf oeq, %select_n3A_322, %eq3A_330 : vector<256x2048xf32>
    %jit3A_332 = arith.constant 2048 : i32
    %broadcast_in_dim3A_333 = vector.broadcast %jit3A_332 : i32 to vector<256x2048xi32>
    %select_n3A_334 = arith.select %eq3A_331, %iota3A_28, %broadcast_in_dim3A_333 : vector<256x2048xi1>, vector<256x2048xi32>
    %reduce_min3A_335 = arith.constant dense<2147483647> : vector<256xi32>
    %reduce_min3A_336 = vector.multi_reduction <minsi>, %select_n3A_334, %reduce_min3A_335 [1] : vector<256x2048xi32> to vector<256xi32>
    %broadcast_in_dim3A_337 = vector.shape_cast %reduce_min3A_336 : vector<256xi32> to vector<256x1xi32>
    %mul3A_338 = arith.constant 2048 : i32
    %mul3A_339 = arith.muli %arg0, %mul3A_338 : i32
    %add3A_340 = vector.broadcast %mul3A_339 : i32 to vector<256x1xi32>
    %add3A_341 = arith.addi %broadcast_in_dim3A_337, %add3A_340 : vector<256x1xi32>
    %concatenate3A = tpu.concatenate %add3A_46, %add3A_66, %add3A_86, %add3A_106, %add3A_126, %add3A_146, %add3A_166, %add3A_186, %add3A_206, %add3A_226, %add3A_246, %add3A_266, %add3A_286, %add3A_306, %add3A_326, %add3A_341 in 1 : vector<256x1xi32>, vector<256x1xi32>, vector<256x1xi32>, vector<256x1xi32>, vector<256x1xi32>, vector<256x1xi32>, vector<256x1xi32>, vector<256x1xi32>, vector<256x1xi32>, vector<256x1xi32>, vector<256x1xi32>, vector<256x1xi32>, vector<256x1xi32>, vector<256x1xi32>, vector<256x1xi32>, vector<256x1xi32> -> vector<256x16xi32>
    %swap3A = arith.constant 0 : index
    %swap3A_342 = arith.constant 0 : index
    %swap3A_343 = arith.constant 0 : index
    %swap3A_344 = vector.load %arg4[%swap3A, %swap3A_342, %swap3A_343] : memref<1x256x16xi32, #tpu.memory_space<vmem>>, vector<1x256x16xi32>
    %swap3A_345 = vector.shape_cast %swap3A_344 : vector<1x256x16xi32> to vector<256x16xi32>
    %swap3A_346 = vector.shape_cast %concatenate3A : vector<256x16xi32> to vector<1x256x16xi32>
    tpu.vector_store %arg4[%swap3A, %swap3A_342, %swap3A_343], %swap3A_346 {strides = array<i32>} : memref<1x256x16xi32, #tpu.memory_space<vmem>>, vector<1x256x16xi32>,
    %broadcast_in_dim3A_347 = arith.constant 0.000000e+00 : f32
    %broadcast_in_dim3A_348 = vector.broadcast %broadcast_in_dim3A_347 : f32 to vector<256x64xf32>
    %concatenate3A_349 = tpu.concatenate %get3A_8, %broadcast_in_dim3A_348 in 1 : vector<256x64xf32>, vector<256x64xf32> -> vector<256x128xf32>
    %swap3A_350 = arith.constant 0 : index
    %swap3A_351 = arith.constant 0 : index
    %swap3A_352 = arith.constant 0 : index
    %swap3A_353 = vector.load %arg5[%swap3A_350, %swap3A_351, %swap3A_352] : memref<1x256x128xf32, #tpu.memory_space<vmem>>, vector<1x256x128xf32>
    %swap3A_354 = vector.shape_cast %swap3A_353 : vector<1x256x128xf32> to vector<256x128xf32>
    %swap3A_355 = vector.shape_cast %concatenate3A_349 : vector<256x128xf32> to vector<1x256x128xf32>
    tpu.vector_store %arg5[%swap3A_350, %swap3A_351, %swap3A_352], %swap3A_355 {strides = array<i32>} : memref<1x256x128xf32, #tpu.memory_space<vmem>>, vector<1x256x128xf32>,
    return
  }
  func.func @transform_0(%arg0: i32, %arg1: i32) -> (i32, i32, i32) {
    %c0_i32 = arith.constant 0 : i32
    %c0_i32_0 = arith.constant 0 : i32
    %c0_i32_1 = arith.constant 0 : i32
    return %arg0, %c0_i32, %c0_i32_0 : i32, i32, i32
  }
  func.func @transform_1(%arg0: i32, %arg1: i32) -> (i32, i32, i32) {
    %c0_i32 = arith.constant 0 : i32
    %c0_i32_0 = arith.constant 0 : i32
    return %arg0, %arg1, %c0_i32 : i32, i32, i32
  }
  func.func @transform_2(%arg0: i32, %arg1: i32) -> (i32, i32, i32) {
    %c0_i32 = arith.constant 0 : i32
    %c0_i32_0 = arith.constant 0 : i32
    return %arg0, %arg1, %c0_i32 : i32, i32, i32
  }
  func.func @transform_3(%arg0: i32, %arg1: i32) -> (i32, i32, i32) {
    %c0_i32 = arith.constant 0 : i32
    %c0_i32_0 = arith.constant 0 : i32
    return %arg0, %arg1, %c0_i32 : i32, i32, i32
  }
}

module attributes {stable_mosaic.version = 14 : i64} {
  func.func @_matmul_body(%arg0: i32, %arg1: memref<2048x64xf32, #tpu.memory_space<vmem>>, %arg2: memref<64x128xf32, #tpu.memory_space<vmem>>, %arg3: memref<128xf32, #tpu.memory_space<vmem>>, %arg4: memref<2048x128xf32, #tpu.memory_space<vmem>>) attributes {dimension_semantics = [#tpu.dimension_semantics<arbitrary>], iteration_bounds = array<i64: 8>, scalar_prefetch = 0 : i64, scratch_operands = 0 : i64, tpu.core_type = #tpu.core_type<tc>, window_params = [{transform_indices = @transform_0, window_bounds = array<i64: 2048, 64>}, {pipeline_mode = #tpu.pipeline_mode<synchronous>, transform_indices = @transform_1, window_bounds = array<i64: 64, 128>}, {pipeline_mode = #tpu.pipeline_mode<synchronous>, transform_indices = @transform_2, window_bounds = array<i64: 128>}, {transform_indices = @transform_3, window_bounds = array<i64: 2048, 128>}]} {
    %get3A = arith.constant 0 : index
    %get3A_0 = arith.constant 0 : index
    %get3A_1 = vector.load %arg1[%get3A, %get3A_0] : memref<2048x64xf32, #tpu.memory_space<vmem>>, vector<2048x64xf32>
    %get3A_2 = arith.constant 0 : index
    %get3A_3 = arith.constant 0 : index
    %get3A_4 = vector.load %arg2[%get3A_2, %get3A_3] : memref<64x128xf32, #tpu.memory_space<vmem>>, vector<64x128xf32>
    %dot_general3A = arith.constant dense<0.000000e+00> : vector<2048x128xf32>
    %dot_general3A_5 = tpu.matmul %get3A_1, %get3A_4, %dot_general3A {dimension_numbers = #tpu.dot_dimension_numbers<[1], [0], [0], [1], [0, 0, 1, 1], [], []>, transpose_lhs_hint = false} : vector<2048x64xf32>, vector<64x128xf32>, vector<2048x128xf32> -> vector<2048x128xf32>
    %get3A_6 = arith.constant 0 : index
    %get3A_7 = vector.load %arg3[%get3A_6] : memref<128xf32, #tpu.memory_space<vmem>>, vector<128xf32>
    %broadcast_in_dim3A = vector.shape_cast %get3A_7 : vector<128xf32> to vector<1x128xf32>
    %add3A = vector.broadcast %broadcast_in_dim3A : vector<1x128xf32> to vector<2048x128xf32>
    %add3A_8 = arith.addf %dot_general3A_5, %add3A : vector<2048x128xf32>
    %swap3A = arith.constant 0 : index
    %swap3A_9 = arith.constant 0 : index
    %swap3A_10 = vector.load %arg4[%swap3A, %swap3A_9] : memref<2048x128xf32, #tpu.memory_space<vmem>>, vector<2048x128xf32>
    tpu.vector_store %arg4[%swap3A, %swap3A_9], %add3A_8 {strides = array<i32>} : memref<2048x128xf32, #tpu.memory_space<vmem>>, vector<2048x128xf32>,
    return
  }
  func.func @transform_0(%arg0: i32) -> (i32, i32) {
    %c0_i32 = arith.constant 0 : i32
    %c0_i32_0 = arith.constant 0 : i32
    return %arg0, %c0_i32 : i32, i32
  }
  func.func @transform_1(%arg0: i32) -> (i32, i32) {
    %c0_i32 = arith.constant 0 : i32
    %c0_i32_0 = arith.constant 0 : i32
    %c0_i32_1 = arith.constant 0 : i32
    return %c0_i32, %c0_i32_0 : i32, i32
  }
  func.func @transform_2(%arg0: i32) -> i32 {
    %c0_i32 = arith.constant 0 : i32
    %c0_i32_0 = arith.constant 0 : i32
    return %c0_i32 : i32
  }
  func.func @transform_3(%arg0: i32) -> (i32, i32) {
    %c0_i32 = arith.constant 0 : i32
    %c0_i32_0 = arith.constant 0 : i32
    return %arg0, %c0_i32 : i32, i32
  }
}

module attributes {stable_mosaic.version = 14 : i64} {
  func.func @_knn_idx_body(%arg0: i32, %arg1: i32, %arg2: memref<1x2048x128xf32, #tpu.memory_space<vmem>>, %arg3: memref<1x256x128xf32, #tpu.memory_space<vmem>>, %arg4: memref<1x256x16xi32, #tpu.memory_space<vmem>>, %arg5: memref<1x256x128xf32, #tpu.memory_space<vmem>>) attributes {dimension_semantics = [#tpu.dimension_semantics<arbitrary>, #tpu.dimension_semantics<arbitrary>], iteration_bounds = array<i64: 8, 8>, scalar_prefetch = 0 : i64, scratch_operands = 0 : i64, tpu.core_type = #tpu.core_type<tc>, window_params = [{transform_indices = @transform_0, window_bounds = array<i64: 1, 2048, 128>}, {transform_indices = @transform_1, window_bounds = array<i64: 1, 256, 128>}, {transform_indices = @transform_2, window_bounds = array<i64: 1, 256, 16>}, {transform_indices = @transform_3, window_bounds = array<i64: 1, 256, 128>}]} {
    %get3A = arith.constant 0 : index
    %get3A_0 = arith.constant 0 : index
    %get3A_1 = arith.constant 0 : index
    %get3A_2 = vector.load %arg2[%get3A, %get3A_0, %get3A_1] : memref<1x2048x128xf32, #tpu.memory_space<vmem>>, vector<1x2048x128xf32>
    %get3A_3 = vector.shape_cast %get3A_2 : vector<1x2048x128xf32> to vector<2048x128xf32>
    %get3A_4 = arith.constant 0 : index
    %get3A_5 = arith.constant 0 : index
    %get3A_6 = arith.constant 0 : index
    %get3A_7 = vector.load %arg3[%get3A_4, %get3A_5, %get3A_6] : memref<1x256x128xf32, #tpu.memory_space<vmem>>, vector<1x256x128xf32>
    %get3A_8 = vector.shape_cast %get3A_7 : vector<1x256x128xf32> to vector<256x128xf32>
    %mul3A = arith.mulf %get3A_3, %get3A_3 : vector<2048x128xf32>
    %reduce_sum3A = arith.constant dense<0.000000e+00> : vector<2048xf32>
    %reduce_sum3A_9 = vector.multi_reduction <add>, %mul3A, %reduce_sum3A [1] : vector<2048x128xf32> to vector<2048xf32>
    %mul3A_10 = arith.mulf %get3A_8, %get3A_8 : vector<256x128xf32>
    %reduce_sum3A_11 = arith.constant dense<0.000000e+00> : vector<256xf32>
    %reduce_sum3A_12 = vector.multi_reduction <add>, %mul3A_10, %reduce_sum3A_11 [1] : vector<256x128xf32> to vector<256xf32>
    %dot_general3A = arith.constant dense<0.000000e+00> : vector<256x2048xf32>
    %dot_general3A_13 = tpu.matmul %get3A_8, %get3A_3, %dot_general3A {dimension_numbers = #tpu.dot_dimension_numbers<[1], [1], [0], [0], [0, 0, 1, 0], [], []>, transpose_lhs_hint = false} : vector<256x128xf32>, vector<2048x128xf32>, vector<256x2048xf32> -> vector<256x2048xf32>
    %broadcast_in_dim3A = vector.shape_cast %reduce_sum3A_12 : vector<256xf32> to vector<256x1xf32>
    %broadcast_in_dim3A_14 = vector.shape_cast %reduce_sum3A_9 : vector<2048xf32> to vector<1x2048xf32>
    %add3A = vector.broadcast %broadcast_in_dim3A : vector<256x1xf32> to vector<256x2048xf32>
    %add3A_15 = vector.broadcast %broadcast_in_dim3A_14 : vector<1x2048xf32> to vector<256x2048xf32>
    %add3A_16 = arith.addf %add3A, %add3A_15 : vector<256x2048xf32>
    %mul3A_17 = arith.constant 2.000000e+00 : f32
    %mul3A_18 = vector.broadcast %mul3A_17 : f32 to vector<256x2048xf32>
    %mul3A_19 = arith.mulf %mul3A_18, %dot_general3A_13 : vector<256x2048xf32>
    %sub3A = arith.subf %add3A_16, %mul3A_19 : vector<256x2048xf32>
    %iota3A = tpu.iota {dimensions = array<i32: 0>} : vector<256x2048xi32>
    %iota3A_20 = tpu.iota {dimensions = array<i32: 1>} : vector<256x2048xi32>
    %mul3A_21 = arith.constant 256 : i32
    %mul3A_22 = arith.muli %arg1, %mul3A_21 : i32
    %add3A_23 = vector.broadcast %mul3A_22 : i32 to vector<256x2048xi32>
    %add3A_24 = arith.addi %iota3A, %add3A_23 : vector<256x2048xi32>
    %eq3A = arith.cmpi eq, %iota3A_20, %add3A_24 : vector<256x2048xi32>
    %add3A_25 = arith.constant 1.000000e+10 : f32
    %add3A_26 = vector.broadcast %add3A_25 : f32 to vector<256x2048xf32>
    %add3A_27 = arith.addf %sub3A, %add3A_26 : vector<256x2048xf32>
    %select_n3A = arith.select %eq3A, %add3A_27, %sub3A : vector<256x2048xi1>, vector<256x2048xf32>
    %iota3A_28 = tpu.iota {dimensions = array<i32: 1>} : vector<256x2048xi32>
    %reduce_min3A = arith.constant dense<0x7F800000> : vector<256xf32>
    %reduce_min3A_29 = vector.multi_reduction <minimumf>, %select_n3A, %reduce_min3A [1] : vector<256x2048xf32> to vector<256xf32>
    %broadcast_in_dim3A_30 = vector.shape_cast %reduce_min3A_29 : vector<256xf32> to vector<256x1xf32>
    %eq3A_31 = vector.broadcast %broadcast_in_dim3A_30 : vector<256x1xf32> to vector<256x2048xf32>
    %eq3A_32 = arith.cmpf oeq, %select_n3A, %eq3A_31 : vector<256x2048xf32>
    %jit3A = arith.constant 2048 : i32
    %broadcast_in_dim3A_33 = vector.broadcast %jit3A : i32 to vector<256x2048xi32>
    %select_n3A_34 = arith.select %eq3A_32, %iota3A_28, %broadcast_in_dim3A_33 : vector<256x2048xi1>, vector<256x2048xi32>
    %reduce_min3A_35 = arith.constant dense<2147483647> : vector<256xi32>
    %reduce_min3A_36 = vector.multi_reduction <minsi>, %select_n3A_34, %reduce_min3A_35 [1] : vector<256x2048xi32> to vector<256xi32>
    %broadcast_in_dim3A_37 = vector.shape_cast %reduce_min3A_36 : vector<256xi32> to vector<256x1xi32>
    %eq3A_38 = vector.broadcast %broadcast_in_dim3A_37 : vector<256x1xi32> to vector<256x2048xi32>
    %eq3A_39 = arith.cmpi eq, %iota3A_28, %eq3A_38 : vector<256x2048xi32>
    %jit3A_40 = arith.constant 0x7F800000 : f32
    %broadcast_in_dim3A_41 = vector.broadcast %jit3A_40 : f32 to vector<256x2048xf32>
    %select_n3A_42 = arith.select %eq3A_39, %broadcast_in_dim3A_41, %select_n3A : vector<256x2048xi1>, vector<256x2048xf32>
    %mul3A_43 = arith.constant 2048 : i32
    %mul3A_44 = arith.muli %arg0, %mul3A_43 : i32
    %add3A_45 = vector.broadcast %mul3A_44 : i32 to vector<256x1xi32>
    %add3A_46 = arith.addi %broadcast_in_dim3A_37, %add3A_45 : vector<256x1xi32>
    %reduce_min3A_47 = arith.constant dense<0x7F800000> : vector<256xf32>
    %reduce_min3A_48 = vector.multi_reduction <minimumf>, %select_n3A_42, %reduce_min3A_47 [1] : vector<256x2048xf32> to vector<256xf32>
    %broadcast_in_dim3A_49 = vector.shape_cast %reduce_min3A_48 : vector<256xf32> to vector<256x1xf32>
    %eq3A_50 = vector.broadcast %broadcast_in_dim3A_49 : vector<256x1xf32> to vector<256x2048xf32>
    %eq3A_51 = arith.cmpf oeq, %select_n3A_42, %eq3A_50 : vector<256x2048xf32>
    %jit3A_52 = arith.constant 2048 : i32
    %broadcast_in_dim3A_53 = vector.broadcast %jit3A_52 : i32 to vector<256x2048xi32>
    %select_n3A_54 = arith.select %eq3A_51, %iota3A_28, %broadcast_in_dim3A_53 : vector<256x2048xi1>, vector<256x2048xi32>
    %reduce_min3A_55 = arith.constant dense<2147483647> : vector<256xi32>
    %reduce_min3A_56 = vector.multi_reduction <minsi>, %select_n3A_54, %reduce_min3A_55 [1] : vector<256x2048xi32> to vector<256xi32>
    %broadcast_in_dim3A_57 = vector.shape_cast %reduce_min3A_56 : vector<256xi32> to vector<256x1xi32>
    %eq3A_58 = vector.broadcast %broadcast_in_dim3A_57 : vector<256x1xi32> to vector<256x2048xi32>
    %eq3A_59 = arith.cmpi eq, %iota3A_28, %eq3A_58 : vector<256x2048xi32>
    %jit3A_60 = arith.constant 0x7F800000 : f32
    %broadcast_in_dim3A_61 = vector.broadcast %jit3A_60 : f32 to vector<256x2048xf32>
    %select_n3A_62 = arith.select %eq3A_59, %broadcast_in_dim3A_61, %select_n3A_42 : vector<256x2048xi1>, vector<256x2048xf32>
    %mul3A_63 = arith.constant 2048 : i32
    %mul3A_64 = arith.muli %arg0, %mul3A_63 : i32
    %add3A_65 = vector.broadcast %mul3A_64 : i32 to vector<256x1xi32>
    %add3A_66 = arith.addi %broadcast_in_dim3A_57, %add3A_65 : vector<256x1xi32>
    %reduce_min3A_67 = arith.constant dense<0x7F800000> : vector<256xf32>
    %reduce_min3A_68 = vector.multi_reduction <minimumf>, %select_n3A_62, %reduce_min3A_67 [1] : vector<256x2048xf32> to vector<256xf32>
    %broadcast_in_dim3A_69 = vector.shape_cast %reduce_min3A_68 : vector<256xf32> to vector<256x1xf32>
    %eq3A_70 = vector.broadcast %broadcast_in_dim3A_69 : vector<256x1xf32> to vector<256x2048xf32>
    %eq3A_71 = arith.cmpf oeq, %select_n3A_62, %eq3A_70 : vector<256x2048xf32>
    %jit3A_72 = arith.constant 2048 : i32
    %broadcast_in_dim3A_73 = vector.broadcast %jit3A_72 : i32 to vector<256x2048xi32>
    %select_n3A_74 = arith.select %eq3A_71, %iota3A_28, %broadcast_in_dim3A_73 : vector<256x2048xi1>, vector<256x2048xi32>
    %reduce_min3A_75 = arith.constant dense<2147483647> : vector<256xi32>
    %reduce_min3A_76 = vector.multi_reduction <minsi>, %select_n3A_74, %reduce_min3A_75 [1] : vector<256x2048xi32> to vector<256xi32>
    %broadcast_in_dim3A_77 = vector.shape_cast %reduce_min3A_76 : vector<256xi32> to vector<256x1xi32>
    %eq3A_78 = vector.broadcast %broadcast_in_dim3A_77 : vector<256x1xi32> to vector<256x2048xi32>
    %eq3A_79 = arith.cmpi eq, %iota3A_28, %eq3A_78 : vector<256x2048xi32>
    %jit3A_80 = arith.constant 0x7F800000 : f32
    %broadcast_in_dim3A_81 = vector.broadcast %jit3A_80 : f32 to vector<256x2048xf32>
    %select_n3A_82 = arith.select %eq3A_79, %broadcast_in_dim3A_81, %select_n3A_62 : vector<256x2048xi1>, vector<256x2048xf32>
    %mul3A_83 = arith.constant 2048 : i32
    %mul3A_84 = arith.muli %arg0, %mul3A_83 : i32
    %add3A_85 = vector.broadcast %mul3A_84 : i32 to vector<256x1xi32>
    %add3A_86 = arith.addi %broadcast_in_dim3A_77, %add3A_85 : vector<256x1xi32>
    %reduce_min3A_87 = arith.constant dense<0x7F800000> : vector<256xf32>
    %reduce_min3A_88 = vector.multi_reduction <minimumf>, %select_n3A_82, %reduce_min3A_87 [1] : vector<256x2048xf32> to vector<256xf32>
    %broadcast_in_dim3A_89 = vector.shape_cast %reduce_min3A_88 : vector<256xf32> to vector<256x1xf32>
    %eq3A_90 = vector.broadcast %broadcast_in_dim3A_89 : vector<256x1xf32> to vector<256x2048xf32>
    %eq3A_91 = arith.cmpf oeq, %select_n3A_82, %eq3A_90 : vector<256x2048xf32>
    %jit3A_92 = arith.constant 2048 : i32
    %broadcast_in_dim3A_93 = vector.broadcast %jit3A_92 : i32 to vector<256x2048xi32>
    %select_n3A_94 = arith.select %eq3A_91, %iota3A_28, %broadcast_in_dim3A_93 : vector<256x2048xi1>, vector<256x2048xi32>
    %reduce_min3A_95 = arith.constant dense<2147483647> : vector<256xi32>
    %reduce_min3A_96 = vector.multi_reduction <minsi>, %select_n3A_94, %reduce_min3A_95 [1] : vector<256x2048xi32> to vector<256xi32>
    %broadcast_in_dim3A_97 = vector.shape_cast %reduce_min3A_96 : vector<256xi32> to vector<256x1xi32>
    %eq3A_98 = vector.broadcast %broadcast_in_dim3A_97 : vector<256x1xi32> to vector<256x2048xi32>
    %eq3A_99 = arith.cmpi eq, %iota3A_28, %eq3A_98 : vector<256x2048xi32>
    %jit3A_100 = arith.constant 0x7F800000 : f32
    %broadcast_in_dim3A_101 = vector.broadcast %jit3A_100 : f32 to vector<256x2048xf32>
    %select_n3A_102 = arith.select %eq3A_99, %broadcast_in_dim3A_101, %select_n3A_82 : vector<256x2048xi1>, vector<256x2048xf32>
    %mul3A_103 = arith.constant 2048 : i32
    %mul3A_104 = arith.muli %arg0, %mul3A_103 : i32
    %add3A_105 = vector.broadcast %mul3A_104 : i32 to vector<256x1xi32>
    %add3A_106 = arith.addi %broadcast_in_dim3A_97, %add3A_105 : vector<256x1xi32>
    %reduce_min3A_107 = arith.constant dense<0x7F800000> : vector<256xf32>
    %reduce_min3A_108 = vector.multi_reduction <minimumf>, %select_n3A_102, %reduce_min3A_107 [1] : vector<256x2048xf32> to vector<256xf32>
    %broadcast_in_dim3A_109 = vector.shape_cast %reduce_min3A_108 : vector<256xf32> to vector<256x1xf32>
    %eq3A_110 = vector.broadcast %broadcast_in_dim3A_109 : vector<256x1xf32> to vector<256x2048xf32>
    %eq3A_111 = arith.cmpf oeq, %select_n3A_102, %eq3A_110 : vector<256x2048xf32>
    %jit3A_112 = arith.constant 2048 : i32
    %broadcast_in_dim3A_113 = vector.broadcast %jit3A_112 : i32 to vector<256x2048xi32>
    %select_n3A_114 = arith.select %eq3A_111, %iota3A_28, %broadcast_in_dim3A_113 : vector<256x2048xi1>, vector<256x2048xi32>
    %reduce_min3A_115 = arith.constant dense<2147483647> : vector<256xi32>
    %reduce_min3A_116 = vector.multi_reduction <minsi>, %select_n3A_114, %reduce_min3A_115 [1] : vector<256x2048xi32> to vector<256xi32>
    %broadcast_in_dim3A_117 = vector.shape_cast %reduce_min3A_116 : vector<256xi32> to vector<256x1xi32>
    %eq3A_118 = vector.broadcast %broadcast_in_dim3A_117 : vector<256x1xi32> to vector<256x2048xi32>
    %eq3A_119 = arith.cmpi eq, %iota3A_28, %eq3A_118 : vector<256x2048xi32>
    %jit3A_120 = arith.constant 0x7F800000 : f32
    %broadcast_in_dim3A_121 = vector.broadcast %jit3A_120 : f32 to vector<256x2048xf32>
    %select_n3A_122 = arith.select %eq3A_119, %broadcast_in_dim3A_121, %select_n3A_102 : vector<256x2048xi1>, vector<256x2048xf32>
    %mul3A_123 = arith.constant 2048 : i32
    %mul3A_124 = arith.muli %arg0, %mul3A_123 : i32
    %add3A_125 = vector.broadcast %mul3A_124 : i32 to vector<256x1xi32>
    %add3A_126 = arith.addi %broadcast_in_dim3A_117, %add3A_125 : vector<256x1xi32>
    %reduce_min3A_127 = arith.constant dense<0x7F800000> : vector<256xf32>
    %reduce_min3A_128 = vector.multi_reduction <minimumf>, %select_n3A_122, %reduce_min3A_127 [1] : vector<256x2048xf32> to vector<256xf32>
    %broadcast_in_dim3A_129 = vector.shape_cast %reduce_min3A_128 : vector<256xf32> to vector<256x1xf32>
    %eq3A_130 = vector.broadcast %broadcast_in_dim3A_129 : vector<256x1xf32> to vector<256x2048xf32>
    %eq3A_131 = arith.cmpf oeq, %select_n3A_122, %eq3A_130 : vector<256x2048xf32>
    %jit3A_132 = arith.constant 2048 : i32
    %broadcast_in_dim3A_133 = vector.broadcast %jit3A_132 : i32 to vector<256x2048xi32>
    %select_n3A_134 = arith.select %eq3A_131, %iota3A_28, %broadcast_in_dim3A_133 : vector<256x2048xi1>, vector<256x2048xi32>
    %reduce_min3A_135 = arith.constant dense<2147483647> : vector<256xi32>
    %reduce_min3A_136 = vector.multi_reduction <minsi>, %select_n3A_134, %reduce_min3A_135 [1] : vector<256x2048xi32> to vector<256xi32>
    %broadcast_in_dim3A_137 = vector.shape_cast %reduce_min3A_136 : vector<256xi32> to vector<256x1xi32>
    %eq3A_138 = vector.broadcast %broadcast_in_dim3A_137 : vector<256x1xi32> to vector<256x2048xi32>
    %eq3A_139 = arith.cmpi eq, %iota3A_28, %eq3A_138 : vector<256x2048xi32>
    %jit3A_140 = arith.constant 0x7F800000 : f32
    %broadcast_in_dim3A_141 = vector.broadcast %jit3A_140 : f32 to vector<256x2048xf32>
    %select_n3A_142 = arith.select %eq3A_139, %broadcast_in_dim3A_141, %select_n3A_122 : vector<256x2048xi1>, vector<256x2048xf32>
    %mul3A_143 = arith.constant 2048 : i32
    %mul3A_144 = arith.muli %arg0, %mul3A_143 : i32
    %add3A_145 = vector.broadcast %mul3A_144 : i32 to vector<256x1xi32>
    %add3A_146 = arith.addi %broadcast_in_dim3A_137, %add3A_145 : vector<256x1xi32>
    %reduce_min3A_147 = arith.constant dense<0x7F800000> : vector<256xf32>
    %reduce_min3A_148 = vector.multi_reduction <minimumf>, %select_n3A_142, %reduce_min3A_147 [1] : vector<256x2048xf32> to vector<256xf32>
    %broadcast_in_dim3A_149 = vector.shape_cast %reduce_min3A_148 : vector<256xf32> to vector<256x1xf32>
    %eq3A_150 = vector.broadcast %broadcast_in_dim3A_149 : vector<256x1xf32> to vector<256x2048xf32>
    %eq3A_151 = arith.cmpf oeq, %select_n3A_142, %eq3A_150 : vector<256x2048xf32>
    %jit3A_152 = arith.constant 2048 : i32
    %broadcast_in_dim3A_153 = vector.broadcast %jit3A_152 : i32 to vector<256x2048xi32>
    %select_n3A_154 = arith.select %eq3A_151, %iota3A_28, %broadcast_in_dim3A_153 : vector<256x2048xi1>, vector<256x2048xi32>
    %reduce_min3A_155 = arith.constant dense<2147483647> : vector<256xi32>
    %reduce_min3A_156 = vector.multi_reduction <minsi>, %select_n3A_154, %reduce_min3A_155 [1] : vector<256x2048xi32> to vector<256xi32>
    %broadcast_in_dim3A_157 = vector.shape_cast %reduce_min3A_156 : vector<256xi32> to vector<256x1xi32>
    %eq3A_158 = vector.broadcast %broadcast_in_dim3A_157 : vector<256x1xi32> to vector<256x2048xi32>
    %eq3A_159 = arith.cmpi eq, %iota3A_28, %eq3A_158 : vector<256x2048xi32>
    %jit3A_160 = arith.constant 0x7F800000 : f32
    %broadcast_in_dim3A_161 = vector.broadcast %jit3A_160 : f32 to vector<256x2048xf32>
    %select_n3A_162 = arith.select %eq3A_159, %broadcast_in_dim3A_161, %select_n3A_142 : vector<256x2048xi1>, vector<256x2048xf32>
    %mul3A_163 = arith.constant 2048 : i32
    %mul3A_164 = arith.muli %arg0, %mul3A_163 : i32
    %add3A_165 = vector.broadcast %mul3A_164 : i32 to vector<256x1xi32>
    %add3A_166 = arith.addi %broadcast_in_dim3A_157, %add3A_165 : vector<256x1xi32>
    %reduce_min3A_167 = arith.constant dense<0x7F800000> : vector<256xf32>
    %reduce_min3A_168 = vector.multi_reduction <minimumf>, %select_n3A_162, %reduce_min3A_167 [1] : vector<256x2048xf32> to vector<256xf32>
    %broadcast_in_dim3A_169 = vector.shape_cast %reduce_min3A_168 : vector<256xf32> to vector<256x1xf32>
    %eq3A_170 = vector.broadcast %broadcast_in_dim3A_169 : vector<256x1xf32> to vector<256x2048xf32>
    %eq3A_171 = arith.cmpf oeq, %select_n3A_162, %eq3A_170 : vector<256x2048xf32>
    %jit3A_172 = arith.constant 2048 : i32
    %broadcast_in_dim3A_173 = vector.broadcast %jit3A_172 : i32 to vector<256x2048xi32>
    %select_n3A_174 = arith.select %eq3A_171, %iota3A_28, %broadcast_in_dim3A_173 : vector<256x2048xi1>, vector<256x2048xi32>
    %reduce_min3A_175 = arith.constant dense<2147483647> : vector<256xi32>
    %reduce_min3A_176 = vector.multi_reduction <minsi>, %select_n3A_174, %reduce_min3A_175 [1] : vector<256x2048xi32> to vector<256xi32>
    %broadcast_in_dim3A_177 = vector.shape_cast %reduce_min3A_176 : vector<256xi32> to vector<256x1xi32>
    %eq3A_178 = vector.broadcast %broadcast_in_dim3A_177 : vector<256x1xi32> to vector<256x2048xi32>
    %eq3A_179 = arith.cmpi eq, %iota3A_28, %eq3A_178 : vector<256x2048xi32>
    %jit3A_180 = arith.constant 0x7F800000 : f32
    %broadcast_in_dim3A_181 = vector.broadcast %jit3A_180 : f32 to vector<256x2048xf32>
    %select_n3A_182 = arith.select %eq3A_179, %broadcast_in_dim3A_181, %select_n3A_162 : vector<256x2048xi1>, vector<256x2048xf32>
    %mul3A_183 = arith.constant 2048 : i32
    %mul3A_184 = arith.muli %arg0, %mul3A_183 : i32
    %add3A_185 = vector.broadcast %mul3A_184 : i32 to vector<256x1xi32>
    %add3A_186 = arith.addi %broadcast_in_dim3A_177, %add3A_185 : vector<256x1xi32>
    %reduce_min3A_187 = arith.constant dense<0x7F800000> : vector<256xf32>
    %reduce_min3A_188 = vector.multi_reduction <minimumf>, %select_n3A_182, %reduce_min3A_187 [1] : vector<256x2048xf32> to vector<256xf32>
    %broadcast_in_dim3A_189 = vector.shape_cast %reduce_min3A_188 : vector<256xf32> to vector<256x1xf32>
    %eq3A_190 = vector.broadcast %broadcast_in_dim3A_189 : vector<256x1xf32> to vector<256x2048xf32>
    %eq3A_191 = arith.cmpf oeq, %select_n3A_182, %eq3A_190 : vector<256x2048xf32>
    %jit3A_192 = arith.constant 2048 : i32
    %broadcast_in_dim3A_193 = vector.broadcast %jit3A_192 : i32 to vector<256x2048xi32>
    %select_n3A_194 = arith.select %eq3A_191, %iota3A_28, %broadcast_in_dim3A_193 : vector<256x2048xi1>, vector<256x2048xi32>
    %reduce_min3A_195 = arith.constant dense<2147483647> : vector<256xi32>
    %reduce_min3A_196 = vector.multi_reduction <minsi>, %select_n3A_194, %reduce_min3A_195 [1] : vector<256x2048xi32> to vector<256xi32>
    %broadcast_in_dim3A_197 = vector.shape_cast %reduce_min3A_196 : vector<256xi32> to vector<256x1xi32>
    %eq3A_198 = vector.broadcast %broadcast_in_dim3A_197 : vector<256x1xi32> to vector<256x2048xi32>
    %eq3A_199 = arith.cmpi eq, %iota3A_28, %eq3A_198 : vector<256x2048xi32>
    %jit3A_200 = arith.constant 0x7F800000 : f32
    %broadcast_in_dim3A_201 = vector.broadcast %jit3A_200 : f32 to vector<256x2048xf32>
    %select_n3A_202 = arith.select %eq3A_199, %broadcast_in_dim3A_201, %select_n3A_182 : vector<256x2048xi1>, vector<256x2048xf32>
    %mul3A_203 = arith.constant 2048 : i32
    %mul3A_204 = arith.muli %arg0, %mul3A_203 : i32
    %add3A_205 = vector.broadcast %mul3A_204 : i32 to vector<256x1xi32>
    %add3A_206 = arith.addi %broadcast_in_dim3A_197, %add3A_205 : vector<256x1xi32>
    %reduce_min3A_207 = arith.constant dense<0x7F800000> : vector<256xf32>
    %reduce_min3A_208 = vector.multi_reduction <minimumf>, %select_n3A_202, %reduce_min3A_207 [1] : vector<256x2048xf32> to vector<256xf32>
    %broadcast_in_dim3A_209 = vector.shape_cast %reduce_min3A_208 : vector<256xf32> to vector<256x1xf32>
    %eq3A_210 = vector.broadcast %broadcast_in_dim3A_209 : vector<256x1xf32> to vector<256x2048xf32>
    %eq3A_211 = arith.cmpf oeq, %select_n3A_202, %eq3A_210 : vector<256x2048xf32>
    %jit3A_212 = arith.constant 2048 : i32
    %broadcast_in_dim3A_213 = vector.broadcast %jit3A_212 : i32 to vector<256x2048xi32>
    %select_n3A_214 = arith.select %eq3A_211, %iota3A_28, %broadcast_in_dim3A_213 : vector<256x2048xi1>, vector<256x2048xi32>
    %reduce_min3A_215 = arith.constant dense<2147483647> : vector<256xi32>
    %reduce_min3A_216 = vector.multi_reduction <minsi>, %select_n3A_214, %reduce_min3A_215 [1] : vector<256x2048xi32> to vector<256xi32>
    %broadcast_in_dim3A_217 = vector.shape_cast %reduce_min3A_216 : vector<256xi32> to vector<256x1xi32>
    %eq3A_218 = vector.broadcast %broadcast_in_dim3A_217 : vector<256x1xi32> to vector<256x2048xi32>
    %eq3A_219 = arith.cmpi eq, %iota3A_28, %eq3A_218 : vector<256x2048xi32>
    %jit3A_220 = arith.constant 0x7F800000 : f32
    %broadcast_in_dim3A_221 = vector.broadcast %jit3A_220 : f32 to vector<256x2048xf32>
    %select_n3A_222 = arith.select %eq3A_219, %broadcast_in_dim3A_221, %select_n3A_202 : vector<256x2048xi1>, vector<256x2048xf32>
    %mul3A_223 = arith.constant 2048 : i32
    %mul3A_224 = arith.muli %arg0, %mul3A_223 : i32
    %add3A_225 = vector.broadcast %mul3A_224 : i32 to vector<256x1xi32>
    %add3A_226 = arith.addi %broadcast_in_dim3A_217, %add3A_225 : vector<256x1xi32>
    %reduce_min3A_227 = arith.constant dense<0x7F800000> : vector<256xf32>
    %reduce_min3A_228 = vector.multi_reduction <minimumf>, %select_n3A_222, %reduce_min3A_227 [1] : vector<256x2048xf32> to vector<256xf32>
    %broadcast_in_dim3A_229 = vector.shape_cast %reduce_min3A_228 : vector<256xf32> to vector<256x1xf32>
    %eq3A_230 = vector.broadcast %broadcast_in_dim3A_229 : vector<256x1xf32> to vector<256x2048xf32>
    %eq3A_231 = arith.cmpf oeq, %select_n3A_222, %eq3A_230 : vector<256x2048xf32>
    %jit3A_232 = arith.constant 2048 : i32
    %broadcast_in_dim3A_233 = vector.broadcast %jit3A_232 : i32 to vector<256x2048xi32>
    %select_n3A_234 = arith.select %eq3A_231, %iota3A_28, %broadcast_in_dim3A_233 : vector<256x2048xi1>, vector<256x2048xi32>
    %reduce_min3A_235 = arith.constant dense<2147483647> : vector<256xi32>
    %reduce_min3A_236 = vector.multi_reduction <minsi>, %select_n3A_234, %reduce_min3A_235 [1] : vector<256x2048xi32> to vector<256xi32>
    %broadcast_in_dim3A_237 = vector.shape_cast %reduce_min3A_236 : vector<256xi32> to vector<256x1xi32>
    %eq3A_238 = vector.broadcast %broadcast_in_dim3A_237 : vector<256x1xi32> to vector<256x2048xi32>
    %eq3A_239 = arith.cmpi eq, %iota3A_28, %eq3A_238 : vector<256x2048xi32>
    %jit3A_240 = arith.constant 0x7F800000 : f32
    %broadcast_in_dim3A_241 = vector.broadcast %jit3A_240 : f32 to vector<256x2048xf32>
    %select_n3A_242 = arith.select %eq3A_239, %broadcast_in_dim3A_241, %select_n3A_222 : vector<256x2048xi1>, vector<256x2048xf32>
    %mul3A_243 = arith.constant 2048 : i32
    %mul3A_244 = arith.muli %arg0, %mul3A_243 : i32
    %add3A_245 = vector.broadcast %mul3A_244 : i32 to vector<256x1xi32>
    %add3A_246 = arith.addi %broadcast_in_dim3A_237, %add3A_245 : vector<256x1xi32>
    %reduce_min3A_247 = arith.constant dense<0x7F800000> : vector<256xf32>
    %reduce_min3A_248 = vector.multi_reduction <minimumf>, %select_n3A_242, %reduce_min3A_247 [1] : vector<256x2048xf32> to vector<256xf32>
    %broadcast_in_dim3A_249 = vector.shape_cast %reduce_min3A_248 : vector<256xf32> to vector<256x1xf32>
    %eq3A_250 = vector.broadcast %broadcast_in_dim3A_249 : vector<256x1xf32> to vector<256x2048xf32>
    %eq3A_251 = arith.cmpf oeq, %select_n3A_242, %eq3A_250 : vector<256x2048xf32>
    %jit3A_252 = arith.constant 2048 : i32
    %broadcast_in_dim3A_253 = vector.broadcast %jit3A_252 : i32 to vector<256x2048xi32>
    %select_n3A_254 = arith.select %eq3A_251, %iota3A_28, %broadcast_in_dim3A_253 : vector<256x2048xi1>, vector<256x2048xi32>
    %reduce_min3A_255 = arith.constant dense<2147483647> : vector<256xi32>
    %reduce_min3A_256 = vector.multi_reduction <minsi>, %select_n3A_254, %reduce_min3A_255 [1] : vector<256x2048xi32> to vector<256xi32>
    %broadcast_in_dim3A_257 = vector.shape_cast %reduce_min3A_256 : vector<256xi32> to vector<256x1xi32>
    %eq3A_258 = vector.broadcast %broadcast_in_dim3A_257 : vector<256x1xi32> to vector<256x2048xi32>
    %eq3A_259 = arith.cmpi eq, %iota3A_28, %eq3A_258 : vector<256x2048xi32>
    %jit3A_260 = arith.constant 0x7F800000 : f32
    %broadcast_in_dim3A_261 = vector.broadcast %jit3A_260 : f32 to vector<256x2048xf32>
    %select_n3A_262 = arith.select %eq3A_259, %broadcast_in_dim3A_261, %select_n3A_242 : vector<256x2048xi1>, vector<256x2048xf32>
    %mul3A_263 = arith.constant 2048 : i32
    %mul3A_264 = arith.muli %arg0, %mul3A_263 : i32
    %add3A_265 = vector.broadcast %mul3A_264 : i32 to vector<256x1xi32>
    %add3A_266 = arith.addi %broadcast_in_dim3A_257, %add3A_265 : vector<256x1xi32>
    %reduce_min3A_267 = arith.constant dense<0x7F800000> : vector<256xf32>
    %reduce_min3A_268 = vector.multi_reduction <minimumf>, %select_n3A_262, %reduce_min3A_267 [1] : vector<256x2048xf32> to vector<256xf32>
    %broadcast_in_dim3A_269 = vector.shape_cast %reduce_min3A_268 : vector<256xf32> to vector<256x1xf32>
    %eq3A_270 = vector.broadcast %broadcast_in_dim3A_269 : vector<256x1xf32> to vector<256x2048xf32>
    %eq3A_271 = arith.cmpf oeq, %select_n3A_262, %eq3A_270 : vector<256x2048xf32>
    %jit3A_272 = arith.constant 2048 : i32
    %broadcast_in_dim3A_273 = vector.broadcast %jit3A_272 : i32 to vector<256x2048xi32>
    %select_n3A_274 = arith.select %eq3A_271, %iota3A_28, %broadcast_in_dim3A_273 : vector<256x2048xi1>, vector<256x2048xi32>
    %reduce_min3A_275 = arith.constant dense<2147483647> : vector<256xi32>
    %reduce_min3A_276 = vector.multi_reduction <minsi>, %select_n3A_274, %reduce_min3A_275 [1] : vector<256x2048xi32> to vector<256xi32>
    %broadcast_in_dim3A_277 = vector.shape_cast %reduce_min3A_276 : vector<256xi32> to vector<256x1xi32>
    %eq3A_278 = vector.broadcast %broadcast_in_dim3A_277 : vector<256x1xi32> to vector<256x2048xi32>
    %eq3A_279 = arith.cmpi eq, %iota3A_28, %eq3A_278 : vector<256x2048xi32>
    %jit3A_280 = arith.constant 0x7F800000 : f32
    %broadcast_in_dim3A_281 = vector.broadcast %jit3A_280 : f32 to vector<256x2048xf32>
    %select_n3A_282 = arith.select %eq3A_279, %broadcast_in_dim3A_281, %select_n3A_262 : vector<256x2048xi1>, vector<256x2048xf32>
    %mul3A_283 = arith.constant 2048 : i32
    %mul3A_284 = arith.muli %arg0, %mul3A_283 : i32
    %add3A_285 = vector.broadcast %mul3A_284 : i32 to vector<256x1xi32>
    %add3A_286 = arith.addi %broadcast_in_dim3A_277, %add3A_285 : vector<256x1xi32>
    %reduce_min3A_287 = arith.constant dense<0x7F800000> : vector<256xf32>
    %reduce_min3A_288 = vector.multi_reduction <minimumf>, %select_n3A_282, %reduce_min3A_287 [1] : vector<256x2048xf32> to vector<256xf32>
    %broadcast_in_dim3A_289 = vector.shape_cast %reduce_min3A_288 : vector<256xf32> to vector<256x1xf32>
    %eq3A_290 = vector.broadcast %broadcast_in_dim3A_289 : vector<256x1xf32> to vector<256x2048xf32>
    %eq3A_291 = arith.cmpf oeq, %select_n3A_282, %eq3A_290 : vector<256x2048xf32>
    %jit3A_292 = arith.constant 2048 : i32
    %broadcast_in_dim3A_293 = vector.broadcast %jit3A_292 : i32 to vector<256x2048xi32>
    %select_n3A_294 = arith.select %eq3A_291, %iota3A_28, %broadcast_in_dim3A_293 : vector<256x2048xi1>, vector<256x2048xi32>
    %reduce_min3A_295 = arith.constant dense<2147483647> : vector<256xi32>
    %reduce_min3A_296 = vector.multi_reduction <minsi>, %select_n3A_294, %reduce_min3A_295 [1] : vector<256x2048xi32> to vector<256xi32>
    %broadcast_in_dim3A_297 = vector.shape_cast %reduce_min3A_296 : vector<256xi32> to vector<256x1xi32>
    %eq3A_298 = vector.broadcast %broadcast_in_dim3A_297 : vector<256x1xi32> to vector<256x2048xi32>
    %eq3A_299 = arith.cmpi eq, %iota3A_28, %eq3A_298 : vector<256x2048xi32>
    %jit3A_300 = arith.constant 0x7F800000 : f32
    %broadcast_in_dim3A_301 = vector.broadcast %jit3A_300 : f32 to vector<256x2048xf32>
    %select_n3A_302 = arith.select %eq3A_299, %broadcast_in_dim3A_301, %select_n3A_282 : vector<256x2048xi1>, vector<256x2048xf32>
    %mul3A_303 = arith.constant 2048 : i32
    %mul3A_304 = arith.muli %arg0, %mul3A_303 : i32
    %add3A_305 = vector.broadcast %mul3A_304 : i32 to vector<256x1xi32>
    %add3A_306 = arith.addi %broadcast_in_dim3A_297, %add3A_305 : vector<256x1xi32>
    %reduce_min3A_307 = arith.constant dense<0x7F800000> : vector<256xf32>
    %reduce_min3A_308 = vector.multi_reduction <minimumf>, %select_n3A_302, %reduce_min3A_307 [1] : vector<256x2048xf32> to vector<256xf32>
    %broadcast_in_dim3A_309 = vector.shape_cast %reduce_min3A_308 : vector<256xf32> to vector<256x1xf32>
    %eq3A_310 = vector.broadcast %broadcast_in_dim3A_309 : vector<256x1xf32> to vector<256x2048xf32>
    %eq3A_311 = arith.cmpf oeq, %select_n3A_302, %eq3A_310 : vector<256x2048xf32>
    %jit3A_312 = arith.constant 2048 : i32
    %broadcast_in_dim3A_313 = vector.broadcast %jit3A_312 : i32 to vector<256x2048xi32>
    %select_n3A_314 = arith.select %eq3A_311, %iota3A_28, %broadcast_in_dim3A_313 : vector<256x2048xi1>, vector<256x2048xi32>
    %reduce_min3A_315 = arith.constant dense<2147483647> : vector<256xi32>
    %reduce_min3A_316 = vector.multi_reduction <minsi>, %select_n3A_314, %reduce_min3A_315 [1] : vector<256x2048xi32> to vector<256xi32>
    %broadcast_in_dim3A_317 = vector.shape_cast %reduce_min3A_316 : vector<256xi32> to vector<256x1xi32>
    %eq3A_318 = vector.broadcast %broadcast_in_dim3A_317 : vector<256x1xi32> to vector<256x2048xi32>
    %eq3A_319 = arith.cmpi eq, %iota3A_28, %eq3A_318 : vector<256x2048xi32>
    %jit3A_320 = arith.constant 0x7F800000 : f32
    %broadcast_in_dim3A_321 = vector.broadcast %jit3A_320 : f32 to vector<256x2048xf32>
    %select_n3A_322 = arith.select %eq3A_319, %broadcast_in_dim3A_321, %select_n3A_302 : vector<256x2048xi1>, vector<256x2048xf32>
    %mul3A_323 = arith.constant 2048 : i32
    %mul3A_324 = arith.muli %arg0, %mul3A_323 : i32
    %add3A_325 = vector.broadcast %mul3A_324 : i32 to vector<256x1xi32>
    %add3A_326 = arith.addi %broadcast_in_dim3A_317, %add3A_325 : vector<256x1xi32>
    %reduce_min3A_327 = arith.constant dense<0x7F800000> : vector<256xf32>
    %reduce_min3A_328 = vector.multi_reduction <minimumf>, %select_n3A_322, %reduce_min3A_327 [1] : vector<256x2048xf32> to vector<256xf32>
    %broadcast_in_dim3A_329 = vector.shape_cast %reduce_min3A_328 : vector<256xf32> to vector<256x1xf32>
    %eq3A_330 = vector.broadcast %broadcast_in_dim3A_329 : vector<256x1xf32> to vector<256x2048xf32>
    %eq3A_331 = arith.cmpf oeq, %select_n3A_322, %eq3A_330 : vector<256x2048xf32>
    %jit3A_332 = arith.constant 2048 : i32
    %broadcast_in_dim3A_333 = vector.broadcast %jit3A_332 : i32 to vector<256x2048xi32>
    %select_n3A_334 = arith.select %eq3A_331, %iota3A_28, %broadcast_in_dim3A_333 : vector<256x2048xi1>, vector<256x2048xi32>
    %reduce_min3A_335 = arith.constant dense<2147483647> : vector<256xi32>
    %reduce_min3A_336 = vector.multi_reduction <minsi>, %select_n3A_334, %reduce_min3A_335 [1] : vector<256x2048xi32> to vector<256xi32>
    %broadcast_in_dim3A_337 = vector.shape_cast %reduce_min3A_336 : vector<256xi32> to vector<256x1xi32>
    %mul3A_338 = arith.constant 2048 : i32
    %mul3A_339 = arith.muli %arg0, %mul3A_338 : i32
    %add3A_340 = vector.broadcast %mul3A_339 : i32 to vector<256x1xi32>
    %add3A_341 = arith.addi %broadcast_in_dim3A_337, %add3A_340 : vector<256x1xi32>
    %concatenate3A = tpu.concatenate %add3A_46, %add3A_66, %add3A_86, %add3A_106, %add3A_126, %add3A_146, %add3A_166, %add3A_186, %add3A_206, %add3A_226, %add3A_246, %add3A_266, %add3A_286, %add3A_306, %add3A_326, %add3A_341 in 1 : vector<256x1xi32>, vector<256x1xi32>, vector<256x1xi32>, vector<256x1xi32>, vector<256x1xi32>, vector<256x1xi32>, vector<256x1xi32>, vector<256x1xi32>, vector<256x1xi32>, vector<256x1xi32>, vector<256x1xi32>, vector<256x1xi32>, vector<256x1xi32>, vector<256x1xi32>, vector<256x1xi32>, vector<256x1xi32> -> vector<256x16xi32>
    %swap3A = arith.constant 0 : index
    %swap3A_342 = arith.constant 0 : index
    %swap3A_343 = arith.constant 0 : index
    %swap3A_344 = vector.load %arg4[%swap3A, %swap3A_342, %swap3A_343] : memref<1x256x16xi32, #tpu.memory_space<vmem>>, vector<1x256x16xi32>
    %swap3A_345 = vector.shape_cast %swap3A_344 : vector<1x256x16xi32> to vector<256x16xi32>
    %swap3A_346 = vector.shape_cast %concatenate3A : vector<256x16xi32> to vector<1x256x16xi32>
    tpu.vector_store %arg4[%swap3A, %swap3A_342, %swap3A_343], %swap3A_346 {strides = array<i32>} : memref<1x256x16xi32, #tpu.memory_space<vmem>>, vector<1x256x16xi32>,
    %swap3A_347 = arith.constant 0 : index
    %swap3A_348 = arith.constant 0 : index
    %swap3A_349 = arith.constant 0 : index
    %swap3A_350 = vector.load %arg5[%swap3A_347, %swap3A_348, %swap3A_349] : memref<1x256x128xf32, #tpu.memory_space<vmem>>, vector<1x256x128xf32>
    %swap3A_351 = vector.shape_cast %swap3A_350 : vector<1x256x128xf32> to vector<256x128xf32>
    %swap3A_352 = vector.shape_cast %get3A_8 : vector<256x128xf32> to vector<1x256x128xf32>
    tpu.vector_store %arg5[%swap3A_347, %swap3A_348, %swap3A_349], %swap3A_352 {strides = array<i32>} : memref<1x256x128xf32, #tpu.memory_space<vmem>>, vector<1x256x128xf32>,
    return
  }
  func.func @transform_0(%arg0: i32, %arg1: i32) -> (i32, i32, i32) {
    %c0_i32 = arith.constant 0 : i32
    %c0_i32_0 = arith.constant 0 : i32
    %c0_i32_1 = arith.constant 0 : i32
    return %arg0, %c0_i32, %c0_i32_0 : i32, i32, i32
  }
  func.func @transform_1(%arg0: i32, %arg1: i32) -> (i32, i32, i32) {
    %c0_i32 = arith.constant 0 : i32
    %c0_i32_0 = arith.constant 0 : i32
    return %arg0, %arg1, %c0_i32 : i32, i32, i32
  }
  func.func @transform_2(%arg0: i32, %arg1: i32) -> (i32, i32, i32) {
    %c0_i32 = arith.constant 0 : i32
    %c0_i32_0 = arith.constant 0 : i32
    return %arg0, %arg1, %c0_i32 : i32, i32, i32
  }
  func.func @transform_3(%arg0: i32, %arg1: i32) -> (i32, i32, i32) {
    %c0_i32 = arith.constant 0 : i32
    %c0_i32_0 = arith.constant 0 : i32
    return %arg0, %arg1, %c0_i32 : i32, i32, i32
  }
}

module attributes {stable_mosaic.version = 14 : i64} {
  func.func @_matmul_body(%arg0: i32, %arg1: memref<2048x128xf32, #tpu.memory_space<vmem>>, %arg2: memref<128x512xf32, #tpu.memory_space<vmem>>, %arg3: memref<512xf32, #tpu.memory_space<vmem>>, %arg4: memref<2048x512xf32, #tpu.memory_space<vmem>>) attributes {dimension_semantics = [#tpu.dimension_semantics<arbitrary>], iteration_bounds = array<i64: 8>, scalar_prefetch = 0 : i64, scratch_operands = 0 : i64, tpu.core_type = #tpu.core_type<tc>, window_params = [{transform_indices = @transform_0, window_bounds = array<i64: 2048, 128>}, {pipeline_mode = #tpu.pipeline_mode<synchronous>, transform_indices = @transform_1, window_bounds = array<i64: 128, 512>}, {pipeline_mode = #tpu.pipeline_mode<synchronous>, transform_indices = @transform_2, window_bounds = array<i64: 512>}, {transform_indices = @transform_3, window_bounds = array<i64: 2048, 512>}]} {
    %get3A = arith.constant 0 : index
    %get3A_0 = arith.constant 0 : index
    %get3A_1 = vector.load %arg1[%get3A, %get3A_0] : memref<2048x128xf32, #tpu.memory_space<vmem>>, vector<2048x128xf32>
    %get3A_2 = arith.constant 0 : index
    %get3A_3 = arith.constant 0 : index
    %get3A_4 = vector.load %arg2[%get3A_2, %get3A_3] : memref<128x512xf32, #tpu.memory_space<vmem>>, vector<128x512xf32>
    %dot_general3A = arith.constant dense<0.000000e+00> : vector<2048x512xf32>
    %dot_general3A_5 = tpu.matmul %get3A_1, %get3A_4, %dot_general3A {dimension_numbers = #tpu.dot_dimension_numbers<[1], [0], [0], [1], [0, 0, 1, 1], [], []>, transpose_lhs_hint = false} : vector<2048x128xf32>, vector<128x512xf32>, vector<2048x512xf32> -> vector<2048x512xf32>
    %get3A_6 = arith.constant 0 : index
    %get3A_7 = vector.load %arg3[%get3A_6] : memref<512xf32, #tpu.memory_space<vmem>>, vector<512xf32>
    %broadcast_in_dim3A = vector.shape_cast %get3A_7 : vector<512xf32> to vector<1x512xf32>
    %add3A = vector.broadcast %broadcast_in_dim3A : vector<1x512xf32> to vector<2048x512xf32>
    %add3A_8 = arith.addf %dot_general3A_5, %add3A : vector<2048x512xf32>
    %swap3A = arith.constant 0 : index
    %swap3A_9 = arith.constant 0 : index
    %swap3A_10 = vector.load %arg4[%swap3A, %swap3A_9] : memref<2048x512xf32, #tpu.memory_space<vmem>>, vector<2048x512xf32>
    tpu.vector_store %arg4[%swap3A, %swap3A_9], %add3A_8 {strides = array<i32>} : memref<2048x512xf32, #tpu.memory_space<vmem>>, vector<2048x512xf32>,
    return
  }
  func.func @transform_0(%arg0: i32) -> (i32, i32) {
    %c0_i32 = arith.constant 0 : i32
    %c0_i32_0 = arith.constant 0 : i32
    return %arg0, %c0_i32 : i32, i32
  }
  func.func @transform_1(%arg0: i32) -> (i32, i32) {
    %c0_i32 = arith.constant 0 : i32
    %c0_i32_0 = arith.constant 0 : i32
    %c0_i32_1 = arith.constant 0 : i32
    return %c0_i32, %c0_i32_0 : i32, i32
  }
  func.func @transform_2(%arg0: i32) -> i32 {
    %c0_i32 = arith.constant 0 : i32
    %c0_i32_0 = arith.constant 0 : i32
    return %c0_i32 : i32
  }
  func.func @transform_3(%arg0: i32) -> (i32, i32) {
    %c0_i32 = arith.constant 0 : i32
    %c0_i32_0 = arith.constant 0 : i32
    return %arg0, %c0_i32 : i32, i32
  }
}

module attributes {stable_mosaic.version = 14 : i64} {
  func.func @_cloud_max_body(%arg0: i32, %arg1: memref<1x2048x512xf32, #tpu.memory_space<vmem>>, %arg2: memref<1x1x512xf32, #tpu.memory_space<vmem>>) attributes {dimension_semantics = [#tpu.dimension_semantics<arbitrary>], iteration_bounds = array<i64: 8>, scalar_prefetch = 0 : i64, scratch_operands = 0 : i64, tpu.core_type = #tpu.core_type<tc>, window_params = [{transform_indices = @transform_0, window_bounds = array<i64: 1, 2048, 512>}, {transform_indices = @transform_1, window_bounds = array<i64: 1, 1, 512>}]} {
    %get3A = arith.constant 0 : index
    %get3A_0 = arith.constant 0 : index
    %get3A_1 = arith.constant 0 : index
    %get3A_2 = vector.load %arg1[%get3A, %get3A_0, %get3A_1] : memref<1x2048x512xf32, #tpu.memory_space<vmem>>, vector<1x2048x512xf32>
    %get3A_3 = vector.shape_cast %get3A_2 : vector<1x2048x512xf32> to vector<2048x512xf32>
    %reduce_max3A = arith.constant dense<0xFF800000> : vector<512xf32>
    %reduce_max3A_4 = vector.multi_reduction <maximumf>, %get3A_3, %reduce_max3A [0] : vector<2048x512xf32> to vector<512xf32>
    %broadcast_in_dim3A = vector.shape_cast %reduce_max3A_4 : vector<512xf32> to vector<1x512xf32>
    %swap3A = arith.constant 0 : index
    %swap3A_5 = arith.constant 0 : index
    %swap3A_6 = arith.constant 0 : index
    %swap3A_7 = vector.load %arg2[%swap3A, %swap3A_5, %swap3A_6] : memref<1x1x512xf32, #tpu.memory_space<vmem>>, vector<1x1x512xf32>
    %swap3A_8 = vector.shape_cast %swap3A_7 : vector<1x1x512xf32> to vector<1x512xf32>
    %swap3A_9 = vector.shape_cast %broadcast_in_dim3A : vector<1x512xf32> to vector<1x1x512xf32>
    tpu.vector_store %arg2[%swap3A, %swap3A_5, %swap3A_6], %swap3A_9 {strides = array<i32>} : memref<1x1x512xf32, #tpu.memory_space<vmem>>, vector<1x1x512xf32>,
    return
  }
  func.func @transform_0(%arg0: i32) -> (i32, i32, i32) {
    %c0_i32 = arith.constant 0 : i32
    %c0_i32_0 = arith.constant 0 : i32
    %c0_i32_1 = arith.constant 0 : i32
    return %arg0, %c0_i32, %c0_i32_0 : i32, i32, i32
  }
  func.func @transform_1(%arg0: i32) -> (i32, i32, i32) {
    %c0_i32 = arith.constant 0 : i32
    %c0_i32_0 = arith.constant 0 : i32
    %c0_i32_1 = arith.constant 0 : i32
    return %arg0, %c0_i32, %c0_i32_0 : i32, i32, i32
  }
}

module attributes {stable_mosaic.version = 14 : i64} {
  func.func @_matmul_body(%arg0: memref<8x512xf32, #tpu.memory_space<vmem>>, %arg1: memref<512x512xf32, #tpu.memory_space<vmem>>, %arg2: memref<512xf32, #tpu.memory_space<vmem>>, %arg3: memref<8x512xf32, #tpu.memory_space<vmem>>) attributes {dimension_semantics = [], scalar_prefetch = 0 : i64, scratch_operands = 0 : i64, tpu.core_type = #tpu.core_type<tc>} {
    %get3A = arith.constant 0 : index
    %get3A_0 = arith.constant 0 : index
    %get3A_1 = vector.load %arg0[%get3A, %get3A_0] : memref<8x512xf32, #tpu.memory_space<vmem>>, vector<8x512xf32>
    %get3A_2 = arith.constant 0 : index
    %get3A_3 = arith.constant 0 : index
    %get3A_4 = vector.load %arg1[%get3A_2, %get3A_3] : memref<512x512xf32, #tpu.memory_space<vmem>>, vector<512x512xf32>
    %dot_general3A = arith.constant dense<0.000000e+00> : vector<8x512xf32>
    %dot_general3A_5 = tpu.matmul %get3A_1, %get3A_4, %dot_general3A {dimension_numbers = #tpu.dot_dimension_numbers<[1], [0], [0], [1], [0, 0, 1, 1], [], []>, transpose_lhs_hint = false} : vector<8x512xf32>, vector<512x512xf32>, vector<8x512xf32> -> vector<8x512xf32>
    %get3A_6 = arith.constant 0 : index
    %get3A_7 = vector.load %arg2[%get3A_6] : memref<512xf32, #tpu.memory_space<vmem>>, vector<512xf32>
    %broadcast_in_dim3A = vector.shape_cast %get3A_7 : vector<512xf32> to vector<1x512xf32>
    %add3A = vector.broadcast %broadcast_in_dim3A : vector<1x512xf32> to vector<8x512xf32>
    %add3A_8 = arith.addf %dot_general3A_5, %add3A : vector<8x512xf32>
    %swap3A = arith.constant 0 : index
    %swap3A_9 = arith.constant 0 : index
    %swap3A_10 = vector.load %arg3[%swap3A, %swap3A_9] : memref<8x512xf32, #tpu.memory_space<vmem>>, vector<8x512xf32>
    tpu.vector_store %arg3[%swap3A, %swap3A_9], %add3A_8 {strides = array<i32>} : memref<8x512xf32, #tpu.memory_space<vmem>>, vector<8x512xf32>,
    return
  }
}

module attributes {stable_mosaic.version = 14 : i64} {
  func.func @_matmul_body(%arg0: memref<8x512xf32, #tpu.memory_space<vmem>>, %arg1: memref<512x512xf32, #tpu.memory_space<vmem>>, %arg2: memref<512xf32, #tpu.memory_space<vmem>>, %arg3: memref<8x512xf32, #tpu.memory_space<vmem>>) attributes {dimension_semantics = [], scalar_prefetch = 0 : i64, scratch_operands = 0 : i64, tpu.core_type = #tpu.core_type<tc>} {
    %get3A = arith.constant 0 : index
    %get3A_0 = arith.constant 0 : index
    %get3A_1 = vector.load %arg0[%get3A, %get3A_0] : memref<8x512xf32, #tpu.memory_space<vmem>>, vector<8x512xf32>
    %get3A_2 = arith.constant 0 : index
    %get3A_3 = arith.constant 0 : index
    %get3A_4 = vector.load %arg1[%get3A_2, %get3A_3] : memref<512x512xf32, #tpu.memory_space<vmem>>, vector<512x512xf32>
    %dot_general3A = arith.constant dense<0.000000e+00> : vector<8x512xf32>
    %dot_general3A_5 = tpu.matmul %get3A_1, %get3A_4, %dot_general3A {dimension_numbers = #tpu.dot_dimension_numbers<[1], [0], [0], [1], [0, 0, 1, 1], [], []>, transpose_lhs_hint = false} : vector<8x512xf32>, vector<512x512xf32>, vector<8x512xf32> -> vector<8x512xf32>
    %get3A_6 = arith.constant 0 : index
    %get3A_7 = vector.load %arg2[%get3A_6] : memref<512xf32, #tpu.memory_space<vmem>>, vector<512xf32>
    %broadcast_in_dim3A = vector.shape_cast %get3A_7 : vector<512xf32> to vector<1x512xf32>
    %add3A = vector.broadcast %broadcast_in_dim3A : vector<1x512xf32> to vector<8x512xf32>
    %add3A_8 = arith.addf %dot_general3A_5, %add3A : vector<8x512xf32>
    %swap3A = arith.constant 0 : index
    %swap3A_9 = arith.constant 0 : index
    %swap3A_10 = vector.load %arg3[%swap3A, %swap3A_9] : memref<8x512xf32, #tpu.memory_space<vmem>>, vector<8x512xf32>
    tpu.vector_store %arg3[%swap3A, %swap3A_9], %add3A_8 {strides = array<i32>} : memref<8x512xf32, #tpu.memory_space<vmem>>, vector<8x512xf32>,
    return
  }
}

</mosaic_0001>

<sc_bundles>
// kernel: kernel.15.cloned.1.call-start
scs
__scs_entry_jumppad:
0x0: {  	(pc) =	sbr.rel $0x88, $3  }
0x1: {  	(tag) =	ssettag $0x0;
	lr =	simm.s32 $0x1  }
0x2: {  	[smem:$0x3F86] =	sst lr;
	_ =	strace $0xD0000000  }
0x3: {  	_ = 	snop  }
0x4: {  	_ = 	snop  }
0x5: {  	_ = 	snop  }
0x6: {  	_ = 	snop  }
0x7: {  	_ = 	snop  }
__scs_overlays_trampoline_lowered:
0x8: {  	[smem:$0x3F95] =	sst s0  }
0x9: {  	[smem:$0x3F96] =	sst s1  }
0xa: {  	[smem:$0x3F97] =	sst s2  }
0xb: {  	[smem:$0x3F98] =	sst s3  }
0xc: {  	[smem:$0x3F99] =	sst s4  }
0xd: {  	[smem:$0x3F9A] =	sst s5  }
0xe: {  	[smem:$0x3F9B] =	sst s6  }
0xf: {  	[smem:$0x3F9C] =	sst s7  }
0x10: {  	[smem:$0x3F9D] =	sst s8  }
0x11: {  	[smem:$0x3F9E] =	sst s9;
	s0 =	simm.s32 @!p0 $0x0  }
0x12: {  	s1 =	sld [smem:$0x3F84];
	s0 =	simm.s32 @p0 $0x1  }
0x13: {  	[smem:$0x3F9F] =	sst s0;
	s0 =	simm.s32 @!p1 $0x0  }
0x14: {  	s2 =	sld [smem:$0x3F83];
	s0 =	simm.s32 @p1 $0x1  }
0x15: {  	[smem:$0x3FA0] =	sst s0;
	s0 =	simm.s32 @!p2 $0x0  }
0x16: {  	s3 =	sld [smem:$0x3FDB];
	s0 =	simm.s32 @p2 $0x1  }
0x17: {  	s4 =	simm.s32 $0x1BF5;
	[smem:$0x3FA2] =	sst s0  }
0x18: {  	s0 =	sld [smem:$0x3F85];
	_ =	swait.ge [sflag:s4], $0x0  }
0x19: {  	s7 =	sld [smem:$0x3F86]  }
0x1a: {  	s8 =	sadd.s32 $0xFFFFE003, lr  }
0x1b: {  	s9 =	sadd.s32 $0xFFFFFEF7, lr;
	s5 =	simm.s32 $0xFFFFFFFF;
	p2 =	slt.u32 s8, $0xFFFFF086  }
0x1c: {  	p1 =	slt.u32 s9, $0xF7A;
	s5 =	simm.s32 @!p2 $0x0  }
0x1d: {  	s5 =	simm.s32 @p1 $0x1;
	p0 =	seq.s32 s7, s2  }
0x1e: {  	s7 =	smul.u32 @!p0 $0xF7A, s2;
	p2 =	seq.s32 @!p0 s5, $0x0  }
0x1f: {  	s9 =	smul.u32 $0xF7A, s1;
	s8 =	simm.s32 @!p0 $0x1BF5;
	p2 =	por !p2, p0  }
0x20: {  	[sflag:s8] =	ssyncset.s32 @!p0 $0xFFFFF086;
	s6 =	sadd.s32 @!p0 s3, s7;
	s7 =	simm.s32 @!p0 $0x108  }
0x21: {  	s3 =	sadd.s32 s3, s9;
	s6 =	sadd.s32 @!p0 $0x88, s6;
	s7 =	simm.s32 @p2 $0x1082  }
0x22: {  	[simem:s7], [sflag:s8] =	dma.local @!p0 [hbm:s6], $0xF7A  }
0x23: {  	s9 =	sor.u32 $0xD0000000, s2;
	s6 =	simm.s32 $0x108;
	_ =	swait.ge @!p0 [sflag:s8], $0x0  }
0x24: {  	s3 =	sadd.s32 $0x88, s3;
	s6 =	simm.s32 @!p1 $0x1082;
	[sflag:s4] =	ssyncset.s32 $0xFFFFF086  }
0x25: {  	[simem:s6], [sflag:s4] =	dma.local [hbm:s3], $0xF7A  }
0x26: {  	[smem:$0x3F86] =	sst s1;
	(tag) =	ssettag s2;
	_ =	strace s9  }
0x27: {  	s1 =	sld [smem:$0x3F96]  }
0x28: {  	s2 =	sld [smem:$0x3F97]  }
0x29: {  	s4 =	sld [smem:$0x3F99]  }
0x2a: {  	p0 =	seq.s32 s5, $0x0;
	s5 =	sld [smem:$0x3F9A]  }
0x2b: {  	s6 =	sld [smem:$0x3F9B]  }
0x2c: {  	s7 =	sld [smem:$0x3F9C]  }
0x2d: {  	s3 =	simm.s32 $0x108;
	s8 =	sld [smem:$0x3F9D]  }
0x2e: {  	s3 =	simm.s32 @!p0 $0x1082;
	s9 =	sld [smem:$0x3F9E]  }
0x2f: {  	lr =	sadd.s32 s0, s3;
	s0 =	sld [smem:$0x3F95]  }
0x30: {  	s3 =	sld [smem:$0x3F98]  }
0x31: {  	[smem:$0x3FA1] =	sst s10  }
0x32: {  	s10 =	sld [smem:$0x3F9F];
	_ =	sdelay $0x3  }
0x33: {  	p0 =	seq.s32 s10, $0x1;
	s10 =	sld [smem:$0x3FA1];
	_ =	sdelay $0x3  }
0x34: {  	[smem:$0x3FA1] =	sst s10  }
0x35: {  	s10 =	sld [smem:$0x3FA0];
	_ =	sdelay $0x3  }
0x36: {  	p1 =	seq.s32 s10, $0x1;
	s10 =	sld [smem:$0x3FA1];
	_ =	sdelay $0x3  }
0x37: {  	[smem:$0x3FA1] =	sst s10  }
0x38: {  	s10 =	sld [smem:$0x3FA2]  }
0x39: {  	_ = 	snop;
	(pc) =	sbr.ind lr, $3  }
0x3a: {  	_ = 	snop  }
0x3b: {  	_ = 	snop  }
0x3c: {  	p2 =	seq.s32 s10, $0x1;
	s10 =	sld [smem:$0x3FA1]  }
0x3d: {  	_ =	shalt  }
0x3e: {  	_ =	shalt  }
0x3f: {  	_ =	shalt  }
0x40: {  	_ =	shalt  }
0x41: {  	_ =	shalt  }
0x42: {  	_ =	shalt  }
0x43: {  	_ =	shalt  }
0x44: {  	_ =	shalt  }
0x45: {  	_ =	shalt  }
0x46: {  	_ =	shalt  }
0x47: {  	_ =	shalt  }
0x48: {  	_ =	shalt  }
0x49: {  	_ =	shalt  }
0x4a: {  	_ =	shalt  }
0x4b: {  	_ =	shalt  }
0x4c: {  	_ =	shalt  }
0x4d: {  	_ =	shalt  }
0x4e: {  	_ =	shalt  }
0x4f: {  	_ =	shalt  }
0x50: {  	_ =	shalt  }
0x51: {  	_ =	shalt  }
0x52: {  	_ =	shalt  }
0x53: {  	_ =	shalt  }
0x54: {  	_ =	shalt  }
0x55: {  	_ =	shalt  }
0x56: {  	_ =	shalt  }
0x57: {  	_ =	shalt  }
0x58: {  	_ =	shalt  }
0x59: {  	_ =	shalt  }
0x5a: {  	_ =	shalt  }
0x5b: {  	_ =	shalt  }
0x5c: {  	_ =	shalt  }
0x5d: {  	_ =	shalt  }
0x5e: {  	_ =	shalt  }
0x5f: {  	_ =	shalt  }
0x60: {  	_ =	shalt  }
0x61: {  	_ =	shalt  }
0x62: {  	_ =	shalt  }
0x63: {  	_ =	shalt  }
0x64: {  	_ =	shalt  }
0x65: {  	_ =	shalt  }
0x66: {  	_ =	shalt  }
0x67: {  	_ =	shalt  }
0x68: {  	_ =	shalt  }
0x69: {  	_ =	shalt  }
0x6a: {  	_ =	shalt  }
0x6b: {  	_ =	shalt  }
0x6c: {  	_ =	shalt  }
0x6d: {  	_ =	shalt  }
0x6e: {  	_ =	shalt  }
0x6f: {  	_ =	shalt  }
0x70: {  	_ =	shalt  }
0x71: {  	_ =	shalt  }
0x72: {  	_ =	shalt  }
0x73: {  	_ =	shalt  }
0x74: {  	_ =	shalt  }
0x75: {  	_ =	shalt  }
0x76: {  	_ =	shalt  }
0x77: {  	_ =	shalt  }
0x78: {  	_ =	shalt  }
0x79: {  	_ =	shalt  }
0x7a: {  	_ =	shalt  }
0x7b: {  	_ =	shalt  }
0x7c: {  	_ =	shalt  }
0x7d: {  	_ =	shalt  }
0x7e: {  	_ =	shalt  }
0x7f: {  	_ =	shalt  }
0x80: {  	_ =	shalt  }
0x81: {  	_ =	shalt  }
0x82: {  	_ =	shalt  }
0x83: {  	_ =	shalt  }
0x84: {  	_ =	shalt  }
0x85: {  	_ =	shalt  }
0x86: {  	_ =	shalt  }
0x87: {  	_ =	shalt  }
.Lfunc_end0:
.L_simem_size_0:
called_computation_lowered:
.L_overlay_start_0:
0x88: {  	s2 =	sld [smem:$0x3FD9]  }
0x89: {  	s3 =	sld [smem:$0x3FFE];
	_ =	sdelay $0x1  }
0x8a: {  	s1 =	srdreg.scid  }
0x8b: {  	s0 =	sand.u32 $0x1, s1  }
0x8c: {  	s16 =	sshll.u32 s0, $0xA;
	s2 =	sadd.s32 s3, s2  }
0x8d: {  	s2 =	sadd.s32 s2, s16  }
0x8e: {  	[smem:$0x3FAD] =	sst s2  }
0x8f: {  	_ = 	snop  }
0x90: {  	(tm) =	ssettm $0x1  }
0x91: {  	s17 =	sld [smem:$0x3FFB];
	_ =	sdelay $0x3  }
0x92: {  	_ =	strace s17  }
0x93: {  	s2 =	sld [smem:$0x3FFC];
	_ =	sdelay $0x3  }
0x94: {  	_ =	strace s2  }
0x95: {  	s2 =	sld [smem:$0x3FFD];
	_ =	sdelay $0x3  }
0x96: {  	_ =	strace s2  }
0x97: {  	_ =	strace $0x8FFFFFFF  }
0x98: {  	s18 =	sld [smem:$0x3FDB];
	_ =	sdelay $0x1  }
0x99: {  	s19 =	simm.s32 $_scs_section_size  }
0x9a: {  	s4 =	simm.s32 $_size__tile_overlayer_lowered;
	s5 =	simm.s32 $_tile_overlayer_lowered  }
0x9b: {  	s22 =	simm.s32 $0x1BFF;
	s21 =	sshll.u32 s5, $0x1;
	s2 =	sadd.s32 s19, s18  }
0x9c: {  	s6 =	simm.s32 $0x0;
	s20 =	sshll.u32 s4, $0x1;
	s4 =	sadd.s32 s21, s2  }
0x9d: {  	[timem:s6], [sflag:s22] =	dma.local [hbm:s4], s20  }
0x9e: {  	_ =	swait.ge [sflag:s22], s20  }
0x9f: {  	s3 =	ssub.s32 $0x0, s20;
	[sflag:s22] =	ssyncset.done $0x0  }
0xa0: {  	[sflag:s22] =	ssyncadd.s32 s3;
	_ =	sdelay $0x1  }
0xa1: {  	s23 =	simm.s32 $0x1B8B  }
0xa2: {  	_ =	swait.ge [sflag:s23], $0x1  }
0xa3: {  	[sflag:s23] =	ssyncset.done $0x0  }
0xa4: {  	s25 =	simm.s32 $0x1B8E;
	s24 =	sld [smem:$0x3FFE];
	[sflag:s23] =	ssyncadd.s32 $0xFFFFFFFF  }
0xa5: {  	s26 =	simm.s32 $execute0_lowered;
	[smem:$0x3FD2] =	sst s25  }
0xa6: {  	s4 =	sshll.u32 s26, $0x1;
	_ =	strace $0x80000046;
	[dreg:$0x1] =	wrdreg $0xFFFFFFFF  }
0xa7: {  	s28 =	simm.s32 $_size_execute0_lowered;
	s2 =	sadd.s32 s2, s4;
	[dreg:$0x0] =	wrdreg $0x0  }
0xa8: {  	s4 =	sshll.u32 s28, $0x1;
	[dreg:$0x2] =	wrdreg s2  }
0xa9: {  	[dreg:$0x3] =	wrdreg s4  }
0xaa: {  	[dreg:$0x4] =	wrdreg $0xC0  }
0xab: {  	_ =	task [dreg:s6], $0x5FFFF  }
0xac: {  	[dreg:$0x1] =	wrdreg $0xFFFFFFFF  }
0xad: {  	[dreg:$0x0] =	wrdreg $0x60  }
0xae: {  	[dreg:$0x2] =	wrdreg s24  }
0xaf: {  	[dreg:$0x3] =	wrdreg $0x9  }
0xb0: {  	_ =	task.clear_ibuf [dreg:s6], $0x4FFFF;
	_ =	strace $0x90000046  }
0xb1: {  	s29 =	simm.s32 $0x9;
	_ =	strace $0x80000048  }
0xb2: {  	_ =	swait.ge [sflag:s29], $0x1  }
0xb3: {  	[sflag:s29] =	ssyncadd.s32 $0xFFFFFFFF  }
0xb4: {  	_ =	strace $0x90000048  }
0xb5: {  	_ =	sfence  }
0xb6: {  	s30 =	sld [smem:$0x0];
	_ =	sdelay $0x2  }
0xb7: {  	s31 =	sshll.u32 s1, $0xD;
	s1 =	sshrl.u32 s1, $0x2  }
0xb8: {  	s3 =	sand.u32 $0x4000, s31;
	s1 =	sadd.s32 s1, s30  }
0xb9: {  	s0 =	sor.u32 s3, s0;
	s1 =	sshll.u32 s1, $0x11  }
0xba: {  	s0 =	sor.u32 s1, s0  }
0xbb: {  	s0 =	sadd.s32 $0x8F2B, s0  }
0xbc: {  	[sflag:s0] =	ssyncadd.remote.s32 $0x1  }
0xbd: {  	_ =	sfence.sel $0xFFFF  }
0xbe: {  	[dreg:$0x0] =	wrdreg $0xFFFFFFFF;
	(pc) =	sbr.abs _section_cstart, $3  }
0xbf: {  	[dreg:$0x1] =	wrdreg $0xFFFFFFFF  }
0xc0: {  	_ =	task.clear_ibuf [dreg:s6], $0x2FFFF;
	_ =	strace $0x9FFFFFFF  }
0xc1: {  	(tm) =	ssettm $0x7FFFFFFF  }
tec
execute0_lowered:
.L_overlay_start_1:
0x0: {  	(tag) =	ssettag $0x1  }
0x1: {  	s4 =	rddreg [dreg:$0x0]  }
0x2: {  	s0 =	rddreg [dreg:$0x1];
	s2 =	simm.s32 $0x0  }
0x3: {  	s3 =	srdreg.scid;
	s1 =	stileid.u32;
	s9 =	simm.s32 $0x2000  }
0x4: {  	s10 =	simm.s32 $0x1;
	s11 =	simm.s32 $0x6000;
	s12 =	simm.s32 $0x0  }
0x5: {  	[smem:$0x7FF] =	sst s2;
	s5 =	sand.u32 $0x1, s3;
	s6 =	sshll.u32 s1, $0x1  }
0x6: {  	s3 =	sadd.s32 $0x2A00, s4;
	_ =	strace $0x80000047;
	s6 =	sor.u32 s5, s6  }
0x7: {  	s5 =	ssub.s32 $0x2, s5;
	s7 =	sshll.u32 s6, $0xA;
	s6 =	sshll.u32 s6, $0xD  }
0x8: {  	s8 =	sshrl.u32 s5, $0x1;
	s7 =	sadd.s32 s7, s4;
	s6 =	sadd.s32 s6, s4  }
0x9: {  	s8 =	ssub.s32 s5, s8;
	s4 =	sadd.s32 $0x42A00, s7;
	s5 =	sadd.s32 $0x4AA00, s6  }
0xa: {  	s6 =	smax.u32 s8, $0x1;
	s7 =	simm.s32 $0x2;
	s8 =	simm.s32 $0x80  }
.LBB2_1:
0xb: {  	[tilespmem:s2], [sflag:$0x2] =	stream.linear.gather [hbm4b:s4+s2], $0x2000, $0x38;
	[tilespmem:$0x16000] =	vst v63  }
0xc: {  	_ =	swait.ge [sflag:s7], $0x2000  }
0xd: {  	[sflag:s7] =	ssyncset.done $0x0  }
0xe: {  	s13 =	simm.s32 $0x6030;
	s14 =	simm.s32 $0x0;
	[sflag:s7] =	ssyncadd.s32 $0xFFFFE000  }
.LBB2_2:
0xf: {  	s15 =	sshll.u32 s14, $0x7  }
0x10: {  	s15 =	sand.u32 $0x3FFFFF80, s15  }
0x11: {  	[tilespmem:s9], [sflag:$0x1] =	stream.indirect.gather [hbm4b:s3+s8], $0x80, s15, s8, $0xb8;
	[tilespmem:$0x16000] =	vst v63  }
0x12: {  	_ =	swait.ge [sflag:s10], $0x4000  }
0x13: {  	[sflag:s10] =	ssyncset.done $0x0  }
0x14: {  	s15 =	simm.s32 $0x2400;
	[sflag:s10] =	ssyncadd.s32 $0xFFFFC000  }
0x15: {  	v0 =	vld [tilespmem:s15+$0xFFFFFC80]  }
0x16: {  	v1 =	vld [tilespmem:s15+$0xFFFFFC00]  }
0x17: {  	v2 =	vld [tilespmem:s15+$0xFFFFFD00]  }
0x18: {  	v3 =	vld [tilespmem:s15+$0xFFFFFD80]  }
0x19: {  	v4 =	vld [tilespmem:s15+$0xFFFFFE00]  }
0x1a: {  	v5 =	vld [tilespmem:s15+$0xFFFFFE80]  }
0x1b: {  	v0 =	vmax.f32 v1, v0;
	v1 =	vld [tilespmem:s15+$0xFFFFFF00]  }
0x1c: {  	v0 =	vmax.f32 v0, v2;
	v2 =	vld [tilespmem:s15+$0xFFFFFF80]  }
0x1d: {  	v0 =	vmax.f32 v0, v3;
	v3 =	vld [tilespmem:s15+$0x0]  }
0x1e: {  	v0 =	vmax.f32 v0, v4;
	v4 =	vld [tilespmem:s15+$0x80]  }
0x1f: {  	v0 =	vmax.f32 v0, v5;
	v5 =	vld [tilespmem:s15+$0x100]  }
0x20: {  	v0 =	vmax.f32 v0, v1;
	v1 =	vld [tilespmem:s15+$0x180]  }
0x21: {  	v0 =	vmax.f32 v0, v2;
	v2 =	vld [tilespmem:s15+$0x200]  }
0x22: {  	v0 =	vmax.f32 v0, v3;
	v3 =	vld [tilespmem:s15+$0x280]  }
0x23: {  	v0 =	vmax.f32 v0, v4;
	v4 =	vld [tilespmem:s15+$0x300]  }
0x24: {  	v6 =	vld [tilespmem:s15+$0x380];
	v5 =	vmax.f32 v0, v5  }
0x25: {  	v0 =	vmov s13;
	v1 =	vmax.f32 v5, v1  }
0x26: {  	v1 =	vmax.f32 v1, v2  }
0x27: {  	v1 =	vmax.f32 v1, v3  }
0x28: {  	v1 =	vmax.f32 v1, v4  }
0x29: {  	s16 =	simm.s32 $0x0;
	v1 =	vmax.f32 v1, v6  }
0x2a: {  	[tilespmem:v0+s16+$0xFFFFFFD0 ss:$0x1] =	vst.idx.msk $0xffff, v1  }
0x2b: {  	v1 =	vld [tilespmem:s15+$0xFFFFFC10]  }
0x2c: {  	v2 =	vld [tilespmem:s15+$0xFFFFFC90]  }
0x2d: {  	v3 =	vld [tilespmem:s15+$0xFFFFFD10]  }
0x2e: {  	v4 =	vld [tilespmem:s15+$0xFFFFFD90]  }
0x2f: {  	v5 =	vld [tilespmem:s15+$0xFFFFFE10]  }
0x30: {  	v6 =	vld [tilespmem:s15+$0xFFFFFE90]  }
0x31: {  	v1 =	vmax.f32 v1, v2;
	v2 =	vld [tilespmem:s15+$0xFFFFFF10]  }
0x32: {  	v1 =	vmax.f32 v1, v3;
	v3 =	vld [tilespmem:s15+$0xFFFFFF90]  }
0x33: {  	v1 =	vmax.f32 v1, v4;
	v4 =	vld [tilespmem:s15+$0x10]  }
0x34: {  	v1 =	vmax.f32 v1, v5;
	v5 =	vld [tilespmem:s15+$0x90]  }
0x35: {  	v1 =	vmax.f32 v1, v6;
	v6 =	vld [tilespmem:s15+$0x110]  }
0x36: {  	v1 =	vmax.f32 v1, v2;
	v2 =	vld [tilespmem:s15+$0x190]  }
0x37: {  	v1 =	vmax.f32 v1, v3;
	v3 =	vld [tilespmem:s15+$0x210]  }
0x38: {  	v1 =	vmax.f32 v1, v4;
	v4 =	vld [tilespmem:s15+$0x290]  }
0x39: {  	v1 =	vmax.f32 v1, v5;
	v5 =	vld [tilespmem:s15+$0x310]  }
0x3a: {  	v1 =	vmax.f32 v1, v6;
	v6 =	vld [tilespmem:s15+$0x390]  }
0x3b: {  	v1 =	vmax.f32 v1, v2  }
0x3c: {  	v1 =	vmax.f32 v1, v3  }
0x3d: {  	v1 =	vmax.f32 v1, v4  }
0x3e: {  	v1 =	vmax.f32 v1, v5  }
0x3f: {  	v1 =	vmax.f32 v1, v6  }
0x40: {  	[tilespmem:v0+s16+$0xFFFFFFE0 ss:$0x1] =	vst.idx.msk $0xffff, v1  }
0x41: {  	v1 =	vld [tilespmem:s15+$0xFFFFFC20]  }
0x42: {  	v2 =	vld [tilespmem:s15+$0xFFFFFCA0]  }
0x43: {  	v3 =	vld [tilespmem:s15+$0xFFFFFD20]  }
0x44: {  	v4 =	vld [tilespmem:s15+$0xFFFFFDA0]  }
0x45: {  	v5 =	vld [tilespmem:s15+$0xFFFFFE20]  }
0x46: {  	v6 =	vld [tilespmem:s15+$0xFFFFFEA0]  }
0x47: {  	v1 =	vmax.f32 v1, v2;
	v2 =	vld [tilespmem:s15+$0xFFFFFF20]  }
0x48: {  	v1 =	vmax.f32 v1, v3;
	v3 =	vld [tilespmem:s15+$0xFFFFFFA0]  }
0x49: {  	v1 =	vmax.f32 v1, v4;
	v4 =	vld [tilespmem:s15+$0x20]  }
0x4a: {  	v1 =	vmax.f32 v1, v5;
	v5 =	vld [tilespmem:s15+$0xA0]  }
0x4b: {  	v1 =	vmax.f32 v1, v6;
	v6 =	vld [tilespmem:s15+$0x120]  }
0x4c: {  	v1 =	vmax.f32 v1, v2;
	v2 =	vld [tilespmem:s15+$0x1A0]  }
0x4d: {  	v1 =	vmax.f32 v1, v3;
	v3 =	vld [tilespmem:s15+$0x220]  }
0x4e: {  	v1 =	vmax.f32 v1, v4;
	v4 =	vld [tilespmem:s15+$0x2A0]  }
0x4f: {  	v1 =	vmax.f32 v1, v5;
	v5 =	vld [tilespmem:s15+$0x320]  }
0x50: {  	v1 =	vmax.f32 v1, v6;
	v6 =	vld [tilespmem:s15+$0x3A0]  }
0x51: {  	v1 =	vmax.f32 v1, v2  }
0x52: {  	v1 =	vmax.f32 v1, v3  }
0x53: {  	v1 =	vmax.f32 v1, v4  }
0x54: {  	v1 =	vmax.f32 v1, v5  }
0x55: {  	v1 =	vmax.f32 v1, v6  }
0x56: {  	[tilespmem:v0+s16+$0xFFFFFFF0 ss:$0x1] =	vst.idx.msk $0xffff, v1  }
0x57: {  	v1 =	vld [tilespmem:s15+$0xFFFFFC30]  }
0x58: {  	v2 =	vld [tilespmem:s15+$0xFFFFFCB0]  }
0x59: {  	v3 =	vld [tilespmem:s15+$0xFFFFFD30]  }
0x5a: {  	v4 =	vld [tilespmem:s15+$0xFFFFFDB0]  }
0x5b: {  	v5 =	vld [tilespmem:s15+$0xFFFFFE30]  }
0x5c: {  	v6 =	vld [tilespmem:s15+$0xFFFFFEB0]  }
0x5d: {  	v1 =	vmax.f32 v1, v2;
	v2 =	vld [tilespmem:s15+$0xFFFFFF30]  }
0x5e: {  	v1 =	vmax.f32 v1, v3;
	v3 =	vld [tilespmem:s15+$0xFFFFFFB0]  }
0x5f: {  	v1 =	vmax.f32 v1, v4;
	v4 =	vld [tilespmem:s15+$0x30]  }
0x60: {  	v1 =	vmax.f32 v1, v5;
	v5 =	vld [tilespmem:s15+$0xB0]  }
0x61: {  	v1 =	vmax.f32 v1, v6;
	v6 =	vld [tilespmem:s15+$0x130]  }
0x62: {  	v7 =	vld [tilespmem:s15+$0x1B0];
	v1 =	vmax.f32 v1, v2  }
0x63: {  	v1 =	vmax.f32 v1, v3  }
0x64: {  	v2 =	vld [tilespmem:s15+$0x230];
	v3 =	vmax.f32 v1, v4  }
0x65: {  	v1 =	vld [tilespmem:s15+$0x2B0];
	v4 =	vmax.f32 v3, v5  }
0x66: {  	v3 =	vld [tilespmem:s15+$0x330];
	v5 =	vmax.f32 v4, v6  }
0x67: {  	s17 =	simm.s32 $0x200;
	v4 =	vld [tilespmem:s15+$0x3B0];
	v5 =	vmax.f32 v5, v7  }
.LBB2_3:
0x68: {  	p0 =	sne.s32 s17, $0xE00  }
0x69: {  	v2 =	vmax.f32 v5, v2;
	s15 =	sadd.s32 $0x800, s15;
	s18 =	smov.u32 s17;
	s17 =	sadd.s32 $0x200, s17  }
0x6a: {  	v1 =	vmax.f32 v2, v1  }
0x6b: {  	v1 =	vmax.f32 v1, v3  }
0x6c: {  	v1 =	vmax.f32 v1, v4  }
0x6d: {  	[tilespmem:v0+s16+$0x0 ss:$0x1] =	vst.idx.msk $0xffff, v1;
	_ =	sdelay $0x1  }
0x6e: {  	v1 =	vld [tilespmem:s15+$0xFFFFFC80]  }
0x6f: {  	v2 =	vld [tilespmem:s15+$0xFFFFFC00]  }
0x70: {  	v3 =	vld [tilespmem:s15+$0xFFFFFD00]  }
0x71: {  	v4 =	vld [tilespmem:s15+$0xFFFFFD80]  }
0x72: {  	v5 =	vld [tilespmem:s15+$0xFFFFFE00]  }
0x73: {  	v6 =	vld [tilespmem:s15+$0xFFFFFE80]  }
0x74: {  	v1 =	vmax.f32 v2, v1;
	v2 =	vld [tilespmem:s15+$0xFFFFFF00]  }
0x75: {  	v1 =	vmax.f32 v1, v3;
	v3 =	vld [tilespmem:s15+$0xFFFFFF80]  }
0x76: {  	v1 =	vmax.f32 v1, v4;
	v4 =	vld [tilespmem:s15+$0x0]  }
0x77: {  	v1 =	vmax.f32 v1, v5;
	v5 =	vld [tilespmem:s15+$0x80]  }
0x78: {  	v1 =	vmax.f32 v1, v6;
	v6 =	vld [tilespmem:s15+$0x100]  }
0x79: {  	v1 =	vmax.f32 v1, v2;
	v2 =	vld [tilespmem:s15+$0x180]  }
0x7a: {  	v1 =	vmax.f32 v1, v3;
	v3 =	vld [tilespmem:s15+$0x200]  }
0x7b: {  	v1 =	vmax.f32 v1, v4;
	v4 =	vld [tilespmem:s15+$0x280]  }
0x7c: {  	v1 =	vmax.f32 v1, v5;
	v5 =	vld [tilespmem:s15+$0x300]  }
0x7d: {  	v1 =	vmax.f32 v1, v6;
	v6 =	vld [tilespmem:s15+$0x380]  }
0x7e: {  	v1 =	vmax.f32 v1, v2  }
0x7f: {  	v1 =	vmax.f32 v1, v3  }
0x80: {  	v1 =	vmax.f32 v1, v4  }
0x81: {  	v1 =	vmax.f32 v1, v5  }
0x82: {  	s16 =	sshra.s32 s18, $0x2;
	v1 =	vmax.f32 v1, v6  }
0x83: {  	[tilespmem:v0+s16+$0xFFFFFFD0 ss:$0x1] =	vst.idx.msk $0xffff, v1  }
0x84: {  	v1 =	vld [tilespmem:s15+$0xFFFFFC10]  }
0x85: {  	v2 =	vld [tilespmem:s15+$0xFFFFFC90]  }
0x86: {  	v3 =	vld [tilespmem:s15+$0xFFFFFD10]  }
0x87: {  	v4 =	vld [tilespmem:s15+$0xFFFFFD90]  }
0x88: {  	v5 =	vld [tilespmem:s15+$0xFFFFFE10]  }
0x89: {  	v6 =	vld [tilespmem:s15+$0xFFFFFE90]  }
0x8a: {  	v1 =	vmax.f32 v1, v2;
	v2 =	vld [tilespmem:s15+$0xFFFFFF10]  }
0x8b: {  	v1 =	vmax.f32 v1, v3;
	v3 =	vld [tilespmem:s15+$0xFFFFFF90]  }
0x8c: {  	v1 =	vmax.f32 v1, v4;
	v4 =	vld [tilespmem:s15+$0x10]  }
0x8d: {  	v1 =	vmax.f32 v1, v5;
	v5 =	vld [tilespmem:s15+$0x90]  }
0x8e: {  	v1 =	vmax.f32 v1, v6;
	v6 =	vld [tilespmem:s15+$0x110]  }
0x8f: {  	v1 =	vmax.f32 v1, v2;
	v2 =	vld [tilespmem:s15+$0x190]  }
0x90: {  	v1 =	vmax.f32 v1, v3;
	v3 =	vld [tilespmem:s15+$0x210]  }
0x91: {  	v1 =	vmax.f32 v1, v4;
	v4 =	vld [tilespmem:s15+$0x290]  }
0x92: {  	v1 =	vmax.f32 v1, v5;
	v5 =	vld [tilespmem:s15+$0x310]  }
0x93: {  	v1 =	vmax.f32 v1, v6;
	v6 =	vld [tilespmem:s15+$0x390]  }
0x94: {  	v1 =	vmax.f32 v1, v2  }
0x95: {  	v1 =	vmax.f32 v1, v3  }
0x96: {  	v1 =	vmax.f32 v1, v4  }
0x97: {  	v1 =	vmax.f32 v1, v5  }
0x98: {  	v1 =	vmax.f32 v1, v6  }
0x99: {  	[tilespmem:v0+s16+$0xFFFFFFE0 ss:$0x1] =	vst.idx.msk $0xffff, v1  }
0x9a: {  	v1 =	vld [tilespmem:s15+$0xFFFFFC20]  }
0x9b: {  	v2 =	vld [tilespmem:s15+$0xFFFFFCA0]  }
0x9c: {  	v3 =	vld [tilespmem:s15+$0xFFFFFD20]  }
0x9d: {  	v4 =	vld [tilespmem:s15+$0xFFFFFDA0]  }
0x9e: {  	v5 =	vld [tilespmem:s15+$0xFFFFFE20]  }
0x9f: {  	v6 =	vld [tilespmem:s15+$0xFFFFFEA0]  }
0xa0: {  	v1 =	vmax.f32 v1, v2;
	v2 =	vld [tilespmem:s15+$0xFFFFFF20]  }
0xa1: {  	v1 =	vmax.f32 v1, v3;
	v3 =	vld [tilespmem:s15+$0xFFFFFFA0]  }
0xa2: {  	v1 =	vmax.f32 v1, v4;
	v4 =	vld [tilespmem:s15+$0x20]  }
0xa3: {  	v1 =	vmax.f32 v1, v5;
	v5 =	vld [tilespmem:s15+$0xA0]  }
0xa4: {  	v1 =	vmax.f32 v1, v6;
	v6 =	vld [tilespmem:s15+$0x120]  }
0xa5: {  	v1 =	vmax.f32 v1, v2;
	v2 =	vld [tilespmem:s15+$0x1A0]  }
0xa6: {  	v1 =	vmax.f32 v1, v3;
	v3 =	vld [tilespmem:s15+$0x220]  }
0xa7: {  	v1 =	vmax.f32 v1, v4;
	v4 =	vld [tilespmem:s15+$0x2A0]  }
0xa8: {  	v1 =	vmax.f32 v1, v5;
	v5 =	vld [tilespmem:s15+$0x320]  }
0xa9: {  	v1 =	vmax.f32 v1, v6;
	v6 =	vld [tilespmem:s15+$0x3A0]  }
0xaa: {  	v1 =	vmax.f32 v1, v2  }
0xab: {  	v1 =	vmax.f32 v1, v3  }
0xac: {  	v1 =	vmax.f32 v1, v4  }
0xad: {  	v1 =	vmax.f32 v1, v5  }
0xae: {  	v1 =	vmax.f32 v1, v6  }
0xaf: {  	[tilespmem:v0+s16+$0xFFFFFFF0 ss:$0x1] =	vst.idx.msk $0xffff, v1  }
0xb0: {  	v1 =	vld [tilespmem:s15+$0xFFFFFC30]  }
0xb1: {  	v2 =	vld [tilespmem:s15+$0xFFFFFCB0]  }
0xb2: {  	v3 =	vld [tilespmem:s15+$0xFFFFFD30]  }
0xb3: {  	v4 =	vld [tilespmem:s15+$0xFFFFFDB0]  }
0xb4: {  	v5 =	vld [tilespmem:s15+$0xFFFFFE30]  }
0xb5: {  	v6 =	vld [tilespmem:s15+$0xFFFFFEB0]  }
0xb6: {  	v1 =	vmax.f32 v1, v2;
	v2 =	vld [tilespmem:s15+$0xFFFFFF30]  }
0xb7: {  	v1 =	vmax.f32 v1, v3;
	v3 =	vld [tilespmem:s15+$0xFFFFFFB0]  }
0xb8: {  	v1 =	vmax.f32 v1, v4;
	v4 =	vld [tilespmem:s15+$0x30]  }
0xb9: {  	v1 =	vmax.f32 v1, v5;
	v5 =	vld [tilespmem:s15+$0xB0]  }
0xba: {  	v1 =	vmax.f32 v1, v6;
	v6 =	vld [tilespmem:s15+$0x130]  }
0xbb: {  	v1 =	vmax.f32 v1, v2;
	v7 =	vld [tilespmem:s15+$0x1B0]  }
.Ltmp0:
0xbc: {  	v1 =	vmax.f32 v1, v3;
	v2 =	vld [tilespmem:s15+$0x230];
	(pc) =	sbr.rel @p0 .LBB2_3-.Ltmp0, $4  }
0xbd: {  	v3 =	vmax.f32 v1, v4;
	v1 =	vld [tilespmem:s15+$0x2B0]  }
0xbe: {  	v4 =	vmax.f32 v3, v5;
	v3 =	vld [tilespmem:s15+$0x330]  }
0xbf: {  	v5 =	vmax.f32 v4, v6;
	v4 =	vld [tilespmem:s15+$0x3B0]  }
0xc0: {  	v5 =	vmax.f32 v5, v7  }
0xc1: {  	s14 =	sadd.s32 $0x1, s14  }
0xc2: {  	p0 =	sne.s32 s14, $0x40  }
.Ltmp1:
0xc3: {  	v2 =	vmax.f32 v5, v2;
	(pc) =	sbr.rel @p0 .LBB2_2-.Ltmp1, $4  }
0xc4: {  	v1 =	vmax.f32 v2, v1  }
0xc5: {  	v1 =	vmax.f32 v1, v3  }
0xc6: {  	v1 =	vmax.f32 v1, v4  }
0xc7: {  	s13 =	sadd.s32 $0x400, s13;
	[tilespmem:v0+s16+$0x0 ss:$0x1] =	vst.idx.msk $0xffff, v1  }
0xc8: {  	s12 =	sadd.s32 $0x1, s12  }
0xc9: {  	p0 =	sne.s32 s12, s6  }
.Ltmp2:
0xca: {  	_ = 	snop;
	(pc) =	sbr.rel @p0 .LBB2_1-.Ltmp2, $4  }
0xcb: {  	[hbm4b:s5+s2] =	stream.linear.scatter [tilespmem:s11], [sflag:$0x2], $0x10000, $0x38;
	[tilespmem:$0x16000] =	vst v63  }
0xcc: {  	_ =	swait.ge [sflag:s7], $0x10000  }
0xcd: {  	[sflag:s7] =	ssyncset.done $0x0  }
0xce: {  	[sflag:s7] =	ssyncadd.s32 $0xFFFF0000  }
0xcf: {  	_ =	sfence.sel $0x180000  }
0xd0: {  	[bflag:$0x0] =	sbarrier.arrive $0xFFFF  }
0xd1: {  	p0 =	sne.s32 s1, $0x0;
	_ =	strace $0x90000047  }
0xd2: {  	s0 =	sadd.s32 @!p0 $0x100000, s0;
	[bflag:$0x2] =	sbarrier.arrive $0xFFFF  }
0xd3: {  	[sflag:s0] =	ssyncadd.tile.s32 @!p0 $0x1;
	_ =	shalt  }
.Lfunc_end2:
_tile_overlayer_lowered:
.L_overlay_start_2:
0xd4: {  	(tag) =	ssettag $0x2  }
0xd5: {  	s0 =	rddreg [dreg:$0x0];
	s2 =	stileid.u32  }
0xd6: {  	s1 =	rddreg [dreg:$0x1];
	p0 =	sne.s32 s2, $0x0  }
0xd7: {  	s3 =	rddreg [dreg:$0x2];
	[bflag:$0x3] =	sbarrier.arrive $0xFFFF;
	s2 =	simm.s32 @!p0 $0x1C02  }
0xd8: {  	[timem:s3], [sflag:s2] =	dma.local @!p0 [hbm:s0], s1  }
0xd9: {  	s0 =	simm.s32 @!p0 $0x2  }
0xda: {  	_ =	swait.ge @!p0 [sflag:s0], s1  }
0xdb: {  	s1 =	ssub.s32 @!p0 $0x0, s1;
	[sflag:s0] =	ssyncset.done @!p0 $0x0  }
0xdc: {  	[sflag:s0] =	ssyncadd.s32 @!p0 s1  }
0xdd: {  	[bflag:$0x3] =	sbarrier.arrive $0xFFFF  }
0xde: {  	_ =	shalt  }

// kernel: kernel.18.cloned.1.call-start
scs
__scs_entry_jumppad:
0x0: {  	(pc) =	sbr.rel $0x88, $3  }
0x1: {  	(tag) =	ssettag $0x0;
	lr =	simm.s32 $0x1  }
0x2: {  	[smem:$0x3F86] =	sst lr;
	_ =	strace $0xD0000000  }
0x3: {  	_ = 	snop  }
0x4: {  	_ = 	snop  }
0x5: {  	_ = 	snop  }
0x6: {  	_ = 	snop  }
0x7: {  	_ = 	snop  }
__scs_overlays_trampoline_lowered:
0x8: {  	[smem:$0x3F95] =	sst s0  }
0x9: {  	[smem:$0x3F96] =	sst s1  }
0xa: {  	[smem:$0x3F97] =	sst s2  }
0xb: {  	[smem:$0x3F98] =	sst s3  }
0xc: {  	[smem:$0x3F99] =	sst s4  }
0xd: {  	[smem:$0x3F9A] =	sst s5  }
0xe: {  	[smem:$0x3F9B] =	sst s6  }
0xf: {  	[smem:$0x3F9C] =	sst s7  }
0x10: {  	[smem:$0x3F9D] =	sst s8  }
0x11: {  	[smem:$0x3F9E] =	sst s9;
	s0 =	simm.s32 @!p0 $0x0  }
0x12: {  	s1 =	sld [smem:$0x3F84];
	s0 =	simm.s32 @p0 $0x1  }
0x13: {  	[smem:$0x3F9F] =	sst s0;
	s0 =	simm.s32 @!p1 $0x0  }
0x14: {  	s2 =	sld [smem:$0x3F83];
	s0 =	simm.s32 @p1 $0x1  }
0x15: {  	[smem:$0x3FA0] =	sst s0;
	s0 =	simm.s32 @!p2 $0x0  }
0x16: {  	s3 =	sld [smem:$0x3FDB];
	s0 =	simm.s32 @p2 $0x1  }
0x17: {  	s4 =	simm.s32 $0x1BF5;
	[smem:$0x3FA2] =	sst s0  }
0x18: {  	s0 =	sld [smem:$0x3F85];
	_ =	swait.ge [sflag:s4], $0x0  }
0x19: {  	s7 =	sld [smem:$0x3F86]  }
0x1a: {  	s8 =	sadd.s32 $0xFFFFE003, lr  }
0x1b: {  	s9 =	sadd.s32 $0xFFFFFEF7, lr;
	s5 =	simm.s32 $0xFFFFFFFF;
	p2 =	slt.u32 s8, $0xFFFFF086  }
0x1c: {  	p1 =	slt.u32 s9, $0xF7A;
	s5 =	simm.s32 @!p2 $0x0  }
0x1d: {  	s5 =	simm.s32 @p1 $0x1;
	p0 =	seq.s32 s7, s2  }
0x1e: {  	s7 =	smul.u32 @!p0 $0xF7A, s2;
	p2 =	seq.s32 @!p0 s5, $0x0  }
0x1f: {  	s9 =	smul.u32 $0xF7A, s1;
	s8 =	simm.s32 @!p0 $0x1BF5;
	p2 =	por !p2, p0  }
0x20: {  	[sflag:s8] =	ssyncset.s32 @!p0 $0xFFFFF086;
	s6 =	sadd.s32 @!p0 s3, s7;
	s7 =	simm.s32 @!p0 $0x108  }
0x21: {  	s3 =	sadd.s32 s3, s9;
	s6 =	sadd.s32 @!p0 $0x88, s6;
	s7 =	simm.s32 @p2 $0x1082  }
0x22: {  	[simem:s7], [sflag:s8] =	dma.local @!p0 [hbm:s6], $0xF7A  }
0x23: {  	s9 =	sor.u32 $0xD0000000, s2;
	s6 =	simm.s32 $0x108;
	_ =	swait.ge @!p0 [sflag:s8], $0x0  }
0x24: {  	s3 =	sadd.s32 $0x88, s3;
	s6 =	simm.s32 @!p1 $0x1082;
	[sflag:s4] =	ssyncset.s32 $0xFFFFF086  }
0x25: {  	[simem:s6], [sflag:s4] =	dma.local [hbm:s3], $0xF7A  }
0x26: {  	[smem:$0x3F86] =	sst s1;
	(tag) =	ssettag s2;
	_ =	strace s9  }
0x27: {  	s1 =	sld [smem:$0x3F96]  }
0x28: {  	s2 =	sld [smem:$0x3F97]  }
0x29: {  	s4 =	sld [smem:$0x3F99]  }
0x2a: {  	p0 =	seq.s32 s5, $0x0;
	s5 =	sld [smem:$0x3F9A]  }
0x2b: {  	s6 =	sld [smem:$0x3F9B]  }
0x2c: {  	s7 =	sld [smem:$0x3F9C]  }
0x2d: {  	s3 =	simm.s32 $0x108;
	s8 =	sld [smem:$0x3F9D]  }
0x2e: {  	s3 =	simm.s32 @!p0 $0x1082;
	s9 =	sld [smem:$0x3F9E]  }
0x2f: {  	lr =	sadd.s32 s0, s3;
	s0 =	sld [smem:$0x3F95]  }
0x30: {  	s3 =	sld [smem:$0x3F98]  }
0x31: {  	[smem:$0x3FA1] =	sst s10  }
0x32: {  	s10 =	sld [smem:$0x3F9F];
	_ =	sdelay $0x3  }
0x33: {  	p0 =	seq.s32 s10, $0x1;
	s10 =	sld [smem:$0x3FA1];
	_ =	sdelay $0x3  }
0x34: {  	[smem:$0x3FA1] =	sst s10  }
0x35: {  	s10 =	sld [smem:$0x3FA0];
	_ =	sdelay $0x3  }
0x36: {  	p1 =	seq.s32 s10, $0x1;
	s10 =	sld [smem:$0x3FA1];
	_ =	sdelay $0x3  }
0x37: {  	[smem:$0x3FA1] =	sst s10  }
0x38: {  	s10 =	sld [smem:$0x3FA2]  }
0x39: {  	_ = 	snop;
	(pc) =	sbr.ind lr, $3  }
0x3a: {  	_ = 	snop  }
0x3b: {  	_ = 	snop  }
0x3c: {  	p2 =	seq.s32 s10, $0x1;
	s10 =	sld [smem:$0x3FA1]  }
0x3d: {  	_ =	shalt  }
0x3e: {  	_ =	shalt  }
0x3f: {  	_ =	shalt  }
0x40: {  	_ =	shalt  }
0x41: {  	_ =	shalt  }
0x42: {  	_ =	shalt  }
0x43: {  	_ =	shalt  }
0x44: {  	_ =	shalt  }
0x45: {  	_ =	shalt  }
0x46: {  	_ =	shalt  }
0x47: {  	_ =	shalt  }
0x48: {  	_ =	shalt  }
0x49: {  	_ =	shalt  }
0x4a: {  	_ =	shalt  }
0x4b: {  	_ =	shalt  }
0x4c: {  	_ =	shalt  }
0x4d: {  	_ =	shalt  }
0x4e: {  	_ =	shalt  }
0x4f: {  	_ =	shalt  }
0x50: {  	_ =	shalt  }
0x51: {  	_ =	shalt  }
0x52: {  	_ =	shalt  }
0x53: {  	_ =	shalt  }
0x54: {  	_ =	shalt  }
0x55: {  	_ =	shalt  }
0x56: {  	_ =	shalt  }
0x57: {  	_ =	shalt  }
0x58: {  	_ =	shalt  }
0x59: {  	_ =	shalt  }
0x5a: {  	_ =	shalt  }
0x5b: {  	_ =	shalt  }
0x5c: {  	_ =	shalt  }
0x5d: {  	_ =	shalt  }
0x5e: {  	_ =	shalt  }
0x5f: {  	_ =	shalt  }
0x60: {  	_ =	shalt  }
0x61: {  	_ =	shalt  }
0x62: {  	_ =	shalt  }
0x63: {  	_ =	shalt  }
0x64: {  	_ =	shalt  }
0x65: {  	_ =	shalt  }
0x66: {  	_ =	shalt  }
0x67: {  	_ =	shalt  }
0x68: {  	_ =	shalt  }
0x69: {  	_ =	shalt  }
0x6a: {  	_ =	shalt  }
0x6b: {  	_ =	shalt  }
0x6c: {  	_ =	shalt  }
0x6d: {  	_ =	shalt  }
0x6e: {  	_ =	shalt  }
0x6f: {  	_ =	shalt  }
0x70: {  	_ =	shalt  }
0x71: {  	_ =	shalt  }
0x72: {  	_ =	shalt  }
0x73: {  	_ =	shalt  }
0x74: {  	_ =	shalt  }
0x75: {  	_ =	shalt  }
0x76: {  	_ =	shalt  }
0x77: {  	_ =	shalt  }
0x78: {  	_ =	shalt  }
0x79: {  	_ =	shalt  }
0x7a: {  	_ =	shalt  }
0x7b: {  	_ =	shalt  }
0x7c: {  	_ =	shalt  }
0x7d: {  	_ =	shalt  }
0x7e: {  	_ =	shalt  }
0x7f: {  	_ =	shalt  }
0x80: {  	_ =	shalt  }
0x81: {  	_ =	shalt  }
0x82: {  	_ =	shalt  }
0x83: {  	_ =	shalt  }
0x84: {  	_ =	shalt  }
0x85: {  	_ =	shalt  }
0x86: {  	_ =	shalt  }
0x87: {  	_ =	shalt  }
.Lfunc_end0:
.L_simem_size_0:
called_computation.1_lowered:
.L_overlay_start_0:
0x88: {  	s2 =	sld [smem:$0x3FD9]  }
0x89: {  	s3 =	sld [smem:$0x3FFE];
	_ =	sdelay $0x1  }
0x8a: {  	s1 =	srdreg.scid  }
0x8b: {  	s0 =	sand.u32 $0x1, s1  }
0x8c: {  	s16 =	sshll.u32 s0, $0xA;
	s2 =	sadd.s32 s3, s2  }
0x8d: {  	s2 =	sadd.s32 s2, s16  }
0x8e: {  	[smem:$0x3FAD] =	sst s2  }
0x8f: {  	_ = 	snop  }
0x90: {  	(tm) =	ssettm $0x1  }
0x91: {  	s17 =	sld [smem:$0x3FFB];
	_ =	sdelay $0x3  }
0x92: {  	_ =	strace s17  }
0x93: {  	s2 =	sld [smem:$0x3FFC];
	_ =	sdelay $0x3  }
0x94: {  	_ =	strace s2  }
0x95: {  	s2 =	sld [smem:$0x3FFD];
	_ =	sdelay $0x3  }
0x96: {  	_ =	strace s2  }
0x97: {  	_ =	strace $0x8FFFFFFF  }
0x98: {  	s18 =	sld [smem:$0x3FDB];
	_ =	sdelay $0x1  }
0x99: {  	s19 =	simm.s32 $_scs_section_size  }
0x9a: {  	s4 =	simm.s32 $_size__tile_overlayer_lowered;
	s5 =	simm.s32 $_tile_overlayer_lowered  }
0x9b: {  	s22 =	simm.s32 $0x1BFF;
	s21 =	sshll.u32 s5, $0x1;
	s2 =	sadd.s32 s19, s18  }
0x9c: {  	s6 =	simm.s32 $0x0;
	s20 =	sshll.u32 s4, $0x1;
	s4 =	sadd.s32 s21, s2  }
0x9d: {  	[timem:s6], [sflag:s22] =	dma.local [hbm:s4], s20  }
0x9e: {  	_ =	swait.ge [sflag:s22], s20  }
0x9f: {  	s3 =	ssub.s32 $0x0, s20;
	[sflag:s22] =	ssyncset.done $0x0  }
0xa0: {  	[sflag:s22] =	ssyncadd.s32 s3;
	_ =	sdelay $0x1  }
0xa1: {  	s23 =	simm.s32 $0x1B8B  }
0xa2: {  	_ =	swait.ge [sflag:s23], $0x1  }
0xa3: {  	[sflag:s23] =	ssyncset.done $0x0  }
0xa4: {  	s25 =	simm.s32 $0x1B8E;
	s24 =	sld [smem:$0x3FFE];
	[sflag:s23] =	ssyncadd.s32 $0xFFFFFFFF  }
0xa5: {  	s26 =	simm.s32 $execute0_lowered;
	[smem:$0x3FD2] =	sst s25  }
0xa6: {  	s4 =	sshll.u32 s26, $0x1;
	_ =	strace $0x80000049;
	[dreg:$0x1] =	wrdreg $0xFFFFFFFF  }
0xa7: {  	s28 =	simm.s32 $_size_execute0_lowered;
	s2 =	sadd.s32 s2, s4;
	[dreg:$0x0] =	wrdreg $0x0  }
0xa8: {  	s4 =	sshll.u32 s28, $0x1;
	[dreg:$0x2] =	wrdreg s2  }
0xa9: {  	[dreg:$0x3] =	wrdreg s4  }
0xaa: {  	[dreg:$0x4] =	wrdreg $0xC0  }
0xab: {  	_ =	task [dreg:s6], $0x5FFFF  }
0xac: {  	[dreg:$0x1] =	wrdreg $0xFFFFFFFF  }
0xad: {  	[dreg:$0x0] =	wrdreg $0x60  }
0xae: {  	[dreg:$0x2] =	wrdreg s24  }
0xaf: {  	[dreg:$0x3] =	wrdreg $0x9  }
0xb0: {  	_ =	task.clear_ibuf [dreg:s6], $0x4FFFF;
	_ =	strace $0x90000049  }
0xb1: {  	s29 =	simm.s32 $0x9;
	_ =	strace $0x8000004B  }
0xb2: {  	_ =	swait.ge [sflag:s29], $0x1  }
0xb3: {  	[sflag:s29] =	ssyncadd.s32 $0xFFFFFFFF  }
0xb4: {  	_ =	strace $0x9000004B  }
0xb5: {  	_ =	sfence  }
0xb6: {  	s30 =	sld [smem:$0x0];
	_ =	sdelay $0x2  }
0xb7: {  	s31 =	sshll.u32 s1, $0xD;
	s1 =	sshrl.u32 s1, $0x2  }
0xb8: {  	s3 =	sand.u32 $0x4000, s31;
	s1 =	sadd.s32 s1, s30  }
0xb9: {  	s0 =	sor.u32 s3, s0;
	s1 =	sshll.u32 s1, $0x11  }
0xba: {  	s0 =	sor.u32 s1, s0  }
0xbb: {  	s0 =	sadd.s32 $0x8F2B, s0  }
0xbc: {  	[sflag:s0] =	ssyncadd.remote.s32 $0x1  }
0xbd: {  	_ =	sfence.sel $0xFFFF  }
0xbe: {  	[dreg:$0x0] =	wrdreg $0xFFFFFFFF;
	(pc) =	sbr.abs _section_cstart, $3  }
0xbf: {  	[dreg:$0x1] =	wrdreg $0xFFFFFFFF  }
0xc0: {  	_ =	task.clear_ibuf [dreg:s6], $0x2FFFF;
	_ =	strace $0x9FFFFFFF  }
0xc1: {  	(tm) =	ssettm $0x7FFFFFFF  }
tec
execute0_lowered:
.L_overlay_start_1:
0x0: {  	(tag) =	ssettag $0x1  }
0x1: {  	s4 =	rddreg [dreg:$0x0]  }
0x2: {  	s0 =	rddreg [dreg:$0x1];
	s2 =	simm.s32 $0x0  }
0x3: {  	s3 =	srdreg.scid;
	s1 =	stileid.u32;
	s9 =	simm.s32 $0x2000  }
0x4: {  	s10 =	simm.s32 $0x1;
	s11 =	simm.s32 $0x6000;
	s12 =	simm.s32 $0x0  }
0x5: {  	[smem:$0x7FF] =	sst s2;
	s5 =	sand.u32 $0x1, s3;
	s6 =	sshll.u32 s1, $0x1  }
0x6: {  	s3 =	sadd.s32 $0x2A00, s4;
	_ =	strace $0x8000004A;
	s6 =	sor.u32 s5, s6  }
0x7: {  	s5 =	ssub.s32 $0x2, s5;
	s7 =	sshll.u32 s6, $0xA;
	s6 =	sshll.u32 s6, $0xD  }
0x8: {  	s8 =	sshrl.u32 s5, $0x1;
	s7 =	sadd.s32 s7, s4;
	s6 =	sadd.s32 s6, s4  }
0x9: {  	s8 =	ssub.s32 s5, s8;
	s4 =	sadd.s32 $0x42A00, s7;
	s5 =	sadd.s32 $0x4AA00, s6  }
0xa: {  	s6 =	smax.u32 s8, $0x1;
	s7 =	simm.s32 $0x2;
	s8 =	simm.s32 $0x80  }
.LBB2_1:
0xb: {  	[tilespmem:s2], [sflag:$0x2] =	stream.linear.gather [hbm4b:s4+s2], $0x2000, $0x38;
	[tilespmem:$0x16000] =	vst v63  }
0xc: {  	_ =	swait.ge [sflag:s7], $0x2000  }
0xd: {  	[sflag:s7] =	ssyncset.done $0x0  }
0xe: {  	s13 =	simm.s32 $0x6070;
	s14 =	simm.s32 $0x0;
	[sflag:s7] =	ssyncadd.s32 $0xFFFFE000  }
.LBB2_2:
0xf: {  	s15 =	sshll.u32 s14, $0x7  }
0x10: {  	s15 =	sand.u32 $0x3FFFFF80, s15  }
0x11: {  	[tilespmem:s9], [sflag:$0x1] =	stream.indirect.gather [hbm4b:s3+s8], $0x80, s15, s8, $0xb8;
	[tilespmem:$0x16000] =	vst v63  }
0x12: {  	_ =	swait.ge [sflag:s10], $0x4000  }
0x13: {  	[sflag:s10] =	ssyncset.done $0x0  }
0x14: {  	s15 =	simm.s32 $0x2400;
	[sflag:s10] =	ssyncadd.s32 $0xFFFFC000  }
0x15: {  	v0 =	vld [tilespmem:s15+$0xFFFFFC80]  }
0x16: {  	v1 =	vld [tilespmem:s15+$0xFFFFFC00]  }
0x17: {  	v2 =	vld [tilespmem:s15+$0xFFFFFD00]  }
0x18: {  	v3 =	vld [tilespmem:s15+$0xFFFFFD80]  }
0x19: {  	v4 =	vld [tilespmem:s15+$0xFFFFFE00]  }
0x1a: {  	v5 =	vld [tilespmem:s15+$0xFFFFFE80]  }
0x1b: {  	v0 =	vmax.f32 v1, v0;
	v1 =	vld [tilespmem:s15+$0xFFFFFF00]  }
0x1c: {  	v0 =	vmax.f32 v0, v2;
	v2 =	vld [tilespmem:s15+$0xFFFFFF80]  }
0x1d: {  	v0 =	vmax.f32 v0, v3;
	v3 =	vld [tilespmem:s15+$0x0]  }
0x1e: {  	v0 =	vmax.f32 v0, v4;
	v4 =	vld [tilespmem:s15+$0x80]  }
0x1f: {  	v0 =	vmax.f32 v0, v5;
	v5 =	vld [tilespmem:s15+$0x100]  }
0x20: {  	v0 =	vmax.f32 v0, v1;
	v1 =	vld [tilespmem:s15+$0x180]  }
0x21: {  	v0 =	vmax.f32 v0, v2;
	v2 =	vld [tilespmem:s15+$0x200]  }
0x22: {  	v0 =	vmax.f32 v0, v3;
	v3 =	vld [tilespmem:s15+$0x280]  }
0x23: {  	v0 =	vmax.f32 v0, v4;
	v4 =	vld [tilespmem:s15+$0x300]  }
0x24: {  	v6 =	vld [tilespmem:s15+$0x380];
	v5 =	vmax.f32 v0, v5  }
0x25: {  	v0 =	vmov s13;
	v1 =	vmax.f32 v5, v1  }
0x26: {  	v1 =	vmax.f32 v1, v2  }
0x27: {  	v1 =	vmax.f32 v1, v3  }
0x28: {  	v1 =	vmax.f32 v1, v4  }
0x29: {  	s16 =	simm.s32 $0x0;
	v1 =	vmax.f32 v1, v6  }
0x2a: {  	[tilespmem:v0+s16+$0xFFFFFF90 ss:$0x1] =	vst.idx.msk $0xffff, v1  }
0x2b: {  	v1 =	vld [tilespmem:s15+$0xFFFFFC10]  }
0x2c: {  	v2 =	vld [tilespmem:s15+$0xFFFFFC90]  }
0x2d: {  	v3 =	vld [tilespmem:s15+$0xFFFFFD10]  }
0x2e: {  	v4 =	vld [tilespmem:s15+$0xFFFFFD90]  }
0x2f: {  	v5 =	vld [tilespmem:s15+$0xFFFFFE10]  }
0x30: {  	v6 =	vld [tilespmem:s15+$0xFFFFFE90]  }
0x31: {  	v1 =	vmax.f32 v1, v2;
	v2 =	vld [tilespmem:s15+$0xFFFFFF10]  }
0x32: {  	v1 =	vmax.f32 v1, v3;
	v3 =	vld [tilespmem:s15+$0xFFFFFF90]  }
0x33: {  	v1 =	vmax.f32 v1, v4;
	v4 =	vld [tilespmem:s15+$0x10]  }
0x34: {  	v1 =	vmax.f32 v1, v5;
	v5 =	vld [tilespmem:s15+$0x90]  }
0x35: {  	v1 =	vmax.f32 v1, v6;
	v6 =	vld [tilespmem:s15+$0x110]  }
0x36: {  	v1 =	vmax.f32 v1, v2;
	v2 =	vld [tilespmem:s15+$0x190]  }
0x37: {  	v1 =	vmax.f32 v1, v3;
	v3 =	vld [tilespmem:s15+$0x210]  }
0x38: {  	v1 =	vmax.f32 v1, v4;
	v4 =	vld [tilespmem:s15+$0x290]  }
0x39: {  	v1 =	vmax.f32 v1, v5;
	v5 =	vld [tilespmem:s15+$0x310]  }
0x3a: {  	v1 =	vmax.f32 v1, v6;
	v6 =	vld [tilespmem:s15+$0x390]  }
0x3b: {  	v1 =	vmax.f32 v1, v2  }
0x3c: {  	v1 =	vmax.f32 v1, v3  }
0x3d: {  	v1 =	vmax.f32 v1, v4  }
0x3e: {  	v1 =	vmax.f32 v1, v5  }
0x3f: {  	v1 =	vmax.f32 v1, v6  }
0x40: {  	[tilespmem:v0+s16+$0xFFFFFFA0 ss:$0x1] =	vst.idx.msk $0xffff, v1  }
0x41: {  	v1 =	vld [tilespmem:s15+$0xFFFFFC20]  }
0x42: {  	v2 =	vld [tilespmem:s15+$0xFFFFFCA0]  }
0x43: {  	v3 =	vld [tilespmem:s15+$0xFFFFFD20]  }
0x44: {  	v4 =	vld [tilespmem:s15+$0xFFFFFDA0]  }
0x45: {  	v5 =	vld [tilespmem:s15+$0xFFFFFE20]  }
0x46: {  	v6 =	vld [tilespmem:s15+$0xFFFFFEA0]  }
0x47: {  	v1 =	vmax.f32 v1, v2;
	v2 =	vld [tilespmem:s15+$0xFFFFFF20]  }
0x48: {  	v1 =	vmax.f32 v1, v3;
	v3 =	vld [tilespmem:s15+$0xFFFFFFA0]  }
0x49: {  	v1 =	vmax.f32 v1, v4;
	v4 =	vld [tilespmem:s15+$0x20]  }
0x4a: {  	v1 =	vmax.f32 v1, v5;
	v5 =	vld [tilespmem:s15+$0xA0]  }
0x4b: {  	v1 =	vmax.f32 v1, v6;
	v6 =	vld [tilespmem:s15+$0x120]  }
0x4c: {  	v1 =	vmax.f32 v1, v2;
	v2 =	vld [tilespmem:s15+$0x1A0]  }
0x4d: {  	v1 =	vmax.f32 v1, v3;
	v3 =	vld [tilespmem:s15+$0x220]  }
0x4e: {  	v1 =	vmax.f32 v1, v4;
	v4 =	vld [tilespmem:s15+$0x2A0]  }
0x4f: {  	v1 =	vmax.f32 v1, v5;
	v5 =	vld [tilespmem:s15+$0x320]  }
0x50: {  	v1 =	vmax.f32 v1, v6;
	v6 =	vld [tilespmem:s15+$0x3A0]  }
0x51: {  	v1 =	vmax.f32 v1, v2  }
0x52: {  	v1 =	vmax.f32 v1, v3  }
0x53: {  	v1 =	vmax.f32 v1, v4  }
0x54: {  	v1 =	vmax.f32 v1, v5  }
0x55: {  	v1 =	vmax.f32 v1, v6  }
0x56: {  	[tilespmem:v0+s16+$0xFFFFFFB0 ss:$0x1] =	vst.idx.msk $0xffff, v1  }
0x57: {  	v1 =	vld [tilespmem:s15+$0xFFFFFC30]  }
0x58: {  	v2 =	vld [tilespmem:s15+$0xFFFFFCB0]  }
0x59: {  	v3 =	vld [tilespmem:s15+$0xFFFFFD30]  }
0x5a: {  	v4 =	vld [tilespmem:s15+$0xFFFFFDB0]  }
0x5b: {  	v5 =	vld [tilespmem:s15+$0xFFFFFE30]  }
0x5c: {  	v6 =	vld [tilespmem:s15+$0xFFFFFEB0]  }
0x5d: {  	v1 =	vmax.f32 v1, v2;
	v2 =	vld [tilespmem:s15+$0xFFFFFF30]  }
0x5e: {  	v1 =	vmax.f32 v1, v3;
	v3 =	vld [tilespmem:s15+$0xFFFFFFB0]  }
0x5f: {  	v1 =	vmax.f32 v1, v4;
	v4 =	vld [tilespmem:s15+$0x30]  }
0x60: {  	v1 =	vmax.f32 v1, v5;
	v5 =	vld [tilespmem:s15+$0xB0]  }
0x61: {  	v1 =	vmax.f32 v1, v6;
	v6 =	vld [tilespmem:s15+$0x130]  }
0x62: {  	v1 =	vmax.f32 v1, v2;
	v2 =	vld [tilespmem:s15+$0x1B0]  }
0x63: {  	v1 =	vmax.f32 v1, v3;
	v3 =	vld [tilespmem:s15+$0x230]  }
0x64: {  	v1 =	vmax.f32 v1, v4;
	v4 =	vld [tilespmem:s15+$0x2B0]  }
0x65: {  	v1 =	vmax.f32 v1, v5;
	v5 =	vld [tilespmem:s15+$0x330]  }
0x66: {  	v1 =	vmax.f32 v1, v6;
	v6 =	vld [tilespmem:s15+$0x3B0]  }
0x67: {  	v1 =	vmax.f32 v1, v2  }
0x68: {  	v1 =	vmax.f32 v1, v3  }
0x69: {  	v1 =	vmax.f32 v1, v4  }
0x6a: {  	v1 =	vmax.f32 v1, v5  }
0x6b: {  	v1 =	vmax.f32 v1, v6  }
0x6c: {  	[tilespmem:v0+s16+$0xFFFFFFC0 ss:$0x1] =	vst.idx.msk $0xffff, v1  }
0x6d: {  	v1 =	vld [tilespmem:s15+$0xFFFFFC40]  }
0x6e: {  	v2 =	vld [tilespmem:s15+$0xFFFFFCC0]  }
0x6f: {  	v3 =	vld [tilespmem:s15+$0xFFFFFD40]  }
0x70: {  	v4 =	vld [tilespmem:s15+$0xFFFFFDC0]  }
0x71: {  	v5 =	vld [tilespmem:s15+$0xFFFFFE40]  }
0x72: {  	v6 =	vld [tilespmem:s15+$0xFFFFFEC0]  }
0x73: {  	v1 =	vmax.f32 v1, v2;
	v2 =	vld [tilespmem:s15+$0xFFFFFF40]  }
0x74: {  	v1 =	vmax.f32 v1, v3;
	v3 =	vld [tilespmem:s15+$0xFFFFFFC0]  }
0x75: {  	v1 =	vmax.f32 v1, v4;
	v4 =	vld [tilespmem:s15+$0x40]  }
0x76: {  	v1 =	vmax.f32 v1, v5;
	v5 =	vld [tilespmem:s15+$0xC0]  }
0x77: {  	v1 =	vmax.f32 v1, v6;
	v6 =	vld [tilespmem:s15+$0x140]  }
0x78: {  	v1 =	vmax.f32 v1, v2;
	v2 =	vld [tilespmem:s15+$0x1C0]  }
0x79: {  	v1 =	vmax.f32 v1, v3;
	v3 =	vld [tilespmem:s15+$0x240]  }
0x7a: {  	v1 =	vmax.f32 v1, v4;
	v4 =	vld [tilespmem:s15+$0x2C0]  }
0x7b: {  	v1 =	vmax.f32 v1, v5;
	v5 =	vld [tilespmem:s15+$0x340]  }
0x7c: {  	v1 =	vmax.f32 v1, v6;
	v6 =	vld [tilespmem:s15+$0x3C0]  }
0x7d: {  	v1 =	vmax.f32 v1, v2  }
0x7e: {  	v1 =	vmax.f32 v1, v3  }
0x7f: {  	v1 =	vmax.f32 v1, v4  }
0x80: {  	v1 =	vmax.f32 v1, v5  }
0x81: {  	v1 =	vmax.f32 v1, v6  }
0x82: {  	[tilespmem:v0+s16+$0xFFFFFFD0 ss:$0x1] =	vst.idx.msk $0xffff, v1  }
0x83: {  	v1 =	vld [tilespmem:s15+$0xFFFFFC50]  }
0x84: {  	v2 =	vld [tilespmem:s15+$0xFFFFFCD0]  }
0x85: {  	v3 =	vld [tilespmem:s15+$0xFFFFFD50]  }
0x86: {  	v4 =	vld [tilespmem:s15+$0xFFFFFDD0]  }
0x87: {  	v5 =	vld [tilespmem:s15+$0xFFFFFE50]  }
0x88: {  	v6 =	vld [tilespmem:s15+$0xFFFFFED0]  }
0x89: {  	v1 =	vmax.f32 v1, v2;
	v2 =	vld [tilespmem:s15+$0xFFFFFF50]  }
0x8a: {  	v1 =	vmax.f32 v1, v3;
	v3 =	vld [tilespmem:s15+$0xFFFFFFD0]  }
0x8b: {  	v1 =	vmax.f32 v1, v4;
	v4 =	vld [tilespmem:s15+$0x50]  }
0x8c: {  	v1 =	vmax.f32 v1, v5;
	v5 =	vld [tilespmem:s15+$0xD0]  }
0x8d: {  	v1 =	vmax.f32 v1, v6;
	v6 =	vld [tilespmem:s15+$0x150]  }
0x8e: {  	v1 =	vmax.f32 v1, v2;
	v2 =	vld [tilespmem:s15+$0x1D0]  }
0x8f: {  	v1 =	vmax.f32 v1, v3;
	v3 =	vld [tilespmem:s15+$0x250]  }
0x90: {  	v1 =	vmax.f32 v1, v4;
	v4 =	vld [tilespmem:s15+$0x2D0]  }
0x91: {  	v1 =	vmax.f32 v1, v5;
	v5 =	vld [tilespmem:s15+$0x350]  }
0x92: {  	v1 =	vmax.f32 v1, v6;
	v6 =	vld [tilespmem:s15+$0x3D0]  }
0x93: {  	v1 =	vmax.f32 v1, v2  }
0x94: {  	v1 =	vmax.f32 v1, v3  }
0x95: {  	v1 =	vmax.f32 v1, v4  }
0x96: {  	v1 =	vmax.f32 v1, v5  }
0x97: {  	v1 =	vmax.f32 v1, v6  }
0x98: {  	[tilespmem:v0+s16+$0xFFFFFFE0 ss:$0x1] =	vst.idx.msk $0xffff, v1  }
0x99: {  	v1 =	vld [tilespmem:s15+$0xFFFFFC60]  }
0x9a: {  	v2 =	vld [tilespmem:s15+$0xFFFFFCE0]  }
0x9b: {  	v3 =	vld [tilespmem:s15+$0xFFFFFD60]  }
0x9c: {  	v4 =	vld [tilespmem:s15+$0xFFFFFDE0]  }
0x9d: {  	v5 =	vld [tilespmem:s15+$0xFFFFFE60]  }
0x9e: {  	v6 =	vld [tilespmem:s15+$0xFFFFFEE0]  }
0x9f: {  	v1 =	vmax.f32 v1, v2;
	v2 =	vld [tilespmem:s15+$0xFFFFFF60]  }
0xa0: {  	v1 =	vmax.f32 v1, v3;
	v3 =	vld [tilespmem:s15+$0xFFFFFFE0]  }
0xa1: {  	v1 =	vmax.f32 v1, v4;
	v4 =	vld [tilespmem:s15+$0x60]  }
0xa2: {  	v1 =	vmax.f32 v1, v5;
	v5 =	vld [tilespmem:s15+$0xE0]  }
0xa3: {  	v1 =	vmax.f32 v1, v6;
	v6 =	vld [tilespmem:s15+$0x160]  }
0xa4: {  	v1 =	vmax.f32 v1, v2;
	v2 =	vld [tilespmem:s15+$0x1E0]  }
0xa5: {  	v1 =	vmax.f32 v1, v3;
	v3 =	vld [tilespmem:s15+$0x260]  }
0xa6: {  	v1 =	vmax.f32 v1, v4;
	v4 =	vld [tilespmem:s15+$0x2E0]  }
0xa7: {  	v1 =	vmax.f32 v1, v5;
	v5 =	vld [tilespmem:s15+$0x360]  }
0xa8: {  	v1 =	vmax.f32 v1, v6;
	v6 =	vld [tilespmem:s15+$0x3E0]  }
0xa9: {  	v1 =	vmax.f32 v1, v2  }
0xaa: {  	v1 =	vmax.f32 v1, v3  }
0xab: {  	v1 =	vmax.f32 v1, v4  }
0xac: {  	v1 =	vmax.f32 v1, v5  }
0xad: {  	v1 =	vmax.f32 v1, v6  }
0xae: {  	[tilespmem:v0+s16+$0xFFFFFFF0 ss:$0x1] =	vst.idx.msk $0xffff, v1  }
0xaf: {  	v1 =	vld [tilespmem:s15+$0xFFFFFC70]  }
0xb0: {  	v2 =	vld [tilespmem:s15+$0xFFFFFCF0]  }
0xb1: {  	v3 =	vld [tilespmem:s15+$0xFFFFFD70]  }
0xb2: {  	v4 =	vld [tilespmem:s15+$0xFFFFFDF0]  }
0xb3: {  	v6 =	vld [tilespmem:s15+$0xFFFFFE70]  }
0xb4: {  	v7 =	vld [tilespmem:s15+$0xFFFFFEF0]  }
0xb5: {  	v8 =	vld [tilespmem:s15+$0xFFFFFF70];
	v1 =	vmax.f32 v1, v2  }
0xb6: {  	v9 =	vld [tilespmem:s15+$0xFFFFFFF0];
	v1 =	vmax.f32 v1, v3  }
0xb7: {  	v5 =	vld [tilespmem:s15+$0x70];
	v1 =	vmax.f32 v1, v4  }
0xb8: {  	v2 =	vld [tilespmem:s15+$0xF0];
	v1 =	vmax.f32 v1, v6  }
0xb9: {  	v3 =	vld [tilespmem:s15+$0x170];
	v1 =	vmax.f32 v1, v7  }
0xba: {  	v4 =	vmax.f32 v1, v8;
	v1 =	vld [tilespmem:s15+$0x1F0]  }
0xbb: {  	s17 =	simm.s32 $0x200;
	s18 =	simm.s32 $0x2400;
	v6 =	vmax.f32 v4, v9;
	v4 =	vld [tilespmem:s15+$0x270]  }
.LBB2_3:
0xbc: {  	p0 =	sne.s32 s17, $0xE00  }
0xbd: {  	v5 =	vmax.f32 v6, v5;
	v6 =	vld [tilespmem:s15+$0x2F0];
	s18 =	sadd.s32 $0x800, s18;
	s19 =	smov.u32 s17;
	s17 =	sadd.s32 $0x200, s17  }
0xbe: {  	v2 =	vmax.f32 v5, v2;
	v5 =	vld [tilespmem:s15+$0x370]  }
0xbf: {  	v2 =	vmax.f32 v2, v3;
	v3 =	vld [tilespmem:s15+$0x3F0];
	s15 =	smov.u32 s18  }
0xc0: {  	v1 =	vmax.f32 v2, v1  }
0xc1: {  	v1 =	vmax.f32 v1, v4  }
0xc2: {  	v1 =	vmax.f32 v1, v6  }
0xc3: {  	v1 =	vmax.f32 v1, v5  }
0xc4: {  	v1 =	vmax.f32 v1, v3  }
0xc5: {  	[tilespmem:v0+s16+$0x0 ss:$0x1] =	vst.idx.msk $0xffff, v1  }
0xc6: {  	v1 =	vld [tilespmem:s18+$0xFFFFFD00]  }
0xc7: {  	v2 =	vld [tilespmem:s18+$0xFFFFFC80]  }
0xc8: {  	v3 =	vld [tilespmem:s18+$0xFFFFFC00]  }
0xc9: {  	v4 =	vld [tilespmem:s18+$0xFFFFFD80]  }
0xca: {  	v5 =	vld [tilespmem:s18+$0xFFFFFE00];
	_ =	sdelay $0x1  }
0xcb: {  	v6 =	vld [tilespmem:s18+$0xFFFFFE80]  }
0xcc: {  	v2 =	vmax.f32 v3, v2;
	v3 =	vld [tilespmem:s18+$0xFFFFFF00]  }
0xcd: {  	v1 =	vmax.f32 v2, v1;
	v2 =	vld [tilespmem:s18+$0xFFFFFF80]  }
0xce: {  	v1 =	vmax.f32 v1, v4;
	v4 =	vld [tilespmem:s18+$0x0]  }
0xcf: {  	v1 =	vmax.f32 v1, v5;
	v5 =	vld [tilespmem:s18+$0x80]  }
0xd0: {  	v1 =	vmax.f32 v1, v6;
	v6 =	vld [tilespmem:s18+$0x100]  }
0xd1: {  	v1 =	vmax.f32 v1, v3;
	v3 =	vld [tilespmem:s18+$0x180]  }
0xd2: {  	v1 =	vmax.f32 v1, v2;
	v2 =	vld [tilespmem:s18+$0x200]  }
0xd3: {  	v1 =	vmax.f32 v1, v4;
	v4 =	vld [tilespmem:s18+$0x280]  }
0xd4: {  	v1 =	vmax.f32 v1, v5;
	v5 =	vld [tilespmem:s18+$0x300]  }
0xd5: {  	v1 =	vmax.f32 v1, v6;
	v6 =	vld [tilespmem:s18+$0x380]  }
0xd6: {  	v1 =	vmax.f32 v1, v3  }
0xd7: {  	v1 =	vmax.f32 v1, v2  }
0xd8: {  	v1 =	vmax.f32 v1, v4  }
0xd9: {  	v1 =	vmax.f32 v1, v5  }
0xda: {  	s16 =	sshra.s32 s19, $0x2;
	v1 =	vmax.f32 v1, v6  }
0xdb: {  	[tilespmem:v0+s16+$0xFFFFFF90 ss:$0x1] =	vst.idx.msk $0xffff, v1  }
0xdc: {  	v1 =	vld [tilespmem:s18+$0xFFFFFC10]  }
0xdd: {  	v2 =	vld [tilespmem:s18+$0xFFFFFC90]  }
0xde: {  	v3 =	vld [tilespmem:s18+$0xFFFFFD10]  }
0xdf: {  	v4 =	vld [tilespmem:s18+$0xFFFFFD90]  }
0xe0: {  	v5 =	vld [tilespmem:s18+$0xFFFFFE10]  }
0xe1: {  	v6 =	vld [tilespmem:s18+$0xFFFFFE90]  }
0xe2: {  	v1 =	vmax.f32 v1, v2;
	v2 =	vld [tilespmem:s18+$0xFFFFFF10]  }
0xe3: {  	v1 =	vmax.f32 v1, v3;
	v3 =	vld [tilespmem:s18+$0xFFFFFF90]  }
0xe4: {  	v1 =	vmax.f32 v1, v4;
	v4 =	vld [tilespmem:s18+$0x10]  }
0xe5: {  	v1 =	vmax.f32 v1, v5;
	v5 =	vld [tilespmem:s18+$0x90]  }
0xe6: {  	v1 =	vmax.f32 v1, v6;
	v6 =	vld [tilespmem:s18+$0x110]  }
0xe7: {  	v1 =	vmax.f32 v1, v2;
	v2 =	vld [tilespmem:s18+$0x190]  }
0xe8: {  	v1 =	vmax.f32 v1, v3;
	v3 =	vld [tilespmem:s18+$0x210]  }
0xe9: {  	v1 =	vmax.f32 v1, v4;
	v4 =	vld [tilespmem:s18+$0x290]  }
0xea: {  	v1 =	vmax.f32 v1, v5;
	v5 =	vld [tilespmem:s18+$0x310]  }
0xeb: {  	v1 =	vmax.f32 v1, v6;
	v6 =	vld [tilespmem:s18+$0x390]  }
0xec: {  	v1 =	vmax.f32 v1, v2  }
0xed: {  	v1 =	vmax.f32 v1, v3  }
0xee: {  	v1 =	vmax.f32 v1, v4  }
0xef: {  	v1 =	vmax.f32 v1, v5  }
0xf0: {  	v1 =	vmax.f32 v1, v6  }
0xf1: {  	[tilespmem:v0+s16+$0xFFFFFFA0 ss:$0x1] =	vst.idx.msk $0xffff, v1  }
0xf2: {  	v1 =	vld [tilespmem:s18+$0xFFFFFC20]  }
0xf3: {  	v2 =	vld [tilespmem:s18+$0xFFFFFCA0]  }
0xf4: {  	v3 =	vld [tilespmem:s18+$0xFFFFFD20]  }
0xf5: {  	v4 =	vld [tilespmem:s18+$0xFFFFFDA0]  }
0xf6: {  	v5 =	vld [tilespmem:s18+$0xFFFFFE20]  }
0xf7: {  	v6 =	vld [tilespmem:s18+$0xFFFFFEA0]  }
0xf8: {  	v1 =	vmax.f32 v1, v2;
	v2 =	vld [tilespmem:s18+$0xFFFFFF20]  }
0xf9: {  	v1 =	vmax.f32 v1, v3;
	v3 =	vld [tilespmem:s18+$0xFFFFFFA0]  }
0xfa: {  	v1 =	vmax.f32 v1, v4;
	v4 =	vld [tilespmem:s18+$0x20]  }
0xfb: {  	v1 =	vmax.f32 v1, v5;
	v5 =	vld [tilespmem:s18+$0xA0]  }
0xfc: {  	v1 =	vmax.f32 v1, v6;
	v6 =	vld [tilespmem:s18+$0x120]  }
0xfd: {  	v1 =	vmax.f32 v1, v2;
	v2 =	vld [tilespmem:s18+$0x1A0]  }
0xfe: {  	v1 =	vmax.f32 v1, v3;
	v3 =	vld [tilespmem:s18+$0x220]  }
0xff: {  	v1 =	vmax.f32 v1, v4;
	v4 =	vld [tilespmem:s18+$0x2A0]  }
0x100: {  	v1 =	vmax.f32 v1, v5;
	v5 =	vld [tilespmem:s18+$0x320]  }
0x101: {  	v1 =	vmax.f32 v1, v6;
	v6 =	vld [tilespmem:s18+$0x3A0]  }
0x102: {  	v1 =	vmax.f32 v1, v2  }
0x103: {  	v1 =	vmax.f32 v1, v3  }
0x104: {  	v1 =	vmax.f32 v1, v4  }
0x105: {  	v1 =	vmax.f32 v1, v5  }
0x106: {  	v1 =	vmax.f32 v1, v6  }
0x107: {  	[tilespmem:v0+s16+$0xFFFFFFB0 ss:$0x1] =	vst.idx.msk $0xffff, v1  }
0x108: {  	v1 =	vld [tilespmem:s18+$0xFFFFFC30]  }
0x109: {  	v2 =	vld [tilespmem:s18+$0xFFFFFCB0]  }
0x10a: {  	v3 =	vld [tilespmem:s18+$0xFFFFFD30]  }
0x10b: {  	v4 =	vld [tilespmem:s18+$0xFFFFFDB0]  }
0x10c: {  	v5 =	vld [tilespmem:s18+$0xFFFFFE30]  }
0x10d: {  	v6 =	vld [tilespmem:s18+$0xFFFFFEB0]  }
0x10e: {  	v1 =	vmax.f32 v1, v2;
	v2 =	vld [tilespmem:s18+$0xFFFFFF30]  }
0x10f: {  	v1 =	vmax.f32 v1, v3;
	v3 =	vld [tilespmem:s18+$0xFFFFFFB0]  }
0x110: {  	v1 =	vmax.f32 v1, v4;
	v4 =	vld [tilespmem:s18+$0x30]  }
0x111: {  	v1 =	vmax.f32 v1, v5;
	v5 =	vld [tilespmem:s18+$0xB0]  }
0x112: {  	v1 =	vmax.f32 v1, v6;
	v6 =	vld [tilespmem:s18+$0x130]  }
0x113: {  	v1 =	vmax.f32 v1, v2;
	v2 =	vld [tilespmem:s18+$0x1B0]  }
0x114: {  	v1 =	vmax.f32 v1, v3;
	v3 =	vld [tilespmem:s18+$0x230]  }
0x115: {  	v1 =	vmax.f32 v1, v4;
	v4 =	vld [tilespmem:s18+$0x2B0]  }
0x116: {  	v1 =	vmax.f32 v1, v5;
	v5 =	vld [tilespmem:s18+$0x330]  }
0x117: {  	v1 =	vmax.f32 v1, v6;
	v6 =	vld [tilespmem:s18+$0x3B0]  }
0x118: {  	v1 =	vmax.f32 v1, v2  }
0x119: {  	v1 =	vmax.f32 v1, v3  }
0x11a: {  	v1 =	vmax.f32 v1, v4  }
0x11b: {  	v1 =	vmax.f32 v1, v5  }
0x11c: {  	v1 =	vmax.f32 v1, v6  }
0x11d: {  	[tilespmem:v0+s16+$0xFFFFFFC0 ss:$0x1] =	vst.idx.msk $0xffff, v1  }
0x11e: {  	v1 =	vld [tilespmem:s18+$0xFFFFFC40]  }
0x11f: {  	v2 =	vld [tilespmem:s18+$0xFFFFFCC0]  }
0x120: {  	v3 =	vld [tilespmem:s18+$0xFFFFFD40]  }
0x121: {  	v4 =	vld [tilespmem:s18+$0xFFFFFDC0]  }
0x122: {  	v5 =	vld [tilespmem:s18+$0xFFFFFE40]  }
0x123: {  	v6 =	vld [tilespmem:s18+$0xFFFFFEC0]  }
0x124: {  	v1 =	vmax.f32 v1, v2;
	v2 =	vld [tilespmem:s18+$0xFFFFFF40]  }
0x125: {  	v1 =	vmax.f32 v1, v3;
	v3 =	vld [tilespmem:s18+$0xFFFFFFC0]  }
0x126: {  	v1 =	vmax.f32 v1, v4;
	v4 =	vld [tilespmem:s18+$0x40]  }
0x127: {  	v1 =	vmax.f32 v1, v5;
	v5 =	vld [tilespmem:s18+$0xC0]  }
0x128: {  	v1 =	vmax.f32 v1, v6;
	v6 =	vld [tilespmem:s18+$0x140]  }
0x129: {  	v1 =	vmax.f32 v1, v2;
	v2 =	vld [tilespmem:s18+$0x1C0]  }
0x12a: {  	v1 =	vmax.f32 v1, v3;
	v3 =	vld [tilespmem:s18+$0x240]  }
0x12b: {  	v1 =	vmax.f32 v1, v4;
	v4 =	vld [tilespmem:s18+$0x2C0]  }
0x12c: {  	v1 =	vmax.f32 v1, v5;
	v5 =	vld [tilespmem:s18+$0x340]  }
0x12d: {  	v1 =	vmax.f32 v1, v6;
	v6 =	vld [tilespmem:s18+$0x3C0]  }
0x12e: {  	v1 =	vmax.f32 v1, v2  }
0x12f: {  	v1 =	vmax.f32 v1, v3  }
0x130: {  	v1 =	vmax.f32 v1, v4  }
0x131: {  	v1 =	vmax.f32 v1, v5  }
0x132: {  	v1 =	vmax.f32 v1, v6  }
0x133: {  	[tilespmem:v0+s16+$0xFFFFFFD0 ss:$0x1] =	vst.idx.msk $0xffff, v1  }
0x134: {  	v1 =	vld [tilespmem:s18+$0xFFFFFC50]  }
0x135: {  	v2 =	vld [tilespmem:s18+$0xFFFFFCD0]  }
0x136: {  	v3 =	vld [tilespmem:s18+$0xFFFFFD50]  }
0x137: {  	v4 =	vld [tilespmem:s18+$0xFFFFFDD0]  }
0x138: {  	v5 =	vld [tilespmem:s18+$0xFFFFFE50]  }
0x139: {  	v6 =	vld [tilespmem:s18+$0xFFFFFED0]  }
0x13a: {  	v1 =	vmax.f32 v1, v2;
	v2 =	vld [tilespmem:s18+$0xFFFFFF50]  }
0x13b: {  	v1 =	vmax.f32 v1, v3;
	v3 =	vld [tilespmem:s18+$0xFFFFFFD0]  }
0x13c: {  	v1 =	vmax.f32 v1, v4;
	v4 =	vld [tilespmem:s18+$0x50]  }
0x13d: {  	v1 =	vmax.f32 v1, v5;
	v5 =	vld [tilespmem:s18+$0xD0]  }
0x13e: {  	v1 =	vmax.f32 v1, v6;
	v6 =	vld [tilespmem:s18+$0x150]  }
0x13f: {  	v1 =	vmax.f32 v1, v2;
	v2 =	vld [tilespmem:s18+$0x1D0]  }
0x140: {  	v1 =	vmax.f32 v1, v3;
	v3 =	vld [tilespmem:s18+$0x250]  }
0x141: {  	v1 =	vmax.f32 v1, v4;
	v4 =	vld [tilespmem:s18+$0x2D0]  }
0x142: {  	v1 =	vmax.f32 v1, v5;
	v5 =	vld [tilespmem:s18+$0x350]  }
0x143: {  	v1 =	vmax.f32 v1, v6;
	v6 =	vld [tilespmem:s18+$0x3D0]  }
0x144: {  	v1 =	vmax.f32 v1, v2  }
0x145: {  	v1 =	vmax.f32 v1, v3  }
0x146: {  	v1 =	vmax.f32 v1, v4  }
0x147: {  	v1 =	vmax.f32 v1, v5  }
0x148: {  	v1 =	vmax.f32 v1, v6  }
0x149: {  	[tilespmem:v0+s16+$0xFFFFFFE0 ss:$0x1] =	vst.idx.msk $0xffff, v1  }
0x14a: {  	v1 =	vld [tilespmem:s18+$0xFFFFFC60]  }
0x14b: {  	v2 =	vld [tilespmem:s18+$0xFFFFFCE0]  }
0x14c: {  	v3 =	vld [tilespmem:s18+$0xFFFFFD60]  }
0x14d: {  	v4 =	vld [tilespmem:s18+$0xFFFFFDE0]  }
0x14e: {  	v5 =	vld [tilespmem:s18+$0xFFFFFE60]  }
0x14f: {  	v6 =	vld [tilespmem:s18+$0xFFFFFEE0]  }
0x150: {  	v1 =	vmax.f32 v1, v2;
	v2 =	vld [tilespmem:s18+$0xFFFFFF60]  }
0x151: {  	v1 =	vmax.f32 v1, v3;
	v3 =	vld [tilespmem:s18+$0xFFFFFFE0]  }
0x152: {  	v1 =	vmax.f32 v1, v4;
	v4 =	vld [tilespmem:s18+$0x60]  }
0x153: {  	v1 =	vmax.f32 v1, v5;
	v5 =	vld [tilespmem:s18+$0xE0]  }
0x154: {  	v1 =	vmax.f32 v1, v6;
	v6 =	vld [tilespmem:s18+$0x160]  }
0x155: {  	v1 =	vmax.f32 v1, v2;
	v2 =	vld [tilespmem:s18+$0x1E0]  }
0x156: {  	v1 =	vmax.f32 v1, v3;
	v3 =	vld [tilespmem:s18+$0x260]  }
0x157: {  	v1 =	vmax.f32 v1, v4;
	v4 =	vld [tilespmem:s18+$0x2E0]  }
0x158: {  	v1 =	vmax.f32 v1, v5;
	v5 =	vld [tilespmem:s18+$0x360]  }
0x159: {  	v1 =	vmax.f32 v1, v6;
	v6 =	vld [tilespmem:s18+$0x3E0]  }
0x15a: {  	v1 =	vmax.f32 v1, v2  }
0x15b: {  	v1 =	vmax.f32 v1, v3  }
0x15c: {  	v1 =	vmax.f32 v1, v4  }
0x15d: {  	v1 =	vmax.f32 v1, v5  }
0x15e: {  	v1 =	vmax.f32 v1, v6  }
0x15f: {  	[tilespmem:v0+s16+$0xFFFFFFF0 ss:$0x1] =	vst.idx.msk $0xffff, v1  }
0x160: {  	v1 =	vld [tilespmem:s18+$0xFFFFFC70]  }
0x161: {  	v2 =	vld [tilespmem:s18+$0xFFFFFCF0]  }
0x162: {  	v3 =	vld [tilespmem:s18+$0xFFFFFD70]  }
0x163: {  	v4 =	vld [tilespmem:s18+$0xFFFFFDF0]  }
0x164: {  	v6 =	vld [tilespmem:s18+$0xFFFFFE70]  }
0x165: {  	v7 =	vld [tilespmem:s18+$0xFFFFFEF0]  }
0x166: {  	v1 =	vmax.f32 v1, v2;
	v8 =	vld [tilespmem:s18+$0xFFFFFF70]  }
0x167: {  	v1 =	vmax.f32 v1, v3;
	v9 =	vld [tilespmem:s18+$0xFFFFFFF0]  }
.Ltmp0:
0x168: {  	v1 =	vmax.f32 v1, v4;
	v5 =	vld [tilespmem:s18+$0x70];
	(pc) =	sbr.rel @p0 .LBB2_3-.Ltmp0, $4  }
0x169: {  	v1 =	vmax.f32 v1, v6;
	v2 =	vld [tilespmem:s18+$0xF0]  }
0x16a: {  	v1 =	vmax.f32 v1, v7;
	v3 =	vld [tilespmem:s18+$0x170]  }
0x16b: {  	v4 =	vmax.f32 v1, v8;
	v1 =	vld [tilespmem:s18+$0x1F0]  }
0x16c: {  	v6 =	vmax.f32 v4, v9;
	v4 =	vld [tilespmem:s18+$0x270]  }
0x16d: {  	v5 =	vmax.f32 v6, v5;
	v61 =	vld [tilespmem:s15+$0x2F0]  }
0x16e: {  	v62 =	vld [tilespmem:s15+$0x370];
	v2 =	vmax.f32 v5, v2  }
0x16f: {  	v63 =	vld [tilespmem:s15+$0x3F0];
	s14 =	sadd.s32 $0x1, s14;
	v2 =	vmax.f32 v2, v3  }
0x170: {  	p0 =	sne.s32 s14, $0x40;
	v1 =	vmax.f32 v2, v1  }
.Ltmp1:
0x171: {  	v1 =	vmax.f32 v1, v4;
	(pc) =	sbr.rel @p0 .LBB2_2-.Ltmp1, $4  }
0x172: {  	v1 =	vmax.f32 v1, v61  }
0x173: {  	v1 =	vmax.f32 v1, v62  }
0x174: {  	v1 =	vmax.f32 v1, v63  }
0x175: {  	s13 =	sadd.s32 $0x400, s13;
	[tilespmem:v0+s16+$0x0 ss:$0x1] =	vst.idx.msk $0xffff, v1  }
0x176: {  	s12 =	sadd.s32 $0x1, s12  }
0x177: {  	p0 =	sne.s32 s12, s6  }
.Ltmp2:
0x178: {  	_ = 	snop;
	(pc) =	sbr.rel @p0 .LBB2_1-.Ltmp2, $4  }
0x179: {  	[hbm4b:s5+s2] =	stream.linear.scatter [tilespmem:s11], [sflag:$0x2], $0x10000, $0x38;
	[tilespmem:$0x16000] =	vst v63  }
0x17a: {  	_ =	swait.ge [sflag:s7], $0x10000  }
0x17b: {  	[sflag:s7] =	ssyncset.done $0x0  }
0x17c: {  	[sflag:s7] =	ssyncadd.s32 $0xFFFF0000  }
0x17d: {  	_ =	sfence.sel $0x180000  }
0x17e: {  	[bflag:$0x0] =	sbarrier.arrive $0xFFFF  }
0x17f: {  	p0 =	sne.s32 s1, $0x0;
	_ =	strace $0x9000004A  }
0x180: {  	s0 =	sadd.s32 @!p0 $0x100000, s0;
	[bflag:$0x2] =	sbarrier.arrive $0xFFFF  }
0x181: {  	[sflag:s0] =	ssyncadd.tile.s32 @!p0 $0x1;
	_ =	shalt  }
.Lfunc_end2:
_tile_overlayer_lowered:
.L_overlay_start_2:
0x182: {  	(tag) =	ssettag $0x2  }
0x183: {  	s0 =	rddreg [dreg:$0x0];
	s2 =	stileid.u32  }
0x184: {  	s1 =	rddreg [dreg:$0x1];
	p0 =	sne.s32 s2, $0x0  }
0x185: {  	s3 =	rddreg [dreg:$0x2];
	[bflag:$0x3] =	sbarrier.arrive $0xFFFF;
	s2 =	simm.s32 @!p0 $0x1C02  }
0x186: {  	[timem:s3], [sflag:s2] =	dma.local @!p0 [hbm:s0], s1  }
0x187: {  	s0 =	simm.s32 @!p0 $0x2  }
0x188: {  	_ =	swait.ge @!p0 [sflag:s0], s1  }
0x189: {  	s1 =	ssub.s32 @!p0 $0x0, s1;
	[sflag:s0] =	ssyncset.done @!p0 $0x0  }
0x18a: {  	[sflag:s0] =	ssyncadd.s32 @!p0 s1  }
0x18b: {  	[bflag:$0x3] =	sbarrier.arrive $0xFFFF  }
0x18c: {  	_ =	shalt  }

</sc_bundles>
